<compile_context>
chip_gen: v7x
topology: tpu7x:2x2x1
jax: 0.10.2.dev20260603
libtpu: 0.0.44.dev20260713+nightly
codegen_flags: <defaults>
</compile_context>

<pallas_src>
import functools

import jax
import jax.numpy as jnp
from jax import lax
from jax.experimental import pallas as pl
from jax.experimental.pallas import tpu as pltpu
from jax.experimental.pallas import tpu_sc as plsc

_N = 10000
_E = 320000
_D = 128
_H = 4
_C = 32

_NC = 2
_NS = 16
_NW = _NC * _NS
_B = 40
_PB = 48
_CHUNKS = _E // (_NW * _B)
_HALF = 2560
_TRASH = _HALF
_ACC_ROWS = _HALF + 8
_NPAD = 4 * _HALF
_CO_ROWS = 160


def _qk_body(x_ref, wq_ref, wk_ref, b_ref, q_ref, k_ref):
    xb = x_ref[...]
    b = b_ref[...]
    q_ref[...] = jnp.dot(xb, wq_ref[...], preferred_element_type=jnp.float32) + b
    k_ref[...] = jnp.dot(xb, wk_ref[...], preferred_element_type=jnp.float32) + b


def _node_transforms(x, W_query, W_key, bias):
    blk = 1000
    return pl.pallas_call(
        _qk_body,
        grid=(_N // blk,),
        in_specs=[
            pl.BlockSpec((blk, _D), lambda i: (i, 0)),
            pl.BlockSpec((_D, _D), lambda i: (0, 0)),
            pl.BlockSpec((_D, _D), lambda i: (0, 0)),
            pl.BlockSpec((1, _D), lambda i: (0, 0)),
        ],
        out_specs=[
            pl.BlockSpec((blk, _D), lambda i: (i, 0)),
            pl.BlockSpec((blk, _D), lambda i: (i, 0)),
        ],
        out_shape=[jax.ShapeDtypeStruct((_N, _D), jnp.float32)] * 2,
    )(x, W_query, W_key, bias.reshape(1, _D))


@functools.partial(
    pl.kernel,
    out_type=[
        jax.ShapeDtypeStruct((_NC, _NPAD, _D), jnp.float32),
        jax.ShapeDtypeStruct((_NC, _NPAD, _D), jnp.float32),
        jax.ShapeDtypeStruct((_E, 16), jnp.float32),
    ],
    mesh=plsc.VectorSubcoreMesh(core_axis_name="c", subcore_axis_name="s"),
    scratch_types=[
        pltpu.VMEM((_PB,), jnp.int32),
        pltpu.VMEM((_PB,), jnp.int32),
        pltpu.VMEM((_PB,), jnp.int32),
        pltpu.VMEM((_PB, _D), jnp.float32),
        pltpu.VMEM((_PB, _D), jnp.float32),
        pltpu.VMEM((_PB, 16), jnp.float32),
        pltpu.VMEM((_PB, _D), jnp.float32),
        pltpu.VMEM((_D,), jnp.float32),
        pltpu.VMEM_SHARED((_ACC_ROWS, _D), jnp.float32),
        pltpu.VMEM_SHARED((_ACC_ROWS, _D), jnp.float32),
        pltpu.SemaphoreType.DMA,
        pltpu.SemaphoreType.DMA,
    ],
)
def _sc_edge_kernel(query, key, src, dst, avec_h,
                    pooled_out, denom_out, w_buf,
                    src_v, dst_v, scat_v, q_v, k_v, w_v, wp_v, avec_v,
                    pooled_sh, denom_sh, sem_q, sem_k):
    c = lax.axis_index("c")
    s = lax.axis_index("s")
    wid = s * _NC + c

    zeros16 = jnp.zeros((16,), jnp.float32)
    lane = lax.iota(jnp.int32, 16)
    perms = [lane ^ d for d in (8, 4, 2, 1)]

    def lane_sum(v):
        for p in perms:
            v = v + v.at[p].get(mode="promise_in_bounds")
        return v

    def zero_bufs():
        @pl.loop(0, _PB)
        def _(r):
            for i in range(_D // 16):
                q_v[r, pl.ds(i * 16, 16)] = zeros16
                wp_v[r, pl.ds(i * 16, 16)] = zeros16
            w_v[r] = zeros16

    def zero_accums():
        base = s * _CO_ROWS
        for z in range(3):
            pltpu.sync_copy(q_v, pooled_sh.at[pl.ds(base + z * _PB, _PB)])
            pltpu.sync_copy(q_v, denom_sh.at[pl.ds(base + z * _PB, _PB)])
        pltpu.sync_copy(q_v.at[pl.ds(0, 16)],
                        pooled_sh.at[pl.ds(base + 144, 16)])
        pltpu.sync_copy(q_v.at[pl.ds(0, 16)],
                        denom_sh.at[pl.ds(base + 144, 16)])

    def load_indices(base):
        pltpu.sync_copy(src.at[pl.ds(base, _B)], src_v.at[pl.ds(0, _B)])
        pltpu.sync_copy(dst.at[pl.ds(base, _B)], dst_v.at[pl.ds(0, _B)])

    def make_scatter_indices(half_base):
        for t in range(_PB // 16):
            d = dst_v[pl.ds(t * 16, 16)]
            loc = d - half_base
            ok = (loc >= 0) & (loc < _HALF)
            if t == _PB // 16 - 1:
                ok = ok & (lane < _B - (t * 16))
            scat_v[pl.ds(t * 16, 16)] = jnp.where(ok, loc, _TRASH)

    def scatter_add():
        pltpu.sync_copy(k_v, pooled_sh.at[scat_v], add=True)
        pltpu.sync_copy(wp_v, denom_sh.at[scat_v], add=True)

    def copy_out(half_base):
        lo = s * _CO_ROWS
        pltpu.sync_copy(pooled_sh.at[pl.ds(lo, _CO_ROWS)],
                        pooled_out.at[c, pl.ds(half_base + lo, _CO_ROWS)])
        pltpu.sync_copy(denom_sh.at[pl.ds(lo, _CO_ROWS)],
                        denom_out.at[c, pl.ds(half_base + lo, _CO_ROWS)])

    zero_bufs()
    zero_accums()
    src_v[pl.ds(32, 16)] = jnp.where(lane < _B - 32, src_v[pl.ds(32, 16)], 0)
    dst_v[pl.ds(32, 16)] = jnp.where(lane < _B - 32, dst_v[pl.ds(32, 16)], 0)
    pltpu.sync_copy(avec_h, avec_v)
    plsc.subcore_barrier()

    av = [avec_v[pl.ds(i * 16, 16)] for i in range(_D // 16)]

    @pl.loop(0, _CHUNKS)
    def _(j):
        base = j * (_NW * _B) + wid * _B
        load_indices(base)
        cq = pltpu.async_copy(query.at[dst_v], q_v, sem_q)
        ck = pltpu.async_copy(key.at[src_v], k_v, sem_k)
        cq.wait()
        ck.wait()

        @pl.loop(0, _B)
        def _(r):
            ws = []
            ks = []
            for h in range(_H):
                acc = None
                for ii in range(2):
                    i = 2 * h + ii
                    qv = q_v[r, pl.ds(i * 16, 16)]
                    kv = k_v[r, pl.ds(i * 16, 16)]
                    ks.append(kv)
                    sv = qv + kv
                    fv = jnp.maximum(sv, 0.2 * sv)
                    pv = fv * av[i]
                    acc = pv if ii == 0 else acc + pv
                ws.append(jnp.exp(lane_sum(acc)))
            wrow = zeros16
            for h in range(_H):
                k_v[r, pl.ds((2 * h) * 16, 16)] = ws[h] * ks[2 * h]
                k_v[r, pl.ds((2 * h + 1) * 16, 16)] = ws[h] * ks[2 * h + 1]
                wrow = jnp.where(lane == h, ws[h], wrow)
            w_v[r] = wrow
            wp_v[r, pl.ds(0, 16)] = wrow

        pltpu.sync_copy(w_v.at[pl.ds(0, _B)], w_buf.at[pl.ds(base, _B)])
        make_scatter_indices(0)
        scatter_add()

    plsc.subcore_barrier()
    copy_out(0)
    plsc.subcore_barrier()

    for _phase in range(1, 4):
        zero_bufs()
        zero_accums()
        plsc.subcore_barrier()

        @pl.loop(0, _CHUNKS)
        def _(j, _phase=_phase):
            base = j * (_NW * _B) + wid * _B
            load_indices(base)
            ck = pltpu.async_copy(key.at[src_v], k_v, sem_k)
            pltpu.sync_copy(w_buf.at[pl.ds(base, _B)], w_v.at[pl.ds(0, _B)])
            ck.wait()

            @pl.loop(0, _B)
            def _(r):
                wv = w_v[r]
                wp_v[r, pl.ds(0, 16)] = wv
                for h in range(_H):
                    wb = wv.at[jnp.full((16,), h, jnp.int32)].get(
                        mode="promise_in_bounds")
                    k_v[r, pl.ds((2 * h) * 16, 16)] = (
                        k_v[r, pl.ds((2 * h) * 16, 16)] * wb)
                    k_v[r, pl.ds((2 * h + 1) * 16, 16)] = (
                        k_v[r, pl.ds((2 * h + 1) * 16, 16)] * wb)

            make_scatter_indices(_phase * _HALF)
            scatter_add()

        plsc.subcore_barrier()
        copy_out(_phase * _HALF)
        plsc.subcore_barrier()


def _fin_body(p_ref, d_ref, e_ref, o_ref):
    p = p_ref[0] + p_ref[1]
    d = d_ref[0] + d_ref[1]
    dfull = jnp.dot(d, e_ref[...], preferred_element_type=jnp.float32)
    o_ref[...] = jnp.maximum(p / (dfull + 1e-9), 0.0)


def _finalize(pooled_parts, denom_parts, head_expand):
    blk = 1000
    return pl.pallas_call(
        _fin_body,
        grid=(_N // blk,),
        in_specs=[
            pl.BlockSpec((_NC, blk, _D), lambda i: (0, i, 0)),
            pl.BlockSpec((_NC, blk, 16), lambda i: (0, i, 0)),
            pl.BlockSpec((16, _D), lambda i: (0, 0)),
        ],
        out_specs=pl.BlockSpec((blk, _D), lambda i: (i, 0)),
        out_shape=jax.ShapeDtypeStruct((_N, _D), jnp.float32),
    )(pooled_parts, denom_parts, head_expand)


def kernel(x, edge_index, W_query, W_key, bias, attn_kernel):
    src = edge_index[0].astype(jnp.int32)
    dst = edge_index[1].astype(jnp.int32)
    query, key = _node_transforms(x, W_query, W_key, bias)
    avec = attn_kernel.T.reshape(_H * _C)
    pooled_pad, denom_pad, _ = _sc_edge_kernel(query, key, src, dst, avec)
    pooled_parts = pooled_pad[:, :_N, :]
    denom_parts = denom_pad[:, :_N, :16]
    head_expand = jnp.zeros((16, _H * _C), jnp.float32)
    col_head = jnp.arange(_H * _C, dtype=jnp.int32) // _C
    head_expand = head_expand.at[col_head, jnp.arange(_H * _C)].set(1.0)
    return _finalize(pooled_parts, denom_parts, head_expand)

# --- scband reference (transcript-rebuilt; emitter-appended) ---
"""Pipeline reference for scband-gatv2-25134148617002 (READ-ONLY COPY).

The authoritative reference and input builder live on the scoring server;
editing this copy changes nothing except your own understanding.
"""

import jax, jax.numpy as jnp
import numpy as np

N = 10000
E = 320000
D = 128
H = 4
C = 32


def setup_inputs(seed: int = 0) -> dict:
    key = jax.random.key(seed)
    k1, k2, k3, k4, k5 = jax.random.split(key, 5)
    x = jax.random.normal(k1, (N, D), dtype=jnp.float32)
    edge_index = jax.random.randint(k2, (2, E), 0, N)
    # learned parameters: query/key transforms, shared bias, attention kernel
    W_query = jax.random.normal(k3, (D, H * C), dtype=jnp.float32) * (1.0 / np.sqrt(D))
    W_key = jax.random.normal(k4, (D, H * C), dtype=jnp.float32) * (1.0 / np.sqrt(D))
    bias = jnp.zeros((H * C,), dtype=jnp.float32)
    # EinsumDense '...ik,ki->...i' kernel: [per_head_channels, num_heads]
    attn_kernel = jax.random.normal(k5, (C, H), dtype=jnp.float32) * (1.0 / np.sqrt(C))
    return {"x": x, "edge_index": edge_index, "W_query": W_query, "W_key": W_key, "bias": bias, "attn_kernel": attn_kernel}


def reference(x, edge_index, W_query, W_key, bias, attn_kernel):
    src = edge_index[0]
    dst = edge_index[1]
    # node-level linear transforms (W_query for receiver, W_key for sender)
    query = x @ W_query + bias  # [N, H*C]
    key_t = x @ W_key + bias    # [N, H*C]
    # broadcast to edges (gather)
    q_e = jnp.take(query, dst, axis=0).reshape(-1, H, C)  # [E, H, C]
    k_e = jnp.take(key_t, src, axis=0).reshape(-1, H, C)  # [E, H, C]
    # GATv2 dynamic attention: nonlinearity BEFORE the attention dot product
    feat = jax.nn.leaky_relu(q_e + k_e, negative_slope=0.2)
    # EinsumDense '...ik,ki->...i': [E, H, C] x [C, H] -> [E, H]
    logits = jnp.einsum('ehc,ch->eh', feat, attn_kernel)
    # softmax over incoming edges per destination node (numerically stable)
    seg_max = jax.ops.segment_max(logits, dst, num_segments=N)  # [N, H]
    seg_max = jnp.where(jnp.isfinite(seg_max), seg_max, 0.0)
    seg_max = jax.lax.stop_gradient(seg_max)
    exp = jnp.exp(logits - jnp.take(seg_max, dst, axis=0))
    denom = jax.ops.segment_sum(exp, dst, num_segments=N)  # [N, H]
    attn = exp / (jnp.take(denom, dst, axis=0) + 1e-9)  # [E, H]
    # messages = key values weighted by attention coefficients
    messages = k_e * attn[..., None]  # [E, H, C]
    pooled = jax.ops.segment_sum(messages, dst, num_segments=N)  # [N, H, C]
    out = jax.nn.relu(pooled).reshape(N, H * C)
    return out

if __name__ == "__main__":
    import jax
    _d = setup_inputs()
    print(jax.jit(kernel)(*tuple(_d.values())))

</pallas_src>

<mosaic_0001>
#map = affine_map<(d0, d1) -> (0, 0)>
#map1 = affine_map<(d0, d1) -> (0)>
#map2 = affine_map<(d0, d1) -> (0, 0, 0)>
module attributes {stable_mosaic.version = 14 : i64} {
  func.func @_sc_edge_kernel(%arg0: i32, %arg1: i32, %arg2: memref<10000x128xf32, #tpu.memory_space<hbm>>, %arg3: memref<10000x128xf32, #tpu.memory_space<hbm>>, %arg4: memref<320000xi32, #tpu.memory_space<hbm>>, %arg5: memref<320000xi32, #tpu.memory_space<hbm>>, %arg6: memref<128xf32, #tpu.memory_space<hbm>>, %arg7: memref<2x10240x128xf32, #tpu.memory_space<hbm>>, %arg8: memref<2x10240x128xf32, #tpu.memory_space<hbm>>, %arg9: memref<320000x16xf32, #tpu.memory_space<hbm>>, %arg10: memref<48xi32, #tpu.memory_space<vmem>>, %arg11: memref<48xi32, #tpu.memory_space<vmem>>, %arg12: memref<48xi32, #tpu.memory_space<vmem>>, %arg13: memref<48x128xf32, #tpu.memory_space<vmem>>, %arg14: memref<48x128xf32, #tpu.memory_space<vmem>>, %arg15: memref<48x16xf32, #tpu.memory_space<vmem>>, %arg16: memref<48x128xf32, #tpu.memory_space<vmem>>, %arg17: memref<128xf32, #tpu.memory_space<vmem>>, %arg18: memref<2568x128xf32, #tpu.memory_space<vmem_shared>>, %arg19: memref<2568x128xf32, #tpu.memory_space<vmem_shared>>, %arg20: memref<!tpu.dma_semaphore, #tpu.memory_space<semaphore_mem>>, %arg21: memref<!tpu.dma_semaphore, #tpu.memory_space<semaphore_mem>>) attributes {dimension_semantics = [#tpu.dimension_semantics<core_parallel>, #tpu.dimension_semantics<subcore_parallel>], iteration_bounds = array<i64: 2, 16>, scalar_prefetch = 0 : i64, scratch_operands = 12 : i64, tpu.core_type = #tpu.core_type<sc_vector_subcore>, window_params = [{transform_indices = #map}, {transform_indices = #map}, {transform_indices = #map1}, {transform_indices = #map1}, {transform_indices = #map1}, {transform_indices = #map2}, {transform_indices = #map2}, {transform_indices = #map}]} {
    %mul3A = arith.constant 2 : i32
    %mul3A_0 = arith.muli %arg1, %mul3A : i32
    %add3A = arith.addi %mul3A_0, %arg0 : i32
    %broadcast_in_dim3A = arith.constant 0.000000e+00 : f32
    %broadcast_in_dim3A_1 = vector.broadcast %broadcast_in_dim3A : f32 to vector<16xf32>
    %iota3A = tpu.iota {dimensions = array<i32: 0>} : vector<16xi32>
    %xor3A = arith.constant 8 : i32
    %xor3A_2 = vector.broadcast %xor3A : i32 to vector<16xi32>
    %xor3A_3 = arith.xori %iota3A, %xor3A_2 : vector<16xi32>
    %xor3A_4 = arith.constant 4 : i32
    %xor3A_5 = vector.broadcast %xor3A_4 : i32 to vector<16xi32>
    %xor3A_6 = arith.xori %iota3A, %xor3A_5 : vector<16xi32>
    %xor3A_7 = arith.constant 2 : i32
    %xor3A_8 = vector.broadcast %xor3A_7 : i32 to vector<16xi32>
    %xor3A_9 = arith.xori %iota3A, %xor3A_8 : vector<16xi32>
    %xor3A_10 = arith.constant 1 : i32
    %xor3A_11 = vector.broadcast %xor3A_10 : i32 to vector<16xi32>
    %xor3A_12 = arith.xori %iota3A, %xor3A_11 : vector<16xi32>
    %scan3A = arith.constant 0 : i32
    %scan3A_13 = arith.constant 48 : i32
    %scan3A_14 = arith.addi %scan3A, %scan3A_13 : i32
    %scan3A_15 = arith.constant 1 : i32
    scf.for %scan3A_204 = %scan3A to %scan3A_14 step %scan3A_15  : i32 {
      %mul3A_205 = arith.constant 1 : i32
      %mul3A_206 = arith.muli %scan3A_204, %mul3A_205 : i32
      %add3A_207 = arith.constant 0 : i32
      %add3A_208 = arith.addi %add3A_207, %mul3A_206 : i32
      %swap3A_209 = arith.index_cast %add3A_208 : i32 to index
      %swap3A_210 = arith.constant 0 : index
      %swap3A_211 = tpu.vector_load %arg13[%swap3A_209, %swap3A_210] {strides = array<i32>} : memref<48x128xf32, #tpu.memory_space<vmem>>, vector<1x16xf32>,
      %swap3A_212 = vector.shape_cast %swap3A_211 : vector<1x16xf32> to vector<16xf32>
      %swap3A_213 = vector.shape_cast %broadcast_in_dim3A_1 : vector<16xf32> to vector<1x16xf32>
      tpu.vector_store %arg13[%swap3A_209, %swap3A_210], %swap3A_213 {strides = array<i32>} : memref<48x128xf32, #tpu.memory_space<vmem>>, vector<1x16xf32>,
      %swap3A_214 = arith.index_cast %add3A_208 : i32 to index
      %swap3A_215 = arith.constant 0 : index
      %swap3A_216 = tpu.vector_load %arg16[%swap3A_214, %swap3A_215] {strides = array<i32>} : memref<48x128xf32, #tpu.memory_space<vmem>>, vector<1x16xf32>,
      %swap3A_217 = vector.shape_cast %swap3A_216 : vector<1x16xf32> to vector<16xf32>
      %swap3A_218 = vector.shape_cast %broadcast_in_dim3A_1 : vector<16xf32> to vector<1x16xf32>
      tpu.vector_store %arg16[%swap3A_214, %swap3A_215], %swap3A_218 {strides = array<i32>} : memref<48x128xf32, #tpu.memory_space<vmem>>, vector<1x16xf32>,
      %swap3A_219 = arith.index_cast %add3A_208 : i32 to index
      %swap3A_220 = arith.constant 16 : index
      %swap3A_221 = tpu.vector_load %arg13[%swap3A_219, %swap3A_220] {strides = array<i32>} : memref<48x128xf32, #tpu.memory_space<vmem>>, vector<1x16xf32>,
      %swap3A_222 = vector.shape_cast %swap3A_221 : vector<1x16xf32> to vector<16xf32>
      %swap3A_223 = vector.shape_cast %broadcast_in_dim3A_1 : vector<16xf32> to vector<1x16xf32>
      tpu.vector_store %arg13[%swap3A_219, %swap3A_220], %swap3A_223 {strides = array<i32>} : memref<48x128xf32, #tpu.memory_space<vmem>>, vector<1x16xf32>,
      %swap3A_224 = arith.index_cast %add3A_208 : i32 to index
      %swap3A_225 = arith.constant 16 : index
      %swap3A_226 = tpu.vector_load %arg16[%swap3A_224, %swap3A_225] {strides = array<i32>} : memref<48x128xf32, #tpu.memory_space<vmem>>, vector<1x16xf32>,
      %swap3A_227 = vector.shape_cast %swap3A_226 : vector<1x16xf32> to vector<16xf32>
      %swap3A_228 = vector.shape_cast %broadcast_in_dim3A_1 : vector<16xf32> to vector<1x16xf32>
      tpu.vector_store %arg16[%swap3A_224, %swap3A_225], %swap3A_228 {strides = array<i32>} : memref<48x128xf32, #tpu.memory_space<vmem>>, vector<1x16xf32>,
      %swap3A_229 = arith.index_cast %add3A_208 : i32 to index
      %swap3A_230 = arith.constant 32 : index
      %swap3A_231 = tpu.vector_load %arg13[%swap3A_229, %swap3A_230] {strides = array<i32>} : memref<48x128xf32, #tpu.memory_space<vmem>>, vector<1x16xf32>,
      %swap3A_232 = vector.shape_cast %swap3A_231 : vector<1x16xf32> to vector<16xf32>
      %swap3A_233 = vector.shape_cast %broadcast_in_dim3A_1 : vector<16xf32> to vector<1x16xf32>
      tpu.vector_store %arg13[%swap3A_229, %swap3A_230], %swap3A_233 {strides = array<i32>} : memref<48x128xf32, #tpu.memory_space<vmem>>, vector<1x16xf32>,
      %swap3A_234 = arith.index_cast %add3A_208 : i32 to index
      %swap3A_235 = arith.constant 32 : index
      %swap3A_236 = tpu.vector_load %arg16[%swap3A_234, %swap3A_235] {strides = array<i32>} : memref<48x128xf32, #tpu.memory_space<vmem>>, vector<1x16xf32>,
      %swap3A_237 = vector.shape_cast %swap3A_236 : vector<1x16xf32> to vector<16xf32>
      %swap3A_238 = vector.shape_cast %broadcast_in_dim3A_1 : vector<16xf32> to vector<1x16xf32>
      tpu.vector_store %arg16[%swap3A_234, %swap3A_235], %swap3A_238 {strides = array<i32>} : memref<48x128xf32, #tpu.memory_space<vmem>>, vector<1x16xf32>,
      %swap3A_239 = arith.index_cast %add3A_208 : i32 to index
      %swap3A_240 = arith.constant 48 : index
      %swap3A_241 = tpu.vector_load %arg13[%swap3A_239, %swap3A_240] {strides = array<i32>} : memref<48x128xf32, #tpu.memory_space<vmem>>, vector<1x16xf32>,
      %swap3A_242 = vector.shape_cast %swap3A_241 : vector<1x16xf32> to vector<16xf32>
      %swap3A_243 = vector.shape_cast %broadcast_in_dim3A_1 : vector<16xf32> to vector<1x16xf32>
      tpu.vector_store %arg13[%swap3A_239, %swap3A_240], %swap3A_243 {strides = array<i32>} : memref<48x128xf32, #tpu.memory_space<vmem>>, vector<1x16xf32>,
      %swap3A_244 = arith.index_cast %add3A_208 : i32 to index
      %swap3A_245 = arith.constant 48 : index
      %swap3A_246 = tpu.vector_load %arg16[%swap3A_244, %swap3A_245] {strides = array<i32>} : memref<48x128xf32, #tpu.memory_space<vmem>>, vector<1x16xf32>,
      %swap3A_247 = vector.shape_cast %swap3A_246 : vector<1x16xf32> to vector<16xf32>
      %swap3A_248 = vector.shape_cast %broadcast_in_dim3A_1 : vector<16xf32> to vector<1x16xf32>
      tpu.vector_store %arg16[%swap3A_244, %swap3A_245], %swap3A_248 {strides = array<i32>} : memref<48x128xf32, #tpu.memory_space<vmem>>, vector<1x16xf32>,
      %swap3A_249 = arith.index_cast %add3A_208 : i32 to index
      %swap3A_250 = arith.constant 64 : index
      %swap3A_251 = tpu.vector_load %arg13[%swap3A_249, %swap3A_250] {strides = array<i32>} : memref<48x128xf32, #tpu.memory_space<vmem>>, vector<1x16xf32>,
      %swap3A_252 = vector.shape_cast %swap3A_251 : vector<1x16xf32> to vector<16xf32>
      %swap3A_253 = vector.shape_cast %broadcast_in_dim3A_1 : vector<16xf32> to vector<1x16xf32>
      tpu.vector_store %arg13[%swap3A_249, %swap3A_250], %swap3A_253 {strides = array<i32>} : memref<48x128xf32, #tpu.memory_space<vmem>>, vector<1x16xf32>,
      %swap3A_254 = arith.index_cast %add3A_208 : i32 to index
      %swap3A_255 = arith.constant 64 : index
      %swap3A_256 = tpu.vector_load %arg16[%swap3A_254, %swap3A_255] {strides = array<i32>} : memref<48x128xf32, #tpu.memory_space<vmem>>, vector<1x16xf32>,
      %swap3A_257 = vector.shape_cast %swap3A_256 : vector<1x16xf32> to vector<16xf32>
      %swap3A_258 = vector.shape_cast %broadcast_in_dim3A_1 : vector<16xf32> to vector<1x16xf32>
      tpu.vector_store %arg16[%swap3A_254, %swap3A_255], %swap3A_258 {strides = array<i32>} : memref<48x128xf32, #tpu.memory_space<vmem>>, vector<1x16xf32>,
      %swap3A_259 = arith.index_cast %add3A_208 : i32 to index
      %swap3A_260 = arith.constant 80 : index
      %swap3A_261 = tpu.vector_load %arg13[%swap3A_259, %swap3A_260] {strides = array<i32>} : memref<48x128xf32, #tpu.memory_space<vmem>>, vector<1x16xf32>,
      %swap3A_262 = vector.shape_cast %swap3A_261 : vector<1x16xf32> to vector<16xf32>
      %swap3A_263 = vector.shape_cast %broadcast_in_dim3A_1 : vector<16xf32> to vector<1x16xf32>
      tpu.vector_store %arg13[%swap3A_259, %swap3A_260], %swap3A_263 {strides = array<i32>} : memref<48x128xf32, #tpu.memory_space<vmem>>, vector<1x16xf32>,
      %swap3A_264 = arith.index_cast %add3A_208 : i32 to index
      %swap3A_265 = arith.constant 80 : index
      %swap3A_266 = tpu.vector_load %arg16[%swap3A_264, %swap3A_265] {strides = array<i32>} : memref<48x128xf32, #tpu.memory_space<vmem>>, vector<1x16xf32>,
      %swap3A_267 = vector.shape_cast %swap3A_266 : vector<1x16xf32> to vector<16xf32>
      %swap3A_268 = vector.shape_cast %broadcast_in_dim3A_1 : vector<16xf32> to vector<1x16xf32>
      tpu.vector_store %arg16[%swap3A_264, %swap3A_265], %swap3A_268 {strides = array<i32>} : memref<48x128xf32, #tpu.memory_space<vmem>>, vector<1x16xf32>,
      %swap3A_269 = arith.index_cast %add3A_208 : i32 to index
      %swap3A_270 = arith.constant 96 : index
      %swap3A_271 = tpu.vector_load %arg13[%swap3A_269, %swap3A_270] {strides = array<i32>} : memref<48x128xf32, #tpu.memory_space<vmem>>, vector<1x16xf32>,
      %swap3A_272 = vector.shape_cast %swap3A_271 : vector<1x16xf32> to vector<16xf32>
      %swap3A_273 = vector.shape_cast %broadcast_in_dim3A_1 : vector<16xf32> to vector<1x16xf32>
      tpu.vector_store %arg13[%swap3A_269, %swap3A_270], %swap3A_273 {strides = array<i32>} : memref<48x128xf32, #tpu.memory_space<vmem>>, vector<1x16xf32>,
      %swap3A_274 = arith.index_cast %add3A_208 : i32 to index
      %swap3A_275 = arith.constant 96 : index
      %swap3A_276 = tpu.vector_load %arg16[%swap3A_274, %swap3A_275] {strides = array<i32>} : memref<48x128xf32, #tpu.memory_space<vmem>>, vector<1x16xf32>,
      %swap3A_277 = vector.shape_cast %swap3A_276 : vector<1x16xf32> to vector<16xf32>
      %swap3A_278 = vector.shape_cast %broadcast_in_dim3A_1 : vector<16xf32> to vector<1x16xf32>
      tpu.vector_store %arg16[%swap3A_274, %swap3A_275], %swap3A_278 {strides = array<i32>} : memref<48x128xf32, #tpu.memory_space<vmem>>, vector<1x16xf32>,
      %swap3A_279 = arith.index_cast %add3A_208 : i32 to index
      %swap3A_280 = arith.constant 112 : index
      %swap3A_281 = tpu.vector_load %arg13[%swap3A_279, %swap3A_280] {strides = array<i32>} : memref<48x128xf32, #tpu.memory_space<vmem>>, vector<1x16xf32>,
      %swap3A_282 = vector.shape_cast %swap3A_281 : vector<1x16xf32> to vector<16xf32>
      %swap3A_283 = vector.shape_cast %broadcast_in_dim3A_1 : vector<16xf32> to vector<1x16xf32>
      tpu.vector_store %arg13[%swap3A_279, %swap3A_280], %swap3A_283 {strides = array<i32>} : memref<48x128xf32, #tpu.memory_space<vmem>>, vector<1x16xf32>,
      %swap3A_284 = arith.index_cast %add3A_208 : i32 to index
      %swap3A_285 = arith.constant 112 : index
      %swap3A_286 = tpu.vector_load %arg16[%swap3A_284, %swap3A_285] {strides = array<i32>} : memref<48x128xf32, #tpu.memory_space<vmem>>, vector<1x16xf32>,
      %swap3A_287 = vector.shape_cast %swap3A_286 : vector<1x16xf32> to vector<16xf32>
      %swap3A_288 = vector.shape_cast %broadcast_in_dim3A_1 : vector<16xf32> to vector<1x16xf32>
      tpu.vector_store %arg16[%swap3A_284, %swap3A_285], %swap3A_288 {strides = array<i32>} : memref<48x128xf32, #tpu.memory_space<vmem>>, vector<1x16xf32>,
      %swap3A_289 = arith.index_cast %add3A_208 : i32 to index
      %swap3A_290 = arith.constant 0 : index
      %swap3A_291 = tpu.vector_load %arg15[%swap3A_289, %swap3A_290] {strides = array<i32>} : memref<48x16xf32, #tpu.memory_space<vmem>>, vector<1x16xf32>,
      %swap3A_292 = vector.shape_cast %swap3A_291 : vector<1x16xf32> to vector<16xf32>
      %swap3A_293 = vector.shape_cast %broadcast_in_dim3A_1 : vector<16xf32> to vector<1x16xf32>
      tpu.vector_store %arg15[%swap3A_289, %swap3A_290], %swap3A_293 {strides = array<i32>} : memref<48x16xf32, #tpu.memory_space<vmem>>, vector<1x16xf32>,
    }
    %scan3A_16 = arith.constant 48 : i32
    %mul3A_17 = arith.constant 160 : i32
    %mul3A_18 = arith.muli %arg1, %mul3A_17 : i32
    %add3A_19 = arith.constant 0 : i32
    %add3A_20 = arith.addi %mul3A_18, %add3A_19 : i32
    "tpu.region"() ({
      %run_scoped3A = tpu.sem_alloc : memref<!tpu.dma_semaphore, #tpu.memory_space<semaphore_mem>>
      %dma_start3A = arith.constant 0 : i32
      %dma_start3A_204 = tpu.memref_slice %arg18[%add3A_20, %dma_start3A] : memref<2568x128xf32, #tpu.memory_space<vmem_shared>> -> memref<48x128xf32, #tpu.memory_space<vmem_shared>>
      %dma_start3A_205 = arith.constant 0 : i32
      %dma_start3A_206 = tpu.memref_slice %arg18[%add3A_20, %dma_start3A_205] : memref<2568x128xf32, #tpu.memory_space<vmem_shared>> -> memref<48x128xf32, #tpu.memory_space<vmem_shared>>
      tpu.enqueue_dma source(%arg13 : memref<48x128xf32, #tpu.memory_space<vmem>>) target(%dma_start3A_206 : memref<48x128xf32, #tpu.memory_space<vmem_shared>>) target_semaphore(%run_scoped3A : memref<!tpu.dma_semaphore, #tpu.memory_space<semaphore_mem>>)
      %dma_wait3A = arith.constant 0 : i32
      %dma_wait3A_207 = tpu.memref_slice %arg18[%add3A_20, %dma_wait3A] : memref<2568x128xf32, #tpu.memory_space<vmem_shared>> -> memref<48x128xf32, #tpu.memory_space<vmem_shared>>
      %dma_wait3A_208 = arith.constant 0 : i32
      %dma_wait3A_209 = tpu.memref_slice %arg18[%add3A_20, %dma_wait3A_208] : memref<2568x128xf32, #tpu.memory_space<vmem_shared>> -> memref<48x128xf32, #tpu.memory_space<vmem_shared>>
      tpu.wait_dma2 semaphore(%run_scoped3A : memref<!tpu.dma_semaphore, #tpu.memory_space<semaphore_mem>>) src(%arg13 : memref<48x128xf32, #tpu.memory_space<vmem>>) dst(%dma_wait3A_209 : memref<48x128xf32, #tpu.memory_space<vmem_shared>>)
      tpu.yield
    }) : () -> ()
    %add3A_21 = arith.constant 0 : i32
    %add3A_22 = arith.addi %mul3A_18, %add3A_21 : i32
    "tpu.region"() ({
      %run_scoped3A = tpu.sem_alloc : memref<!tpu.dma_semaphore, #tpu.memory_space<semaphore_mem>>
      %dma_start3A = arith.constant 0 : i32
      %dma_start3A_204 = tpu.memref_slice %arg19[%add3A_22, %dma_start3A] : memref<2568x128xf32, #tpu.memory_space<vmem_shared>> -> memref<48x128xf32, #tpu.memory_space<vmem_shared>>
      %dma_start3A_205 = arith.constant 0 : i32
      %dma_start3A_206 = tpu.memref_slice %arg19[%add3A_22, %dma_start3A_205] : memref<2568x128xf32, #tpu.memory_space<vmem_shared>> -> memref<48x128xf32, #tpu.memory_space<vmem_shared>>
      tpu.enqueue_dma source(%arg13 : memref<48x128xf32, #tpu.memory_space<vmem>>) target(%dma_start3A_206 : memref<48x128xf32, #tpu.memory_space<vmem_shared>>) target_semaphore(%run_scoped3A : memref<!tpu.dma_semaphore, #tpu.memory_space<semaphore_mem>>)
      %dma_wait3A = arith.constant 0 : i32
      %dma_wait3A_207 = tpu.memref_slice %arg19[%add3A_22, %dma_wait3A] : memref<2568x128xf32, #tpu.memory_space<vmem_shared>> -> memref<48x128xf32, #tpu.memory_space<vmem_shared>>
      %dma_wait3A_208 = arith.constant 0 : i32
      %dma_wait3A_209 = tpu.memref_slice %arg19[%add3A_22, %dma_wait3A_208] : memref<2568x128xf32, #tpu.memory_space<vmem_shared>> -> memref<48x128xf32, #tpu.memory_space<vmem_shared>>
      tpu.wait_dma2 semaphore(%run_scoped3A : memref<!tpu.dma_semaphore, #tpu.memory_space<semaphore_mem>>) src(%arg13 : memref<48x128xf32, #tpu.memory_space<vmem>>) dst(%dma_wait3A_209 : memref<48x128xf32, #tpu.memory_space<vmem_shared>>)
      tpu.yield
    }) : () -> ()
    %add3A_23 = arith.constant 48 : i32
    %add3A_24 = arith.addi %mul3A_18, %add3A_23 : i32
    "tpu.region"() ({
      %run_scoped3A = tpu.sem_alloc : memref<!tpu.dma_semaphore, #tpu.memory_space<semaphore_mem>>
      %dma_start3A = arith.constant 0 : i32
      %dma_start3A_204 = tpu.memref_slice %arg18[%add3A_24, %dma_start3A] : memref<2568x128xf32, #tpu.memory_space<vmem_shared>> -> memref<48x128xf32, #tpu.memory_space<vmem_shared>>
      %dma_start3A_205 = arith.constant 0 : i32
      %dma_start3A_206 = tpu.memref_slice %arg18[%add3A_24, %dma_start3A_205] : memref<2568x128xf32, #tpu.memory_space<vmem_shared>> -> memref<48x128xf32, #tpu.memory_space<vmem_shared>>
      tpu.enqueue_dma source(%arg13 : memref<48x128xf32, #tpu.memory_space<vmem>>) target(%dma_start3A_206 : memref<48x128xf32, #tpu.memory_space<vmem_shared>>) target_semaphore(%run_scoped3A : memref<!tpu.dma_semaphore, #tpu.memory_space<semaphore_mem>>)
      %dma_wait3A = arith.constant 0 : i32
      %dma_wait3A_207 = tpu.memref_slice %arg18[%add3A_24, %dma_wait3A] : memref<2568x128xf32, #tpu.memory_space<vmem_shared>> -> memref<48x128xf32, #tpu.memory_space<vmem_shared>>
      %dma_wait3A_208 = arith.constant 0 : i32
      %dma_wait3A_209 = tpu.memref_slice %arg18[%add3A_24, %dma_wait3A_208] : memref<2568x128xf32, #tpu.memory_space<vmem_shared>> -> memref<48x128xf32, #tpu.memory_space<vmem_shared>>
      tpu.wait_dma2 semaphore(%run_scoped3A : memref<!tpu.dma_semaphore, #tpu.memory_space<semaphore_mem>>) src(%arg13 : memref<48x128xf32, #tpu.memory_space<vmem>>) dst(%dma_wait3A_209 : memref<48x128xf32, #tpu.memory_space<vmem_shared>>)
      tpu.yield
    }) : () -> ()
    %add3A_25 = arith.constant 48 : i32
    %add3A_26 = arith.addi %mul3A_18, %add3A_25 : i32
    "tpu.region"() ({
      %run_scoped3A = tpu.sem_alloc : memref<!tpu.dma_semaphore, #tpu.memory_space<semaphore_mem>>
      %dma_start3A = arith.constant 0 : i32
      %dma_start3A_204 = tpu.memref_slice %arg19[%add3A_26, %dma_start3A] : memref<2568x128xf32, #tpu.memory_space<vmem_shared>> -> memref<48x128xf32, #tpu.memory_space<vmem_shared>>
      %dma_start3A_205 = arith.constant 0 : i32
      %dma_start3A_206 = tpu.memref_slice %arg19[%add3A_26, %dma_start3A_205] : memref<2568x128xf32, #tpu.memory_space<vmem_shared>> -> memref<48x128xf32, #tpu.memory_space<vmem_shared>>
      tpu.enqueue_dma source(%arg13 : memref<48x128xf32, #tpu.memory_space<vmem>>) target(%dma_start3A_206 : memref<48x128xf32, #tpu.memory_space<vmem_shared>>) target_semaphore(%run_scoped3A : memref<!tpu.dma_semaphore, #tpu.memory_space<semaphore_mem>>)
      %dma_wait3A = arith.constant 0 : i32
      %dma_wait3A_207 = tpu.memref_slice %arg19[%add3A_26, %dma_wait3A] : memref<2568x128xf32, #tpu.memory_space<vmem_shared>> -> memref<48x128xf32, #tpu.memory_space<vmem_shared>>
      %dma_wait3A_208 = arith.constant 0 : i32
      %dma_wait3A_209 = tpu.memref_slice %arg19[%add3A_26, %dma_wait3A_208] : memref<2568x128xf32, #tpu.memory_space<vmem_shared>> -> memref<48x128xf32, #tpu.memory_space<vmem_shared>>
      tpu.wait_dma2 semaphore(%run_scoped3A : memref<!tpu.dma_semaphore, #tpu.memory_space<semaphore_mem>>) src(%arg13 : memref<48x128xf32, #tpu.memory_space<vmem>>) dst(%dma_wait3A_209 : memref<48x128xf32, #tpu.memory_space<vmem_shared>>)
      tpu.yield
    }) : () -> ()
    %add3A_27 = arith.constant 96 : i32
    %add3A_28 = arith.addi %mul3A_18, %add3A_27 : i32
    "tpu.region"() ({
      %run_scoped3A = tpu.sem_alloc : memref<!tpu.dma_semaphore, #tpu.memory_space<semaphore_mem>>
      %dma_start3A = arith.constant 0 : i32
      %dma_start3A_204 = tpu.memref_slice %arg18[%add3A_28, %dma_start3A] : memref<2568x128xf32, #tpu.memory_space<vmem_shared>> -> memref<48x128xf32, #tpu.memory_space<vmem_shared>>
      %dma_start3A_205 = arith.constant 0 : i32
      %dma_start3A_206 = tpu.memref_slice %arg18[%add3A_28, %dma_start3A_205] : memref<2568x128xf32, #tpu.memory_space<vmem_shared>> -> memref<48x128xf32, #tpu.memory_space<vmem_shared>>
      tpu.enqueue_dma source(%arg13 : memref<48x128xf32, #tpu.memory_space<vmem>>) target(%dma_start3A_206 : memref<48x128xf32, #tpu.memory_space<vmem_shared>>) target_semaphore(%run_scoped3A : memref<!tpu.dma_semaphore, #tpu.memory_space<semaphore_mem>>)
      %dma_wait3A = arith.constant 0 : i32
      %dma_wait3A_207 = tpu.memref_slice %arg18[%add3A_28, %dma_wait3A] : memref<2568x128xf32, #tpu.memory_space<vmem_shared>> -> memref<48x128xf32, #tpu.memory_space<vmem_shared>>
      %dma_wait3A_208 = arith.constant 0 : i32
      %dma_wait3A_209 = tpu.memref_slice %arg18[%add3A_28, %dma_wait3A_208] : memref<2568x128xf32, #tpu.memory_space<vmem_shared>> -> memref<48x128xf32, #tpu.memory_space<vmem_shared>>
      tpu.wait_dma2 semaphore(%run_scoped3A : memref<!tpu.dma_semaphore, #tpu.memory_space<semaphore_mem>>) src(%arg13 : memref<48x128xf32, #tpu.memory_space<vmem>>) dst(%dma_wait3A_209 : memref<48x128xf32, #tpu.memory_space<vmem_shared>>)
      tpu.yield
    }) : () -> ()
    %add3A_29 = arith.constant 96 : i32
    %add3A_30 = arith.addi %mul3A_18, %add3A_29 : i32
    "tpu.region"() ({
      %run_scoped3A = tpu.sem_alloc : memref<!tpu.dma_semaphore, #tpu.memory_space<semaphore_mem>>
      %dma_start3A = arith.constant 0 : i32
      %dma_start3A_204 = tpu.memref_slice %arg19[%add3A_30, %dma_start3A] : memref<2568x128xf32, #tpu.memory_space<vmem_shared>> -> memref<48x128xf32, #tpu.memory_space<vmem_shared>>
      %dma_start3A_205 = arith.constant 0 : i32
      %dma_start3A_206 = tpu.memref_slice %arg19[%add3A_30, %dma_start3A_205] : memref<2568x128xf32, #tpu.memory_space<vmem_shared>> -> memref<48x128xf32, #tpu.memory_space<vmem_shared>>
      tpu.enqueue_dma source(%arg13 : memref<48x128xf32, #tpu.memory_space<vmem>>) target(%dma_start3A_206 : memref<48x128xf32, #tpu.memory_space<vmem_shared>>) target_semaphore(%run_scoped3A : memref<!tpu.dma_semaphore, #tpu.memory_space<semaphore_mem>>)
      %dma_wait3A = arith.constant 0 : i32
      %dma_wait3A_207 = tpu.memref_slice %arg19[%add3A_30, %dma_wait3A] : memref<2568x128xf32, #tpu.memory_space<vmem_shared>> -> memref<48x128xf32, #tpu.memory_space<vmem_shared>>
      %dma_wait3A_208 = arith.constant 0 : i32
      %dma_wait3A_209 = tpu.memref_slice %arg19[%add3A_30, %dma_wait3A_208] : memref<2568x128xf32, #tpu.memory_space<vmem_shared>> -> memref<48x128xf32, #tpu.memory_space<vmem_shared>>
      tpu.wait_dma2 semaphore(%run_scoped3A : memref<!tpu.dma_semaphore, #tpu.memory_space<semaphore_mem>>) src(%arg13 : memref<48x128xf32, #tpu.memory_space<vmem>>) dst(%dma_wait3A_209 : memref<48x128xf32, #tpu.memory_space<vmem_shared>>)
      tpu.yield
    }) : () -> ()
    %add3A_31 = arith.constant 144 : i32
    %add3A_32 = arith.addi %mul3A_18, %add3A_31 : i32
    "tpu.region"() ({
      %run_scoped3A = tpu.sem_alloc : memref<!tpu.dma_semaphore, #tpu.memory_space<semaphore_mem>>
      %dma_start3A = arith.constant 0 : i32
      %dma_start3A_204 = arith.constant 0 : i32
      %dma_start3A_205 = tpu.memref_slice %arg13[%dma_start3A, %dma_start3A_204] : memref<48x128xf32, #tpu.memory_space<vmem>> -> memref<16x128xf32, #tpu.memory_space<vmem>>
      %dma_start3A_206 = arith.constant 0 : i32
      %dma_start3A_207 = tpu.memref_slice %arg18[%add3A_32, %dma_start3A_206] : memref<2568x128xf32, #tpu.memory_space<vmem_shared>> -> memref<16x128xf32, #tpu.memory_space<vmem_shared>>
      %dma_start3A_208 = arith.constant 0 : i32
      %dma_start3A_209 = tpu.memref_slice %arg18[%add3A_32, %dma_start3A_208] : memref<2568x128xf32, #tpu.memory_space<vmem_shared>> -> memref<16x128xf32, #tpu.memory_space<vmem_shared>>
      %dma_start3A_210 = arith.constant 0 : i32
      %dma_start3A_211 = arith.constant 0 : i32
      %dma_start3A_212 = tpu.memref_slice %arg13[%dma_start3A_210, %dma_start3A_211] : memref<48x128xf32, #tpu.memory_space<vmem>> -> memref<16x128xf32, #tpu.memory_space<vmem>>
      tpu.enqueue_dma source(%dma_start3A_212 : memref<16x128xf32, #tpu.memory_space<vmem>>) target(%dma_start3A_209 : memref<16x128xf32, #tpu.memory_space<vmem_shared>>) target_semaphore(%run_scoped3A : memref<!tpu.dma_semaphore, #tpu.memory_space<semaphore_mem>>)
      %dma_wait3A = arith.constant 0 : i32
      %dma_wait3A_213 = arith.constant 0 : i32
      %dma_wait3A_214 = tpu.memref_slice %arg13[%dma_wait3A, %dma_wait3A_213] : memref<48x128xf32, #tpu.memory_space<vmem>> -> memref<16x128xf32, #tpu.memory_space<vmem>>
      %dma_wait3A_215 = arith.constant 0 : i32
      %dma_wait3A_216 = tpu.memref_slice %arg18[%add3A_32, %dma_wait3A_215] : memref<2568x128xf32, #tpu.memory_space<vmem_shared>> -> memref<16x128xf32, #tpu.memory_space<vmem_shared>>
      %dma_wait3A_217 = arith.constant 0 : i32
      %dma_wait3A_218 = tpu.memref_slice %arg18[%add3A_32, %dma_wait3A_217] : memref<2568x128xf32, #tpu.memory_space<vmem_shared>> -> memref<16x128xf32, #tpu.memory_space<vmem_shared>>
      %dma_wait3A_219 = arith.constant 0 : i32
      %dma_wait3A_220 = arith.constant 0 : i32
      %dma_wait3A_221 = tpu.memref_slice %arg13[%dma_wait3A_219, %dma_wait3A_220] : memref<48x128xf32, #tpu.memory_space<vmem>> -> memref<16x128xf32, #tpu.memory_space<vmem>>
      tpu.wait_dma2 semaphore(%run_scoped3A : memref<!tpu.dma_semaphore, #tpu.memory_space<semaphore_mem>>) src(%dma_wait3A_221 : memref<16x128xf32, #tpu.memory_space<vmem>>) dst(%dma_wait3A_218 : memref<16x128xf32, #tpu.memory_space<vmem_shared>>)
      tpu.yield
    }) : () -> ()
    %add3A_33 = arith.constant 144 : i32
    %add3A_34 = arith.addi %mul3A_18, %add3A_33 : i32
    "tpu.region"() ({
      %run_scoped3A = tpu.sem_alloc : memref<!tpu.dma_semaphore, #tpu.memory_space<semaphore_mem>>
      %dma_start3A = arith.constant 0 : i32
      %dma_start3A_204 = arith.constant 0 : i32
      %dma_start3A_205 = tpu.memref_slice %arg13[%dma_start3A, %dma_start3A_204] : memref<48x128xf32, #tpu.memory_space<vmem>> -> memref<16x128xf32, #tpu.memory_space<vmem>>
      %dma_start3A_206 = arith.constant 0 : i32
      %dma_start3A_207 = tpu.memref_slice %arg19[%add3A_34, %dma_start3A_206] : memref<2568x128xf32, #tpu.memory_space<vmem_shared>> -> memref<16x128xf32, #tpu.memory_space<vmem_shared>>
      %dma_start3A_208 = arith.constant 0 : i32
      %dma_start3A_209 = tpu.memref_slice %arg19[%add3A_34, %dma_start3A_208] : memref<2568x128xf32, #tpu.memory_space<vmem_shared>> -> memref<16x128xf32, #tpu.memory_space<vmem_shared>>
      %dma_start3A_210 = arith.constant 0 : i32
      %dma_start3A_211 = arith.constant 0 : i32
      %dma_start3A_212 = tpu.memref_slice %arg13[%dma_start3A_210, %dma_start3A_211] : memref<48x128xf32, #tpu.memory_space<vmem>> -> memref<16x128xf32, #tpu.memory_space<vmem>>
      tpu.enqueue_dma source(%dma_start3A_212 : memref<16x128xf32, #tpu.memory_space<vmem>>) target(%dma_start3A_209 : memref<16x128xf32, #tpu.memory_space<vmem_shared>>) target_semaphore(%run_scoped3A : memref<!tpu.dma_semaphore, #tpu.memory_space<semaphore_mem>>)
      %dma_wait3A = arith.constant 0 : i32
      %dma_wait3A_213 = arith.constant 0 : i32
      %dma_wait3A_214 = tpu.memref_slice %arg13[%dma_wait3A, %dma_wait3A_213] : memref<48x128xf32, #tpu.memory_space<vmem>> -> memref<16x128xf32, #tpu.memory_space<vmem>>
      %dma_wait3A_215 = arith.constant 0 : i32
      %dma_wait3A_216 = tpu.memref_slice %arg19[%add3A_34, %dma_wait3A_215] : memref<2568x128xf32, #tpu.memory_space<vmem_shared>> -> memref<16x128xf32, #tpu.memory_space<vmem_shared>>
      %dma_wait3A_217 = arith.constant 0 : i32
      %dma_wait3A_218 = tpu.memref_slice %arg19[%add3A_34, %dma_wait3A_217] : memref<2568x128xf32, #tpu.memory_space<vmem_shared>> -> memref<16x128xf32, #tpu.memory_space<vmem_shared>>
      %dma_wait3A_219 = arith.constant 0 : i32
      %dma_wait3A_220 = arith.constant 0 : i32
      %dma_wait3A_221 = tpu.memref_slice %arg13[%dma_wait3A_219, %dma_wait3A_220] : memref<48x128xf32, #tpu.memory_space<vmem>> -> memref<16x128xf32, #tpu.memory_space<vmem>>
      tpu.wait_dma2 semaphore(%run_scoped3A : memref<!tpu.dma_semaphore, #tpu.memory_space<semaphore_mem>>) src(%dma_wait3A_221 : memref<16x128xf32, #tpu.memory_space<vmem>>) dst(%dma_wait3A_218 : memref<16x128xf32, #tpu.memory_space<vmem_shared>>)
      tpu.yield
    }) : () -> ()
    %lt3A = arith.constant 8 : i32
    %lt3A_35 = vector.broadcast %lt3A : i32 to vector<16xi32>
    %lt3A_36 = arith.cmpi slt, %iota3A, %lt3A_35 : vector<16xi32>
    %get3A = arith.constant 32 : index
    %get3A_37 = tpu.vector_load %arg10[%get3A] {strides = array<i32>} : memref<48xi32, #tpu.memory_space<vmem>>, vector<16xi32>,
    %get3A_38 = vector.shape_cast %get3A_37 : vector<16xi32> to vector<16xi32>
    %jit3A = arith.constant 0 : i32
    %broadcast_in_dim3A_39 = vector.broadcast %jit3A : i32 to vector<16xi32>
    %select_n3A = arith.select %lt3A_36, %get3A_38, %broadcast_in_dim3A_39 : vector<16xi1>, vector<16xi32>
    %swap3A = arith.constant 32 : index
    %swap3A_40 = tpu.vector_load %arg10[%swap3A] {strides = array<i32>} : memref<48xi32, #tpu.memory_space<vmem>>, vector<16xi32>,
    %swap3A_41 = vector.shape_cast %swap3A_40 : vector<16xi32> to vector<16xi32>
    %swap3A_42 = vector.shape_cast %select_n3A : vector<16xi32> to vector<16xi32>
    tpu.vector_store %arg10[%swap3A], %swap3A_42 {strides = array<i32>} : memref<48xi32, #tpu.memory_space<vmem>>, vector<16xi32>,
    %lt3A_43 = arith.constant 8 : i32
    %lt3A_44 = vector.broadcast %lt3A_43 : i32 to vector<16xi32>
    %lt3A_45 = arith.cmpi slt, %iota3A, %lt3A_44 : vector<16xi32>
    %get3A_46 = arith.constant 32 : index
    %get3A_47 = tpu.vector_load %arg11[%get3A_46] {strides = array<i32>} : memref<48xi32, #tpu.memory_space<vmem>>, vector<16xi32>,
    %get3A_48 = vector.shape_cast %get3A_47 : vector<16xi32> to vector<16xi32>
    %jit3A_49 = arith.constant 0 : i32
    %broadcast_in_dim3A_50 = vector.broadcast %jit3A_49 : i32 to vector<16xi32>
    %select_n3A_51 = arith.select %lt3A_45, %get3A_48, %broadcast_in_dim3A_50 : vector<16xi1>, vector<16xi32>
    %swap3A_52 = arith.constant 32 : index
    %swap3A_53 = tpu.vector_load %arg11[%swap3A_52] {strides = array<i32>} : memref<48xi32, #tpu.memory_space<vmem>>, vector<16xi32>,
    %swap3A_54 = vector.shape_cast %swap3A_53 : vector<16xi32> to vector<16xi32>
    %swap3A_55 = vector.shape_cast %select_n3A_51 : vector<16xi32> to vector<16xi32>
    tpu.vector_store %arg11[%swap3A_52], %swap3A_55 {strides = array<i32>} : memref<48xi32, #tpu.memory_space<vmem>>, vector<16xi32>,
    "tpu.region"() ({
      %run_scoped3A = tpu.sem_alloc : memref<!tpu.dma_semaphore, #tpu.memory_space<semaphore_mem>>
      tpu.enqueue_dma source(%arg6 : memref<128xf32, #tpu.memory_space<hbm>>) target(%arg17 : memref<128xf32, #tpu.memory_space<vmem>>) target_semaphore(%run_scoped3A : memref<!tpu.dma_semaphore, #tpu.memory_space<semaphore_mem>>)
      tpu.wait_dma2 semaphore(%run_scoped3A : memref<!tpu.dma_semaphore, #tpu.memory_space<semaphore_mem>>) src(%arg6 : memref<128xf32, #tpu.memory_space<hbm>>) dst(%arg17 : memref<128xf32, #tpu.memory_space<vmem>>)
      tpu.yield
    }) : () -> ()
    %barrier3A = arith.constant 0 : index
    tpu.barrier barrier_id(%barrier3A)
    %get3A_56 = arith.constant 0 : index
    %get3A_57 = tpu.vector_load %arg17[%get3A_56] {strides = array<i32>} : memref<128xf32, #tpu.memory_space<vmem>>, vector<16xf32>,
    %get3A_58 = vector.shape_cast %get3A_57 : vector<16xf32> to vector<16xf32>
    %get3A_59 = arith.constant 16 : index
    %get3A_60 = tpu.vector_load %arg17[%get3A_59] {strides = array<i32>} : memref<128xf32, #tpu.memory_space<vmem>>, vector<16xf32>,
    %get3A_61 = vector.shape_cast %get3A_60 : vector<16xf32> to vector<16xf32>
    %get3A_62 = arith.constant 32 : index
    %get3A_63 = tpu.vector_load %arg17[%get3A_62] {strides = array<i32>} : memref<128xf32, #tpu.memory_space<vmem>>, vector<16xf32>,
    %get3A_64 = vector.shape_cast %get3A_63 : vector<16xf32> to vector<16xf32>
    %get3A_65 = arith.constant 48 : index
    %get3A_66 = tpu.vector_load %arg17[%get3A_65] {strides = array<i32>} : memref<128xf32, #tpu.memory_space<vmem>>, vector<16xf32>,
    %get3A_67 = vector.shape_cast %get3A_66 : vector<16xf32> to vector<16xf32>
    %get3A_68 = arith.constant 64 : index
    %get3A_69 = tpu.vector_load %arg17[%get3A_68] {strides = array<i32>} : memref<128xf32, #tpu.memory_space<vmem>>, vector<16xf32>,
    %get3A_70 = vector.shape_cast %get3A_69 : vector<16xf32> to vector<16xf32>
    %get3A_71 = arith.constant 80 : index
    %get3A_72 = tpu.vector_load %arg17[%get3A_71] {strides = array<i32>} : memref<128xf32, #tpu.memory_space<vmem>>, vector<16xf32>,
    %get3A_73 = vector.shape_cast %get3A_72 : vector<16xf32> to vector<16xf32>
    %get3A_74 = arith.constant 96 : index
    %get3A_75 = tpu.vector_load %arg17[%get3A_74] {strides = array<i32>} : memref<128xf32, #tpu.memory_space<vmem>>, vector<16xf32>,
    %get3A_76 = vector.shape_cast %get3A_75 : vector<16xf32> to vector<16xf32>
    %get3A_77 = arith.constant 112 : index
    %get3A_78 = tpu.vector_load %arg17[%get3A_77] {strides = array<i32>} : memref<128xf32, #tpu.memory_space<vmem>>, vector<16xf32>,
    %get3A_79 = vector.shape_cast %get3A_78 : vector<16xf32> to vector<16xf32>
    %scan3A_80 = arith.constant 0 : i32
    %scan3A_81 = arith.constant 250 : i32
    %scan3A_82 = arith.addi %scan3A_80, %scan3A_81 : i32
    %scan3A_83 = arith.constant 1 : i32
    scf.for %scan3A_204 = %scan3A_80 to %scan3A_82 step %scan3A_83  : i32 {
      %mul3A_205 = arith.constant 1 : i32
      %mul3A_206 = arith.muli %scan3A_204, %mul3A_205 : i32
      %add3A_207 = arith.constant 0 : i32
      %add3A_208 = arith.addi %add3A_207, %mul3A_206 : i32
      %mul3A_209 = arith.constant 1280 : i32
      %mul3A_210 = arith.muli %add3A_208, %mul3A_209 : i32
      %mul3A_211 = arith.constant 40 : i32
      %mul3A_212 = arith.muli %add3A, %mul3A_211 : i32
      %add3A_213 = arith.addi %mul3A_210, %mul3A_212 : i32
      "tpu.region"() ({
        %run_scoped3A = tpu.sem_alloc : memref<!tpu.dma_semaphore, #tpu.memory_space<semaphore_mem>>
        %dma_start3A_290 = arith.constant 0 : i32
        %dma_start3A_291 = tpu.memref_slice %arg10[%dma_start3A_290] : memref<48xi32, #tpu.memory_space<vmem>> -> memref<40xi32, #tpu.memory_space<vmem>>
        %dma_start3A_292 = tpu.memref_slice %arg4[%add3A_213] : memref<320000xi32, #tpu.memory_space<hbm>> -> memref<40xi32, #tpu.memory_space<hbm>>
        %dma_start3A_293 = arith.constant 0 : i32
        %dma_start3A_294 = tpu.memref_slice %arg10[%dma_start3A_293] : memref<48xi32, #tpu.memory_space<vmem>> -> memref<40xi32, #tpu.memory_space<vmem>>
        %dma_start3A_295 = tpu.memref_slice %arg4[%add3A_213] : memref<320000xi32, #tpu.memory_space<hbm>> -> memref<40xi32, #tpu.memory_space<hbm>>
        tpu.enqueue_dma source(%dma_start3A_295 : memref<40xi32, #tpu.memory_space<hbm>>) target(%dma_start3A_294 : memref<40xi32, #tpu.memory_space<vmem>>) target_semaphore(%run_scoped3A : memref<!tpu.dma_semaphore, #tpu.memory_space<semaphore_mem>>)
        %dma_wait3A_296 = arith.constant 0 : i32
        %dma_wait3A_297 = tpu.memref_slice %arg10[%dma_wait3A_296] : memref<48xi32, #tpu.memory_space<vmem>> -> memref<40xi32, #tpu.memory_space<vmem>>
        %dma_wait3A_298 = tpu.memref_slice %arg4[%add3A_213] : memref<320000xi32, #tpu.memory_space<hbm>> -> memref<40xi32, #tpu.memory_space<hbm>>
        %dma_wait3A_299 = arith.constant 0 : i32
        %dma_wait3A_300 = tpu.memref_slice %arg10[%dma_wait3A_299] : memref<48xi32, #tpu.memory_space<vmem>> -> memref<40xi32, #tpu.memory_space<vmem>>
        %dma_wait3A_301 = tpu.memref_slice %arg4[%add3A_213] : memref<320000xi32, #tpu.memory_space<hbm>> -> memref<40xi32, #tpu.memory_space<hbm>>
        tpu.wait_dma2 semaphore(%run_scoped3A : memref<!tpu.dma_semaphore, #tpu.memory_space<semaphore_mem>>) src(%dma_wait3A_301 : memref<40xi32, #tpu.memory_space<hbm>>) dst(%dma_wait3A_300 : memref<40xi32, #tpu.memory_space<vmem>>)
        tpu.yield
      }) : () -> ()
      "tpu.region"() ({
        %run_scoped3A = tpu.sem_alloc : memref<!tpu.dma_semaphore, #tpu.memory_space<semaphore_mem>>
        %dma_start3A_290 = arith.constant 0 : i32
        %dma_start3A_291 = tpu.memref_slice %arg11[%dma_start3A_290] : memref<48xi32, #tpu.memory_space<vmem>> -> memref<40xi32, #tpu.memory_space<vmem>>
        %dma_start3A_292 = tpu.memref_slice %arg5[%add3A_213] : memref<320000xi32, #tpu.memory_space<hbm>> -> memref<40xi32, #tpu.memory_space<hbm>>
        %dma_start3A_293 = arith.constant 0 : i32
        %dma_start3A_294 = tpu.memref_slice %arg11[%dma_start3A_293] : memref<48xi32, #tpu.memory_space<vmem>> -> memref<40xi32, #tpu.memory_space<vmem>>
        %dma_start3A_295 = tpu.memref_slice %arg5[%add3A_213] : memref<320000xi32, #tpu.memory_space<hbm>> -> memref<40xi32, #tpu.memory_space<hbm>>
        tpu.enqueue_dma source(%dma_start3A_295 : memref<40xi32, #tpu.memory_space<hbm>>) target(%dma_start3A_294 : memref<40xi32, #tpu.memory_space<vmem>>) target_semaphore(%run_scoped3A : memref<!tpu.dma_semaphore, #tpu.memory_space<semaphore_mem>>)
        %dma_wait3A_296 = arith.constant 0 : i32
        %dma_wait3A_297 = tpu.memref_slice %arg11[%dma_wait3A_296] : memref<48xi32, #tpu.memory_space<vmem>> -> memref<40xi32, #tpu.memory_space<vmem>>
        %dma_wait3A_298 = tpu.memref_slice %arg5[%add3A_213] : memref<320000xi32, #tpu.memory_space<hbm>> -> memref<40xi32, #tpu.memory_space<hbm>>
        %dma_wait3A_299 = arith.constant 0 : i32
        %dma_wait3A_300 = tpu.memref_slice %arg11[%dma_wait3A_299] : memref<48xi32, #tpu.memory_space<vmem>> -> memref<40xi32, #tpu.memory_space<vmem>>
        %dma_wait3A_301 = tpu.memref_slice %arg5[%add3A_213] : memref<320000xi32, #tpu.memory_space<hbm>> -> memref<40xi32, #tpu.memory_space<hbm>>
        tpu.wait_dma2 semaphore(%run_scoped3A : memref<!tpu.dma_semaphore, #tpu.memory_space<semaphore_mem>>) src(%dma_wait3A_301 : memref<40xi32, #tpu.memory_space<hbm>>) dst(%dma_wait3A_300 : memref<40xi32, #tpu.memory_space<vmem>>)
        tpu.yield
      }) : () -> ()
      %dma_start3A = arith.constant 0 : i32
      %dma_start3A_214 = arith.constant 0 : i32
      %dma_start3A_215 = tpu.memref_slice %arg2[%dma_start3A, %dma_start3A_214] : memref<10000x128xf32, #tpu.memory_space<hbm>> -> memref<10000x128xf32, #tpu.memory_space<hbm>>
      tpu.enqueue_indirect_dma source(%dma_start3A_215 : memref<10000x128xf32, #tpu.memory_space<hbm>>) target(%arg13 : memref<48x128xf32, #tpu.memory_space<vmem>>) offsets(%arg11 : memref<48xi32, #tpu.memory_space<vmem>>) semaphore(%arg20 : memref<!tpu.dma_semaphore, #tpu.memory_space<semaphore_mem>>)
      %dma_start3A_216 = arith.constant 0 : i32
      %dma_start3A_217 = arith.constant 0 : i32
      %dma_start3A_218 = tpu.memref_slice %arg3[%dma_start3A_216, %dma_start3A_217] : memref<10000x128xf32, #tpu.memory_space<hbm>> -> memref<10000x128xf32, #tpu.memory_space<hbm>>
      tpu.enqueue_indirect_dma source(%dma_start3A_218 : memref<10000x128xf32, #tpu.memory_space<hbm>>) target(%arg14 : memref<48x128xf32, #tpu.memory_space<vmem>>) offsets(%arg10 : memref<48xi32, #tpu.memory_space<vmem>>) semaphore(%arg21 : memref<!tpu.dma_semaphore, #tpu.memory_space<semaphore_mem>>)
      %dma_wait3A = arith.constant 0 : i32
      %dma_wait3A_219 = arith.constant 0 : i32
      %dma_wait3A_220 = tpu.memref_slice %arg2[%dma_wait3A, %dma_wait3A_219] : memref<10000x128xf32, #tpu.memory_space<hbm>> -> memref<10000x128xf32, #tpu.memory_space<hbm>>
      tpu.wait_indirect_dma semaphore(%arg20 : memref<!tpu.dma_semaphore, #tpu.memory_space<semaphore_mem>>) src(%dma_wait3A_220 : memref<10000x128xf32, #tpu.memory_space<hbm>>) dst(%arg13 : memref<48x128xf32, #tpu.memory_space<vmem>>)
      %dma_wait3A_221 = arith.constant 0 : i32
      %dma_wait3A_222 = arith.constant 0 : i32
      %dma_wait3A_223 = tpu.memref_slice %arg3[%dma_wait3A_221, %dma_wait3A_222] : memref<10000x128xf32, #tpu.memory_space<hbm>> -> memref<10000x128xf32, #tpu.memory_space<hbm>>
      tpu.wait_indirect_dma semaphore(%arg21 : memref<!tpu.dma_semaphore, #tpu.memory_space<semaphore_mem>>) src(%dma_wait3A_223 : memref<10000x128xf32, #tpu.memory_space<hbm>>) dst(%arg14 : memref<48x128xf32, #tpu.memory_space<vmem>>)
      %scan3A_224 = arith.constant 0 : i32
      %scan3A_225 = arith.constant 40 : i32
      %scan3A_226 = arith.addi %scan3A_224, %scan3A_225 : i32
      %scan3A_227 = arith.constant 1 : i32
      scf.for %scan3A_290 = %scan3A_224 to %scan3A_226 step %scan3A_227  : i32 {
        %mul3A_291 = arith.constant 1 : i32
        %mul3A_292 = arith.muli %scan3A_290, %mul3A_291 : i32
        %add3A_293 = arith.constant 0 : i32
        %add3A_294 = arith.addi %add3A_293, %mul3A_292 : i32
        %get3A_295 = arith.index_cast %add3A_294 : i32 to index
        %get3A_296 = arith.constant 0 : index
        %get3A_297 = tpu.vector_load %arg13[%get3A_295, %get3A_296] {strides = array<i32>} : memref<48x128xf32, #tpu.memory_space<vmem>>, vector<1x16xf32>,
        %get3A_298 = vector.shape_cast %get3A_297 : vector<1x16xf32> to vector<16xf32>
        %get3A_299 = arith.index_cast %add3A_294 : i32 to index
        %get3A_300 = arith.constant 0 : index
        %get3A_301 = tpu.vector_load %arg14[%get3A_299, %get3A_300] {strides = array<i32>} : memref<48x128xf32, #tpu.memory_space<vmem>>, vector<1x16xf32>,
        %get3A_302 = vector.shape_cast %get3A_301 : vector<1x16xf32> to vector<16xf32>
        %add3A_303 = arith.addf %get3A_298, %get3A_302 : vector<16xf32>
        %mul3A_304 = arith.constant 2.000000e-01 : f32
        %mul3A_305 = vector.broadcast %mul3A_304 : f32 to vector<16xf32>
        %mul3A_306 = arith.mulf %mul3A_305, %add3A_303 : vector<16xf32>
        %max3A = arith.maximumf %add3A_303, %mul3A_306 : vector<16xf32>
        %mul3A_307 = arith.mulf %max3A, %get3A_58 : vector<16xf32>
        %get3A_308 = arith.index_cast %add3A_294 : i32 to index
        %get3A_309 = arith.constant 16 : index
        %get3A_310 = tpu.vector_load %arg13[%get3A_308, %get3A_309] {strides = array<i32>} : memref<48x128xf32, #tpu.memory_space<vmem>>, vector<1x16xf32>,
        %get3A_311 = vector.shape_cast %get3A_310 : vector<1x16xf32> to vector<16xf32>
        %get3A_312 = arith.index_cast %add3A_294 : i32 to index
        %get3A_313 = arith.constant 16 : index
        %get3A_314 = tpu.vector_load %arg14[%get3A_312, %get3A_313] {strides = array<i32>} : memref<48x128xf32, #tpu.memory_space<vmem>>, vector<1x16xf32>,
        %get3A_315 = vector.shape_cast %get3A_314 : vector<1x16xf32> to vector<16xf32>
        %add3A_316 = arith.addf %get3A_311, %get3A_315 : vector<16xf32>
        %mul3A_317 = arith.constant 2.000000e-01 : f32
        %mul3A_318 = vector.broadcast %mul3A_317 : f32 to vector<16xf32>
        %mul3A_319 = arith.mulf %mul3A_318, %add3A_316 : vector<16xf32>
        %max3A_320 = arith.maximumf %add3A_316, %mul3A_319 : vector<16xf32>
        %mul3A_321 = arith.mulf %max3A_320, %get3A_61 : vector<16xf32>
        %add3A_322 = arith.addf %mul3A_307, %mul3A_321 : vector<16xf32>
        %lt3A_323 = arith.constant 0 : i32
        %lt3A_324 = vector.broadcast %lt3A_323 : i32 to vector<16xi32>
        %lt3A_325 = arith.cmpi slt, %xor3A_3, %lt3A_324 : vector<16xi32>
        %add3A_326 = arith.constant 16 : i32
        %add3A_327 = vector.broadcast %add3A_326 : i32 to vector<16xi32>
        %add3A_328 = arith.addi %xor3A_3, %add3A_327 : vector<16xi32>
        %select_n3A_329 = arith.select %lt3A_325, %add3A_328, %xor3A_3 : vector<16xi1>, vector<16xi32>
        %broadcast_in_dim3A_330 = vector.shape_cast %select_n3A_329 : vector<16xi32> to vector<16x1xi32>
        %gather3A = vector.shape_cast %broadcast_in_dim3A_330 : vector<16x1xi32> to vector<16xi32>
        %gather3A_331 = tpu.dynamic_gather %add3A_322[%gather3A] in [0] : vector<16xf32>, vector<16xi32> -> vector<16xf32>
        %add3A_332 = arith.addf %add3A_322, %gather3A_331 : vector<16xf32>
        %lt3A_333 = arith.constant 0 : i32
        %lt3A_334 = vector.broadcast %lt3A_333 : i32 to vector<16xi32>
        %lt3A_335 = arith.cmpi slt, %xor3A_6, %lt3A_334 : vector<16xi32>
        %add3A_336 = arith.constant 16 : i32
        %add3A_337 = vector.broadcast %add3A_336 : i32 to vector<16xi32>
        %add3A_338 = arith.addi %xor3A_6, %add3A_337 : vector<16xi32>
        %select_n3A_339 = arith.select %lt3A_335, %add3A_338, %xor3A_6 : vector<16xi1>, vector<16xi32>
        %broadcast_in_dim3A_340 = vector.shape_cast %select_n3A_339 : vector<16xi32> to vector<16x1xi32>
        %gather3A_341 = vector.shape_cast %broadcast_in_dim3A_340 : vector<16x1xi32> to vector<16xi32>
        %gather3A_342 = tpu.dynamic_gather %add3A_332[%gather3A_341] in [0] : vector<16xf32>, vector<16xi32> -> vector<16xf32>
        %add3A_343 = arith.addf %add3A_332, %gather3A_342 : vector<16xf32>
        %lt3A_344 = arith.constant 0 : i32
        %lt3A_345 = vector.broadcast %lt3A_344 : i32 to vector<16xi32>
        %lt3A_346 = arith.cmpi slt, %xor3A_9, %lt3A_345 : vector<16xi32>
        %add3A_347 = arith.constant 16 : i32
        %add3A_348 = vector.broadcast %add3A_347 : i32 to vector<16xi32>
        %add3A_349 = arith.addi %xor3A_9, %add3A_348 : vector<16xi32>
        %select_n3A_350 = arith.select %lt3A_346, %add3A_349, %xor3A_9 : vector<16xi1>, vector<16xi32>
        %broadcast_in_dim3A_351 = vector.shape_cast %select_n3A_350 : vector<16xi32> to vector<16x1xi32>
        %gather3A_352 = vector.shape_cast %broadcast_in_dim3A_351 : vector<16x1xi32> to vector<16xi32>
        %gather3A_353 = tpu.dynamic_gather %add3A_343[%gather3A_352] in [0] : vector<16xf32>, vector<16xi32> -> vector<16xf32>
        %add3A_354 = arith.addf %add3A_343, %gather3A_353 : vector<16xf32>
        %lt3A_355 = arith.constant 0 : i32
        %lt3A_356 = vector.broadcast %lt3A_355 : i32 to vector<16xi32>
        %lt3A_357 = arith.cmpi slt, %xor3A_12, %lt3A_356 : vector<16xi32>
        %add3A_358 = arith.constant 16 : i32
        %add3A_359 = vector.broadcast %add3A_358 : i32 to vector<16xi32>
        %add3A_360 = arith.addi %xor3A_12, %add3A_359 : vector<16xi32>
        %select_n3A_361 = arith.select %lt3A_357, %add3A_360, %xor3A_12 : vector<16xi1>, vector<16xi32>
        %broadcast_in_dim3A_362 = vector.shape_cast %select_n3A_361 : vector<16xi32> to vector<16x1xi32>
        %gather3A_363 = vector.shape_cast %broadcast_in_dim3A_362 : vector<16x1xi32> to vector<16xi32>
        %gather3A_364 = tpu.dynamic_gather %add3A_354[%gather3A_363] in [0] : vector<16xf32>, vector<16xi32> -> vector<16xf32>
        %add3A_365 = arith.addf %add3A_354, %gather3A_364 : vector<16xf32>
        %exp3A = math.exp %add3A_365 : vector<16xf32>
        %get3A_366 = arith.index_cast %add3A_294 : i32 to index
        %get3A_367 = arith.constant 32 : index
        %get3A_368 = tpu.vector_load %arg13[%get3A_366, %get3A_367] {strides = array<i32>} : memref<48x128xf32, #tpu.memory_space<vmem>>, vector<1x16xf32>,
        %get3A_369 = vector.shape_cast %get3A_368 : vector<1x16xf32> to vector<16xf32>
        %get3A_370 = arith.index_cast %add3A_294 : i32 to index
        %get3A_371 = arith.constant 32 : index
        %get3A_372 = tpu.vector_load %arg14[%get3A_370, %get3A_371] {strides = array<i32>} : memref<48x128xf32, #tpu.memory_space<vmem>>, vector<1x16xf32>,
        %get3A_373 = vector.shape_cast %get3A_372 : vector<1x16xf32> to vector<16xf32>
        %add3A_374 = arith.addf %get3A_369, %get3A_373 : vector<16xf32>
        %mul3A_375 = arith.constant 2.000000e-01 : f32
        %mul3A_376 = vector.broadcast %mul3A_375 : f32 to vector<16xf32>
        %mul3A_377 = arith.mulf %mul3A_376, %add3A_374 : vector<16xf32>
        %max3A_378 = arith.maximumf %add3A_374, %mul3A_377 : vector<16xf32>
        %mul3A_379 = arith.mulf %max3A_378, %get3A_64 : vector<16xf32>
        %get3A_380 = arith.index_cast %add3A_294 : i32 to index
        %get3A_381 = arith.constant 48 : index
        %get3A_382 = tpu.vector_load %arg13[%get3A_380, %get3A_381] {strides = array<i32>} : memref<48x128xf32, #tpu.memory_space<vmem>>, vector<1x16xf32>,
        %get3A_383 = vector.shape_cast %get3A_382 : vector<1x16xf32> to vector<16xf32>
        %get3A_384 = arith.index_cast %add3A_294 : i32 to index
        %get3A_385 = arith.constant 48 : index
        %get3A_386 = tpu.vector_load %arg14[%get3A_384, %get3A_385] {strides = array<i32>} : memref<48x128xf32, #tpu.memory_space<vmem>>, vector<1x16xf32>,
        %get3A_387 = vector.shape_cast %get3A_386 : vector<1x16xf32> to vector<16xf32>
        %add3A_388 = arith.addf %get3A_383, %get3A_387 : vector<16xf32>
        %mul3A_389 = arith.constant 2.000000e-01 : f32
        %mul3A_390 = vector.broadcast %mul3A_389 : f32 to vector<16xf32>
        %mul3A_391 = arith.mulf %mul3A_390, %add3A_388 : vector<16xf32>
        %max3A_392 = arith.maximumf %add3A_388, %mul3A_391 : vector<16xf32>
        %mul3A_393 = arith.mulf %max3A_392, %get3A_67 : vector<16xf32>
        %add3A_394 = arith.addf %mul3A_379, %mul3A_393 : vector<16xf32>
        %lt3A_395 = arith.constant 0 : i32
        %lt3A_396 = vector.broadcast %lt3A_395 : i32 to vector<16xi32>
        %lt3A_397 = arith.cmpi slt, %xor3A_3, %lt3A_396 : vector<16xi32>
        %add3A_398 = arith.constant 16 : i32
        %add3A_399 = vector.broadcast %add3A_398 : i32 to vector<16xi32>
        %add3A_400 = arith.addi %xor3A_3, %add3A_399 : vector<16xi32>
        %select_n3A_401 = arith.select %lt3A_397, %add3A_400, %xor3A_3 : vector<16xi1>, vector<16xi32>
        %broadcast_in_dim3A_402 = vector.shape_cast %select_n3A_401 : vector<16xi32> to vector<16x1xi32>
        %gather3A_403 = vector.shape_cast %broadcast_in_dim3A_402 : vector<16x1xi32> to vector<16xi32>
        %gather3A_404 = tpu.dynamic_gather %add3A_394[%gather3A_403] in [0] : vector<16xf32>, vector<16xi32> -> vector<16xf32>
        %add3A_405 = arith.addf %add3A_394, %gather3A_404 : vector<16xf32>
        %lt3A_406 = arith.constant 0 : i32
        %lt3A_407 = vector.broadcast %lt3A_406 : i32 to vector<16xi32>
        %lt3A_408 = arith.cmpi slt, %xor3A_6, %lt3A_407 : vector<16xi32>
        %add3A_409 = arith.constant 16 : i32
        %add3A_410 = vector.broadcast %add3A_409 : i32 to vector<16xi32>
        %add3A_411 = arith.addi %xor3A_6, %add3A_410 : vector<16xi32>
        %select_n3A_412 = arith.select %lt3A_408, %add3A_411, %xor3A_6 : vector<16xi1>, vector<16xi32>
        %broadcast_in_dim3A_413 = vector.shape_cast %select_n3A_412 : vector<16xi32> to vector<16x1xi32>
        %gather3A_414 = vector.shape_cast %broadcast_in_dim3A_413 : vector<16x1xi32> to vector<16xi32>
        %gather3A_415 = tpu.dynamic_gather %add3A_405[%gather3A_414] in [0] : vector<16xf32>, vector<16xi32> -> vector<16xf32>
        %add3A_416 = arith.addf %add3A_405, %gather3A_415 : vector<16xf32>
        %lt3A_417 = arith.constant 0 : i32
        %lt3A_418 = vector.broadcast %lt3A_417 : i32 to vector<16xi32>
        %lt3A_419 = arith.cmpi slt, %xor3A_9, %lt3A_418 : vector<16xi32>
        %add3A_420 = arith.constant 16 : i32
        %add3A_421 = vector.broadcast %add3A_420 : i32 to vector<16xi32>
        %add3A_422 = arith.addi %xor3A_9, %add3A_421 : vector<16xi32>
        %select_n3A_423 = arith.select %lt3A_419, %add3A_422, %xor3A_9 : vector<16xi1>, vector<16xi32>
        %broadcast_in_dim3A_424 = vector.shape_cast %select_n3A_423 : vector<16xi32> to vector<16x1xi32>
        %gather3A_425 = vector.shape_cast %broadcast_in_dim3A_424 : vector<16x1xi32> to vector<16xi32>
        %gather3A_426 = tpu.dynamic_gather %add3A_416[%gather3A_425] in [0] : vector<16xf32>, vector<16xi32> -> vector<16xf32>
        %add3A_427 = arith.addf %add3A_416, %gather3A_426 : vector<16xf32>
        %lt3A_428 = arith.constant 0 : i32
        %lt3A_429 = vector.broadcast %lt3A_428 : i32 to vector<16xi32>
        %lt3A_430 = arith.cmpi slt, %xor3A_12, %lt3A_429 : vector<16xi32>
        %add3A_431 = arith.constant 16 : i32
        %add3A_432 = vector.broadcast %add3A_431 : i32 to vector<16xi32>
        %add3A_433 = arith.addi %xor3A_12, %add3A_432 : vector<16xi32>
        %select_n3A_434 = arith.select %lt3A_430, %add3A_433, %xor3A_12 : vector<16xi1>, vector<16xi32>
        %broadcast_in_dim3A_435 = vector.shape_cast %select_n3A_434 : vector<16xi32> to vector<16x1xi32>
        %gather3A_436 = vector.shape_cast %broadcast_in_dim3A_435 : vector<16x1xi32> to vector<16xi32>
        %gather3A_437 = tpu.dynamic_gather %add3A_427[%gather3A_436] in [0] : vector<16xf32>, vector<16xi32> -> vector<16xf32>
        %add3A_438 = arith.addf %add3A_427, %gather3A_437 : vector<16xf32>
        %exp3A_439 = math.exp %add3A_438 : vector<16xf32>
        %get3A_440 = arith.index_cast %add3A_294 : i32 to index
        %get3A_441 = arith.constant 64 : index
        %get3A_442 = tpu.vector_load %arg13[%get3A_440, %get3A_441] {strides = array<i32>} : memref<48x128xf32, #tpu.memory_space<vmem>>, vector<1x16xf32>,
        %get3A_443 = vector.shape_cast %get3A_442 : vector<1x16xf32> to vector<16xf32>
        %get3A_444 = arith.index_cast %add3A_294 : i32 to index
        %get3A_445 = arith.constant 64 : index
        %get3A_446 = tpu.vector_load %arg14[%get3A_444, %get3A_445] {strides = array<i32>} : memref<48x128xf32, #tpu.memory_space<vmem>>, vector<1x16xf32>,
        %get3A_447 = vector.shape_cast %get3A_446 : vector<1x16xf32> to vector<16xf32>
        %add3A_448 = arith.addf %get3A_443, %get3A_447 : vector<16xf32>
        %mul3A_449 = arith.constant 2.000000e-01 : f32
        %mul3A_450 = vector.broadcast %mul3A_449 : f32 to vector<16xf32>
        %mul3A_451 = arith.mulf %mul3A_450, %add3A_448 : vector<16xf32>
        %max3A_452 = arith.maximumf %add3A_448, %mul3A_451 : vector<16xf32>
        %mul3A_453 = arith.mulf %max3A_452, %get3A_70 : vector<16xf32>
        %get3A_454 = arith.index_cast %add3A_294 : i32 to index
        %get3A_455 = arith.constant 80 : index
        %get3A_456 = tpu.vector_load %arg13[%get3A_454, %get3A_455] {strides = array<i32>} : memref<48x128xf32, #tpu.memory_space<vmem>>, vector<1x16xf32>,
        %get3A_457 = vector.shape_cast %get3A_456 : vector<1x16xf32> to vector<16xf32>
        %get3A_458 = arith.index_cast %add3A_294 : i32 to index
        %get3A_459 = arith.constant 80 : index
        %get3A_460 = tpu.vector_load %arg14[%get3A_458, %get3A_459] {strides = array<i32>} : memref<48x128xf32, #tpu.memory_space<vmem>>, vector<1x16xf32>,
        %get3A_461 = vector.shape_cast %get3A_460 : vector<1x16xf32> to vector<16xf32>
        %add3A_462 = arith.addf %get3A_457, %get3A_461 : vector<16xf32>
        %mul3A_463 = arith.constant 2.000000e-01 : f32
        %mul3A_464 = vector.broadcast %mul3A_463 : f32 to vector<16xf32>
        %mul3A_465 = arith.mulf %mul3A_464, %add3A_462 : vector<16xf32>
        %max3A_466 = arith.maximumf %add3A_462, %mul3A_465 : vector<16xf32>
        %mul3A_467 = arith.mulf %max3A_466, %get3A_73 : vector<16xf32>
        %add3A_468 = arith.addf %mul3A_453, %mul3A_467 : vector<16xf32>
        %lt3A_469 = arith.constant 0 : i32
        %lt3A_470 = vector.broadcast %lt3A_469 : i32 to vector<16xi32>
        %lt3A_471 = arith.cmpi slt, %xor3A_3, %lt3A_470 : vector<16xi32>
        %add3A_472 = arith.constant 16 : i32
        %add3A_473 = vector.broadcast %add3A_472 : i32 to vector<16xi32>
        %add3A_474 = arith.addi %xor3A_3, %add3A_473 : vector<16xi32>
        %select_n3A_475 = arith.select %lt3A_471, %add3A_474, %xor3A_3 : vector<16xi1>, vector<16xi32>
        %broadcast_in_dim3A_476 = vector.shape_cast %select_n3A_475 : vector<16xi32> to vector<16x1xi32>
        %gather3A_477 = vector.shape_cast %broadcast_in_dim3A_476 : vector<16x1xi32> to vector<16xi32>
        %gather3A_478 = tpu.dynamic_gather %add3A_468[%gather3A_477] in [0] : vector<16xf32>, vector<16xi32> -> vector<16xf32>
        %add3A_479 = arith.addf %add3A_468, %gather3A_478 : vector<16xf32>
        %lt3A_480 = arith.constant 0 : i32
        %lt3A_481 = vector.broadcast %lt3A_480 : i32 to vector<16xi32>
        %lt3A_482 = arith.cmpi slt, %xor3A_6, %lt3A_481 : vector<16xi32>
        %add3A_483 = arith.constant 16 : i32
        %add3A_484 = vector.broadcast %add3A_483 : i32 to vector<16xi32>
        %add3A_485 = arith.addi %xor3A_6, %add3A_484 : vector<16xi32>
        %select_n3A_486 = arith.select %lt3A_482, %add3A_485, %xor3A_6 : vector<16xi1>, vector<16xi32>
        %broadcast_in_dim3A_487 = vector.shape_cast %select_n3A_486 : vector<16xi32> to vector<16x1xi32>
        %gather3A_488 = vector.shape_cast %broadcast_in_dim3A_487 : vector<16x1xi32> to vector<16xi32>
        %gather3A_489 = tpu.dynamic_gather %add3A_479[%gather3A_488] in [0] : vector<16xf32>, vector<16xi32> -> vector<16xf32>
        %add3A_490 = arith.addf %add3A_479, %gather3A_489 : vector<16xf32>
        %lt3A_491 = arith.constant 0 : i32
        %lt3A_492 = vector.broadcast %lt3A_491 : i32 to vector<16xi32>
        %lt3A_493 = arith.cmpi slt, %xor3A_9, %lt3A_492 : vector<16xi32>
        %add3A_494 = arith.constant 16 : i32
        %add3A_495 = vector.broadcast %add3A_494 : i32 to vector<16xi32>
        %add3A_496 = arith.addi %xor3A_9, %add3A_495 : vector<16xi32>
        %select_n3A_497 = arith.select %lt3A_493, %add3A_496, %xor3A_9 : vector<16xi1>, vector<16xi32>
        %broadcast_in_dim3A_498 = vector.shape_cast %select_n3A_497 : vector<16xi32> to vector<16x1xi32>
        %gather3A_499 = vector.shape_cast %broadcast_in_dim3A_498 : vector<16x1xi32> to vector<16xi32>
        %gather3A_500 = tpu.dynamic_gather %add3A_490[%gather3A_499] in [0] : vector<16xf32>, vector<16xi32> -> vector<16xf32>
        %add3A_501 = arith.addf %add3A_490, %gather3A_500 : vector<16xf32>
        %lt3A_502 = arith.constant 0 : i32
        %lt3A_503 = vector.broadcast %lt3A_502 : i32 to vector<16xi32>
        %lt3A_504 = arith.cmpi slt, %xor3A_12, %lt3A_503 : vector<16xi32>
        %add3A_505 = arith.constant 16 : i32
        %add3A_506 = vector.broadcast %add3A_505 : i32 to vector<16xi32>
        %add3A_507 = arith.addi %xor3A_12, %add3A_506 : vector<16xi32>
        %select_n3A_508 = arith.select %lt3A_504, %add3A_507, %xor3A_12 : vector<16xi1>, vector<16xi32>
        %broadcast_in_dim3A_509 = vector.shape_cast %select_n3A_508 : vector<16xi32> to vector<16x1xi32>
        %gather3A_510 = vector.shape_cast %broadcast_in_dim3A_509 : vector<16x1xi32> to vector<16xi32>
        %gather3A_511 = tpu.dynamic_gather %add3A_501[%gather3A_510] in [0] : vector<16xf32>, vector<16xi32> -> vector<16xf32>
        %add3A_512 = arith.addf %add3A_501, %gather3A_511 : vector<16xf32>
        %exp3A_513 = math.exp %add3A_512 : vector<16xf32>
        %get3A_514 = arith.index_cast %add3A_294 : i32 to index
        %get3A_515 = arith.constant 96 : index
        %get3A_516 = tpu.vector_load %arg13[%get3A_514, %get3A_515] {strides = array<i32>} : memref<48x128xf32, #tpu.memory_space<vmem>>, vector<1x16xf32>,
        %get3A_517 = vector.shape_cast %get3A_516 : vector<1x16xf32> to vector<16xf32>
        %get3A_518 = arith.index_cast %add3A_294 : i32 to index
        %get3A_519 = arith.constant 96 : index
        %get3A_520 = tpu.vector_load %arg14[%get3A_518, %get3A_519] {strides = array<i32>} : memref<48x128xf32, #tpu.memory_space<vmem>>, vector<1x16xf32>,
        %get3A_521 = vector.shape_cast %get3A_520 : vector<1x16xf32> to vector<16xf32>
        %add3A_522 = arith.addf %get3A_517, %get3A_521 : vector<16xf32>
        %mul3A_523 = arith.constant 2.000000e-01 : f32
        %mul3A_524 = vector.broadcast %mul3A_523 : f32 to vector<16xf32>
        %mul3A_525 = arith.mulf %mul3A_524, %add3A_522 : vector<16xf32>
        %max3A_526 = arith.maximumf %add3A_522, %mul3A_525 : vector<16xf32>
        %mul3A_527 = arith.mulf %max3A_526, %get3A_76 : vector<16xf32>
        %get3A_528 = arith.index_cast %add3A_294 : i32 to index
        %get3A_529 = arith.constant 112 : index
        %get3A_530 = tpu.vector_load %arg13[%get3A_528, %get3A_529] {strides = array<i32>} : memref<48x128xf32, #tpu.memory_space<vmem>>, vector<1x16xf32>,
        %get3A_531 = vector.shape_cast %get3A_530 : vector<1x16xf32> to vector<16xf32>
        %get3A_532 = arith.index_cast %add3A_294 : i32 to index
        %get3A_533 = arith.constant 112 : index
        %get3A_534 = tpu.vector_load %arg14[%get3A_532, %get3A_533] {strides = array<i32>} : memref<48x128xf32, #tpu.memory_space<vmem>>, vector<1x16xf32>,
        %get3A_535 = vector.shape_cast %get3A_534 : vector<1x16xf32> to vector<16xf32>
        %add3A_536 = arith.addf %get3A_531, %get3A_535 : vector<16xf32>
        %mul3A_537 = arith.constant 2.000000e-01 : f32
        %mul3A_538 = vector.broadcast %mul3A_537 : f32 to vector<16xf32>
        %mul3A_539 = arith.mulf %mul3A_538, %add3A_536 : vector<16xf32>
        %max3A_540 = arith.maximumf %add3A_536, %mul3A_539 : vector<16xf32>
        %mul3A_541 = arith.mulf %max3A_540, %get3A_79 : vector<16xf32>
        %add3A_542 = arith.addf %mul3A_527, %mul3A_541 : vector<16xf32>
        %lt3A_543 = arith.constant 0 : i32
        %lt3A_544 = vector.broadcast %lt3A_543 : i32 to vector<16xi32>
        %lt3A_545 = arith.cmpi slt, %xor3A_3, %lt3A_544 : vector<16xi32>
        %add3A_546 = arith.constant 16 : i32
        %add3A_547 = vector.broadcast %add3A_546 : i32 to vector<16xi32>
        %add3A_548 = arith.addi %xor3A_3, %add3A_547 : vector<16xi32>
        %select_n3A_549 = arith.select %lt3A_545, %add3A_548, %xor3A_3 : vector<16xi1>, vector<16xi32>
        %broadcast_in_dim3A_550 = vector.shape_cast %select_n3A_549 : vector<16xi32> to vector<16x1xi32>
        %gather3A_551 = vector.shape_cast %broadcast_in_dim3A_550 : vector<16x1xi32> to vector<16xi32>
        %gather3A_552 = tpu.dynamic_gather %add3A_542[%gather3A_551] in [0] : vector<16xf32>, vector<16xi32> -> vector<16xf32>
        %add3A_553 = arith.addf %add3A_542, %gather3A_552 : vector<16xf32>
        %lt3A_554 = arith.constant 0 : i32
        %lt3A_555 = vector.broadcast %lt3A_554 : i32 to vector<16xi32>
        %lt3A_556 = arith.cmpi slt, %xor3A_6, %lt3A_555 : vector<16xi32>
        %add3A_557 = arith.constant 16 : i32
        %add3A_558 = vector.broadcast %add3A_557 : i32 to vector<16xi32>
        %add3A_559 = arith.addi %xor3A_6, %add3A_558 : vector<16xi32>
        %select_n3A_560 = arith.select %lt3A_556, %add3A_559, %xor3A_6 : vector<16xi1>, vector<16xi32>
        %broadcast_in_dim3A_561 = vector.shape_cast %select_n3A_560 : vector<16xi32> to vector<16x1xi32>
        %gather3A_562 = vector.shape_cast %broadcast_in_dim3A_561 : vector<16x1xi32> to vector<16xi32>
        %gather3A_563 = tpu.dynamic_gather %add3A_553[%gather3A_562] in [0] : vector<16xf32>, vector<16xi32> -> vector<16xf32>
        %add3A_564 = arith.addf %add3A_553, %gather3A_563 : vector<16xf32>
        %lt3A_565 = arith.constant 0 : i32
        %lt3A_566 = vector.broadcast %lt3A_565 : i32 to vector<16xi32>
        %lt3A_567 = arith.cmpi slt, %xor3A_9, %lt3A_566 : vector<16xi32>
        %add3A_568 = arith.constant 16 : i32
        %add3A_569 = vector.broadcast %add3A_568 : i32 to vector<16xi32>
        %add3A_570 = arith.addi %xor3A_9, %add3A_569 : vector<16xi32>
        %select_n3A_571 = arith.select %lt3A_567, %add3A_570, %xor3A_9 : vector<16xi1>, vector<16xi32>
        %broadcast_in_dim3A_572 = vector.shape_cast %select_n3A_571 : vector<16xi32> to vector<16x1xi32>
        %gather3A_573 = vector.shape_cast %broadcast_in_dim3A_572 : vector<16x1xi32> to vector<16xi32>
        %gather3A_574 = tpu.dynamic_gather %add3A_564[%gather3A_573] in [0] : vector<16xf32>, vector<16xi32> -> vector<16xf32>
        %add3A_575 = arith.addf %add3A_564, %gather3A_574 : vector<16xf32>
        %lt3A_576 = arith.constant 0 : i32
        %lt3A_577 = vector.broadcast %lt3A_576 : i32 to vector<16xi32>
        %lt3A_578 = arith.cmpi slt, %xor3A_12, %lt3A_577 : vector<16xi32>
        %add3A_579 = arith.constant 16 : i32
        %add3A_580 = vector.broadcast %add3A_579 : i32 to vector<16xi32>
        %add3A_581 = arith.addi %xor3A_12, %add3A_580 : vector<16xi32>
        %select_n3A_582 = arith.select %lt3A_578, %add3A_581, %xor3A_12 : vector<16xi1>, vector<16xi32>
        %broadcast_in_dim3A_583 = vector.shape_cast %select_n3A_582 : vector<16xi32> to vector<16x1xi32>
        %gather3A_584 = vector.shape_cast %broadcast_in_dim3A_583 : vector<16x1xi32> to vector<16xi32>
        %gather3A_585 = tpu.dynamic_gather %add3A_575[%gather3A_584] in [0] : vector<16xf32>, vector<16xi32> -> vector<16xf32>
        %add3A_586 = arith.addf %add3A_575, %gather3A_585 : vector<16xf32>
        %exp3A_587 = math.exp %add3A_586 : vector<16xf32>
        %mul3A_588 = arith.mulf %exp3A, %get3A_302 : vector<16xf32>
        %swap3A_589 = arith.index_cast %add3A_294 : i32 to index
        %swap3A_590 = arith.constant 0 : index
        %swap3A_591 = tpu.vector_load %arg14[%swap3A_589, %swap3A_590] {strides = array<i32>} : memref<48x128xf32, #tpu.memory_space<vmem>>, vector<1x16xf32>,
        %swap3A_592 = vector.shape_cast %swap3A_591 : vector<1x16xf32> to vector<16xf32>
        %swap3A_593 = vector.shape_cast %mul3A_588 : vector<16xf32> to vector<1x16xf32>
        tpu.vector_store %arg14[%swap3A_589, %swap3A_590], %swap3A_593 {strides = array<i32>} : memref<48x128xf32, #tpu.memory_space<vmem>>, vector<1x16xf32>,
        %mul3A_594 = arith.mulf %exp3A, %get3A_315 : vector<16xf32>
        %swap3A_595 = arith.index_cast %add3A_294 : i32 to index
        %swap3A_596 = arith.constant 16 : index
        %swap3A_597 = tpu.vector_load %arg14[%swap3A_595, %swap3A_596] {strides = array<i32>} : memref<48x128xf32, #tpu.memory_space<vmem>>, vector<1x16xf32>,
        %swap3A_598 = vector.shape_cast %swap3A_597 : vector<1x16xf32> to vector<16xf32>
        %swap3A_599 = vector.shape_cast %mul3A_594 : vector<16xf32> to vector<1x16xf32>
        tpu.vector_store %arg14[%swap3A_595, %swap3A_596], %swap3A_599 {strides = array<i32>} : memref<48x128xf32, #tpu.memory_space<vmem>>, vector<1x16xf32>,
        %eq3A = arith.constant 0 : i32
        %eq3A_600 = vector.broadcast %eq3A : i32 to vector<16xi32>
        %eq3A_601 = arith.cmpi eq, %iota3A, %eq3A_600 : vector<16xi32>
        %select_n3A_602 = arith.select %eq3A_601, %exp3A, %broadcast_in_dim3A_1 : vector<16xi1>, vector<16xf32>
        %mul3A_603 = arith.mulf %exp3A_439, %get3A_373 : vector<16xf32>
        %swap3A_604 = arith.index_cast %add3A_294 : i32 to index
        %swap3A_605 = arith.constant 32 : index
        %swap3A_606 = tpu.vector_load %arg14[%swap3A_604, %swap3A_605] {strides = array<i32>} : memref<48x128xf32, #tpu.memory_space<vmem>>, vector<1x16xf32>,
        %swap3A_607 = vector.shape_cast %swap3A_606 : vector<1x16xf32> to vector<16xf32>
        %swap3A_608 = vector.shape_cast %mul3A_603 : vector<16xf32> to vector<1x16xf32>
        tpu.vector_store %arg14[%swap3A_604, %swap3A_605], %swap3A_608 {strides = array<i32>} : memref<48x128xf32, #tpu.memory_space<vmem>>, vector<1x16xf32>,
        %mul3A_609 = arith.mulf %exp3A_439, %get3A_387 : vector<16xf32>
        %swap3A_610 = arith.index_cast %add3A_294 : i32 to index
        %swap3A_611 = arith.constant 48 : index
        %swap3A_612 = tpu.vector_load %arg14[%swap3A_610, %swap3A_611] {strides = array<i32>} : memref<48x128xf32, #tpu.memory_space<vmem>>, vector<1x16xf32>,
        %swap3A_613 = vector.shape_cast %swap3A_612 : vector<1x16xf32> to vector<16xf32>
        %swap3A_614 = vector.shape_cast %mul3A_609 : vector<16xf32> to vector<1x16xf32>
        tpu.vector_store %arg14[%swap3A_610, %swap3A_611], %swap3A_614 {strides = array<i32>} : memref<48x128xf32, #tpu.memory_space<vmem>>, vector<1x16xf32>,
        %eq3A_615 = arith.constant 1 : i32
        %eq3A_616 = vector.broadcast %eq3A_615 : i32 to vector<16xi32>
        %eq3A_617 = arith.cmpi eq, %iota3A, %eq3A_616 : vector<16xi32>
        %select_n3A_618 = arith.select %eq3A_617, %exp3A_439, %select_n3A_602 : vector<16xi1>, vector<16xf32>
        %mul3A_619 = arith.mulf %exp3A_513, %get3A_447 : vector<16xf32>
        %swap3A_620 = arith.index_cast %add3A_294 : i32 to index
        %swap3A_621 = arith.constant 64 : index
        %swap3A_622 = tpu.vector_load %arg14[%swap3A_620, %swap3A_621] {strides = array<i32>} : memref<48x128xf32, #tpu.memory_space<vmem>>, vector<1x16xf32>,
        %swap3A_623 = vector.shape_cast %swap3A_622 : vector<1x16xf32> to vector<16xf32>
        %swap3A_624 = vector.shape_cast %mul3A_619 : vector<16xf32> to vector<1x16xf32>
        tpu.vector_store %arg14[%swap3A_620, %swap3A_621], %swap3A_624 {strides = array<i32>} : memref<48x128xf32, #tpu.memory_space<vmem>>, vector<1x16xf32>,
        %mul3A_625 = arith.mulf %exp3A_513, %get3A_461 : vector<16xf32>
        %swap3A_626 = arith.index_cast %add3A_294 : i32 to index
        %swap3A_627 = arith.constant 80 : index
        %swap3A_628 = tpu.vector_load %arg14[%swap3A_626, %swap3A_627] {strides = array<i32>} : memref<48x128xf32, #tpu.memory_space<vmem>>, vector<1x16xf32>,
        %swap3A_629 = vector.shape_cast %swap3A_628 : vector<1x16xf32> to vector<16xf32>
        %swap3A_630 = vector.shape_cast %mul3A_625 : vector<16xf32> to vector<1x16xf32>
        tpu.vector_store %arg14[%swap3A_626, %swap3A_627], %swap3A_630 {strides = array<i32>} : memref<48x128xf32, #tpu.memory_space<vmem>>, vector<1x16xf32>,
        %eq3A_631 = arith.constant 2 : i32
        %eq3A_632 = vector.broadcast %eq3A_631 : i32 to vector<16xi32>
        %eq3A_633 = arith.cmpi eq, %iota3A, %eq3A_632 : vector<16xi32>
        %select_n3A_634 = arith.select %eq3A_633, %exp3A_513, %select_n3A_618 : vector<16xi1>, vector<16xf32>
        %mul3A_635 = arith.mulf %exp3A_587, %get3A_521 : vector<16xf32>
        %swap3A_636 = arith.index_cast %add3A_294 : i32 to index
        %swap3A_637 = arith.constant 96 : index
        %swap3A_638 = tpu.vector_load %arg14[%swap3A_636, %swap3A_637] {strides = array<i32>} : memref<48x128xf32, #tpu.memory_space<vmem>>, vector<1x16xf32>,
        %swap3A_639 = vector.shape_cast %swap3A_638 : vector<1x16xf32> to vector<16xf32>
        %swap3A_640 = vector.shape_cast %mul3A_635 : vector<16xf32> to vector<1x16xf32>
        tpu.vector_store %arg14[%swap3A_636, %swap3A_637], %swap3A_640 {strides = array<i32>} : memref<48x128xf32, #tpu.memory_space<vmem>>, vector<1x16xf32>,
        %mul3A_641 = arith.mulf %exp3A_587, %get3A_535 : vector<16xf32>
        %swap3A_642 = arith.index_cast %add3A_294 : i32 to index
        %swap3A_643 = arith.constant 112 : index
        %swap3A_644 = tpu.vector_load %arg14[%swap3A_642, %swap3A_643] {strides = array<i32>} : memref<48x128xf32, #tpu.memory_space<vmem>>, vector<1x16xf32>,
        %swap3A_645 = vector.shape_cast %swap3A_644 : vector<1x16xf32> to vector<16xf32>
        %swap3A_646 = vector.shape_cast %mul3A_641 : vector<16xf32> to vector<1x16xf32>
        tpu.vector_store %arg14[%swap3A_642, %swap3A_643], %swap3A_646 {strides = array<i32>} : memref<48x128xf32, #tpu.memory_space<vmem>>, vector<1x16xf32>,
        %eq3A_647 = arith.constant 3 : i32
        %eq3A_648 = vector.broadcast %eq3A_647 : i32 to vector<16xi32>
        %eq3A_649 = arith.cmpi eq, %iota3A, %eq3A_648 : vector<16xi32>
        %select_n3A_650 = arith.select %eq3A_649, %exp3A_587, %select_n3A_634 : vector<16xi1>, vector<16xf32>
        %swap3A_651 = arith.index_cast %add3A_294 : i32 to index
        %swap3A_652 = arith.constant 0 : index
        %swap3A_653 = tpu.vector_load %arg15[%swap3A_651, %swap3A_652] {strides = array<i32>} : memref<48x16xf32, #tpu.memory_space<vmem>>, vector<1x16xf32>,
        %swap3A_654 = vector.shape_cast %swap3A_653 : vector<1x16xf32> to vector<16xf32>
        %swap3A_655 = vector.shape_cast %select_n3A_650 : vector<16xf32> to vector<1x16xf32>
        tpu.vector_store %arg15[%swap3A_651, %swap3A_652], %swap3A_655 {strides = array<i32>} : memref<48x16xf32, #tpu.memory_space<vmem>>, vector<1x16xf32>,
        %swap3A_656 = arith.index_cast %add3A_294 : i32 to index
        %swap3A_657 = arith.constant 0 : index
        %swap3A_658 = tpu.vector_load %arg16[%swap3A_656, %swap3A_657] {strides = array<i32>} : memref<48x128xf32, #tpu.memory_space<vmem>>, vector<1x16xf32>,
        %swap3A_659 = vector.shape_cast %swap3A_658 : vector<1x16xf32> to vector<16xf32>
        %swap3A_660 = vector.shape_cast %select_n3A_650 : vector<16xf32> to vector<1x16xf32>
        tpu.vector_store %arg16[%swap3A_656, %swap3A_657], %swap3A_660 {strides = array<i32>} : memref<48x128xf32, #tpu.memory_space<vmem>>, vector<1x16xf32>,
      }
      %scan3A_228 = arith.constant 40 : i32
      "tpu.region"() ({
        %run_scoped3A = tpu.sem_alloc : memref<!tpu.dma_semaphore, #tpu.memory_space<semaphore_mem>>
        %dma_start3A_290 = arith.constant 0 : i32
        %dma_start3A_291 = arith.constant 0 : i32
        %dma_start3A_292 = tpu.memref_slice %arg15[%dma_start3A_290, %dma_start3A_291] : memref<48x16xf32, #tpu.memory_space<vmem>> -> memref<40x16xf32, #tpu.memory_space<vmem>>
        %dma_start3A_293 = arith.constant 0 : i32
        %dma_start3A_294 = tpu.memref_slice %arg9[%add3A_213, %dma_start3A_293] : memref<320000x16xf32, #tpu.memory_space<hbm>> -> memref<40x16xf32, #tpu.memory_space<hbm>>
        %dma_start3A_295 = arith.constant 0 : i32
        %dma_start3A_296 = tpu.memref_slice %arg9[%add3A_213, %dma_start3A_295] : memref<320000x16xf32, #tpu.memory_space<hbm>> -> memref<40x16xf32, #tpu.memory_space<hbm>>
        %dma_start3A_297 = arith.constant 0 : i32
        %dma_start3A_298 = arith.constant 0 : i32
        %dma_start3A_299 = tpu.memref_slice %arg15[%dma_start3A_297, %dma_start3A_298] : memref<48x16xf32, #tpu.memory_space<vmem>> -> memref<40x16xf32, #tpu.memory_space<vmem>>
        tpu.enqueue_dma source(%dma_start3A_299 : memref<40x16xf32, #tpu.memory_space<vmem>>) target(%dma_start3A_296 : memref<40x16xf32, #tpu.memory_space<hbm>>) target_semaphore(%run_scoped3A : memref<!tpu.dma_semaphore, #tpu.memory_space<semaphore_mem>>)
        %dma_wait3A_300 = arith.constant 0 : i32
        %dma_wait3A_301 = arith.constant 0 : i32
        %dma_wait3A_302 = tpu.memref_slice %arg15[%dma_wait3A_300, %dma_wait3A_301] : memref<48x16xf32, #tpu.memory_space<vmem>> -> memref<40x16xf32, #tpu.memory_space<vmem>>
        %dma_wait3A_303 = arith.constant 0 : i32
        %dma_wait3A_304 = tpu.memref_slice %arg9[%add3A_213, %dma_wait3A_303] : memref<320000x16xf32, #tpu.memory_space<hbm>> -> memref<40x16xf32, #tpu.memory_space<hbm>>
        %dma_wait3A_305 = arith.constant 0 : i32
        %dma_wait3A_306 = tpu.memref_slice %arg9[%add3A_213, %dma_wait3A_305] : memref<320000x16xf32, #tpu.memory_space<hbm>> -> memref<40x16xf32, #tpu.memory_space<hbm>>
        %dma_wait3A_307 = arith.constant 0 : i32
        %dma_wait3A_308 = arith.constant 0 : i32
        %dma_wait3A_309 = tpu.memref_slice %arg15[%dma_wait3A_307, %dma_wait3A_308] : memref<48x16xf32, #tpu.memory_space<vmem>> -> memref<40x16xf32, #tpu.memory_space<vmem>>
        tpu.wait_dma2 semaphore(%run_scoped3A : memref<!tpu.dma_semaphore, #tpu.memory_space<semaphore_mem>>) src(%dma_wait3A_309 : memref<40x16xf32, #tpu.memory_space<vmem>>) dst(%dma_wait3A_306 : memref<40x16xf32, #tpu.memory_space<hbm>>)
        tpu.yield
      }) : () -> ()
      %get3A_229 = arith.constant 0 : index
      %get3A_230 = tpu.vector_load %arg11[%get3A_229] {strides = array<i32>} : memref<48xi32, #tpu.memory_space<vmem>>, vector<16xi32>,
      %get3A_231 = vector.shape_cast %get3A_230 : vector<16xi32> to vector<16xi32>
      %sub3A = arith.constant 0 : i32
      %sub3A_232 = vector.broadcast %sub3A : i32 to vector<16xi32>
      %sub3A_233 = arith.subi %get3A_231, %sub3A_232 : vector<16xi32>
      %ge3A = arith.constant 0 : i32
      %ge3A_234 = vector.broadcast %ge3A : i32 to vector<16xi32>
      %ge3A_235 = arith.cmpi sge, %sub3A_233, %ge3A_234 : vector<16xi32>
      %lt3A_236 = arith.constant 2560 : i32
      %lt3A_237 = vector.broadcast %lt3A_236 : i32 to vector<16xi32>
      %lt3A_238 = arith.cmpi slt, %sub3A_233, %lt3A_237 : vector<16xi32>
      %and3A = arith.andi %ge3A_235, %lt3A_238 : vector<16xi1>
      %jit3A_239 = arith.constant 2560 : i32
      %broadcast_in_dim3A_240 = vector.broadcast %jit3A_239 : i32 to vector<16xi32>
      %select_n3A_241 = arith.select %and3A, %sub3A_233, %broadcast_in_dim3A_240 : vector<16xi1>, vector<16xi32>
      %swap3A_242 = arith.constant 0 : index
      %swap3A_243 = tpu.vector_load %arg12[%swap3A_242] {strides = array<i32>} : memref<48xi32, #tpu.memory_space<vmem>>, vector<16xi32>,
      %swap3A_244 = vector.shape_cast %swap3A_243 : vector<16xi32> to vector<16xi32>
      %swap3A_245 = vector.shape_cast %select_n3A_241 : vector<16xi32> to vector<16xi32>
      tpu.vector_store %arg12[%swap3A_242], %swap3A_245 {strides = array<i32>} : memref<48xi32, #tpu.memory_space<vmem>>, vector<16xi32>,
      %get3A_246 = arith.constant 16 : index
      %get3A_247 = tpu.vector_load %arg11[%get3A_246] {strides = array<i32>} : memref<48xi32, #tpu.memory_space<vmem>>, vector<16xi32>,
      %get3A_248 = vector.shape_cast %get3A_247 : vector<16xi32> to vector<16xi32>
      %sub3A_249 = arith.constant 0 : i32
      %sub3A_250 = vector.broadcast %sub3A_249 : i32 to vector<16xi32>
      %sub3A_251 = arith.subi %get3A_248, %sub3A_250 : vector<16xi32>
      %ge3A_252 = arith.constant 0 : i32
      %ge3A_253 = vector.broadcast %ge3A_252 : i32 to vector<16xi32>
      %ge3A_254 = arith.cmpi sge, %sub3A_251, %ge3A_253 : vector<16xi32>
      %lt3A_255 = arith.constant 2560 : i32
      %lt3A_256 = vector.broadcast %lt3A_255 : i32 to vector<16xi32>
      %lt3A_257 = arith.cmpi slt, %sub3A_251, %lt3A_256 : vector<16xi32>
      %and3A_258 = arith.andi %ge3A_254, %lt3A_257 : vector<16xi1>
      %jit3A_259 = arith.constant 2560 : i32
      %broadcast_in_dim3A_260 = vector.broadcast %jit3A_259 : i32 to vector<16xi32>
      %select_n3A_261 = arith.select %and3A_258, %sub3A_251, %broadcast_in_dim3A_260 : vector<16xi1>, vector<16xi32>
      %swap3A_262 = arith.constant 16 : index
      %swap3A_263 = tpu.vector_load %arg12[%swap3A_262] {strides = array<i32>} : memref<48xi32, #tpu.memory_space<vmem>>, vector<16xi32>,
      %swap3A_264 = vector.shape_cast %swap3A_263 : vector<16xi32> to vector<16xi32>
      %swap3A_265 = vector.shape_cast %select_n3A_261 : vector<16xi32> to vector<16xi32>
      tpu.vector_store %arg12[%swap3A_262], %swap3A_265 {strides = array<i32>} : memref<48xi32, #tpu.memory_space<vmem>>, vector<16xi32>,
      %get3A_266 = arith.constant 32 : index
      %get3A_267 = tpu.vector_load %arg11[%get3A_266] {strides = array<i32>} : memref<48xi32, #tpu.memory_space<vmem>>, vector<16xi32>,
      %get3A_268 = vector.shape_cast %get3A_267 : vector<16xi32> to vector<16xi32>
      %sub3A_269 = arith.constant 0 : i32
      %sub3A_270 = vector.broadcast %sub3A_269 : i32 to vector<16xi32>
      %sub3A_271 = arith.subi %get3A_268, %sub3A_270 : vector<16xi32>
      %ge3A_272 = arith.constant 0 : i32
      %ge3A_273 = vector.broadcast %ge3A_272 : i32 to vector<16xi32>
      %ge3A_274 = arith.cmpi sge, %sub3A_271, %ge3A_273 : vector<16xi32>
      %lt3A_275 = arith.constant 2560 : i32
      %lt3A_276 = vector.broadcast %lt3A_275 : i32 to vector<16xi32>
      %lt3A_277 = arith.cmpi slt, %sub3A_271, %lt3A_276 : vector<16xi32>
      %and3A_278 = arith.andi %ge3A_274, %lt3A_277 : vector<16xi1>
      %lt3A_279 = arith.constant 8 : i32
      %lt3A_280 = vector.broadcast %lt3A_279 : i32 to vector<16xi32>
      %lt3A_281 = arith.cmpi slt, %iota3A, %lt3A_280 : vector<16xi32>
      %and3A_282 = arith.andi %and3A_278, %lt3A_281 : vector<16xi1>
      %jit3A_283 = arith.constant 2560 : i32
      %broadcast_in_dim3A_284 = vector.broadcast %jit3A_283 : i32 to vector<16xi32>
      %select_n3A_285 = arith.select %and3A_282, %sub3A_271, %broadcast_in_dim3A_284 : vector<16xi1>, vector<16xi32>
      %swap3A_286 = arith.constant 32 : index
      %swap3A_287 = tpu.vector_load %arg12[%swap3A_286] {strides = array<i32>} : memref<48xi32, #tpu.memory_space<vmem>>, vector<16xi32>,
      %swap3A_288 = vector.shape_cast %swap3A_287 : vector<16xi32> to vector<16xi32>
      %swap3A_289 = vector.shape_cast %select_n3A_285 : vector<16xi32> to vector<16xi32>
      tpu.vector_store %arg12[%swap3A_286], %swap3A_289 {strides = array<i32>} : memref<48xi32, #tpu.memory_space<vmem>>, vector<16xi32>,
      "tpu.region"() ({
        %run_scoped3A = tpu.sem_alloc : memref<!tpu.dma_semaphore, #tpu.memory_space<semaphore_mem>>
        %dma_start3A_290 = arith.constant 0 : i32
        %dma_start3A_291 = arith.constant 0 : i32
        %dma_start3A_292 = tpu.memref_slice %arg18[%dma_start3A_290, %dma_start3A_291] : memref<2568x128xf32, #tpu.memory_space<vmem_shared>> -> memref<2568x128xf32, #tpu.memory_space<vmem_shared>>
        tpu.enqueue_indirect_dma source(%arg14 : memref<48x128xf32, #tpu.memory_space<vmem>>) target(%dma_start3A_292 : memref<2568x128xf32, #tpu.memory_space<vmem_shared>>) offsets(%arg12 : memref<48xi32, #tpu.memory_space<vmem>>) semaphore(%run_scoped3A : memref<!tpu.dma_semaphore, #tpu.memory_space<semaphore_mem>>) {add = true}
        %dma_wait3A_293 = arith.constant 0 : i32
        %dma_wait3A_294 = arith.constant 0 : i32
        %dma_wait3A_295 = tpu.memref_slice %arg18[%dma_wait3A_293, %dma_wait3A_294] : memref<2568x128xf32, #tpu.memory_space<vmem_shared>> -> memref<2568x128xf32, #tpu.memory_space<vmem_shared>>
        tpu.wait_indirect_dma semaphore(%run_scoped3A : memref<!tpu.dma_semaphore, #tpu.memory_space<semaphore_mem>>) src(%arg14 : memref<48x128xf32, #tpu.memory_space<vmem>>) dst(%dma_wait3A_295 : memref<2568x128xf32, #tpu.memory_space<vmem_shared>>)
        tpu.yield
      }) : () -> ()
      "tpu.region"() ({
        %run_scoped3A = tpu.sem_alloc : memref<!tpu.dma_semaphore, #tpu.memory_space<semaphore_mem>>
        %dma_start3A_290 = arith.constant 0 : i32
        %dma_start3A_291 = arith.constant 0 : i32
        %dma_start3A_292 = tpu.memref_slice %arg19[%dma_start3A_290, %dma_start3A_291] : memref<2568x128xf32, #tpu.memory_space<vmem_shared>> -> memref<2568x128xf32, #tpu.memory_space<vmem_shared>>
        tpu.enqueue_indirect_dma source(%arg16 : memref<48x128xf32, #tpu.memory_space<vmem>>) target(%dma_start3A_292 : memref<2568x128xf32, #tpu.memory_space<vmem_shared>>) offsets(%arg12 : memref<48xi32, #tpu.memory_space<vmem>>) semaphore(%run_scoped3A : memref<!tpu.dma_semaphore, #tpu.memory_space<semaphore_mem>>) {add = true}
        %dma_wait3A_293 = arith.constant 0 : i32
        %dma_wait3A_294 = arith.constant 0 : i32
        %dma_wait3A_295 = tpu.memref_slice %arg19[%dma_wait3A_293, %dma_wait3A_294] : memref<2568x128xf32, #tpu.memory_space<vmem_shared>> -> memref<2568x128xf32, #tpu.memory_space<vmem_shared>>
        tpu.wait_indirect_dma semaphore(%run_scoped3A : memref<!tpu.dma_semaphore, #tpu.memory_space<semaphore_mem>>) src(%arg16 : memref<48x128xf32, #tpu.memory_space<vmem>>) dst(%dma_wait3A_295 : memref<2568x128xf32, #tpu.memory_space<vmem_shared>>)
        tpu.yield
      }) : () -> ()
    }
    %scan3A_84 = arith.constant 250 : i32
    %barrier3A_85 = arith.constant 0 : index
    tpu.barrier barrier_id(%barrier3A_85)
    %mul3A_86 = arith.constant 160 : i32
    %mul3A_87 = arith.muli %arg1, %mul3A_86 : i32
    %add3A_88 = arith.constant 0 : i32
    %add3A_89 = arith.addi %add3A_88, %mul3A_87 : i32
    "tpu.region"() ({
      %run_scoped3A = tpu.sem_alloc : memref<!tpu.dma_semaphore, #tpu.memory_space<semaphore_mem>>
      %dma_start3A = arith.constant 0 : i32
      %dma_start3A_204 = tpu.memref_slice %arg7[%arg0, %add3A_89, %dma_start3A] : memref<2x10240x128xf32, #tpu.memory_space<hbm>> -> memref<1x160x128xf32, #tpu.memory_space<hbm>>
      %dma_start3A_205 = tpu.memref_squeeze %dma_start3A_204 : memref<1x160x128xf32, #tpu.memory_space<hbm>> -> memref<160x128xf32, #tpu.memory_space<hbm>>
      %dma_start3A_206 = arith.constant 0 : i32
      %dma_start3A_207 = tpu.memref_slice %arg18[%mul3A_87, %dma_start3A_206] : memref<2568x128xf32, #tpu.memory_space<vmem_shared>> -> memref<160x128xf32, #tpu.memory_space<vmem_shared>>
      tpu.enqueue_dma source(%dma_start3A_207 : memref<160x128xf32, #tpu.memory_space<vmem_shared>>) target(%dma_start3A_205 : memref<160x128xf32, #tpu.memory_space<hbm>>) target_semaphore(%run_scoped3A : memref<!tpu.dma_semaphore, #tpu.memory_space<semaphore_mem>>)
      %dma_wait3A = arith.constant 0 : i32
      %dma_wait3A_208 = tpu.memref_slice %arg7[%arg0, %add3A_89, %dma_wait3A] : memref<2x10240x128xf32, #tpu.memory_space<hbm>> -> memref<1x160x128xf32, #tpu.memory_space<hbm>>
      %dma_wait3A_209 = tpu.memref_squeeze %dma_wait3A_208 : memref<1x160x128xf32, #tpu.memory_space<hbm>> -> memref<160x128xf32, #tpu.memory_space<hbm>>
      %dma_wait3A_210 = arith.constant 0 : i32
      %dma_wait3A_211 = tpu.memref_slice %arg18[%mul3A_87, %dma_wait3A_210] : memref<2568x128xf32, #tpu.memory_space<vmem_shared>> -> memref<160x128xf32, #tpu.memory_space<vmem_shared>>
      tpu.wait_dma2 semaphore(%run_scoped3A : memref<!tpu.dma_semaphore, #tpu.memory_space<semaphore_mem>>) src(%dma_wait3A_211 : memref<160x128xf32, #tpu.memory_space<vmem_shared>>) dst(%dma_wait3A_209 : memref<160x128xf32, #tpu.memory_space<hbm>>)
      tpu.yield
    }) : () -> ()
    %add3A_90 = arith.constant 0 : i32
    %add3A_91 = arith.addi %add3A_90, %mul3A_87 : i32
    "tpu.region"() ({
      %run_scoped3A = tpu.sem_alloc : memref<!tpu.dma_semaphore, #tpu.memory_space<semaphore_mem>>
      %dma_start3A = arith.constant 0 : i32
      %dma_start3A_204 = tpu.memref_slice %arg8[%arg0, %add3A_91, %dma_start3A] : memref<2x10240x128xf32, #tpu.memory_space<hbm>> -> memref<1x160x128xf32, #tpu.memory_space<hbm>>
      %dma_start3A_205 = tpu.memref_squeeze %dma_start3A_204 : memref<1x160x128xf32, #tpu.memory_space<hbm>> -> memref<160x128xf32, #tpu.memory_space<hbm>>
      %dma_start3A_206 = arith.constant 0 : i32
      %dma_start3A_207 = tpu.memref_slice %arg19[%mul3A_87, %dma_start3A_206] : memref<2568x128xf32, #tpu.memory_space<vmem_shared>> -> memref<160x128xf32, #tpu.memory_space<vmem_shared>>
      tpu.enqueue_dma source(%dma_start3A_207 : memref<160x128xf32, #tpu.memory_space<vmem_shared>>) target(%dma_start3A_205 : memref<160x128xf32, #tpu.memory_space<hbm>>) target_semaphore(%run_scoped3A : memref<!tpu.dma_semaphore, #tpu.memory_space<semaphore_mem>>)
      %dma_wait3A = arith.constant 0 : i32
      %dma_wait3A_208 = tpu.memref_slice %arg8[%arg0, %add3A_91, %dma_wait3A] : memref<2x10240x128xf32, #tpu.memory_space<hbm>> -> memref<1x160x128xf32, #tpu.memory_space<hbm>>
      %dma_wait3A_209 = tpu.memref_squeeze %dma_wait3A_208 : memref<1x160x128xf32, #tpu.memory_space<hbm>> -> memref<160x128xf32, #tpu.memory_space<hbm>>
      %dma_wait3A_210 = arith.constant 0 : i32
      %dma_wait3A_211 = tpu.memref_slice %arg19[%mul3A_87, %dma_wait3A_210] : memref<2568x128xf32, #tpu.memory_space<vmem_shared>> -> memref<160x128xf32, #tpu.memory_space<vmem_shared>>
      tpu.wait_dma2 semaphore(%run_scoped3A : memref<!tpu.dma_semaphore, #tpu.memory_space<semaphore_mem>>) src(%dma_wait3A_211 : memref<160x128xf32, #tpu.memory_space<vmem_shared>>) dst(%dma_wait3A_209 : memref<160x128xf32, #tpu.memory_space<hbm>>)
      tpu.yield
    }) : () -> ()
    %barrier3A_92 = arith.constant 0 : index
    tpu.barrier barrier_id(%barrier3A_92)
    %scan3A_93 = arith.constant 0 : i32
    %scan3A_94 = arith.constant 48 : i32
    %scan3A_95 = arith.addi %scan3A_93, %scan3A_94 : i32
    %scan3A_96 = arith.constant 1 : i32
    scf.for %scan3A_204 = %scan3A_93 to %scan3A_95 step %scan3A_96  : i32 {
      %mul3A_205 = arith.constant 1 : i32
      %mul3A_206 = arith.muli %scan3A_204, %mul3A_205 : i32
      %add3A_207 = arith.constant 0 : i32
      %add3A_208 = arith.addi %add3A_207, %mul3A_206 : i32
      %swap3A_209 = arith.index_cast %add3A_208 : i32 to index
      %swap3A_210 = arith.constant 0 : index
      %swap3A_211 = tpu.vector_load %arg13[%swap3A_209, %swap3A_210] {strides = array<i32>} : memref<48x128xf32, #tpu.memory_space<vmem>>, vector<1x16xf32>,
      %swap3A_212 = vector.shape_cast %swap3A_211 : vector<1x16xf32> to vector<16xf32>
      %swap3A_213 = vector.shape_cast %broadcast_in_dim3A_1 : vector<16xf32> to vector<1x16xf32>
      tpu.vector_store %arg13[%swap3A_209, %swap3A_210], %swap3A_213 {strides = array<i32>} : memref<48x128xf32, #tpu.memory_space<vmem>>, vector<1x16xf32>,
      %swap3A_214 = arith.index_cast %add3A_208 : i32 to index
      %swap3A_215 = arith.constant 0 : index
      %swap3A_216 = tpu.vector_load %arg16[%swap3A_214, %swap3A_215] {strides = array<i32>} : memref<48x128xf32, #tpu.memory_space<vmem>>, vector<1x16xf32>,
      %swap3A_217 = vector.shape_cast %swap3A_216 : vector<1x16xf32> to vector<16xf32>
      %swap3A_218 = vector.shape_cast %broadcast_in_dim3A_1 : vector<16xf32> to vector<1x16xf32>
      tpu.vector_store %arg16[%swap3A_214, %swap3A_215], %swap3A_218 {strides = array<i32>} : memref<48x128xf32, #tpu.memory_space<vmem>>, vector<1x16xf32>,
      %swap3A_219 = arith.index_cast %add3A_208 : i32 to index
      %swap3A_220 = arith.constant 16 : index
      %swap3A_221 = tpu.vector_load %arg13[%swap3A_219, %swap3A_220] {strides = array<i32>} : memref<48x128xf32, #tpu.memory_space<vmem>>, vector<1x16xf32>,
      %swap3A_222 = vector.shape_cast %swap3A_221 : vector<1x16xf32> to vector<16xf32>
      %swap3A_223 = vector.shape_cast %broadcast_in_dim3A_1 : vector<16xf32> to vector<1x16xf32>
      tpu.vector_store %arg13[%swap3A_219, %swap3A_220], %swap3A_223 {strides = array<i32>} : memref<48x128xf32, #tpu.memory_space<vmem>>, vector<1x16xf32>,
      %swap3A_224 = arith.index_cast %add3A_208 : i32 to index
      %swap3A_225 = arith.constant 16 : index
      %swap3A_226 = tpu.vector_load %arg16[%swap3A_224, %swap3A_225] {strides = array<i32>} : memref<48x128xf32, #tpu.memory_space<vmem>>, vector<1x16xf32>,
      %swap3A_227 = vector.shape_cast %swap3A_226 : vector<1x16xf32> to vector<16xf32>
      %swap3A_228 = vector.shape_cast %broadcast_in_dim3A_1 : vector<16xf32> to vector<1x16xf32>
      tpu.vector_store %arg16[%swap3A_224, %swap3A_225], %swap3A_228 {strides = array<i32>} : memref<48x128xf32, #tpu.memory_space<vmem>>, vector<1x16xf32>,
      %swap3A_229 = arith.index_cast %add3A_208 : i32 to index
      %swap3A_230 = arith.constant 32 : index
      %swap3A_231 = tpu.vector_load %arg13[%swap3A_229, %swap3A_230] {strides = array<i32>} : memref<48x128xf32, #tpu.memory_space<vmem>>, vector<1x16xf32>,
      %swap3A_232 = vector.shape_cast %swap3A_231 : vector<1x16xf32> to vector<16xf32>
      %swap3A_233 = vector.shape_cast %broadcast_in_dim3A_1 : vector<16xf32> to vector<1x16xf32>
      tpu.vector_store %arg13[%swap3A_229, %swap3A_230], %swap3A_233 {strides = array<i32>} : memref<48x128xf32, #tpu.memory_space<vmem>>, vector<1x16xf32>,
      %swap3A_234 = arith.index_cast %add3A_208 : i32 to index
      %swap3A_235 = arith.constant 32 : index
      %swap3A_236 = tpu.vector_load %arg16[%swap3A_234, %swap3A_235] {strides = array<i32>} : memref<48x128xf32, #tpu.memory_space<vmem>>, vector<1x16xf32>,
      %swap3A_237 = vector.shape_cast %swap3A_236 : vector<1x16xf32> to vector<16xf32>
      %swap3A_238 = vector.shape_cast %broadcast_in_dim3A_1 : vector<16xf32> to vector<1x16xf32>
      tpu.vector_store %arg16[%swap3A_234, %swap3A_235], %swap3A_238 {strides = array<i32>} : memref<48x128xf32, #tpu.memory_space<vmem>>, vector<1x16xf32>,
      %swap3A_239 = arith.index_cast %add3A_208 : i32 to index
      %swap3A_240 = arith.constant 48 : index
      %swap3A_241 = tpu.vector_load %arg13[%swap3A_239, %swap3A_240] {strides = array<i32>} : memref<48x128xf32, #tpu.memory_space<vmem>>, vector<1x16xf32>,
      %swap3A_242 = vector.shape_cast %swap3A_241 : vector<1x16xf32> to vector<16xf32>
      %swap3A_243 = vector.shape_cast %broadcast_in_dim3A_1 : vector<16xf32> to vector<1x16xf32>
      tpu.vector_store %arg13[%swap3A_239, %swap3A_240], %swap3A_243 {strides = array<i32>} : memref<48x128xf32, #tpu.memory_space<vmem>>, vector<1x16xf32>,
      %swap3A_244 = arith.index_cast %add3A_208 : i32 to index
      %swap3A_245 = arith.constant 48 : index
      %swap3A_246 = tpu.vector_load %arg16[%swap3A_244, %swap3A_245] {strides = array<i32>} : memref<48x128xf32, #tpu.memory_space<vmem>>, vector<1x16xf32>,
      %swap3A_247 = vector.shape_cast %swap3A_246 : vector<1x16xf32> to vector<16xf32>
      %swap3A_248 = vector.shape_cast %broadcast_in_dim3A_1 : vector<16xf32> to vector<1x16xf32>
      tpu.vector_store %arg16[%swap3A_244, %swap3A_245], %swap3A_248 {strides = array<i32>} : memref<48x128xf32, #tpu.memory_space<vmem>>, vector<1x16xf32>,
      %swap3A_249 = arith.index_cast %add3A_208 : i32 to index
      %swap3A_250 = arith.constant 64 : index
      %swap3A_251 = tpu.vector_load %arg13[%swap3A_249, %swap3A_250] {strides = array<i32>} : memref<48x128xf32, #tpu.memory_space<vmem>>, vector<1x16xf32>,
      %swap3A_252 = vector.shape_cast %swap3A_251 : vector<1x16xf32> to vector<16xf32>
      %swap3A_253 = vector.shape_cast %broadcast_in_dim3A_1 : vector<16xf32> to vector<1x16xf32>
      tpu.vector_store %arg13[%swap3A_249, %swap3A_250], %swap3A_253 {strides = array<i32>} : memref<48x128xf32, #tpu.memory_space<vmem>>, vector<1x16xf32>,
      %swap3A_254 = arith.index_cast %add3A_208 : i32 to index
      %swap3A_255 = arith.constant 64 : index
      %swap3A_256 = tpu.vector_load %arg16[%swap3A_254, %swap3A_255] {strides = array<i32>} : memref<48x128xf32, #tpu.memory_space<vmem>>, vector<1x16xf32>,
      %swap3A_257 = vector.shape_cast %swap3A_256 : vector<1x16xf32> to vector<16xf32>
      %swap3A_258 = vector.shape_cast %broadcast_in_dim3A_1 : vector<16xf32> to vector<1x16xf32>
      tpu.vector_store %arg16[%swap3A_254, %swap3A_255], %swap3A_258 {strides = array<i32>} : memref<48x128xf32, #tpu.memory_space<vmem>>, vector<1x16xf32>,
      %swap3A_259 = arith.index_cast %add3A_208 : i32 to index
      %swap3A_260 = arith.constant 80 : index
      %swap3A_261 = tpu.vector_load %arg13[%swap3A_259, %swap3A_260] {strides = array<i32>} : memref<48x128xf32, #tpu.memory_space<vmem>>, vector<1x16xf32>,
      %swap3A_262 = vector.shape_cast %swap3A_261 : vector<1x16xf32> to vector<16xf32>
      %swap3A_263 = vector.shape_cast %broadcast_in_dim3A_1 : vector<16xf32> to vector<1x16xf32>
      tpu.vector_store %arg13[%swap3A_259, %swap3A_260], %swap3A_263 {strides = array<i32>} : memref<48x128xf32, #tpu.memory_space<vmem>>, vector<1x16xf32>,
      %swap3A_264 = arith.index_cast %add3A_208 : i32 to index
      %swap3A_265 = arith.constant 80 : index
      %swap3A_266 = tpu.vector_load %arg16[%swap3A_264, %swap3A_265] {strides = array<i32>} : memref<48x128xf32, #tpu.memory_space<vmem>>, vector<1x16xf32>,
      %swap3A_267 = vector.shape_cast %swap3A_266 : vector<1x16xf32> to vector<16xf32>
      %swap3A_268 = vector.shape_cast %broadcast_in_dim3A_1 : vector<16xf32> to vector<1x16xf32>
      tpu.vector_store %arg16[%swap3A_264, %swap3A_265], %swap3A_268 {strides = array<i32>} : memref<48x128xf32, #tpu.memory_space<vmem>>, vector<1x16xf32>,
      %swap3A_269 = arith.index_cast %add3A_208 : i32 to index
      %swap3A_270 = arith.constant 96 : index
      %swap3A_271 = tpu.vector_load %arg13[%swap3A_269, %swap3A_270] {strides = array<i32>} : memref<48x128xf32, #tpu.memory_space<vmem>>, vector<1x16xf32>,
      %swap3A_272 = vector.shape_cast %swap3A_271 : vector<1x16xf32> to vector<16xf32>
      %swap3A_273 = vector.shape_cast %broadcast_in_dim3A_1 : vector<16xf32> to vector<1x16xf32>
      tpu.vector_store %arg13[%swap3A_269, %swap3A_270], %swap3A_273 {strides = array<i32>} : memref<48x128xf32, #tpu.memory_space<vmem>>, vector<1x16xf32>,
      %swap3A_274 = arith.index_cast %add3A_208 : i32 to index
      %swap3A_275 = arith.constant 96 : index
      %swap3A_276 = tpu.vector_load %arg16[%swap3A_274, %swap3A_275] {strides = array<i32>} : memref<48x128xf32, #tpu.memory_space<vmem>>, vector<1x16xf32>,
      %swap3A_277 = vector.shape_cast %swap3A_276 : vector<1x16xf32> to vector<16xf32>
      %swap3A_278 = vector.shape_cast %broadcast_in_dim3A_1 : vector<16xf32> to vector<1x16xf32>
      tpu.vector_store %arg16[%swap3A_274, %swap3A_275], %swap3A_278 {strides = array<i32>} : memref<48x128xf32, #tpu.memory_space<vmem>>, vector<1x16xf32>,
      %swap3A_279 = arith.index_cast %add3A_208 : i32 to index
      %swap3A_280 = arith.constant 112 : index
      %swap3A_281 = tpu.vector_load %arg13[%swap3A_279, %swap3A_280] {strides = array<i32>} : memref<48x128xf32, #tpu.memory_space<vmem>>, vector<1x16xf32>,
      %swap3A_282 = vector.shape_cast %swap3A_281 : vector<1x16xf32> to vector<16xf32>
      %swap3A_283 = vector.shape_cast %broadcast_in_dim3A_1 : vector<16xf32> to vector<1x16xf32>
      tpu.vector_store %arg13[%swap3A_279, %swap3A_280], %swap3A_283 {strides = array<i32>} : memref<48x128xf32, #tpu.memory_space<vmem>>, vector<1x16xf32>,
      %swap3A_284 = arith.index_cast %add3A_208 : i32 to index
      %swap3A_285 = arith.constant 112 : index
      %swap3A_286 = tpu.vector_load %arg16[%swap3A_284, %swap3A_285] {strides = array<i32>} : memref<48x128xf32, #tpu.memory_space<vmem>>, vector<1x16xf32>,
      %swap3A_287 = vector.shape_cast %swap3A_286 : vector<1x16xf32> to vector<16xf32>
      %swap3A_288 = vector.shape_cast %broadcast_in_dim3A_1 : vector<16xf32> to vector<1x16xf32>
      tpu.vector_store %arg16[%swap3A_284, %swap3A_285], %swap3A_288 {strides = array<i32>} : memref<48x128xf32, #tpu.memory_space<vmem>>, vector<1x16xf32>,
      %swap3A_289 = arith.index_cast %add3A_208 : i32 to index
      %swap3A_290 = arith.constant 0 : index
      %swap3A_291 = tpu.vector_load %arg15[%swap3A_289, %swap3A_290] {strides = array<i32>} : memref<48x16xf32, #tpu.memory_space<vmem>>, vector<1x16xf32>,
      %swap3A_292 = vector.shape_cast %swap3A_291 : vector<1x16xf32> to vector<16xf32>
      %swap3A_293 = vector.shape_cast %broadcast_in_dim3A_1 : vector<16xf32> to vector<1x16xf32>
      tpu.vector_store %arg15[%swap3A_289, %swap3A_290], %swap3A_293 {strides = array<i32>} : memref<48x16xf32, #tpu.memory_space<vmem>>, vector<1x16xf32>,
    }
    %scan3A_97 = arith.constant 48 : i32
    %mul3A_98 = arith.constant 160 : i32
    %mul3A_99 = arith.muli %arg1, %mul3A_98 : i32
    %add3A_100 = arith.constant 0 : i32
    %add3A_101 = arith.addi %mul3A_99, %add3A_100 : i32
    "tpu.region"() ({
      %run_scoped3A = tpu.sem_alloc : memref<!tpu.dma_semaphore, #tpu.memory_space<semaphore_mem>>
      %dma_start3A = arith.constant 0 : i32
      %dma_start3A_204 = tpu.memref_slice %arg18[%add3A_101, %dma_start3A] : memref<2568x128xf32, #tpu.memory_space<vmem_shared>> -> memref<48x128xf32, #tpu.memory_space<vmem_shared>>
      %dma_start3A_205 = arith.constant 0 : i32
      %dma_start3A_206 = tpu.memref_slice %arg18[%add3A_101, %dma_start3A_205] : memref<2568x128xf32, #tpu.memory_space<vmem_shared>> -> memref<48x128xf32, #tpu.memory_space<vmem_shared>>
      tpu.enqueue_dma source(%arg13 : memref<48x128xf32, #tpu.memory_space<vmem>>) target(%dma_start3A_206 : memref<48x128xf32, #tpu.memory_space<vmem_shared>>) target_semaphore(%run_scoped3A : memref<!tpu.dma_semaphore, #tpu.memory_space<semaphore_mem>>)
      %dma_wait3A = arith.constant 0 : i32
      %dma_wait3A_207 = tpu.memref_slice %arg18[%add3A_101, %dma_wait3A] : memref<2568x128xf32, #tpu.memory_space<vmem_shared>> -> memref<48x128xf32, #tpu.memory_space<vmem_shared>>
      %dma_wait3A_208 = arith.constant 0 : i32
      %dma_wait3A_209 = tpu.memref_slice %arg18[%add3A_101, %dma_wait3A_208] : memref<2568x128xf32, #tpu.memory_space<vmem_shared>> -> memref<48x128xf32, #tpu.memory_space<vmem_shared>>
      tpu.wait_dma2 semaphore(%run_scoped3A : memref<!tpu.dma_semaphore, #tpu.memory_space<semaphore_mem>>) src(%arg13 : memref<48x128xf32, #tpu.memory_space<vmem>>) dst(%dma_wait3A_209 : memref<48x128xf32, #tpu.memory_space<vmem_shared>>)
      tpu.yield
    }) : () -> ()
    %add3A_102 = arith.constant 0 : i32
    %add3A_103 = arith.addi %mul3A_99, %add3A_102 : i32
    "tpu.region"() ({
      %run_scoped3A = tpu.sem_alloc : memref<!tpu.dma_semaphore, #tpu.memory_space<semaphore_mem>>
      %dma_start3A = arith.constant 0 : i32
      %dma_start3A_204 = tpu.memref_slice %arg19[%add3A_103, %dma_start3A] : memref<2568x128xf32, #tpu.memory_space<vmem_shared>> -> memref<48x128xf32, #tpu.memory_space<vmem_shared>>
      %dma_start3A_205 = arith.constant 0 : i32
      %dma_start3A_206 = tpu.memref_slice %arg19[%add3A_103, %dma_start3A_205] : memref<2568x128xf32, #tpu.memory_space<vmem_shared>> -> memref<48x128xf32, #tpu.memory_space<vmem_shared>>
      tpu.enqueue_dma source(%arg13 : memref<48x128xf32, #tpu.memory_space<vmem>>) target(%dma_start3A_206 : memref<48x128xf32, #tpu.memory_space<vmem_shared>>) target_semaphore(%run_scoped3A : memref<!tpu.dma_semaphore, #tpu.memory_space<semaphore_mem>>)
      %dma_wait3A = arith.constant 0 : i32
      %dma_wait3A_207 = tpu.memref_slice %arg19[%add3A_103, %dma_wait3A] : memref<2568x128xf32, #tpu.memory_space<vmem_shared>> -> memref<48x128xf32, #tpu.memory_space<vmem_shared>>
      %dma_wait3A_208 = arith.constant 0 : i32
      %dma_wait3A_209 = tpu.memref_slice %arg19[%add3A_103, %dma_wait3A_208] : memref<2568x128xf32, #tpu.memory_space<vmem_shared>> -> memref<48x128xf32, #tpu.memory_space<vmem_shared>>
      tpu.wait_dma2 semaphore(%run_scoped3A : memref<!tpu.dma_semaphore, #tpu.memory_space<semaphore_mem>>) src(%arg13 : memref<48x128xf32, #tpu.memory_space<vmem>>) dst(%dma_wait3A_209 : memref<48x128xf32, #tpu.memory_space<vmem_shared>>)
      tpu.yield
    }) : () -> ()
    %add3A_104 = arith.constant 48 : i32
    %add3A_105 = arith.addi %mul3A_99, %add3A_104 : i32
    "tpu.region"() ({
      %run_scoped3A = tpu.sem_alloc : memref<!tpu.dma_semaphore, #tpu.memory_space<semaphore_mem>>
      %dma_start3A = arith.constant 0 : i32
      %dma_start3A_204 = tpu.memref_slice %arg18[%add3A_105, %dma_start3A] : memref<2568x128xf32, #tpu.memory_space<vmem_shared>> -> memref<48x128xf32, #tpu.memory_space<vmem_shared>>
      %dma_start3A_205 = arith.constant 0 : i32
      %dma_start3A_206 = tpu.memref_slice %arg18[%add3A_105, %dma_start3A_205] : memref<2568x128xf32, #tpu.memory_space<vmem_shared>> -> memref<48x128xf32, #tpu.memory_space<vmem_shared>>
      tpu.enqueue_dma source(%arg13 : memref<48x128xf32, #tpu.memory_space<vmem>>) target(%dma_start3A_206 : memref<48x128xf32, #tpu.memory_space<vmem_shared>>) target_semaphore(%run_scoped3A : memref<!tpu.dma_semaphore, #tpu.memory_space<semaphore_mem>>)
      %dma_wait3A = arith.constant 0 : i32
      %dma_wait3A_207 = tpu.memref_slice %arg18[%add3A_105, %dma_wait3A] : memref<2568x128xf32, #tpu.memory_space<vmem_shared>> -> memref<48x128xf32, #tpu.memory_space<vmem_shared>>
      %dma_wait3A_208 = arith.constant 0 : i32
      %dma_wait3A_209 = tpu.memref_slice %arg18[%add3A_105, %dma_wait3A_208] : memref<2568x128xf32, #tpu.memory_space<vmem_shared>> -> memref<48x128xf32, #tpu.memory_space<vmem_shared>>
      tpu.wait_dma2 semaphore(%run_scoped3A : memref<!tpu.dma_semaphore, #tpu.memory_space<semaphore_mem>>) src(%arg13 : memref<48x128xf32, #tpu.memory_space<vmem>>) dst(%dma_wait3A_209 : memref<48x128xf32, #tpu.memory_space<vmem_shared>>)
      tpu.yield
    }) : () -> ()
    %add3A_106 = arith.constant 48 : i32
    %add3A_107 = arith.addi %mul3A_99, %add3A_106 : i32
    "tpu.region"() ({
      %run_scoped3A = tpu.sem_alloc : memref<!tpu.dma_semaphore, #tpu.memory_space<semaphore_mem>>
      %dma_start3A = arith.constant 0 : i32
      %dma_start3A_204 = tpu.memref_slice %arg19[%add3A_107, %dma_start3A] : memref<2568x128xf32, #tpu.memory_space<vmem_shared>> -> memref<48x128xf32, #tpu.memory_space<vmem_shared>>
      %dma_start3A_205 = arith.constant 0 : i32
      %dma_start3A_206 = tpu.memref_slice %arg19[%add3A_107, %dma_start3A_205] : memref<2568x128xf32, #tpu.memory_space<vmem_shared>> -> memref<48x128xf32, #tpu.memory_space<vmem_shared>>
      tpu.enqueue_dma source(%arg13 : memref<48x128xf32, #tpu.memory_space<vmem>>) target(%dma_start3A_206 : memref<48x128xf32, #tpu.memory_space<vmem_shared>>) target_semaphore(%run_scoped3A : memref<!tpu.dma_semaphore, #tpu.memory_space<semaphore_mem>>)
      %dma_wait3A = arith.constant 0 : i32
      %dma_wait3A_207 = tpu.memref_slice %arg19[%add3A_107, %dma_wait3A] : memref<2568x128xf32, #tpu.memory_space<vmem_shared>> -> memref<48x128xf32, #tpu.memory_space<vmem_shared>>
      %dma_wait3A_208 = arith.constant 0 : i32
      %dma_wait3A_209 = tpu.memref_slice %arg19[%add3A_107, %dma_wait3A_208] : memref<2568x128xf32, #tpu.memory_space<vmem_shared>> -> memref<48x128xf32, #tpu.memory_space<vmem_shared>>
      tpu.wait_dma2 semaphore(%run_scoped3A : memref<!tpu.dma_semaphore, #tpu.memory_space<semaphore_mem>>) src(%arg13 : memref<48x128xf32, #tpu.memory_space<vmem>>) dst(%dma_wait3A_209 : memref<48x128xf32, #tpu.memory_space<vmem_shared>>)
      tpu.yield
    }) : () -> ()
    %add3A_108 = arith.constant 96 : i32
    %add3A_109 = arith.addi %mul3A_99, %add3A_108 : i32
    "tpu.region"() ({
      %run_scoped3A = tpu.sem_alloc : memref<!tpu.dma_semaphore, #tpu.memory_space<semaphore_mem>>
      %dma_start3A = arith.constant 0 : i32
      %dma_start3A_204 = tpu.memref_slice %arg18[%add3A_109, %dma_start3A] : memref<2568x128xf32, #tpu.memory_space<vmem_shared>> -> memref<48x128xf32, #tpu.memory_space<vmem_shared>>
      %dma_start3A_205 = arith.constant 0 : i32
      %dma_start3A_206 = tpu.memref_slice %arg18[%add3A_109, %dma_start3A_205] : memref<2568x128xf32, #tpu.memory_space<vmem_shared>> -> memref<48x128xf32, #tpu.memory_space<vmem_shared>>
      tpu.enqueue_dma source(%arg13 : memref<48x128xf32, #tpu.memory_space<vmem>>) target(%dma_start3A_206 : memref<48x128xf32, #tpu.memory_space<vmem_shared>>) target_semaphore(%run_scoped3A : memref<!tpu.dma_semaphore, #tpu.memory_space<semaphore_mem>>)
      %dma_wait3A = arith.constant 0 : i32
      %dma_wait3A_207 = tpu.memref_slice %arg18[%add3A_109, %dma_wait3A] : memref<2568x128xf32, #tpu.memory_space<vmem_shared>> -> memref<48x128xf32, #tpu.memory_space<vmem_shared>>
      %dma_wait3A_208 = arith.constant 0 : i32
      %dma_wait3A_209 = tpu.memref_slice %arg18[%add3A_109, %dma_wait3A_208] : memref<2568x128xf32, #tpu.memory_space<vmem_shared>> -> memref<48x128xf32, #tpu.memory_space<vmem_shared>>
      tpu.wait_dma2 semaphore(%run_scoped3A : memref<!tpu.dma_semaphore, #tpu.memory_space<semaphore_mem>>) src(%arg13 : memref<48x128xf32, #tpu.memory_space<vmem>>) dst(%dma_wait3A_209 : memref<48x128xf32, #tpu.memory_space<vmem_shared>>)
      tpu.yield
    }) : () -> ()
    %add3A_110 = arith.constant 96 : i32
    %add3A_111 = arith.addi %mul3A_99, %add3A_110 : i32
    "tpu.region"() ({
      %run_scoped3A = tpu.sem_alloc : memref<!tpu.dma_semaphore, #tpu.memory_space<semaphore_mem>>
      %dma_start3A = arith.constant 0 : i32
      %dma_start3A_204 = tpu.memref_slice %arg19[%add3A_111, %dma_start3A] : memref<2568x128xf32, #tpu.memory_space<vmem_shared>> -> memref<48x128xf32, #tpu.memory_space<vmem_shared>>
      %dma_start3A_205 = arith.constant 0 : i32
      %dma_start3A_206 = tpu.memref_slice %arg19[%add3A_111, %dma_start3A_205] : memref<2568x128xf32, #tpu.memory_space<vmem_shared>> -> memref<48x128xf32, #tpu.memory_space<vmem_shared>>
      tpu.enqueue_dma source(%arg13 : memref<48x128xf32, #tpu.memory_space<vmem>>) target(%dma_start3A_206 : memref<48x128xf32, #tpu.memory_space<vmem_shared>>) target_semaphore(%run_scoped3A : memref<!tpu.dma_semaphore, #tpu.memory_space<semaphore_mem>>)
      %dma_wait3A = arith.constant 0 : i32
      %dma_wait3A_207 = tpu.memref_slice %arg19[%add3A_111, %dma_wait3A] : memref<2568x128xf32, #tpu.memory_space<vmem_shared>> -> memref<48x128xf32, #tpu.memory_space<vmem_shared>>
      %dma_wait3A_208 = arith.constant 0 : i32
      %dma_wait3A_209 = tpu.memref_slice %arg19[%add3A_111, %dma_wait3A_208] : memref<2568x128xf32, #tpu.memory_space<vmem_shared>> -> memref<48x128xf32, #tpu.memory_space<vmem_shared>>
      tpu.wait_dma2 semaphore(%run_scoped3A : memref<!tpu.dma_semaphore, #tpu.memory_space<semaphore_mem>>) src(%arg13 : memref<48x128xf32, #tpu.memory_space<vmem>>) dst(%dma_wait3A_209 : memref<48x128xf32, #tpu.memory_space<vmem_shared>>)
      tpu.yield
    }) : () -> ()
    %add3A_112 = arith.constant 144 : i32
    %add3A_113 = arith.addi %mul3A_99, %add3A_112 : i32
    "tpu.region"() ({
      %run_scoped3A = tpu.sem_alloc : memref<!tpu.dma_semaphore, #tpu.memory_space<semaphore_mem>>
      %dma_start3A = arith.constant 0 : i32
      %dma_start3A_204 = arith.constant 0 : i32
      %dma_start3A_205 = tpu.memref_slice %arg13[%dma_start3A, %dma_start3A_204] : memref<48x128xf32, #tpu.memory_space<vmem>> -> memref<16x128xf32, #tpu.memory_space<vmem>>
      %dma_start3A_206 = arith.constant 0 : i32
      %dma_start3A_207 = tpu.memref_slice %arg18[%add3A_113, %dma_start3A_206] : memref<2568x128xf32, #tpu.memory_space<vmem_shared>> -> memref<16x128xf32, #tpu.memory_space<vmem_shared>>
      %dma_start3A_208 = arith.constant 0 : i32
      %dma_start3A_209 = tpu.memref_slice %arg18[%add3A_113, %dma_start3A_208] : memref<2568x128xf32, #tpu.memory_space<vmem_shared>> -> memref<16x128xf32, #tpu.memory_space<vmem_shared>>
      %dma_start3A_210 = arith.constant 0 : i32
      %dma_start3A_211 = arith.constant 0 : i32
      %dma_start3A_212 = tpu.memref_slice %arg13[%dma_start3A_210, %dma_start3A_211] : memref<48x128xf32, #tpu.memory_space<vmem>> -> memref<16x128xf32, #tpu.memory_space<vmem>>
      tpu.enqueue_dma source(%dma_start3A_212 : memref<16x128xf32, #tpu.memory_space<vmem>>) target(%dma_start3A_209 : memref<16x128xf32, #tpu.memory_space<vmem_shared>>) target_semaphore(%run_scoped3A : memref<!tpu.dma_semaphore, #tpu.memory_space<semaphore_mem>>)
      %dma_wait3A = arith.constant 0 : i32
      %dma_wait3A_213 = arith.constant 0 : i32
      %dma_wait3A_214 = tpu.memref_slice %arg13[%dma_wait3A, %dma_wait3A_213] : memref<48x128xf32, #tpu.memory_space<vmem>> -> memref<16x128xf32, #tpu.memory_space<vmem>>
      %dma_wait3A_215 = arith.constant 0 : i32
      %dma_wait3A_216 = tpu.memref_slice %arg18[%add3A_113, %dma_wait3A_215] : memref<2568x128xf32, #tpu.memory_space<vmem_shared>> -> memref<16x128xf32, #tpu.memory_space<vmem_shared>>
      %dma_wait3A_217 = arith.constant 0 : i32
      %dma_wait3A_218 = tpu.memref_slice %arg18[%add3A_113, %dma_wait3A_217] : memref<2568x128xf32, #tpu.memory_space<vmem_shared>> -> memref<16x128xf32, #tpu.memory_space<vmem_shared>>
      %dma_wait3A_219 = arith.constant 0 : i32
      %dma_wait3A_220 = arith.constant 0 : i32
      %dma_wait3A_221 = tpu.memref_slice %arg13[%dma_wait3A_219, %dma_wait3A_220] : memref<48x128xf32, #tpu.memory_space<vmem>> -> memref<16x128xf32, #tpu.memory_space<vmem>>
      tpu.wait_dma2 semaphore(%run_scoped3A : memref<!tpu.dma_semaphore, #tpu.memory_space<semaphore_mem>>) src(%dma_wait3A_221 : memref<16x128xf32, #tpu.memory_space<vmem>>) dst(%dma_wait3A_218 : memref<16x128xf32, #tpu.memory_space<vmem_shared>>)
      tpu.yield
    }) : () -> ()
    %add3A_114 = arith.constant 144 : i32
    %add3A_115 = arith.addi %mul3A_99, %add3A_114 : i32
    "tpu.region"() ({
      %run_scoped3A = tpu.sem_alloc : memref<!tpu.dma_semaphore, #tpu.memory_space<semaphore_mem>>
      %dma_start3A = arith.constant 0 : i32
      %dma_start3A_204 = arith.constant 0 : i32
      %dma_start3A_205 = tpu.memref_slice %arg13[%dma_start3A, %dma_start3A_204] : memref<48x128xf32, #tpu.memory_space<vmem>> -> memref<16x128xf32, #tpu.memory_space<vmem>>
      %dma_start3A_206 = arith.constant 0 : i32
      %dma_start3A_207 = tpu.memref_slice %arg19[%add3A_115, %dma_start3A_206] : memref<2568x128xf32, #tpu.memory_space<vmem_shared>> -> memref<16x128xf32, #tpu.memory_space<vmem_shared>>
      %dma_start3A_208 = arith.constant 0 : i32
      %dma_start3A_209 = tpu.memref_slice %arg19[%add3A_115, %dma_start3A_208] : memref<2568x128xf32, #tpu.memory_space<vmem_shared>> -> memref<16x128xf32, #tpu.memory_space<vmem_shared>>
      %dma_start3A_210 = arith.constant 0 : i32
      %dma_start3A_211 = arith.constant 0 : i32
      %dma_start3A_212 = tpu.memref_slice %arg13[%dma_start3A_210, %dma_start3A_211] : memref<48x128xf32, #tpu.memory_space<vmem>> -> memref<16x128xf32, #tpu.memory_space<vmem>>
      tpu.enqueue_dma source(%dma_start3A_212 : memref<16x128xf32, #tpu.memory_space<vmem>>) target(%dma_start3A_209 : memref<16x128xf32, #tpu.memory_space<vmem_shared>>) target_semaphore(%run_scoped3A : memref<!tpu.dma_semaphore, #tpu.memory_space<semaphore_mem>>)
      %dma_wait3A = arith.constant 0 : i32
      %dma_wait3A_213 = arith.constant 0 : i32
      %dma_wait3A_214 = tpu.memref_slice %arg13[%dma_wait3A, %dma_wait3A_213] : memref<48x128xf32, #tpu.memory_space<vmem>> -> memref<16x128xf32, #tpu.memory_space<vmem>>
      %dma_wait3A_215 = arith.constant 0 : i32
      %dma_wait3A_216 = tpu.memref_slice %arg19[%add3A_115, %dma_wait3A_215] : memref<2568x128xf32, #tpu.memory_space<vmem_shared>> -> memref<16x128xf32, #tpu.memory_space<vmem_shared>>
      %dma_wait3A_217 = arith.constant 0 : i32
      %dma_wait3A_218 = tpu.memref_slice %arg19[%add3A_115, %dma_wait3A_217] : memref<2568x128xf32, #tpu.memory_space<vmem_shared>> -> memref<16x128xf32, #tpu.memory_space<vmem_shared>>
      %dma_wait3A_219 = arith.constant 0 : i32
      %dma_wait3A_220 = arith.constant 0 : i32
      %dma_wait3A_221 = tpu.memref_slice %arg13[%dma_wait3A_219, %dma_wait3A_220] : memref<48x128xf32, #tpu.memory_space<vmem>> -> memref<16x128xf32, #tpu.memory_space<vmem>>
      tpu.wait_dma2 semaphore(%run_scoped3A : memref<!tpu.dma_semaphore, #tpu.memory_space<semaphore_mem>>) src(%dma_wait3A_221 : memref<16x128xf32, #tpu.memory_space<vmem>>) dst(%dma_wait3A_218 : memref<16x128xf32, #tpu.memory_space<vmem_shared>>)
      tpu.yield
    }) : () -> ()
    %barrier3A_116 = arith.constant 0 : index
    tpu.barrier barrier_id(%barrier3A_116)
    %scan3A_117 = arith.constant 0 : i32
    %scan3A_118 = arith.constant 250 : i32
    %scan3A_119 = arith.addi %scan3A_117, %scan3A_118 : i32
    %scan3A_120 = arith.constant 1 : i32
    scf.for %scan3A_204 = %scan3A_117 to %scan3A_119 step %scan3A_120  : i32 {
      %mul3A_205 = arith.constant 1 : i32
      %mul3A_206 = arith.muli %scan3A_204, %mul3A_205 : i32
      %add3A_207 = arith.constant 0 : i32
      %add3A_208 = arith.addi %add3A_207, %mul3A_206 : i32
      %mul3A_209 = arith.constant 1280 : i32
      %mul3A_210 = arith.muli %add3A_208, %mul3A_209 : i32
      %mul3A_211 = arith.constant 40 : i32
      %mul3A_212 = arith.muli %add3A, %mul3A_211 : i32
      %add3A_213 = arith.addi %mul3A_210, %mul3A_212 : i32
      "tpu.region"() ({
        %run_scoped3A = tpu.sem_alloc : memref<!tpu.dma_semaphore, #tpu.memory_space<semaphore_mem>>
        %dma_start3A_284 = arith.constant 0 : i32
        %dma_start3A_285 = tpu.memref_slice %arg10[%dma_start3A_284] : memref<48xi32, #tpu.memory_space<vmem>> -> memref<40xi32, #tpu.memory_space<vmem>>
        %dma_start3A_286 = tpu.memref_slice %arg4[%add3A_213] : memref<320000xi32, #tpu.memory_space<hbm>> -> memref<40xi32, #tpu.memory_space<hbm>>
        %dma_start3A_287 = arith.constant 0 : i32
        %dma_start3A_288 = tpu.memref_slice %arg10[%dma_start3A_287] : memref<48xi32, #tpu.memory_space<vmem>> -> memref<40xi32, #tpu.memory_space<vmem>>
        %dma_start3A_289 = tpu.memref_slice %arg4[%add3A_213] : memref<320000xi32, #tpu.memory_space<hbm>> -> memref<40xi32, #tpu.memory_space<hbm>>
        tpu.enqueue_dma source(%dma_start3A_289 : memref<40xi32, #tpu.memory_space<hbm>>) target(%dma_start3A_288 : memref<40xi32, #tpu.memory_space<vmem>>) target_semaphore(%run_scoped3A : memref<!tpu.dma_semaphore, #tpu.memory_space<semaphore_mem>>)
        %dma_wait3A_290 = arith.constant 0 : i32
        %dma_wait3A_291 = tpu.memref_slice %arg10[%dma_wait3A_290] : memref<48xi32, #tpu.memory_space<vmem>> -> memref<40xi32, #tpu.memory_space<vmem>>
        %dma_wait3A_292 = tpu.memref_slice %arg4[%add3A_213] : memref<320000xi32, #tpu.memory_space<hbm>> -> memref<40xi32, #tpu.memory_space<hbm>>
        %dma_wait3A_293 = arith.constant 0 : i32
        %dma_wait3A_294 = tpu.memref_slice %arg10[%dma_wait3A_293] : memref<48xi32, #tpu.memory_space<vmem>> -> memref<40xi32, #tpu.memory_space<vmem>>
        %dma_wait3A_295 = tpu.memref_slice %arg4[%add3A_213] : memref<320000xi32, #tpu.memory_space<hbm>> -> memref<40xi32, #tpu.memory_space<hbm>>
        tpu.wait_dma2 semaphore(%run_scoped3A : memref<!tpu.dma_semaphore, #tpu.memory_space<semaphore_mem>>) src(%dma_wait3A_295 : memref<40xi32, #tpu.memory_space<hbm>>) dst(%dma_wait3A_294 : memref<40xi32, #tpu.memory_space<vmem>>)
        tpu.yield
      }) : () -> ()
      "tpu.region"() ({
        %run_scoped3A = tpu.sem_alloc : memref<!tpu.dma_semaphore, #tpu.memory_space<semaphore_mem>>
        %dma_start3A_284 = arith.constant 0 : i32
        %dma_start3A_285 = tpu.memref_slice %arg11[%dma_start3A_284] : memref<48xi32, #tpu.memory_space<vmem>> -> memref<40xi32, #tpu.memory_space<vmem>>
        %dma_start3A_286 = tpu.memref_slice %arg5[%add3A_213] : memref<320000xi32, #tpu.memory_space<hbm>> -> memref<40xi32, #tpu.memory_space<hbm>>
        %dma_start3A_287 = arith.constant 0 : i32
        %dma_start3A_288 = tpu.memref_slice %arg11[%dma_start3A_287] : memref<48xi32, #tpu.memory_space<vmem>> -> memref<40xi32, #tpu.memory_space<vmem>>
        %dma_start3A_289 = tpu.memref_slice %arg5[%add3A_213] : memref<320000xi32, #tpu.memory_space<hbm>> -> memref<40xi32, #tpu.memory_space<hbm>>
        tpu.enqueue_dma source(%dma_start3A_289 : memref<40xi32, #tpu.memory_space<hbm>>) target(%dma_start3A_288 : memref<40xi32, #tpu.memory_space<vmem>>) target_semaphore(%run_scoped3A : memref<!tpu.dma_semaphore, #tpu.memory_space<semaphore_mem>>)
        %dma_wait3A_290 = arith.constant 0 : i32
        %dma_wait3A_291 = tpu.memref_slice %arg11[%dma_wait3A_290] : memref<48xi32, #tpu.memory_space<vmem>> -> memref<40xi32, #tpu.memory_space<vmem>>
        %dma_wait3A_292 = tpu.memref_slice %arg5[%add3A_213] : memref<320000xi32, #tpu.memory_space<hbm>> -> memref<40xi32, #tpu.memory_space<hbm>>
        %dma_wait3A_293 = arith.constant 0 : i32
        %dma_wait3A_294 = tpu.memref_slice %arg11[%dma_wait3A_293] : memref<48xi32, #tpu.memory_space<vmem>> -> memref<40xi32, #tpu.memory_space<vmem>>
        %dma_wait3A_295 = tpu.memref_slice %arg5[%add3A_213] : memref<320000xi32, #tpu.memory_space<hbm>> -> memref<40xi32, #tpu.memory_space<hbm>>
        tpu.wait_dma2 semaphore(%run_scoped3A : memref<!tpu.dma_semaphore, #tpu.memory_space<semaphore_mem>>) src(%dma_wait3A_295 : memref<40xi32, #tpu.memory_space<hbm>>) dst(%dma_wait3A_294 : memref<40xi32, #tpu.memory_space<vmem>>)
        tpu.yield
      }) : () -> ()
      %dma_start3A = arith.constant 0 : i32
      %dma_start3A_214 = arith.constant 0 : i32
      %dma_start3A_215 = tpu.memref_slice %arg3[%dma_start3A, %dma_start3A_214] : memref<10000x128xf32, #tpu.memory_space<hbm>> -> memref<10000x128xf32, #tpu.memory_space<hbm>>
      tpu.enqueue_indirect_dma source(%dma_start3A_215 : memref<10000x128xf32, #tpu.memory_space<hbm>>) target(%arg14 : memref<48x128xf32, #tpu.memory_space<vmem>>) offsets(%arg10 : memref<48xi32, #tpu.memory_space<vmem>>) semaphore(%arg21 : memref<!tpu.dma_semaphore, #tpu.memory_space<semaphore_mem>>)
      "tpu.region"() ({
        %run_scoped3A = tpu.sem_alloc : memref<!tpu.dma_semaphore, #tpu.memory_space<semaphore_mem>>
        %dma_start3A_284 = arith.constant 0 : i32
        %dma_start3A_285 = arith.constant 0 : i32
        %dma_start3A_286 = tpu.memref_slice %arg15[%dma_start3A_284, %dma_start3A_285] : memref<48x16xf32, #tpu.memory_space<vmem>> -> memref<40x16xf32, #tpu.memory_space<vmem>>
        %dma_start3A_287 = arith.constant 0 : i32
        %dma_start3A_288 = tpu.memref_slice %arg9[%add3A_213, %dma_start3A_287] : memref<320000x16xf32, #tpu.memory_space<hbm>> -> memref<40x16xf32, #tpu.memory_space<hbm>>
        %dma_start3A_289 = arith.constant 0 : i32
        %dma_start3A_290 = arith.constant 0 : i32
        %dma_start3A_291 = tpu.memref_slice %arg15[%dma_start3A_289, %dma_start3A_290] : memref<48x16xf32, #tpu.memory_space<vmem>> -> memref<40x16xf32, #tpu.memory_space<vmem>>
        %dma_start3A_292 = arith.constant 0 : i32
        %dma_start3A_293 = tpu.memref_slice %arg9[%add3A_213, %dma_start3A_292] : memref<320000x16xf32, #tpu.memory_space<hbm>> -> memref<40x16xf32, #tpu.memory_space<hbm>>
        tpu.enqueue_dma source(%dma_start3A_293 : memref<40x16xf32, #tpu.memory_space<hbm>>) target(%dma_start3A_291 : memref<40x16xf32, #tpu.memory_space<vmem>>) target_semaphore(%run_scoped3A : memref<!tpu.dma_semaphore, #tpu.memory_space<semaphore_mem>>)
        %dma_wait3A_294 = arith.constant 0 : i32
        %dma_wait3A_295 = arith.constant 0 : i32
        %dma_wait3A_296 = tpu.memref_slice %arg15[%dma_wait3A_294, %dma_wait3A_295] : memref<48x16xf32, #tpu.memory_space<vmem>> -> memref<40x16xf32, #tpu.memory_space<vmem>>
        %dma_wait3A_297 = arith.constant 0 : i32
        %dma_wait3A_298 = tpu.memref_slice %arg9[%add3A_213, %dma_wait3A_297] : memref<320000x16xf32, #tpu.memory_space<hbm>> -> memref<40x16xf32, #tpu.memory_space<hbm>>
        %dma_wait3A_299 = arith.constant 0 : i32
        %dma_wait3A_300 = arith.constant 0 : i32
        %dma_wait3A_301 = tpu.memref_slice %arg15[%dma_wait3A_299, %dma_wait3A_300] : memref<48x16xf32, #tpu.memory_space<vmem>> -> memref<40x16xf32, #tpu.memory_space<vmem>>
        %dma_wait3A_302 = arith.constant 0 : i32
        %dma_wait3A_303 = tpu.memref_slice %arg9[%add3A_213, %dma_wait3A_302] : memref<320000x16xf32, #tpu.memory_space<hbm>> -> memref<40x16xf32, #tpu.memory_space<hbm>>
        tpu.wait_dma2 semaphore(%run_scoped3A : memref<!tpu.dma_semaphore, #tpu.memory_space<semaphore_mem>>) src(%dma_wait3A_303 : memref<40x16xf32, #tpu.memory_space<hbm>>) dst(%dma_wait3A_301 : memref<40x16xf32, #tpu.memory_space<vmem>>)
        tpu.yield
      }) : () -> ()
      %dma_wait3A = arith.constant 0 : i32
      %dma_wait3A_216 = arith.constant 0 : i32
      %dma_wait3A_217 = tpu.memref_slice %arg3[%dma_wait3A, %dma_wait3A_216] : memref<10000x128xf32, #tpu.memory_space<hbm>> -> memref<10000x128xf32, #tpu.memory_space<hbm>>
      tpu.wait_indirect_dma semaphore(%arg21 : memref<!tpu.dma_semaphore, #tpu.memory_space<semaphore_mem>>) src(%dma_wait3A_217 : memref<10000x128xf32, #tpu.memory_space<hbm>>) dst(%arg14 : memref<48x128xf32, #tpu.memory_space<vmem>>)
      %scan3A_218 = arith.constant 0 : i32
      %scan3A_219 = arith.constant 40 : i32
      %scan3A_220 = arith.addi %scan3A_218, %scan3A_219 : i32
      %scan3A_221 = arith.constant 1 : i32
      scf.for %scan3A_284 = %scan3A_218 to %scan3A_220 step %scan3A_221  : i32 {
        %mul3A_285 = arith.constant 1 : i32
        %mul3A_286 = arith.muli %scan3A_284, %mul3A_285 : i32
        %add3A_287 = arith.constant 0 : i32
        %add3A_288 = arith.addi %add3A_287, %mul3A_286 : i32
        %get3A_289 = arith.index_cast %add3A_288 : i32 to index
        %get3A_290 = arith.constant 0 : index
        %get3A_291 = tpu.vector_load %arg15[%get3A_289, %get3A_290] {strides = array<i32>} : memref<48x16xf32, #tpu.memory_space<vmem>>, vector<1x16xf32>,
        %get3A_292 = vector.shape_cast %get3A_291 : vector<1x16xf32> to vector<16xf32>
        %swap3A_293 = arith.index_cast %add3A_288 : i32 to index
        %swap3A_294 = arith.constant 0 : index
        %swap3A_295 = tpu.vector_load %arg16[%swap3A_293, %swap3A_294] {strides = array<i32>} : memref<48x128xf32, #tpu.memory_space<vmem>>, vector<1x16xf32>,
        %swap3A_296 = vector.shape_cast %swap3A_295 : vector<1x16xf32> to vector<16xf32>
        %swap3A_297 = vector.shape_cast %get3A_292 : vector<16xf32> to vector<1x16xf32>
        tpu.vector_store %arg16[%swap3A_293, %swap3A_294], %swap3A_297 {strides = array<i32>} : memref<48x128xf32, #tpu.memory_space<vmem>>, vector<1x16xf32>,
        %broadcast_in_dim3A_298 = arith.constant 0 : i32
        %broadcast_in_dim3A_299 = vector.broadcast %broadcast_in_dim3A_298 : i32 to vector<16xi32>
        %lt3A_300 = arith.constant 0 : i32
        %lt3A_301 = vector.broadcast %lt3A_300 : i32 to vector<16xi32>
        %lt3A_302 = arith.cmpi slt, %broadcast_in_dim3A_299, %lt3A_301 : vector<16xi32>
        %add3A_303 = arith.constant 16 : i32
        %add3A_304 = vector.broadcast %add3A_303 : i32 to vector<16xi32>
        %add3A_305 = arith.addi %broadcast_in_dim3A_299, %add3A_304 : vector<16xi32>
        %select_n3A_306 = arith.select %lt3A_302, %add3A_305, %broadcast_in_dim3A_299 : vector<16xi1>, vector<16xi32>
        %broadcast_in_dim3A_307 = vector.shape_cast %select_n3A_306 : vector<16xi32> to vector<16x1xi32>
        %gather3A = vector.shape_cast %broadcast_in_dim3A_307 : vector<16x1xi32> to vector<16xi32>
        %gather3A_308 = tpu.dynamic_gather %get3A_292[%gather3A] in [0] : vector<16xf32>, vector<16xi32> -> vector<16xf32>
        %get3A_309 = arith.index_cast %add3A_288 : i32 to index
        %get3A_310 = arith.constant 0 : index
        %get3A_311 = tpu.vector_load %arg14[%get3A_309, %get3A_310] {strides = array<i32>} : memref<48x128xf32, #tpu.memory_space<vmem>>, vector<1x16xf32>,
        %get3A_312 = vector.shape_cast %get3A_311 : vector<1x16xf32> to vector<16xf32>
        %mul3A_313 = arith.mulf %get3A_312, %gather3A_308 : vector<16xf32>
        %swap3A_314 = arith.index_cast %add3A_288 : i32 to index
        %swap3A_315 = arith.constant 0 : index
        %swap3A_316 = tpu.vector_load %arg14[%swap3A_314, %swap3A_315] {strides = array<i32>} : memref<48x128xf32, #tpu.memory_space<vmem>>, vector<1x16xf32>,
        %swap3A_317 = vector.shape_cast %swap3A_316 : vector<1x16xf32> to vector<16xf32>
        %swap3A_318 = vector.shape_cast %mul3A_313 : vector<16xf32> to vector<1x16xf32>
        tpu.vector_store %arg14[%swap3A_314, %swap3A_315], %swap3A_318 {strides = array<i32>} : memref<48x128xf32, #tpu.memory_space<vmem>>, vector<1x16xf32>,
        %get3A_319 = arith.index_cast %add3A_288 : i32 to index
        %get3A_320 = arith.constant 16 : index
        %get3A_321 = tpu.vector_load %arg14[%get3A_319, %get3A_320] {strides = array<i32>} : memref<48x128xf32, #tpu.memory_space<vmem>>, vector<1x16xf32>,
        %get3A_322 = vector.shape_cast %get3A_321 : vector<1x16xf32> to vector<16xf32>
        %mul3A_323 = arith.mulf %get3A_322, %gather3A_308 : vector<16xf32>
        %swap3A_324 = arith.index_cast %add3A_288 : i32 to index
        %swap3A_325 = arith.constant 16 : index
        %swap3A_326 = tpu.vector_load %arg14[%swap3A_324, %swap3A_325] {strides = array<i32>} : memref<48x128xf32, #tpu.memory_space<vmem>>, vector<1x16xf32>,
        %swap3A_327 = vector.shape_cast %swap3A_326 : vector<1x16xf32> to vector<16xf32>
        %swap3A_328 = vector.shape_cast %mul3A_323 : vector<16xf32> to vector<1x16xf32>
        tpu.vector_store %arg14[%swap3A_324, %swap3A_325], %swap3A_328 {strides = array<i32>} : memref<48x128xf32, #tpu.memory_space<vmem>>, vector<1x16xf32>,
        %broadcast_in_dim3A_329 = arith.constant 1 : i32
        %broadcast_in_dim3A_330 = vector.broadcast %broadcast_in_dim3A_329 : i32 to vector<16xi32>
        %lt3A_331 = arith.constant 0 : i32
        %lt3A_332 = vector.broadcast %lt3A_331 : i32 to vector<16xi32>
        %lt3A_333 = arith.cmpi slt, %broadcast_in_dim3A_330, %lt3A_332 : vector<16xi32>
        %add3A_334 = arith.constant 16 : i32
        %add3A_335 = vector.broadcast %add3A_334 : i32 to vector<16xi32>
        %add3A_336 = arith.addi %broadcast_in_dim3A_330, %add3A_335 : vector<16xi32>
        %select_n3A_337 = arith.select %lt3A_333, %add3A_336, %broadcast_in_dim3A_330 : vector<16xi1>, vector<16xi32>
        %broadcast_in_dim3A_338 = vector.shape_cast %select_n3A_337 : vector<16xi32> to vector<16x1xi32>
        %gather3A_339 = vector.shape_cast %broadcast_in_dim3A_338 : vector<16x1xi32> to vector<16xi32>
        %gather3A_340 = tpu.dynamic_gather %get3A_292[%gather3A_339] in [0] : vector<16xf32>, vector<16xi32> -> vector<16xf32>
        %get3A_341 = arith.index_cast %add3A_288 : i32 to index
        %get3A_342 = arith.constant 32 : index
        %get3A_343 = tpu.vector_load %arg14[%get3A_341, %get3A_342] {strides = array<i32>} : memref<48x128xf32, #tpu.memory_space<vmem>>, vector<1x16xf32>,
        %get3A_344 = vector.shape_cast %get3A_343 : vector<1x16xf32> to vector<16xf32>
        %mul3A_345 = arith.mulf %get3A_344, %gather3A_340 : vector<16xf32>
        %swap3A_346 = arith.index_cast %add3A_288 : i32 to index
        %swap3A_347 = arith.constant 32 : index
        %swap3A_348 = tpu.vector_load %arg14[%swap3A_346, %swap3A_347] {strides = array<i32>} : memref<48x128xf32, #tpu.memory_space<vmem>>, vector<1x16xf32>,
        %swap3A_349 = vector.shape_cast %swap3A_348 : vector<1x16xf32> to vector<16xf32>
        %swap3A_350 = vector.shape_cast %mul3A_345 : vector<16xf32> to vector<1x16xf32>
        tpu.vector_store %arg14[%swap3A_346, %swap3A_347], %swap3A_350 {strides = array<i32>} : memref<48x128xf32, #tpu.memory_space<vmem>>, vector<1x16xf32>,
        %get3A_351 = arith.index_cast %add3A_288 : i32 to index
        %get3A_352 = arith.constant 48 : index
        %get3A_353 = tpu.vector_load %arg14[%get3A_351, %get3A_352] {strides = array<i32>} : memref<48x128xf32, #tpu.memory_space<vmem>>, vector<1x16xf32>,
        %get3A_354 = vector.shape_cast %get3A_353 : vector<1x16xf32> to vector<16xf32>
        %mul3A_355 = arith.mulf %get3A_354, %gather3A_340 : vector<16xf32>
        %swap3A_356 = arith.index_cast %add3A_288 : i32 to index
        %swap3A_357 = arith.constant 48 : index
        %swap3A_358 = tpu.vector_load %arg14[%swap3A_356, %swap3A_357] {strides = array<i32>} : memref<48x128xf32, #tpu.memory_space<vmem>>, vector<1x16xf32>,
        %swap3A_359 = vector.shape_cast %swap3A_358 : vector<1x16xf32> to vector<16xf32>
        %swap3A_360 = vector.shape_cast %mul3A_355 : vector<16xf32> to vector<1x16xf32>
        tpu.vector_store %arg14[%swap3A_356, %swap3A_357], %swap3A_360 {strides = array<i32>} : memref<48x128xf32, #tpu.memory_space<vmem>>, vector<1x16xf32>,
        %broadcast_in_dim3A_361 = arith.constant 2 : i32
        %broadcast_in_dim3A_362 = vector.broadcast %broadcast_in_dim3A_361 : i32 to vector<16xi32>
        %lt3A_363 = arith.constant 0 : i32
        %lt3A_364 = vector.broadcast %lt3A_363 : i32 to vector<16xi32>
        %lt3A_365 = arith.cmpi slt, %broadcast_in_dim3A_362, %lt3A_364 : vector<16xi32>
        %add3A_366 = arith.constant 16 : i32
        %add3A_367 = vector.broadcast %add3A_366 : i32 to vector<16xi32>
        %add3A_368 = arith.addi %broadcast_in_dim3A_362, %add3A_367 : vector<16xi32>
        %select_n3A_369 = arith.select %lt3A_365, %add3A_368, %broadcast_in_dim3A_362 : vector<16xi1>, vector<16xi32>
        %broadcast_in_dim3A_370 = vector.shape_cast %select_n3A_369 : vector<16xi32> to vector<16x1xi32>
        %gather3A_371 = vector.shape_cast %broadcast_in_dim3A_370 : vector<16x1xi32> to vector<16xi32>
        %gather3A_372 = tpu.dynamic_gather %get3A_292[%gather3A_371] in [0] : vector<16xf32>, vector<16xi32> -> vector<16xf32>
        %get3A_373 = arith.index_cast %add3A_288 : i32 to index
        %get3A_374 = arith.constant 64 : index
        %get3A_375 = tpu.vector_load %arg14[%get3A_373, %get3A_374] {strides = array<i32>} : memref<48x128xf32, #tpu.memory_space<vmem>>, vector<1x16xf32>,
        %get3A_376 = vector.shape_cast %get3A_375 : vector<1x16xf32> to vector<16xf32>
        %mul3A_377 = arith.mulf %get3A_376, %gather3A_372 : vector<16xf32>
        %swap3A_378 = arith.index_cast %add3A_288 : i32 to index
        %swap3A_379 = arith.constant 64 : index
        %swap3A_380 = tpu.vector_load %arg14[%swap3A_378, %swap3A_379] {strides = array<i32>} : memref<48x128xf32, #tpu.memory_space<vmem>>, vector<1x16xf32>,
        %swap3A_381 = vector.shape_cast %swap3A_380 : vector<1x16xf32> to vector<16xf32>
        %swap3A_382 = vector.shape_cast %mul3A_377 : vector<16xf32> to vector<1x16xf32>
        tpu.vector_store %arg14[%swap3A_378, %swap3A_379], %swap3A_382 {strides = array<i32>} : memref<48x128xf32, #tpu.memory_space<vmem>>, vector<1x16xf32>,
        %get3A_383 = arith.index_cast %add3A_288 : i32 to index
        %get3A_384 = arith.constant 80 : index
        %get3A_385 = tpu.vector_load %arg14[%get3A_383, %get3A_384] {strides = array<i32>} : memref<48x128xf32, #tpu.memory_space<vmem>>, vector<1x16xf32>,
        %get3A_386 = vector.shape_cast %get3A_385 : vector<1x16xf32> to vector<16xf32>
        %mul3A_387 = arith.mulf %get3A_386, %gather3A_372 : vector<16xf32>
        %swap3A_388 = arith.index_cast %add3A_288 : i32 to index
        %swap3A_389 = arith.constant 80 : index
        %swap3A_390 = tpu.vector_load %arg14[%swap3A_388, %swap3A_389] {strides = array<i32>} : memref<48x128xf32, #tpu.memory_space<vmem>>, vector<1x16xf32>,
        %swap3A_391 = vector.shape_cast %swap3A_390 : vector<1x16xf32> to vector<16xf32>
        %swap3A_392 = vector.shape_cast %mul3A_387 : vector<16xf32> to vector<1x16xf32>
        tpu.vector_store %arg14[%swap3A_388, %swap3A_389], %swap3A_392 {strides = array<i32>} : memref<48x128xf32, #tpu.memory_space<vmem>>, vector<1x16xf32>,
        %broadcast_in_dim3A_393 = arith.constant 3 : i32
        %broadcast_in_dim3A_394 = vector.broadcast %broadcast_in_dim3A_393 : i32 to vector<16xi32>
        %lt3A_395 = arith.constant 0 : i32
        %lt3A_396 = vector.broadcast %lt3A_395 : i32 to vector<16xi32>
        %lt3A_397 = arith.cmpi slt, %broadcast_in_dim3A_394, %lt3A_396 : vector<16xi32>
        %add3A_398 = arith.constant 16 : i32
        %add3A_399 = vector.broadcast %add3A_398 : i32 to vector<16xi32>
        %add3A_400 = arith.addi %broadcast_in_dim3A_394, %add3A_399 : vector<16xi32>
        %select_n3A_401 = arith.select %lt3A_397, %add3A_400, %broadcast_in_dim3A_394 : vector<16xi1>, vector<16xi32>
        %broadcast_in_dim3A_402 = vector.shape_cast %select_n3A_401 : vector<16xi32> to vector<16x1xi32>
        %gather3A_403 = vector.shape_cast %broadcast_in_dim3A_402 : vector<16x1xi32> to vector<16xi32>
        %gather3A_404 = tpu.dynamic_gather %get3A_292[%gather3A_403] in [0] : vector<16xf32>, vector<16xi32> -> vector<16xf32>
        %get3A_405 = arith.index_cast %add3A_288 : i32 to index
        %get3A_406 = arith.constant 96 : index
        %get3A_407 = tpu.vector_load %arg14[%get3A_405, %get3A_406] {strides = array<i32>} : memref<48x128xf32, #tpu.memory_space<vmem>>, vector<1x16xf32>,
        %get3A_408 = vector.shape_cast %get3A_407 : vector<1x16xf32> to vector<16xf32>
        %mul3A_409 = arith.mulf %get3A_408, %gather3A_404 : vector<16xf32>
        %swap3A_410 = arith.index_cast %add3A_288 : i32 to index
        %swap3A_411 = arith.constant 96 : index
        %swap3A_412 = tpu.vector_load %arg14[%swap3A_410, %swap3A_411] {strides = array<i32>} : memref<48x128xf32, #tpu.memory_space<vmem>>, vector<1x16xf32>,
        %swap3A_413 = vector.shape_cast %swap3A_412 : vector<1x16xf32> to vector<16xf32>
        %swap3A_414 = vector.shape_cast %mul3A_409 : vector<16xf32> to vector<1x16xf32>
        tpu.vector_store %arg14[%swap3A_410, %swap3A_411], %swap3A_414 {strides = array<i32>} : memref<48x128xf32, #tpu.memory_space<vmem>>, vector<1x16xf32>,
        %get3A_415 = arith.index_cast %add3A_288 : i32 to index
        %get3A_416 = arith.constant 112 : index
        %get3A_417 = tpu.vector_load %arg14[%get3A_415, %get3A_416] {strides = array<i32>} : memref<48x128xf32, #tpu.memory_space<vmem>>, vector<1x16xf32>,
        %get3A_418 = vector.shape_cast %get3A_417 : vector<1x16xf32> to vector<16xf32>
        %mul3A_419 = arith.mulf %get3A_418, %gather3A_404 : vector<16xf32>
        %swap3A_420 = arith.index_cast %add3A_288 : i32 to index
        %swap3A_421 = arith.constant 112 : index
        %swap3A_422 = tpu.vector_load %arg14[%swap3A_420, %swap3A_421] {strides = array<i32>} : memref<48x128xf32, #tpu.memory_space<vmem>>, vector<1x16xf32>,
        %swap3A_423 = vector.shape_cast %swap3A_422 : vector<1x16xf32> to vector<16xf32>
        %swap3A_424 = vector.shape_cast %mul3A_419 : vector<16xf32> to vector<1x16xf32>
        tpu.vector_store %arg14[%swap3A_420, %swap3A_421], %swap3A_424 {strides = array<i32>} : memref<48x128xf32, #tpu.memory_space<vmem>>, vector<1x16xf32>,
      }
      %scan3A_222 = arith.constant 40 : i32
      %get3A_223 = arith.constant 0 : index
      %get3A_224 = tpu.vector_load %arg11[%get3A_223] {strides = array<i32>} : memref<48xi32, #tpu.memory_space<vmem>>, vector<16xi32>,
      %get3A_225 = vector.shape_cast %get3A_224 : vector<16xi32> to vector<16xi32>
      %sub3A = arith.constant 2560 : i32
      %sub3A_226 = vector.broadcast %sub3A : i32 to vector<16xi32>
      %sub3A_227 = arith.subi %get3A_225, %sub3A_226 : vector<16xi32>
      %ge3A = arith.constant 0 : i32
      %ge3A_228 = vector.broadcast %ge3A : i32 to vector<16xi32>
      %ge3A_229 = arith.cmpi sge, %sub3A_227, %ge3A_228 : vector<16xi32>
      %lt3A_230 = arith.constant 2560 : i32
      %lt3A_231 = vector.broadcast %lt3A_230 : i32 to vector<16xi32>
      %lt3A_232 = arith.cmpi slt, %sub3A_227, %lt3A_231 : vector<16xi32>
      %and3A = arith.andi %ge3A_229, %lt3A_232 : vector<16xi1>
      %jit3A_233 = arith.constant 2560 : i32
      %broadcast_in_dim3A_234 = vector.broadcast %jit3A_233 : i32 to vector<16xi32>
      %select_n3A_235 = arith.select %and3A, %sub3A_227, %broadcast_in_dim3A_234 : vector<16xi1>, vector<16xi32>
      %swap3A_236 = arith.constant 0 : index
      %swap3A_237 = tpu.vector_load %arg12[%swap3A_236] {strides = array<i32>} : memref<48xi32, #tpu.memory_space<vmem>>, vector<16xi32>,
      %swap3A_238 = vector.shape_cast %swap3A_237 : vector<16xi32> to vector<16xi32>
      %swap3A_239 = vector.shape_cast %select_n3A_235 : vector<16xi32> to vector<16xi32>
      tpu.vector_store %arg12[%swap3A_236], %swap3A_239 {strides = array<i32>} : memref<48xi32, #tpu.memory_space<vmem>>, vector<16xi32>,
      %get3A_240 = arith.constant 16 : index
      %get3A_241 = tpu.vector_load %arg11[%get3A_240] {strides = array<i32>} : memref<48xi32, #tpu.memory_space<vmem>>, vector<16xi32>,
      %get3A_242 = vector.shape_cast %get3A_241 : vector<16xi32> to vector<16xi32>
      %sub3A_243 = arith.constant 2560 : i32
      %sub3A_244 = vector.broadcast %sub3A_243 : i32 to vector<16xi32>
      %sub3A_245 = arith.subi %get3A_242, %sub3A_244 : vector<16xi32>
      %ge3A_246 = arith.constant 0 : i32
      %ge3A_247 = vector.broadcast %ge3A_246 : i32 to vector<16xi32>
      %ge3A_248 = arith.cmpi sge, %sub3A_245, %ge3A_247 : vector<16xi32>
      %lt3A_249 = arith.constant 2560 : i32
      %lt3A_250 = vector.broadcast %lt3A_249 : i32 to vector<16xi32>
      %lt3A_251 = arith.cmpi slt, %sub3A_245, %lt3A_250 : vector<16xi32>
      %and3A_252 = arith.andi %ge3A_248, %lt3A_251 : vector<16xi1>
      %jit3A_253 = arith.constant 2560 : i32
      %broadcast_in_dim3A_254 = vector.broadcast %jit3A_253 : i32 to vector<16xi32>
      %select_n3A_255 = arith.select %and3A_252, %sub3A_245, %broadcast_in_dim3A_254 : vector<16xi1>, vector<16xi32>
      %swap3A_256 = arith.constant 16 : index
      %swap3A_257 = tpu.vector_load %arg12[%swap3A_256] {strides = array<i32>} : memref<48xi32, #tpu.memory_space<vmem>>, vector<16xi32>,
      %swap3A_258 = vector.shape_cast %swap3A_257 : vector<16xi32> to vector<16xi32>
      %swap3A_259 = vector.shape_cast %select_n3A_255 : vector<16xi32> to vector<16xi32>
      tpu.vector_store %arg12[%swap3A_256], %swap3A_259 {strides = array<i32>} : memref<48xi32, #tpu.memory_space<vmem>>, vector<16xi32>,
      %get3A_260 = arith.constant 32 : index
      %get3A_261 = tpu.vector_load %arg11[%get3A_260] {strides = array<i32>} : memref<48xi32, #tpu.memory_space<vmem>>, vector<16xi32>,
      %get3A_262 = vector.shape_cast %get3A_261 : vector<16xi32> to vector<16xi32>
      %sub3A_263 = arith.constant 2560 : i32
      %sub3A_264 = vector.broadcast %sub3A_263 : i32 to vector<16xi32>
      %sub3A_265 = arith.subi %get3A_262, %sub3A_264 : vector<16xi32>
      %ge3A_266 = arith.constant 0 : i32
      %ge3A_267 = vector.broadcast %ge3A_266 : i32 to vector<16xi32>
      %ge3A_268 = arith.cmpi sge, %sub3A_265, %ge3A_267 : vector<16xi32>
      %lt3A_269 = arith.constant 2560 : i32
      %lt3A_270 = vector.broadcast %lt3A_269 : i32 to vector<16xi32>
      %lt3A_271 = arith.cmpi slt, %sub3A_265, %lt3A_270 : vector<16xi32>
      %and3A_272 = arith.andi %ge3A_268, %lt3A_271 : vector<16xi1>
      %lt3A_273 = arith.constant 8 : i32
      %lt3A_274 = vector.broadcast %lt3A_273 : i32 to vector<16xi32>
      %lt3A_275 = arith.cmpi slt, %iota3A, %lt3A_274 : vector<16xi32>
      %and3A_276 = arith.andi %and3A_272, %lt3A_275 : vector<16xi1>
      %jit3A_277 = arith.constant 2560 : i32
      %broadcast_in_dim3A_278 = vector.broadcast %jit3A_277 : i32 to vector<16xi32>
      %select_n3A_279 = arith.select %and3A_276, %sub3A_265, %broadcast_in_dim3A_278 : vector<16xi1>, vector<16xi32>
      %swap3A_280 = arith.constant 32 : index
      %swap3A_281 = tpu.vector_load %arg12[%swap3A_280] {strides = array<i32>} : memref<48xi32, #tpu.memory_space<vmem>>, vector<16xi32>,
      %swap3A_282 = vector.shape_cast %swap3A_281 : vector<16xi32> to vector<16xi32>
      %swap3A_283 = vector.shape_cast %select_n3A_279 : vector<16xi32> to vector<16xi32>
      tpu.vector_store %arg12[%swap3A_280], %swap3A_283 {strides = array<i32>} : memref<48xi32, #tpu.memory_space<vmem>>, vector<16xi32>,
      "tpu.region"() ({
        %run_scoped3A = tpu.sem_alloc : memref<!tpu.dma_semaphore, #tpu.memory_space<semaphore_mem>>
        %dma_start3A_284 = arith.constant 0 : i32
        %dma_start3A_285 = arith.constant 0 : i32
        %dma_start3A_286 = tpu.memref_slice %arg18[%dma_start3A_284, %dma_start3A_285] : memref<2568x128xf32, #tpu.memory_space<vmem_shared>> -> memref<2568x128xf32, #tpu.memory_space<vmem_shared>>
        tpu.enqueue_indirect_dma source(%arg14 : memref<48x128xf32, #tpu.memory_space<vmem>>) target(%dma_start3A_286 : memref<2568x128xf32, #tpu.memory_space<vmem_shared>>) offsets(%arg12 : memref<48xi32, #tpu.memory_space<vmem>>) semaphore(%run_scoped3A : memref<!tpu.dma_semaphore, #tpu.memory_space<semaphore_mem>>) {add = true}
        %dma_wait3A_287 = arith.constant 0 : i32
        %dma_wait3A_288 = arith.constant 0 : i32
        %dma_wait3A_289 = tpu.memref_slice %arg18[%dma_wait3A_287, %dma_wait3A_288] : memref<2568x128xf32, #tpu.memory_space<vmem_shared>> -> memref<2568x128xf32, #tpu.memory_space<vmem_shared>>
        tpu.wait_indirect_dma semaphore(%run_scoped3A : memref<!tpu.dma_semaphore, #tpu.memory_space<semaphore_mem>>) src(%arg14 : memref<48x128xf32, #tpu.memory_space<vmem>>) dst(%dma_wait3A_289 : memref<2568x128xf32, #tpu.memory_space<vmem_shared>>)
        tpu.yield
      }) : () -> ()
      "tpu.region"() ({
        %run_scoped3A = tpu.sem_alloc : memref<!tpu.dma_semaphore, #tpu.memory_space<semaphore_mem>>
        %dma_start3A_284 = arith.constant 0 : i32
        %dma_start3A_285 = arith.constant 0 : i32
        %dma_start3A_286 = tpu.memref_slice %arg19[%dma_start3A_284, %dma_start3A_285] : memref<2568x128xf32, #tpu.memory_space<vmem_shared>> -> memref<2568x128xf32, #tpu.memory_space<vmem_shared>>
        tpu.enqueue_indirect_dma source(%arg16 : memref<48x128xf32, #tpu.memory_space<vmem>>) target(%dma_start3A_286 : memref<2568x128xf32, #tpu.memory_space<vmem_shared>>) offsets(%arg12 : memref<48xi32, #tpu.memory_space<vmem>>) semaphore(%run_scoped3A : memref<!tpu.dma_semaphore, #tpu.memory_space<semaphore_mem>>) {add = true}
        %dma_wait3A_287 = arith.constant 0 : i32
        %dma_wait3A_288 = arith.constant 0 : i32
        %dma_wait3A_289 = tpu.memref_slice %arg19[%dma_wait3A_287, %dma_wait3A_288] : memref<2568x128xf32, #tpu.memory_space<vmem_shared>> -> memref<2568x128xf32, #tpu.memory_space<vmem_shared>>
        tpu.wait_indirect_dma semaphore(%run_scoped3A : memref<!tpu.dma_semaphore, #tpu.memory_space<semaphore_mem>>) src(%arg16 : memref<48x128xf32, #tpu.memory_space<vmem>>) dst(%dma_wait3A_289 : memref<2568x128xf32, #tpu.memory_space<vmem_shared>>)
        tpu.yield
      }) : () -> ()
    }
    %scan3A_121 = arith.constant 250 : i32
    %barrier3A_122 = arith.constant 0 : index
    tpu.barrier barrier_id(%barrier3A_122)
    %mul3A_123 = arith.constant 160 : i32
    %mul3A_124 = arith.muli %arg1, %mul3A_123 : i32
    %add3A_125 = arith.constant 2560 : i32
    %add3A_126 = arith.addi %add3A_125, %mul3A_124 : i32
    "tpu.region"() ({
      %run_scoped3A = tpu.sem_alloc : memref<!tpu.dma_semaphore, #tpu.memory_space<semaphore_mem>>
      %dma_start3A = arith.constant 0 : i32
      %dma_start3A_204 = tpu.memref_slice %arg7[%arg0, %add3A_126, %dma_start3A] : memref<2x10240x128xf32, #tpu.memory_space<hbm>> -> memref<1x160x128xf32, #tpu.memory_space<hbm>>
      %dma_start3A_205 = tpu.memref_squeeze %dma_start3A_204 : memref<1x160x128xf32, #tpu.memory_space<hbm>> -> memref<160x128xf32, #tpu.memory_space<hbm>>
      %dma_start3A_206 = arith.constant 0 : i32
      %dma_start3A_207 = tpu.memref_slice %arg18[%mul3A_124, %dma_start3A_206] : memref<2568x128xf32, #tpu.memory_space<vmem_shared>> -> memref<160x128xf32, #tpu.memory_space<vmem_shared>>
      tpu.enqueue_dma source(%dma_start3A_207 : memref<160x128xf32, #tpu.memory_space<vmem_shared>>) target(%dma_start3A_205 : memref<160x128xf32, #tpu.memory_space<hbm>>) target_semaphore(%run_scoped3A : memref<!tpu.dma_semaphore, #tpu.memory_space<semaphore_mem>>)
      %dma_wait3A = arith.constant 0 : i32
      %dma_wait3A_208 = tpu.memref_slice %arg7[%arg0, %add3A_126, %dma_wait3A] : memref<2x10240x128xf32, #tpu.memory_space<hbm>> -> memref<1x160x128xf32, #tpu.memory_space<hbm>>
      %dma_wait3A_209 = tpu.memref_squeeze %dma_wait3A_208 : memref<1x160x128xf32, #tpu.memory_space<hbm>> -> memref<160x128xf32, #tpu.memory_space<hbm>>
      %dma_wait3A_210 = arith.constant 0 : i32
      %dma_wait3A_211 = tpu.memref_slice %arg18[%mul3A_124, %dma_wait3A_210] : memref<2568x128xf32, #tpu.memory_space<vmem_shared>> -> memref<160x128xf32, #tpu.memory_space<vmem_shared>>
      tpu.wait_dma2 semaphore(%run_scoped3A : memref<!tpu.dma_semaphore, #tpu.memory_space<semaphore_mem>>) src(%dma_wait3A_211 : memref<160x128xf32, #tpu.memory_space<vmem_shared>>) dst(%dma_wait3A_209 : memref<160x128xf32, #tpu.memory_space<hbm>>)
      tpu.yield
    }) : () -> ()
    %add3A_127 = arith.constant 2560 : i32
    %add3A_128 = arith.addi %add3A_127, %mul3A_124 : i32
    "tpu.region"() ({
      %run_scoped3A = tpu.sem_alloc : memref<!tpu.dma_semaphore, #tpu.memory_space<semaphore_mem>>
      %dma_start3A = arith.constant 0 : i32
      %dma_start3A_204 = tpu.memref_slice %arg8[%arg0, %add3A_128, %dma_start3A] : memref<2x10240x128xf32, #tpu.memory_space<hbm>> -> memref<1x160x128xf32, #tpu.memory_space<hbm>>
      %dma_start3A_205 = tpu.memref_squeeze %dma_start3A_204 : memref<1x160x128xf32, #tpu.memory_space<hbm>> -> memref<160x128xf32, #tpu.memory_space<hbm>>
      %dma_start3A_206 = arith.constant 0 : i32
      %dma_start3A_207 = tpu.memref_slice %arg19[%mul3A_124, %dma_start3A_206] : memref<2568x128xf32, #tpu.memory_space<vmem_shared>> -> memref<160x128xf32, #tpu.memory_space<vmem_shared>>
      tpu.enqueue_dma source(%dma_start3A_207 : memref<160x128xf32, #tpu.memory_space<vmem_shared>>) target(%dma_start3A_205 : memref<160x128xf32, #tpu.memory_space<hbm>>) target_semaphore(%run_scoped3A : memref<!tpu.dma_semaphore, #tpu.memory_space<semaphore_mem>>)
      %dma_wait3A = arith.constant 0 : i32
      %dma_wait3A_208 = tpu.memref_slice %arg8[%arg0, %add3A_128, %dma_wait3A] : memref<2x10240x128xf32, #tpu.memory_space<hbm>> -> memref<1x160x128xf32, #tpu.memory_space<hbm>>
      %dma_wait3A_209 = tpu.memref_squeeze %dma_wait3A_208 : memref<1x160x128xf32, #tpu.memory_space<hbm>> -> memref<160x128xf32, #tpu.memory_space<hbm>>
      %dma_wait3A_210 = arith.constant 0 : i32
      %dma_wait3A_211 = tpu.memref_slice %arg19[%mul3A_124, %dma_wait3A_210] : memref<2568x128xf32, #tpu.memory_space<vmem_shared>> -> memref<160x128xf32, #tpu.memory_space<vmem_shared>>
      tpu.wait_dma2 semaphore(%run_scoped3A : memref<!tpu.dma_semaphore, #tpu.memory_space<semaphore_mem>>) src(%dma_wait3A_211 : memref<160x128xf32, #tpu.memory_space<vmem_shared>>) dst(%dma_wait3A_209 : memref<160x128xf32, #tpu.memory_space<hbm>>)
      tpu.yield
    }) : () -> ()
    %barrier3A_129 = arith.constant 0 : index
    tpu.barrier barrier_id(%barrier3A_129)
    %scan3A_130 = arith.constant 0 : i32
    %scan3A_131 = arith.constant 48 : i32
    %scan3A_132 = arith.addi %scan3A_130, %scan3A_131 : i32
    %scan3A_133 = arith.constant 1 : i32
    scf.for %scan3A_204 = %scan3A_130 to %scan3A_132 step %scan3A_133  : i32 {
      %mul3A_205 = arith.constant 1 : i32
      %mul3A_206 = arith.muli %scan3A_204, %mul3A_205 : i32
      %add3A_207 = arith.constant 0 : i32
      %add3A_208 = arith.addi %add3A_207, %mul3A_206 : i32
      %swap3A_209 = arith.index_cast %add3A_208 : i32 to index
      %swap3A_210 = arith.constant 0 : index
      %swap3A_211 = tpu.vector_load %arg13[%swap3A_209, %swap3A_210] {strides = array<i32>} : memref<48x128xf32, #tpu.memory_space<vmem>>, vector<1x16xf32>,
      %swap3A_212 = vector.shape_cast %swap3A_211 : vector<1x16xf32> to vector<16xf32>
      %swap3A_213 = vector.shape_cast %broadcast_in_dim3A_1 : vector<16xf32> to vector<1x16xf32>
      tpu.vector_store %arg13[%swap3A_209, %swap3A_210], %swap3A_213 {strides = array<i32>} : memref<48x128xf32, #tpu.memory_space<vmem>>, vector<1x16xf32>,
      %swap3A_214 = arith.index_cast %add3A_208 : i32 to index
      %swap3A_215 = arith.constant 0 : index
      %swap3A_216 = tpu.vector_load %arg16[%swap3A_214, %swap3A_215] {strides = array<i32>} : memref<48x128xf32, #tpu.memory_space<vmem>>, vector<1x16xf32>,
      %swap3A_217 = vector.shape_cast %swap3A_216 : vector<1x16xf32> to vector<16xf32>
      %swap3A_218 = vector.shape_cast %broadcast_in_dim3A_1 : vector<16xf32> to vector<1x16xf32>
      tpu.vector_store %arg16[%swap3A_214, %swap3A_215], %swap3A_218 {strides = array<i32>} : memref<48x128xf32, #tpu.memory_space<vmem>>, vector<1x16xf32>,
      %swap3A_219 = arith.index_cast %add3A_208 : i32 to index
      %swap3A_220 = arith.constant 16 : index
      %swap3A_221 = tpu.vector_load %arg13[%swap3A_219, %swap3A_220] {strides = array<i32>} : memref<48x128xf32, #tpu.memory_space<vmem>>, vector<1x16xf32>,
      %swap3A_222 = vector.shape_cast %swap3A_221 : vector<1x16xf32> to vector<16xf32>
      %swap3A_223 = vector.shape_cast %broadcast_in_dim3A_1 : vector<16xf32> to vector<1x16xf32>
      tpu.vector_store %arg13[%swap3A_219, %swap3A_220], %swap3A_223 {strides = array<i32>} : memref<48x128xf32, #tpu.memory_space<vmem>>, vector<1x16xf32>,
      %swap3A_224 = arith.index_cast %add3A_208 : i32 to index
      %swap3A_225 = arith.constant 16 : index
      %swap3A_226 = tpu.vector_load %arg16[%swap3A_224, %swap3A_225] {strides = array<i32>} : memref<48x128xf32, #tpu.memory_space<vmem>>, vector<1x16xf32>,
      %swap3A_227 = vector.shape_cast %swap3A_226 : vector<1x16xf32> to vector<16xf32>
      %swap3A_228 = vector.shape_cast %broadcast_in_dim3A_1 : vector<16xf32> to vector<1x16xf32>
      tpu.vector_store %arg16[%swap3A_224, %swap3A_225], %swap3A_228 {strides = array<i32>} : memref<48x128xf32, #tpu.memory_space<vmem>>, vector<1x16xf32>,
      %swap3A_229 = arith.index_cast %add3A_208 : i32 to index
      %swap3A_230 = arith.constant 32 : index
      %swap3A_231 = tpu.vector_load %arg13[%swap3A_229, %swap3A_230] {strides = array<i32>} : memref<48x128xf32, #tpu.memory_space<vmem>>, vector<1x16xf32>,
      %swap3A_232 = vector.shape_cast %swap3A_231 : vector<1x16xf32> to vector<16xf32>
      %swap3A_233 = vector.shape_cast %broadcast_in_dim3A_1 : vector<16xf32> to vector<1x16xf32>
      tpu.vector_store %arg13[%swap3A_229, %swap3A_230], %swap3A_233 {strides = array<i32>} : memref<48x128xf32, #tpu.memory_space<vmem>>, vector<1x16xf32>,
      %swap3A_234 = arith.index_cast %add3A_208 : i32 to index
      %swap3A_235 = arith.constant 32 : index
      %swap3A_236 = tpu.vector_load %arg16[%swap3A_234, %swap3A_235] {strides = array<i32>} : memref<48x128xf32, #tpu.memory_space<vmem>>, vector<1x16xf32>,
      %swap3A_237 = vector.shape_cast %swap3A_236 : vector<1x16xf32> to vector<16xf32>
      %swap3A_238 = vector.shape_cast %broadcast_in_dim3A_1 : vector<16xf32> to vector<1x16xf32>
      tpu.vector_store %arg16[%swap3A_234, %swap3A_235], %swap3A_238 {strides = array<i32>} : memref<48x128xf32, #tpu.memory_space<vmem>>, vector<1x16xf32>,
      %swap3A_239 = arith.index_cast %add3A_208 : i32 to index
      %swap3A_240 = arith.constant 48 : index
      %swap3A_241 = tpu.vector_load %arg13[%swap3A_239, %swap3A_240] {strides = array<i32>} : memref<48x128xf32, #tpu.memory_space<vmem>>, vector<1x16xf32>,
      %swap3A_242 = vector.shape_cast %swap3A_241 : vector<1x16xf32> to vector<16xf32>
      %swap3A_243 = vector.shape_cast %broadcast_in_dim3A_1 : vector<16xf32> to vector<1x16xf32>
      tpu.vector_store %arg13[%swap3A_239, %swap3A_240], %swap3A_243 {strides = array<i32>} : memref<48x128xf32, #tpu.memory_space<vmem>>, vector<1x16xf32>,
      %swap3A_244 = arith.index_cast %add3A_208 : i32 to index
      %swap3A_245 = arith.constant 48 : index
      %swap3A_246 = tpu.vector_load %arg16[%swap3A_244, %swap3A_245] {strides = array<i32>} : memref<48x128xf32, #tpu.memory_space<vmem>>, vector<1x16xf32>,
      %swap3A_247 = vector.shape_cast %swap3A_246 : vector<1x16xf32> to vector<16xf32>
      %swap3A_248 = vector.shape_cast %broadcast_in_dim3A_1 : vector<16xf32> to vector<1x16xf32>
      tpu.vector_store %arg16[%swap3A_244, %swap3A_245], %swap3A_248 {strides = array<i32>} : memref<48x128xf32, #tpu.memory_space<vmem>>, vector<1x16xf32>,
      %swap3A_249 = arith.index_cast %add3A_208 : i32 to index
      %swap3A_250 = arith.constant 64 : index
      %swap3A_251 = tpu.vector_load %arg13[%swap3A_249, %swap3A_250] {strides = array<i32>} : memref<48x128xf32, #tpu.memory_space<vmem>>, vector<1x16xf32>,
      %swap3A_252 = vector.shape_cast %swap3A_251 : vector<1x16xf32> to vector<16xf32>
      %swap3A_253 = vector.shape_cast %broadcast_in_dim3A_1 : vector<16xf32> to vector<1x16xf32>
      tpu.vector_store %arg13[%swap3A_249, %swap3A_250], %swap3A_253 {strides = array<i32>} : memref<48x128xf32, #tpu.memory_space<vmem>>, vector<1x16xf32>,
      %swap3A_254 = arith.index_cast %add3A_208 : i32 to index
      %swap3A_255 = arith.constant 64 : index
      %swap3A_256 = tpu.vector_load %arg16[%swap3A_254, %swap3A_255] {strides = array<i32>} : memref<48x128xf32, #tpu.memory_space<vmem>>, vector<1x16xf32>,
      %swap3A_257 = vector.shape_cast %swap3A_256 : vector<1x16xf32> to vector<16xf32>
      %swap3A_258 = vector.shape_cast %broadcast_in_dim3A_1 : vector<16xf32> to vector<1x16xf32>
      tpu.vector_store %arg16[%swap3A_254, %swap3A_255], %swap3A_258 {strides = array<i32>} : memref<48x128xf32, #tpu.memory_space<vmem>>, vector<1x16xf32>,
      %swap3A_259 = arith.index_cast %add3A_208 : i32 to index
      %swap3A_260 = arith.constant 80 : index
      %swap3A_261 = tpu.vector_load %arg13[%swap3A_259, %swap3A_260] {strides = array<i32>} : memref<48x128xf32, #tpu.memory_space<vmem>>, vector<1x16xf32>,
      %swap3A_262 = vector.shape_cast %swap3A_261 : vector<1x16xf32> to vector<16xf32>
      %swap3A_263 = vector.shape_cast %broadcast_in_dim3A_1 : vector<16xf32> to vector<1x16xf32>
      tpu.vector_store %arg13[%swap3A_259, %swap3A_260], %swap3A_263 {strides = array<i32>} : memref<48x128xf32, #tpu.memory_space<vmem>>, vector<1x16xf32>,
      %swap3A_264 = arith.index_cast %add3A_208 : i32 to index
      %swap3A_265 = arith.constant 80 : index
      %swap3A_266 = tpu.vector_load %arg16[%swap3A_264, %swap3A_265] {strides = array<i32>} : memref<48x128xf32, #tpu.memory_space<vmem>>, vector<1x16xf32>,
      %swap3A_267 = vector.shape_cast %swap3A_266 : vector<1x16xf32> to vector<16xf32>
      %swap3A_268 = vector.shape_cast %broadcast_in_dim3A_1 : vector<16xf32> to vector<1x16xf32>
      tpu.vector_store %arg16[%swap3A_264, %swap3A_265], %swap3A_268 {strides = array<i32>} : memref<48x128xf32, #tpu.memory_space<vmem>>, vector<1x16xf32>,
      %swap3A_269 = arith.index_cast %add3A_208 : i32 to index
      %swap3A_270 = arith.constant 96 : index
      %swap3A_271 = tpu.vector_load %arg13[%swap3A_269, %swap3A_270] {strides = array<i32>} : memref<48x128xf32, #tpu.memory_space<vmem>>, vector<1x16xf32>,
      %swap3A_272 = vector.shape_cast %swap3A_271 : vector<1x16xf32> to vector<16xf32>
      %swap3A_273 = vector.shape_cast %broadcast_in_dim3A_1 : vector<16xf32> to vector<1x16xf32>
      tpu.vector_store %arg13[%swap3A_269, %swap3A_270], %swap3A_273 {strides = array<i32>} : memref<48x128xf32, #tpu.memory_space<vmem>>, vector<1x16xf32>,
      %swap3A_274 = arith.index_cast %add3A_208 : i32 to index
      %swap3A_275 = arith.constant 96 : index
      %swap3A_276 = tpu.vector_load %arg16[%swap3A_274, %swap3A_275] {strides = array<i32>} : memref<48x128xf32, #tpu.memory_space<vmem>>, vector<1x16xf32>,
      %swap3A_277 = vector.shape_cast %swap3A_276 : vector<1x16xf32> to vector<16xf32>
      %swap3A_278 = vector.shape_cast %broadcast_in_dim3A_1 : vector<16xf32> to vector<1x16xf32>
      tpu.vector_store %arg16[%swap3A_274, %swap3A_275], %swap3A_278 {strides = array<i32>} : memref<48x128xf32, #tpu.memory_space<vmem>>, vector<1x16xf32>,
      %swap3A_279 = arith.index_cast %add3A_208 : i32 to index
      %swap3A_280 = arith.constant 112 : index
      %swap3A_281 = tpu.vector_load %arg13[%swap3A_279, %swap3A_280] {strides = array<i32>} : memref<48x128xf32, #tpu.memory_space<vmem>>, vector<1x16xf32>,
      %swap3A_282 = vector.shape_cast %swap3A_281 : vector<1x16xf32> to vector<16xf32>
      %swap3A_283 = vector.shape_cast %broadcast_in_dim3A_1 : vector<16xf32> to vector<1x16xf32>
      tpu.vector_store %arg13[%swap3A_279, %swap3A_280], %swap3A_283 {strides = array<i32>} : memref<48x128xf32, #tpu.memory_space<vmem>>, vector<1x16xf32>,
      %swap3A_284 = arith.index_cast %add3A_208 : i32 to index
      %swap3A_285 = arith.constant 112 : index
      %swap3A_286 = tpu.vector_load %arg16[%swap3A_284, %swap3A_285] {strides = array<i32>} : memref<48x128xf32, #tpu.memory_space<vmem>>, vector<1x16xf32>,
      %swap3A_287 = vector.shape_cast %swap3A_286 : vector<1x16xf32> to vector<16xf32>
      %swap3A_288 = vector.shape_cast %broadcast_in_dim3A_1 : vector<16xf32> to vector<1x16xf32>
      tpu.vector_store %arg16[%swap3A_284, %swap3A_285], %swap3A_288 {strides = array<i32>} : memref<48x128xf32, #tpu.memory_space<vmem>>, vector<1x16xf32>,
      %swap3A_289 = arith.index_cast %add3A_208 : i32 to index
      %swap3A_290 = arith.constant 0 : index
      %swap3A_291 = tpu.vector_load %arg15[%swap3A_289, %swap3A_290] {strides = array<i32>} : memref<48x16xf32, #tpu.memory_space<vmem>>, vector<1x16xf32>,
      %swap3A_292 = vector.shape_cast %swap3A_291 : vector<1x16xf32> to vector<16xf32>
      %swap3A_293 = vector.shape_cast %broadcast_in_dim3A_1 : vector<16xf32> to vector<1x16xf32>
      tpu.vector_store %arg15[%swap3A_289, %swap3A_290], %swap3A_293 {strides = array<i32>} : memref<48x16xf32, #tpu.memory_space<vmem>>, vector<1x16xf32>,
    }
    %scan3A_134 = arith.constant 48 : i32
    %mul3A_135 = arith.constant 160 : i32
    %mul3A_136 = arith.muli %arg1, %mul3A_135 : i32
    %add3A_137 = arith.constant 0 : i32
    %add3A_138 = arith.addi %mul3A_136, %add3A_137 : i32
    "tpu.region"() ({
      %run_scoped3A = tpu.sem_alloc : memref<!tpu.dma_semaphore, #tpu.memory_space<semaphore_mem>>
      %dma_start3A = arith.constant 0 : i32
      %dma_start3A_204 = tpu.memref_slice %arg18[%add3A_138, %dma_start3A] : memref<2568x128xf32, #tpu.memory_space<vmem_shared>> -> memref<48x128xf32, #tpu.memory_space<vmem_shared>>
      %dma_start3A_205 = arith.constant 0 : i32
      %dma_start3A_206 = tpu.memref_slice %arg18[%add3A_138, %dma_start3A_205] : memref<2568x128xf32, #tpu.memory_space<vmem_shared>> -> memref<48x128xf32, #tpu.memory_space<vmem_shared>>
      tpu.enqueue_dma source(%arg13 : memref<48x128xf32, #tpu.memory_space<vmem>>) target(%dma_start3A_206 : memref<48x128xf32, #tpu.memory_space<vmem_shared>>) target_semaphore(%run_scoped3A : memref<!tpu.dma_semaphore, #tpu.memory_space<semaphore_mem>>)
      %dma_wait3A = arith.constant 0 : i32
      %dma_wait3A_207 = tpu.memref_slice %arg18[%add3A_138, %dma_wait3A] : memref<2568x128xf32, #tpu.memory_space<vmem_shared>> -> memref<48x128xf32, #tpu.memory_space<vmem_shared>>
      %dma_wait3A_208 = arith.constant 0 : i32
      %dma_wait3A_209 = tpu.memref_slice %arg18[%add3A_138, %dma_wait3A_208] : memref<2568x128xf32, #tpu.memory_space<vmem_shared>> -> memref<48x128xf32, #tpu.memory_space<vmem_shared>>
      tpu.wait_dma2 semaphore(%run_scoped3A : memref<!tpu.dma_semaphore, #tpu.memory_space<semaphore_mem>>) src(%arg13 : memref<48x128xf32, #tpu.memory_space<vmem>>) dst(%dma_wait3A_209 : memref<48x128xf32, #tpu.memory_space<vmem_shared>>)
      tpu.yield
    }) : () -> ()
    %add3A_139 = arith.constant 0 : i32
    %add3A_140 = arith.addi %mul3A_136, %add3A_139 : i32
    "tpu.region"() ({
      %run_scoped3A = tpu.sem_alloc : memref<!tpu.dma_semaphore, #tpu.memory_space<semaphore_mem>>
      %dma_start3A = arith.constant 0 : i32
      %dma_start3A_204 = tpu.memref_slice %arg19[%add3A_140, %dma_start3A] : memref<2568x128xf32, #tpu.memory_space<vmem_shared>> -> memref<48x128xf32, #tpu.memory_space<vmem_shared>>
      %dma_start3A_205 = arith.constant 0 : i32
      %dma_start3A_206 = tpu.memref_slice %arg19[%add3A_140, %dma_start3A_205] : memref<2568x128xf32, #tpu.memory_space<vmem_shared>> -> memref<48x128xf32, #tpu.memory_space<vmem_shared>>
      tpu.enqueue_dma source(%arg13 : memref<48x128xf32, #tpu.memory_space<vmem>>) target(%dma_start3A_206 : memref<48x128xf32, #tpu.memory_space<vmem_shared>>) target_semaphore(%run_scoped3A : memref<!tpu.dma_semaphore, #tpu.memory_space<semaphore_mem>>)
      %dma_wait3A = arith.constant 0 : i32
      %dma_wait3A_207 = tpu.memref_slice %arg19[%add3A_140, %dma_wait3A] : memref<2568x128xf32, #tpu.memory_space<vmem_shared>> -> memref<48x128xf32, #tpu.memory_space<vmem_shared>>
      %dma_wait3A_208 = arith.constant 0 : i32
      %dma_wait3A_209 = tpu.memref_slice %arg19[%add3A_140, %dma_wait3A_208] : memref<2568x128xf32, #tpu.memory_space<vmem_shared>> -> memref<48x128xf32, #tpu.memory_space<vmem_shared>>
      tpu.wait_dma2 semaphore(%run_scoped3A : memref<!tpu.dma_semaphore, #tpu.memory_space<semaphore_mem>>) src(%arg13 : memref<48x128xf32, #tpu.memory_space<vmem>>) dst(%dma_wait3A_209 : memref<48x128xf32, #tpu.memory_space<vmem_shared>>)
      tpu.yield
    }) : () -> ()
    %add3A_141 = arith.constant 48 : i32
    %add3A_142 = arith.addi %mul3A_136, %add3A_141 : i32
    "tpu.region"() ({
      %run_scoped3A = tpu.sem_alloc : memref<!tpu.dma_semaphore, #tpu.memory_space<semaphore_mem>>
      %dma_start3A = arith.constant 0 : i32
      %dma_start3A_204 = tpu.memref_slice %arg18[%add3A_142, %dma_start3A] : memref<2568x128xf32, #tpu.memory_space<vmem_shared>> -> memref<48x128xf32, #tpu.memory_space<vmem_shared>>
      %dma_start3A_205 = arith.constant 0 : i32
      %dma_start3A_206 = tpu.memref_slice %arg18[%add3A_142, %dma_start3A_205] : memref<2568x128xf32, #tpu.memory_space<vmem_shared>> -> memref<48x128xf32, #tpu.memory_space<vmem_shared>>
      tpu.enqueue_dma source(%arg13 : memref<48x128xf32, #tpu.memory_space<vmem>>) target(%dma_start3A_206 : memref<48x128xf32, #tpu.memory_space<vmem_shared>>) target_semaphore(%run_scoped3A : memref<!tpu.dma_semaphore, #tpu.memory_space<semaphore_mem>>)
      %dma_wait3A = arith.constant 0 : i32
      %dma_wait3A_207 = tpu.memref_slice %arg18[%add3A_142, %dma_wait3A] : memref<2568x128xf32, #tpu.memory_space<vmem_shared>> -> memref<48x128xf32, #tpu.memory_space<vmem_shared>>
      %dma_wait3A_208 = arith.constant 0 : i32
      %dma_wait3A_209 = tpu.memref_slice %arg18[%add3A_142, %dma_wait3A_208] : memref<2568x128xf32, #tpu.memory_space<vmem_shared>> -> memref<48x128xf32, #tpu.memory_space<vmem_shared>>
      tpu.wait_dma2 semaphore(%run_scoped3A : memref<!tpu.dma_semaphore, #tpu.memory_space<semaphore_mem>>) src(%arg13 : memref<48x128xf32, #tpu.memory_space<vmem>>) dst(%dma_wait3A_209 : memref<48x128xf32, #tpu.memory_space<vmem_shared>>)
      tpu.yield
    }) : () -> ()
    %add3A_143 = arith.constant 48 : i32
    %add3A_144 = arith.addi %mul3A_136, %add3A_143 : i32
    "tpu.region"() ({
      %run_scoped3A = tpu.sem_alloc : memref<!tpu.dma_semaphore, #tpu.memory_space<semaphore_mem>>
      %dma_start3A = arith.constant 0 : i32
      %dma_start3A_204 = tpu.memref_slice %arg19[%add3A_144, %dma_start3A] : memref<2568x128xf32, #tpu.memory_space<vmem_shared>> -> memref<48x128xf32, #tpu.memory_space<vmem_shared>>
      %dma_start3A_205 = arith.constant 0 : i32
      %dma_start3A_206 = tpu.memref_slice %arg19[%add3A_144, %dma_start3A_205] : memref<2568x128xf32, #tpu.memory_space<vmem_shared>> -> memref<48x128xf32, #tpu.memory_space<vmem_shared>>
      tpu.enqueue_dma source(%arg13 : memref<48x128xf32, #tpu.memory_space<vmem>>) target(%dma_start3A_206 : memref<48x128xf32, #tpu.memory_space<vmem_shared>>) target_semaphore(%run_scoped3A : memref<!tpu.dma_semaphore, #tpu.memory_space<semaphore_mem>>)
      %dma_wait3A = arith.constant 0 : i32
      %dma_wait3A_207 = tpu.memref_slice %arg19[%add3A_144, %dma_wait3A] : memref<2568x128xf32, #tpu.memory_space<vmem_shared>> -> memref<48x128xf32, #tpu.memory_space<vmem_shared>>
      %dma_wait3A_208 = arith.constant 0 : i32
      %dma_wait3A_209 = tpu.memref_slice %arg19[%add3A_144, %dma_wait3A_208] : memref<2568x128xf32, #tpu.memory_space<vmem_shared>> -> memref<48x128xf32, #tpu.memory_space<vmem_shared>>
      tpu.wait_dma2 semaphore(%run_scoped3A : memref<!tpu.dma_semaphore, #tpu.memory_space<semaphore_mem>>) src(%arg13 : memref<48x128xf32, #tpu.memory_space<vmem>>) dst(%dma_wait3A_209 : memref<48x128xf32, #tpu.memory_space<vmem_shared>>)
      tpu.yield
    }) : () -> ()
    %add3A_145 = arith.constant 96 : i32
    %add3A_146 = arith.addi %mul3A_136, %add3A_145 : i32
    "tpu.region"() ({
      %run_scoped3A = tpu.sem_alloc : memref<!tpu.dma_semaphore, #tpu.memory_space<semaphore_mem>>
      %dma_start3A = arith.constant 0 : i32
      %dma_start3A_204 = tpu.memref_slice %arg18[%add3A_146, %dma_start3A] : memref<2568x128xf32, #tpu.memory_space<vmem_shared>> -> memref<48x128xf32, #tpu.memory_space<vmem_shared>>
      %dma_start3A_205 = arith.constant 0 : i32
      %dma_start3A_206 = tpu.memref_slice %arg18[%add3A_146, %dma_start3A_205] : memref<2568x128xf32, #tpu.memory_space<vmem_shared>> -> memref<48x128xf32, #tpu.memory_space<vmem_shared>>
      tpu.enqueue_dma source(%arg13 : memref<48x128xf32, #tpu.memory_space<vmem>>) target(%dma_start3A_206 : memref<48x128xf32, #tpu.memory_space<vmem_shared>>) target_semaphore(%run_scoped3A : memref<!tpu.dma_semaphore, #tpu.memory_space<semaphore_mem>>)
      %dma_wait3A = arith.constant 0 : i32
      %dma_wait3A_207 = tpu.memref_slice %arg18[%add3A_146, %dma_wait3A] : memref<2568x128xf32, #tpu.memory_space<vmem_shared>> -> memref<48x128xf32, #tpu.memory_space<vmem_shared>>
      %dma_wait3A_208 = arith.constant 0 : i32
      %dma_wait3A_209 = tpu.memref_slice %arg18[%add3A_146, %dma_wait3A_208] : memref<2568x128xf32, #tpu.memory_space<vmem_shared>> -> memref<48x128xf32, #tpu.memory_space<vmem_shared>>
      tpu.wait_dma2 semaphore(%run_scoped3A : memref<!tpu.dma_semaphore, #tpu.memory_space<semaphore_mem>>) src(%arg13 : memref<48x128xf32, #tpu.memory_space<vmem>>) dst(%dma_wait3A_209 : memref<48x128xf32, #tpu.memory_space<vmem_shared>>)
      tpu.yield
    }) : () -> ()
    %add3A_147 = arith.constant 96 : i32
    %add3A_148 = arith.addi %mul3A_136, %add3A_147 : i32
    "tpu.region"() ({
      %run_scoped3A = tpu.sem_alloc : memref<!tpu.dma_semaphore, #tpu.memory_space<semaphore_mem>>
      %dma_start3A = arith.constant 0 : i32
      %dma_start3A_204 = tpu.memref_slice %arg19[%add3A_148, %dma_start3A] : memref<2568x128xf32, #tpu.memory_space<vmem_shared>> -> memref<48x128xf32, #tpu.memory_space<vmem_shared>>
      %dma_start3A_205 = arith.constant 0 : i32
      %dma_start3A_206 = tpu.memref_slice %arg19[%add3A_148, %dma_start3A_205] : memref<2568x128xf32, #tpu.memory_space<vmem_shared>> -> memref<48x128xf32, #tpu.memory_space<vmem_shared>>
      tpu.enqueue_dma source(%arg13 : memref<48x128xf32, #tpu.memory_space<vmem>>) target(%dma_start3A_206 : memref<48x128xf32, #tpu.memory_space<vmem_shared>>) target_semaphore(%run_scoped3A : memref<!tpu.dma_semaphore, #tpu.memory_space<semaphore_mem>>)
      %dma_wait3A = arith.constant 0 : i32
      %dma_wait3A_207 = tpu.memref_slice %arg19[%add3A_148, %dma_wait3A] : memref<2568x128xf32, #tpu.memory_space<vmem_shared>> -> memref<48x128xf32, #tpu.memory_space<vmem_shared>>
      %dma_wait3A_208 = arith.constant 0 : i32
      %dma_wait3A_209 = tpu.memref_slice %arg19[%add3A_148, %dma_wait3A_208] : memref<2568x128xf32, #tpu.memory_space<vmem_shared>> -> memref<48x128xf32, #tpu.memory_space<vmem_shared>>
      tpu.wait_dma2 semaphore(%run_scoped3A : memref<!tpu.dma_semaphore, #tpu.memory_space<semaphore_mem>>) src(%arg13 : memref<48x128xf32, #tpu.memory_space<vmem>>) dst(%dma_wait3A_209 : memref<48x128xf32, #tpu.memory_space<vmem_shared>>)
      tpu.yield
    }) : () -> ()
    %add3A_149 = arith.constant 144 : i32
    %add3A_150 = arith.addi %mul3A_136, %add3A_149 : i32
    "tpu.region"() ({
      %run_scoped3A = tpu.sem_alloc : memref<!tpu.dma_semaphore, #tpu.memory_space<semaphore_mem>>
      %dma_start3A = arith.constant 0 : i32
      %dma_start3A_204 = arith.constant 0 : i32
      %dma_start3A_205 = tpu.memref_slice %arg13[%dma_start3A, %dma_start3A_204] : memref<48x128xf32, #tpu.memory_space<vmem>> -> memref<16x128xf32, #tpu.memory_space<vmem>>
      %dma_start3A_206 = arith.constant 0 : i32
      %dma_start3A_207 = tpu.memref_slice %arg18[%add3A_150, %dma_start3A_206] : memref<2568x128xf32, #tpu.memory_space<vmem_shared>> -> memref<16x128xf32, #tpu.memory_space<vmem_shared>>
      %dma_start3A_208 = arith.constant 0 : i32
      %dma_start3A_209 = tpu.memref_slice %arg18[%add3A_150, %dma_start3A_208] : memref<2568x128xf32, #tpu.memory_space<vmem_shared>> -> memref<16x128xf32, #tpu.memory_space<vmem_shared>>
      %dma_start3A_210 = arith.constant 0 : i32
      %dma_start3A_211 = arith.constant 0 : i32
      %dma_start3A_212 = tpu.memref_slice %arg13[%dma_start3A_210, %dma_start3A_211] : memref<48x128xf32, #tpu.memory_space<vmem>> -> memref<16x128xf32, #tpu.memory_space<vmem>>
      tpu.enqueue_dma source(%dma_start3A_212 : memref<16x128xf32, #tpu.memory_space<vmem>>) target(%dma_start3A_209 : memref<16x128xf32, #tpu.memory_space<vmem_shared>>) target_semaphore(%run_scoped3A : memref<!tpu.dma_semaphore, #tpu.memory_space<semaphore_mem>>)
      %dma_wait3A = arith.constant 0 : i32
      %dma_wait3A_213 = arith.constant 0 : i32
      %dma_wait3A_214 = tpu.memref_slice %arg13[%dma_wait3A, %dma_wait3A_213] : memref<48x128xf32, #tpu.memory_space<vmem>> -> memref<16x128xf32, #tpu.memory_space<vmem>>
      %dma_wait3A_215 = arith.constant 0 : i32
      %dma_wait3A_216 = tpu.memref_slice %arg18[%add3A_150, %dma_wait3A_215] : memref<2568x128xf32, #tpu.memory_space<vmem_shared>> -> memref<16x128xf32, #tpu.memory_space<vmem_shared>>
      %dma_wait3A_217 = arith.constant 0 : i32
      %dma_wait3A_218 = tpu.memref_slice %arg18[%add3A_150, %dma_wait3A_217] : memref<2568x128xf32, #tpu.memory_space<vmem_shared>> -> memref<16x128xf32, #tpu.memory_space<vmem_shared>>
      %dma_wait3A_219 = arith.constant 0 : i32
      %dma_wait3A_220 = arith.constant 0 : i32
      %dma_wait3A_221 = tpu.memref_slice %arg13[%dma_wait3A_219, %dma_wait3A_220] : memref<48x128xf32, #tpu.memory_space<vmem>> -> memref<16x128xf32, #tpu.memory_space<vmem>>
      tpu.wait_dma2 semaphore(%run_scoped3A : memref<!tpu.dma_semaphore, #tpu.memory_space<semaphore_mem>>) src(%dma_wait3A_221 : memref<16x128xf32, #tpu.memory_space<vmem>>) dst(%dma_wait3A_218 : memref<16x128xf32, #tpu.memory_space<vmem_shared>>)
      tpu.yield
    }) : () -> ()
    %add3A_151 = arith.constant 144 : i32
    %add3A_152 = arith.addi %mul3A_136, %add3A_151 : i32
    "tpu.region"() ({
      %run_scoped3A = tpu.sem_alloc : memref<!tpu.dma_semaphore, #tpu.memory_space<semaphore_mem>>
      %dma_start3A = arith.constant 0 : i32
      %dma_start3A_204 = arith.constant 0 : i32
      %dma_start3A_205 = tpu.memref_slice %arg13[%dma_start3A, %dma_start3A_204] : memref<48x128xf32, #tpu.memory_space<vmem>> -> memref<16x128xf32, #tpu.memory_space<vmem>>
      %dma_start3A_206 = arith.constant 0 : i32
      %dma_start3A_207 = tpu.memref_slice %arg19[%add3A_152, %dma_start3A_206] : memref<2568x128xf32, #tpu.memory_space<vmem_shared>> -> memref<16x128xf32, #tpu.memory_space<vmem_shared>>
      %dma_start3A_208 = arith.constant 0 : i32
      %dma_start3A_209 = tpu.memref_slice %arg19[%add3A_152, %dma_start3A_208] : memref<2568x128xf32, #tpu.memory_space<vmem_shared>> -> memref<16x128xf32, #tpu.memory_space<vmem_shared>>
      %dma_start3A_210 = arith.constant 0 : i32
      %dma_start3A_211 = arith.constant 0 : i32
      %dma_start3A_212 = tpu.memref_slice %arg13[%dma_start3A_210, %dma_start3A_211] : memref<48x128xf32, #tpu.memory_space<vmem>> -> memref<16x128xf32, #tpu.memory_space<vmem>>
      tpu.enqueue_dma source(%dma_start3A_212 : memref<16x128xf32, #tpu.memory_space<vmem>>) target(%dma_start3A_209 : memref<16x128xf32, #tpu.memory_space<vmem_shared>>) target_semaphore(%run_scoped3A : memref<!tpu.dma_semaphore, #tpu.memory_space<semaphore_mem>>)
      %dma_wait3A = arith.constant 0 : i32
      %dma_wait3A_213 = arith.constant 0 : i32
      %dma_wait3A_214 = tpu.memref_slice %arg13[%dma_wait3A, %dma_wait3A_213] : memref<48x128xf32, #tpu.memory_space<vmem>> -> memref<16x128xf32, #tpu.memory_space<vmem>>
      %dma_wait3A_215 = arith.constant 0 : i32
      %dma_wait3A_216 = tpu.memref_slice %arg19[%add3A_152, %dma_wait3A_215] : memref<2568x128xf32, #tpu.memory_space<vmem_shared>> -> memref<16x128xf32, #tpu.memory_space<vmem_shared>>
      %dma_wait3A_217 = arith.constant 0 : i32
      %dma_wait3A_218 = tpu.memref_slice %arg19[%add3A_152, %dma_wait3A_217] : memref<2568x128xf32, #tpu.memory_space<vmem_shared>> -> memref<16x128xf32, #tpu.memory_space<vmem_shared>>
      %dma_wait3A_219 = arith.constant 0 : i32
      %dma_wait3A_220 = arith.constant 0 : i32
      %dma_wait3A_221 = tpu.memref_slice %arg13[%dma_wait3A_219, %dma_wait3A_220] : memref<48x128xf32, #tpu.memory_space<vmem>> -> memref<16x128xf32, #tpu.memory_space<vmem>>
      tpu.wait_dma2 semaphore(%run_scoped3A : memref<!tpu.dma_semaphore, #tpu.memory_space<semaphore_mem>>) src(%dma_wait3A_221 : memref<16x128xf32, #tpu.memory_space<vmem>>) dst(%dma_wait3A_218 : memref<16x128xf32, #tpu.memory_space<vmem_shared>>)
      tpu.yield
    }) : () -> ()
    %barrier3A_153 = arith.constant 0 : index
    tpu.barrier barrier_id(%barrier3A_153)
    %scan3A_154 = arith.constant 0 : i32
    %scan3A_155 = arith.constant 250 : i32
    %scan3A_156 = arith.addi %scan3A_154, %scan3A_155 : i32
    %scan3A_157 = arith.constant 1 : i32
    scf.for %scan3A_204 = %scan3A_154 to %scan3A_156 step %scan3A_157  : i32 {
      %mul3A_205 = arith.constant 1 : i32
      %mul3A_206 = arith.muli %scan3A_204, %mul3A_205 : i32
      %add3A_207 = arith.constant 0 : i32
      %add3A_208 = arith.addi %add3A_207, %mul3A_206 : i32
      %mul3A_209 = arith.constant 1280 : i32
      %mul3A_210 = arith.muli %add3A_208, %mul3A_209 : i32
      %mul3A_211 = arith.constant 40 : i32
      %mul3A_212 = arith.muli %add3A, %mul3A_211 : i32
      %add3A_213 = arith.addi %mul3A_210, %mul3A_212 : i32
      "tpu.region"() ({
        %run_scoped3A = tpu.sem_alloc : memref<!tpu.dma_semaphore, #tpu.memory_space<semaphore_mem>>
        %dma_start3A_284 = arith.constant 0 : i32
        %dma_start3A_285 = tpu.memref_slice %arg10[%dma_start3A_284] : memref<48xi32, #tpu.memory_space<vmem>> -> memref<40xi32, #tpu.memory_space<vmem>>
        %dma_start3A_286 = tpu.memref_slice %arg4[%add3A_213] : memref<320000xi32, #tpu.memory_space<hbm>> -> memref<40xi32, #tpu.memory_space<hbm>>
        %dma_start3A_287 = arith.constant 0 : i32
        %dma_start3A_288 = tpu.memref_slice %arg10[%dma_start3A_287] : memref<48xi32, #tpu.memory_space<vmem>> -> memref<40xi32, #tpu.memory_space<vmem>>
        %dma_start3A_289 = tpu.memref_slice %arg4[%add3A_213] : memref<320000xi32, #tpu.memory_space<hbm>> -> memref<40xi32, #tpu.memory_space<hbm>>
        tpu.enqueue_dma source(%dma_start3A_289 : memref<40xi32, #tpu.memory_space<hbm>>) target(%dma_start3A_288 : memref<40xi32, #tpu.memory_space<vmem>>) target_semaphore(%run_scoped3A : memref<!tpu.dma_semaphore, #tpu.memory_space<semaphore_mem>>)
        %dma_wait3A_290 = arith.constant 0 : i32
        %dma_wait3A_291 = tpu.memref_slice %arg10[%dma_wait3A_290] : memref<48xi32, #tpu.memory_space<vmem>> -> memref<40xi32, #tpu.memory_space<vmem>>
        %dma_wait3A_292 = tpu.memref_slice %arg4[%add3A_213] : memref<320000xi32, #tpu.memory_space<hbm>> -> memref<40xi32, #tpu.memory_space<hbm>>
        %dma_wait3A_293 = arith.constant 0 : i32
        %dma_wait3A_294 = tpu.memref_slice %arg10[%dma_wait3A_293] : memref<48xi32, #tpu.memory_space<vmem>> -> memref<40xi32, #tpu.memory_space<vmem>>
        %dma_wait3A_295 = tpu.memref_slice %arg4[%add3A_213] : memref<320000xi32, #tpu.memory_space<hbm>> -> memref<40xi32, #tpu.memory_space<hbm>>
        tpu.wait_dma2 semaphore(%run_scoped3A : memref<!tpu.dma_semaphore, #tpu.memory_space<semaphore_mem>>) src(%dma_wait3A_295 : memref<40xi32, #tpu.memory_space<hbm>>) dst(%dma_wait3A_294 : memref<40xi32, #tpu.memory_space<vmem>>)
        tpu.yield
      }) : () -> ()
      "tpu.region"() ({
        %run_scoped3A = tpu.sem_alloc : memref<!tpu.dma_semaphore, #tpu.memory_space<semaphore_mem>>
        %dma_start3A_284 = arith.constant 0 : i32
        %dma_start3A_285 = tpu.memref_slice %arg11[%dma_start3A_284] : memref<48xi32, #tpu.memory_space<vmem>> -> memref<40xi32, #tpu.memory_space<vmem>>
        %dma_start3A_286 = tpu.memref_slice %arg5[%add3A_213] : memref<320000xi32, #tpu.memory_space<hbm>> -> memref<40xi32, #tpu.memory_space<hbm>>
        %dma_start3A_287 = arith.constant 0 : i32
        %dma_start3A_288 = tpu.memref_slice %arg11[%dma_start3A_287] : memref<48xi32, #tpu.memory_space<vmem>> -> memref<40xi32, #tpu.memory_space<vmem>>
        %dma_start3A_289 = tpu.memref_slice %arg5[%add3A_213] : memref<320000xi32, #tpu.memory_space<hbm>> -> memref<40xi32, #tpu.memory_space<hbm>>
        tpu.enqueue_dma source(%dma_start3A_289 : memref<40xi32, #tpu.memory_space<hbm>>) target(%dma_start3A_288 : memref<40xi32, #tpu.memory_space<vmem>>) target_semaphore(%run_scoped3A : memref<!tpu.dma_semaphore, #tpu.memory_space<semaphore_mem>>)
        %dma_wait3A_290 = arith.constant 0 : i32
        %dma_wait3A_291 = tpu.memref_slice %arg11[%dma_wait3A_290] : memref<48xi32, #tpu.memory_space<vmem>> -> memref<40xi32, #tpu.memory_space<vmem>>
        %dma_wait3A_292 = tpu.memref_slice %arg5[%add3A_213] : memref<320000xi32, #tpu.memory_space<hbm>> -> memref<40xi32, #tpu.memory_space<hbm>>
        %dma_wait3A_293 = arith.constant 0 : i32
        %dma_wait3A_294 = tpu.memref_slice %arg11[%dma_wait3A_293] : memref<48xi32, #tpu.memory_space<vmem>> -> memref<40xi32, #tpu.memory_space<vmem>>
        %dma_wait3A_295 = tpu.memref_slice %arg5[%add3A_213] : memref<320000xi32, #tpu.memory_space<hbm>> -> memref<40xi32, #tpu.memory_space<hbm>>
        tpu.wait_dma2 semaphore(%run_scoped3A : memref<!tpu.dma_semaphore, #tpu.memory_space<semaphore_mem>>) src(%dma_wait3A_295 : memref<40xi32, #tpu.memory_space<hbm>>) dst(%dma_wait3A_294 : memref<40xi32, #tpu.memory_space<vmem>>)
        tpu.yield
      }) : () -> ()
      %dma_start3A = arith.constant 0 : i32
      %dma_start3A_214 = arith.constant 0 : i32
      %dma_start3A_215 = tpu.memref_slice %arg3[%dma_start3A, %dma_start3A_214] : memref<10000x128xf32, #tpu.memory_space<hbm>> -> memref<10000x128xf32, #tpu.memory_space<hbm>>
      tpu.enqueue_indirect_dma source(%dma_start3A_215 : memref<10000x128xf32, #tpu.memory_space<hbm>>) target(%arg14 : memref<48x128xf32, #tpu.memory_space<vmem>>) offsets(%arg10 : memref<48xi32, #tpu.memory_space<vmem>>) semaphore(%arg21 : memref<!tpu.dma_semaphore, #tpu.memory_space<semaphore_mem>>)
      "tpu.region"() ({
        %run_scoped3A = tpu.sem_alloc : memref<!tpu.dma_semaphore, #tpu.memory_space<semaphore_mem>>
        %dma_start3A_284 = arith.constant 0 : i32
        %dma_start3A_285 = arith.constant 0 : i32
        %dma_start3A_286 = tpu.memref_slice %arg15[%dma_start3A_284, %dma_start3A_285] : memref<48x16xf32, #tpu.memory_space<vmem>> -> memref<40x16xf32, #tpu.memory_space<vmem>>
        %dma_start3A_287 = arith.constant 0 : i32
        %dma_start3A_288 = tpu.memref_slice %arg9[%add3A_213, %dma_start3A_287] : memref<320000x16xf32, #tpu.memory_space<hbm>> -> memref<40x16xf32, #tpu.memory_space<hbm>>
        %dma_start3A_289 = arith.constant 0 : i32
        %dma_start3A_290 = arith.constant 0 : i32
        %dma_start3A_291 = tpu.memref_slice %arg15[%dma_start3A_289, %dma_start3A_290] : memref<48x16xf32, #tpu.memory_space<vmem>> -> memref<40x16xf32, #tpu.memory_space<vmem>>
        %dma_start3A_292 = arith.constant 0 : i32
        %dma_start3A_293 = tpu.memref_slice %arg9[%add3A_213, %dma_start3A_292] : memref<320000x16xf32, #tpu.memory_space<hbm>> -> memref<40x16xf32, #tpu.memory_space<hbm>>
        tpu.enqueue_dma source(%dma_start3A_293 : memref<40x16xf32, #tpu.memory_space<hbm>>) target(%dma_start3A_291 : memref<40x16xf32, #tpu.memory_space<vmem>>) target_semaphore(%run_scoped3A : memref<!tpu.dma_semaphore, #tpu.memory_space<semaphore_mem>>)
        %dma_wait3A_294 = arith.constant 0 : i32
        %dma_wait3A_295 = arith.constant 0 : i32
        %dma_wait3A_296 = tpu.memref_slice %arg15[%dma_wait3A_294, %dma_wait3A_295] : memref<48x16xf32, #tpu.memory_space<vmem>> -> memref<40x16xf32, #tpu.memory_space<vmem>>
        %dma_wait3A_297 = arith.constant 0 : i32
        %dma_wait3A_298 = tpu.memref_slice %arg9[%add3A_213, %dma_wait3A_297] : memref<320000x16xf32, #tpu.memory_space<hbm>> -> memref<40x16xf32, #tpu.memory_space<hbm>>
        %dma_wait3A_299 = arith.constant 0 : i32
        %dma_wait3A_300 = arith.constant 0 : i32
        %dma_wait3A_301 = tpu.memref_slice %arg15[%dma_wait3A_299, %dma_wait3A_300] : memref<48x16xf32, #tpu.memory_space<vmem>> -> memref<40x16xf32, #tpu.memory_space<vmem>>
        %dma_wait3A_302 = arith.constant 0 : i32
        %dma_wait3A_303 = tpu.memref_slice %arg9[%add3A_213, %dma_wait3A_302] : memref<320000x16xf32, #tpu.memory_space<hbm>> -> memref<40x16xf32, #tpu.memory_space<hbm>>
        tpu.wait_dma2 semaphore(%run_scoped3A : memref<!tpu.dma_semaphore, #tpu.memory_space<semaphore_mem>>) src(%dma_wait3A_303 : memref<40x16xf32, #tpu.memory_space<hbm>>) dst(%dma_wait3A_301 : memref<40x16xf32, #tpu.memory_space<vmem>>)
        tpu.yield
      }) : () -> ()
      %dma_wait3A = arith.constant 0 : i32
      %dma_wait3A_216 = arith.constant 0 : i32
      %dma_wait3A_217 = tpu.memref_slice %arg3[%dma_wait3A, %dma_wait3A_216] : memref<10000x128xf32, #tpu.memory_space<hbm>> -> memref<10000x128xf32, #tpu.memory_space<hbm>>
      tpu.wait_indirect_dma semaphore(%arg21 : memref<!tpu.dma_semaphore, #tpu.memory_space<semaphore_mem>>) src(%dma_wait3A_217 : memref<10000x128xf32, #tpu.memory_space<hbm>>) dst(%arg14 : memref<48x128xf32, #tpu.memory_space<vmem>>)
      %scan3A_218 = arith.constant 0 : i32
      %scan3A_219 = arith.constant 40 : i32
      %scan3A_220 = arith.addi %scan3A_218, %scan3A_219 : i32
      %scan3A_221 = arith.constant 1 : i32
      scf.for %scan3A_284 = %scan3A_218 to %scan3A_220 step %scan3A_221  : i32 {
        %mul3A_285 = arith.constant 1 : i32
        %mul3A_286 = arith.muli %scan3A_284, %mul3A_285 : i32
        %add3A_287 = arith.constant 0 : i32
        %add3A_288 = arith.addi %add3A_287, %mul3A_286 : i32
        %get3A_289 = arith.index_cast %add3A_288 : i32 to index
        %get3A_290 = arith.constant 0 : index
        %get3A_291 = tpu.vector_load %arg15[%get3A_289, %get3A_290] {strides = array<i32>} : memref<48x16xf32, #tpu.memory_space<vmem>>, vector<1x16xf32>,
        %get3A_292 = vector.shape_cast %get3A_291 : vector<1x16xf32> to vector<16xf32>
        %swap3A_293 = arith.index_cast %add3A_288 : i32 to index
        %swap3A_294 = arith.constant 0 : index
        %swap3A_295 = tpu.vector_load %arg16[%swap3A_293, %swap3A_294] {strides = array<i32>} : memref<48x128xf32, #tpu.memory_space<vmem>>, vector<1x16xf32>,
        %swap3A_296 = vector.shape_cast %swap3A_295 : vector<1x16xf32> to vector<16xf32>
        %swap3A_297 = vector.shape_cast %get3A_292 : vector<16xf32> to vector<1x16xf32>
        tpu.vector_store %arg16[%swap3A_293, %swap3A_294], %swap3A_297 {strides = array<i32>} : memref<48x128xf32, #tpu.memory_space<vmem>>, vector<1x16xf32>,
        %broadcast_in_dim3A_298 = arith.constant 0 : i32
        %broadcast_in_dim3A_299 = vector.broadcast %broadcast_in_dim3A_298 : i32 to vector<16xi32>
        %lt3A_300 = arith.constant 0 : i32
        %lt3A_301 = vector.broadcast %lt3A_300 : i32 to vector<16xi32>
        %lt3A_302 = arith.cmpi slt, %broadcast_in_dim3A_299, %lt3A_301 : vector<16xi32>
        %add3A_303 = arith.constant 16 : i32
        %add3A_304 = vector.broadcast %add3A_303 : i32 to vector<16xi32>
        %add3A_305 = arith.addi %broadcast_in_dim3A_299, %add3A_304 : vector<16xi32>
        %select_n3A_306 = arith.select %lt3A_302, %add3A_305, %broadcast_in_dim3A_299 : vector<16xi1>, vector<16xi32>
        %broadcast_in_dim3A_307 = vector.shape_cast %select_n3A_306 : vector<16xi32> to vector<16x1xi32>
        %gather3A = vector.shape_cast %broadcast_in_dim3A_307 : vector<16x1xi32> to vector<16xi32>
        %gather3A_308 = tpu.dynamic_gather %get3A_292[%gather3A] in [0] : vector<16xf32>, vector<16xi32> -> vector<16xf32>
        %get3A_309 = arith.index_cast %add3A_288 : i32 to index
        %get3A_310 = arith.constant 0 : index
        %get3A_311 = tpu.vector_load %arg14[%get3A_309, %get3A_310] {strides = array<i32>} : memref<48x128xf32, #tpu.memory_space<vmem>>, vector<1x16xf32>,
        %get3A_312 = vector.shape_cast %get3A_311 : vector<1x16xf32> to vector<16xf32>
        %mul3A_313 = arith.mulf %get3A_312, %gather3A_308 : vector<16xf32>
        %swap3A_314 = arith.index_cast %add3A_288 : i32 to index
        %swap3A_315 = arith.constant 0 : index
        %swap3A_316 = tpu.vector_load %arg14[%swap3A_314, %swap3A_315] {strides = array<i32>} : memref<48x128xf32, #tpu.memory_space<vmem>>, vector<1x16xf32>,
        %swap3A_317 = vector.shape_cast %swap3A_316 : vector<1x16xf32> to vector<16xf32>
        %swap3A_318 = vector.shape_cast %mul3A_313 : vector<16xf32> to vector<1x16xf32>
        tpu.vector_store %arg14[%swap3A_314, %swap3A_315], %swap3A_318 {strides = array<i32>} : memref<48x128xf32, #tpu.memory_space<vmem>>, vector<1x16xf32>,
        %get3A_319 = arith.index_cast %add3A_288 : i32 to index
        %get3A_320 = arith.constant 16 : index
        %get3A_321 = tpu.vector_load %arg14[%get3A_319, %get3A_320] {strides = array<i32>} : memref<48x128xf32, #tpu.memory_space<vmem>>, vector<1x16xf32>,
        %get3A_322 = vector.shape_cast %get3A_321 : vector<1x16xf32> to vector<16xf32>
        %mul3A_323 = arith.mulf %get3A_322, %gather3A_308 : vector<16xf32>
        %swap3A_324 = arith.index_cast %add3A_288 : i32 to index
        %swap3A_325 = arith.constant 16 : index
        %swap3A_326 = tpu.vector_load %arg14[%swap3A_324, %swap3A_325] {strides = array<i32>} : memref<48x128xf32, #tpu.memory_space<vmem>>, vector<1x16xf32>,
        %swap3A_327 = vector.shape_cast %swap3A_326 : vector<1x16xf32> to vector<16xf32>
        %swap3A_328 = vector.shape_cast %mul3A_323 : vector<16xf32> to vector<1x16xf32>
        tpu.vector_store %arg14[%swap3A_324, %swap3A_325], %swap3A_328 {strides = array<i32>} : memref<48x128xf32, #tpu.memory_space<vmem>>, vector<1x16xf32>,
        %broadcast_in_dim3A_329 = arith.constant 1 : i32
        %broadcast_in_dim3A_330 = vector.broadcast %broadcast_in_dim3A_329 : i32 to vector<16xi32>
        %lt3A_331 = arith.constant 0 : i32
        %lt3A_332 = vector.broadcast %lt3A_331 : i32 to vector<16xi32>
        %lt3A_333 = arith.cmpi slt, %broadcast_in_dim3A_330, %lt3A_332 : vector<16xi32>
        %add3A_334 = arith.constant 16 : i32
        %add3A_335 = vector.broadcast %add3A_334 : i32 to vector<16xi32>
        %add3A_336 = arith.addi %broadcast_in_dim3A_330, %add3A_335 : vector<16xi32>
        %select_n3A_337 = arith.select %lt3A_333, %add3A_336, %broadcast_in_dim3A_330 : vector<16xi1>, vector<16xi32>
        %broadcast_in_dim3A_338 = vector.shape_cast %select_n3A_337 : vector<16xi32> to vector<16x1xi32>
        %gather3A_339 = vector.shape_cast %broadcast_in_dim3A_338 : vector<16x1xi32> to vector<16xi32>
        %gather3A_340 = tpu.dynamic_gather %get3A_292[%gather3A_339] in [0] : vector<16xf32>, vector<16xi32> -> vector<16xf32>
        %get3A_341 = arith.index_cast %add3A_288 : i32 to index
        %get3A_342 = arith.constant 32 : index
        %get3A_343 = tpu.vector_load %arg14[%get3A_341, %get3A_342] {strides = array<i32>} : memref<48x128xf32, #tpu.memory_space<vmem>>, vector<1x16xf32>,
        %get3A_344 = vector.shape_cast %get3A_343 : vector<1x16xf32> to vector<16xf32>
        %mul3A_345 = arith.mulf %get3A_344, %gather3A_340 : vector<16xf32>
        %swap3A_346 = arith.index_cast %add3A_288 : i32 to index
        %swap3A_347 = arith.constant 32 : index
        %swap3A_348 = tpu.vector_load %arg14[%swap3A_346, %swap3A_347] {strides = array<i32>} : memref<48x128xf32, #tpu.memory_space<vmem>>, vector<1x16xf32>,
        %swap3A_349 = vector.shape_cast %swap3A_348 : vector<1x16xf32> to vector<16xf32>
        %swap3A_350 = vector.shape_cast %mul3A_345 : vector<16xf32> to vector<1x16xf32>
        tpu.vector_store %arg14[%swap3A_346, %swap3A_347], %swap3A_350 {strides = array<i32>} : memref<48x128xf32, #tpu.memory_space<vmem>>, vector<1x16xf32>,
        %get3A_351 = arith.index_cast %add3A_288 : i32 to index
        %get3A_352 = arith.constant 48 : index
        %get3A_353 = tpu.vector_load %arg14[%get3A_351, %get3A_352] {strides = array<i32>} : memref<48x128xf32, #tpu.memory_space<vmem>>, vector<1x16xf32>,
        %get3A_354 = vector.shape_cast %get3A_353 : vector<1x16xf32> to vector<16xf32>
        %mul3A_355 = arith.mulf %get3A_354, %gather3A_340 : vector<16xf32>
        %swap3A_356 = arith.index_cast %add3A_288 : i32 to index
        %swap3A_357 = arith.constant 48 : index
        %swap3A_358 = tpu.vector_load %arg14[%swap3A_356, %swap3A_357] {strides = array<i32>} : memref<48x128xf32, #tpu.memory_space<vmem>>, vector<1x16xf32>,
        %swap3A_359 = vector.shape_cast %swap3A_358 : vector<1x16xf32> to vector<16xf32>
        %swap3A_360 = vector.shape_cast %mul3A_355 : vector<16xf32> to vector<1x16xf32>
        tpu.vector_store %arg14[%swap3A_356, %swap3A_357], %swap3A_360 {strides = array<i32>} : memref<48x128xf32, #tpu.memory_space<vmem>>, vector<1x16xf32>,
        %broadcast_in_dim3A_361 = arith.constant 2 : i32
        %broadcast_in_dim3A_362 = vector.broadcast %broadcast_in_dim3A_361 : i32 to vector<16xi32>
        %lt3A_363 = arith.constant 0 : i32
        %lt3A_364 = vector.broadcast %lt3A_363 : i32 to vector<16xi32>
        %lt3A_365 = arith.cmpi slt, %broadcast_in_dim3A_362, %lt3A_364 : vector<16xi32>
        %add3A_366 = arith.constant 16 : i32
        %add3A_367 = vector.broadcast %add3A_366 : i32 to vector<16xi32>
        %add3A_368 = arith.addi %broadcast_in_dim3A_362, %add3A_367 : vector<16xi32>
        %select_n3A_369 = arith.select %lt3A_365, %add3A_368, %broadcast_in_dim3A_362 : vector<16xi1>, vector<16xi32>
        %broadcast_in_dim3A_370 = vector.shape_cast %select_n3A_369 : vector<16xi32> to vector<16x1xi32>
        %gather3A_371 = vector.shape_cast %broadcast_in_dim3A_370 : vector<16x1xi32> to vector<16xi32>
        %gather3A_372 = tpu.dynamic_gather %get3A_292[%gather3A_371] in [0] : vector<16xf32>, vector<16xi32> -> vector<16xf32>
        %get3A_373 = arith.index_cast %add3A_288 : i32 to index
        %get3A_374 = arith.constant 64 : index
        %get3A_375 = tpu.vector_load %arg14[%get3A_373, %get3A_374] {strides = array<i32>} : memref<48x128xf32, #tpu.memory_space<vmem>>, vector<1x16xf32>,
        %get3A_376 = vector.shape_cast %get3A_375 : vector<1x16xf32> to vector<16xf32>
        %mul3A_377 = arith.mulf %get3A_376, %gather3A_372 : vector<16xf32>
        %swap3A_378 = arith.index_cast %add3A_288 : i32 to index
        %swap3A_379 = arith.constant 64 : index
        %swap3A_380 = tpu.vector_load %arg14[%swap3A_378, %swap3A_379] {strides = array<i32>} : memref<48x128xf32, #tpu.memory_space<vmem>>, vector<1x16xf32>,
        %swap3A_381 = vector.shape_cast %swap3A_380 : vector<1x16xf32> to vector<16xf32>
        %swap3A_382 = vector.shape_cast %mul3A_377 : vector<16xf32> to vector<1x16xf32>
        tpu.vector_store %arg14[%swap3A_378, %swap3A_379], %swap3A_382 {strides = array<i32>} : memref<48x128xf32, #tpu.memory_space<vmem>>, vector<1x16xf32>,
        %get3A_383 = arith.index_cast %add3A_288 : i32 to index
        %get3A_384 = arith.constant 80 : index
        %get3A_385 = tpu.vector_load %arg14[%get3A_383, %get3A_384] {strides = array<i32>} : memref<48x128xf32, #tpu.memory_space<vmem>>, vector<1x16xf32>,
        %get3A_386 = vector.shape_cast %get3A_385 : vector<1x16xf32> to vector<16xf32>
        %mul3A_387 = arith.mulf %get3A_386, %gather3A_372 : vector<16xf32>
        %swap3A_388 = arith.index_cast %add3A_288 : i32 to index
        %swap3A_389 = arith.constant 80 : index
        %swap3A_390 = tpu.vector_load %arg14[%swap3A_388, %swap3A_389] {strides = array<i32>} : memref<48x128xf32, #tpu.memory_space<vmem>>, vector<1x16xf32>,
        %swap3A_391 = vector.shape_cast %swap3A_390 : vector<1x16xf32> to vector<16xf32>
        %swap3A_392 = vector.shape_cast %mul3A_387 : vector<16xf32> to vector<1x16xf32>
        tpu.vector_store %arg14[%swap3A_388, %swap3A_389], %swap3A_392 {strides = array<i32>} : memref<48x128xf32, #tpu.memory_space<vmem>>, vector<1x16xf32>,
        %broadcast_in_dim3A_393 = arith.constant 3 : i32
        %broadcast_in_dim3A_394 = vector.broadcast %broadcast_in_dim3A_393 : i32 to vector<16xi32>
        %lt3A_395 = arith.constant 0 : i32
        %lt3A_396 = vector.broadcast %lt3A_395 : i32 to vector<16xi32>
        %lt3A_397 = arith.cmpi slt, %broadcast_in_dim3A_394, %lt3A_396 : vector<16xi32>
        %add3A_398 = arith.constant 16 : i32
        %add3A_399 = vector.broadcast %add3A_398 : i32 to vector<16xi32>
        %add3A_400 = arith.addi %broadcast_in_dim3A_394, %add3A_399 : vector<16xi32>
        %select_n3A_401 = arith.select %lt3A_397, %add3A_400, %broadcast_in_dim3A_394 : vector<16xi1>, vector<16xi32>
        %broadcast_in_dim3A_402 = vector.shape_cast %select_n3A_401 : vector<16xi32> to vector<16x1xi32>
        %gather3A_403 = vector.shape_cast %broadcast_in_dim3A_402 : vector<16x1xi32> to vector<16xi32>
        %gather3A_404 = tpu.dynamic_gather %get3A_292[%gather3A_403] in [0] : vector<16xf32>, vector<16xi32> -> vector<16xf32>
        %get3A_405 = arith.index_cast %add3A_288 : i32 to index
        %get3A_406 = arith.constant 96 : index
        %get3A_407 = tpu.vector_load %arg14[%get3A_405, %get3A_406] {strides = array<i32>} : memref<48x128xf32, #tpu.memory_space<vmem>>, vector<1x16xf32>,
        %get3A_408 = vector.shape_cast %get3A_407 : vector<1x16xf32> to vector<16xf32>
        %mul3A_409 = arith.mulf %get3A_408, %gather3A_404 : vector<16xf32>
        %swap3A_410 = arith.index_cast %add3A_288 : i32 to index
        %swap3A_411 = arith.constant 96 : index
        %swap3A_412 = tpu.vector_load %arg14[%swap3A_410, %swap3A_411] {strides = array<i32>} : memref<48x128xf32, #tpu.memory_space<vmem>>, vector<1x16xf32>,
        %swap3A_413 = vector.shape_cast %swap3A_412 : vector<1x16xf32> to vector<16xf32>
        %swap3A_414 = vector.shape_cast %mul3A_409 : vector<16xf32> to vector<1x16xf32>
        tpu.vector_store %arg14[%swap3A_410, %swap3A_411], %swap3A_414 {strides = array<i32>} : memref<48x128xf32, #tpu.memory_space<vmem>>, vector<1x16xf32>,
        %get3A_415 = arith.index_cast %add3A_288 : i32 to index
        %get3A_416 = arith.constant 112 : index
        %get3A_417 = tpu.vector_load %arg14[%get3A_415, %get3A_416] {strides = array<i32>} : memref<48x128xf32, #tpu.memory_space<vmem>>, vector<1x16xf32>,
        %get3A_418 = vector.shape_cast %get3A_417 : vector<1x16xf32> to vector<16xf32>
        %mul3A_419 = arith.mulf %get3A_418, %gather3A_404 : vector<16xf32>
        %swap3A_420 = arith.index_cast %add3A_288 : i32 to index
        %swap3A_421 = arith.constant 112 : index
        %swap3A_422 = tpu.vector_load %arg14[%swap3A_420, %swap3A_421] {strides = array<i32>} : memref<48x128xf32, #tpu.memory_space<vmem>>, vector<1x16xf32>,
        %swap3A_423 = vector.shape_cast %swap3A_422 : vector<1x16xf32> to vector<16xf32>
        %swap3A_424 = vector.shape_cast %mul3A_419 : vector<16xf32> to vector<1x16xf32>
        tpu.vector_store %arg14[%swap3A_420, %swap3A_421], %swap3A_424 {strides = array<i32>} : memref<48x128xf32, #tpu.memory_space<vmem>>, vector<1x16xf32>,
      }
      %scan3A_222 = arith.constant 40 : i32
      %get3A_223 = arith.constant 0 : index
      %get3A_224 = tpu.vector_load %arg11[%get3A_223] {strides = array<i32>} : memref<48xi32, #tpu.memory_space<vmem>>, vector<16xi32>,
      %get3A_225 = vector.shape_cast %get3A_224 : vector<16xi32> to vector<16xi32>
      %sub3A = arith.constant 5120 : i32
      %sub3A_226 = vector.broadcast %sub3A : i32 to vector<16xi32>
      %sub3A_227 = arith.subi %get3A_225, %sub3A_226 : vector<16xi32>
      %ge3A = arith.constant 0 : i32
      %ge3A_228 = vector.broadcast %ge3A : i32 to vector<16xi32>
      %ge3A_229 = arith.cmpi sge, %sub3A_227, %ge3A_228 : vector<16xi32>
      %lt3A_230 = arith.constant 2560 : i32
      %lt3A_231 = vector.broadcast %lt3A_230 : i32 to vector<16xi32>
      %lt3A_232 = arith.cmpi slt, %sub3A_227, %lt3A_231 : vector<16xi32>
      %and3A = arith.andi %ge3A_229, %lt3A_232 : vector<16xi1>
      %jit3A_233 = arith.constant 2560 : i32
      %broadcast_in_dim3A_234 = vector.broadcast %jit3A_233 : i32 to vector<16xi32>
      %select_n3A_235 = arith.select %and3A, %sub3A_227, %broadcast_in_dim3A_234 : vector<16xi1>, vector<16xi32>
      %swap3A_236 = arith.constant 0 : index
      %swap3A_237 = tpu.vector_load %arg12[%swap3A_236] {strides = array<i32>} : memref<48xi32, #tpu.memory_space<vmem>>, vector<16xi32>,
      %swap3A_238 = vector.shape_cast %swap3A_237 : vector<16xi32> to vector<16xi32>
      %swap3A_239 = vector.shape_cast %select_n3A_235 : vector<16xi32> to vector<16xi32>
      tpu.vector_store %arg12[%swap3A_236], %swap3A_239 {strides = array<i32>} : memref<48xi32, #tpu.memory_space<vmem>>, vector<16xi32>,
      %get3A_240 = arith.constant 16 : index
      %get3A_241 = tpu.vector_load %arg11[%get3A_240] {strides = array<i32>} : memref<48xi32, #tpu.memory_space<vmem>>, vector<16xi32>,
      %get3A_242 = vector.shape_cast %get3A_241 : vector<16xi32> to vector<16xi32>
      %sub3A_243 = arith.constant 5120 : i32
      %sub3A_244 = vector.broadcast %sub3A_243 : i32 to vector<16xi32>
      %sub3A_245 = arith.subi %get3A_242, %sub3A_244 : vector<16xi32>
      %ge3A_246 = arith.constant 0 : i32
      %ge3A_247 = vector.broadcast %ge3A_246 : i32 to vector<16xi32>
      %ge3A_248 = arith.cmpi sge, %sub3A_245, %ge3A_247 : vector<16xi32>
      %lt3A_249 = arith.constant 2560 : i32
      %lt3A_250 = vector.broadcast %lt3A_249 : i32 to vector<16xi32>
      %lt3A_251 = arith.cmpi slt, %sub3A_245, %lt3A_250 : vector<16xi32>
      %and3A_252 = arith.andi %ge3A_248, %lt3A_251 : vector<16xi1>
      %jit3A_253 = arith.constant 2560 : i32
      %broadcast_in_dim3A_254 = vector.broadcast %jit3A_253 : i32 to vector<16xi32>
      %select_n3A_255 = arith.select %and3A_252, %sub3A_245, %broadcast_in_dim3A_254 : vector<16xi1>, vector<16xi32>
      %swap3A_256 = arith.constant 16 : index
      %swap3A_257 = tpu.vector_load %arg12[%swap3A_256] {strides = array<i32>} : memref<48xi32, #tpu.memory_space<vmem>>, vector<16xi32>,
      %swap3A_258 = vector.shape_cast %swap3A_257 : vector<16xi32> to vector<16xi32>
      %swap3A_259 = vector.shape_cast %select_n3A_255 : vector<16xi32> to vector<16xi32>
      tpu.vector_store %arg12[%swap3A_256], %swap3A_259 {strides = array<i32>} : memref<48xi32, #tpu.memory_space<vmem>>, vector<16xi32>,
      %get3A_260 = arith.constant 32 : index
      %get3A_261 = tpu.vector_load %arg11[%get3A_260] {strides = array<i32>} : memref<48xi32, #tpu.memory_space<vmem>>, vector<16xi32>,
      %get3A_262 = vector.shape_cast %get3A_261 : vector<16xi32> to vector<16xi32>
      %sub3A_263 = arith.constant 5120 : i32
      %sub3A_264 = vector.broadcast %sub3A_263 : i32 to vector<16xi32>
      %sub3A_265 = arith.subi %get3A_262, %sub3A_264 : vector<16xi32>
      %ge3A_266 = arith.constant 0 : i32
      %ge3A_267 = vector.broadcast %ge3A_266 : i32 to vector<16xi32>
      %ge3A_268 = arith.cmpi sge, %sub3A_265, %ge3A_267 : vector<16xi32>
      %lt3A_269 = arith.constant 2560 : i32
      %lt3A_270 = vector.broadcast %lt3A_269 : i32 to vector<16xi32>
      %lt3A_271 = arith.cmpi slt, %sub3A_265, %lt3A_270 : vector<16xi32>
      %and3A_272 = arith.andi %ge3A_268, %lt3A_271 : vector<16xi1>
      %lt3A_273 = arith.constant 8 : i32
      %lt3A_274 = vector.broadcast %lt3A_273 : i32 to vector<16xi32>
      %lt3A_275 = arith.cmpi slt, %iota3A, %lt3A_274 : vector<16xi32>
      %and3A_276 = arith.andi %and3A_272, %lt3A_275 : vector<16xi1>
      %jit3A_277 = arith.constant 2560 : i32
      %broadcast_in_dim3A_278 = vector.broadcast %jit3A_277 : i32 to vector<16xi32>
      %select_n3A_279 = arith.select %and3A_276, %sub3A_265, %broadcast_in_dim3A_278 : vector<16xi1>, vector<16xi32>
      %swap3A_280 = arith.constant 32 : index
      %swap3A_281 = tpu.vector_load %arg12[%swap3A_280] {strides = array<i32>} : memref<48xi32, #tpu.memory_space<vmem>>, vector<16xi32>,
      %swap3A_282 = vector.shape_cast %swap3A_281 : vector<16xi32> to vector<16xi32>
      %swap3A_283 = vector.shape_cast %select_n3A_279 : vector<16xi32> to vector<16xi32>
      tpu.vector_store %arg12[%swap3A_280], %swap3A_283 {strides = array<i32>} : memref<48xi32, #tpu.memory_space<vmem>>, vector<16xi32>,
      "tpu.region"() ({
        %run_scoped3A = tpu.sem_alloc : memref<!tpu.dma_semaphore, #tpu.memory_space<semaphore_mem>>
        %dma_start3A_284 = arith.constant 0 : i32
        %dma_start3A_285 = arith.constant 0 : i32
        %dma_start3A_286 = tpu.memref_slice %arg18[%dma_start3A_284, %dma_start3A_285] : memref<2568x128xf32, #tpu.memory_space<vmem_shared>> -> memref<2568x128xf32, #tpu.memory_space<vmem_shared>>
        tpu.enqueue_indirect_dma source(%arg14 : memref<48x128xf32, #tpu.memory_space<vmem>>) target(%dma_start3A_286 : memref<2568x128xf32, #tpu.memory_space<vmem_shared>>) offsets(%arg12 : memref<48xi32, #tpu.memory_space<vmem>>) semaphore(%run_scoped3A : memref<!tpu.dma_semaphore, #tpu.memory_space<semaphore_mem>>) {add = true}
        %dma_wait3A_287 = arith.constant 0 : i32
        %dma_wait3A_288 = arith.constant 0 : i32
        %dma_wait3A_289 = tpu.memref_slice %arg18[%dma_wait3A_287, %dma_wait3A_288] : memref<2568x128xf32, #tpu.memory_space<vmem_shared>> -> memref<2568x128xf32, #tpu.memory_space<vmem_shared>>
        tpu.wait_indirect_dma semaphore(%run_scoped3A : memref<!tpu.dma_semaphore, #tpu.memory_space<semaphore_mem>>) src(%arg14 : memref<48x128xf32, #tpu.memory_space<vmem>>) dst(%dma_wait3A_289 : memref<2568x128xf32, #tpu.memory_space<vmem_shared>>)
        tpu.yield
      }) : () -> ()
      "tpu.region"() ({
        %run_scoped3A = tpu.sem_alloc : memref<!tpu.dma_semaphore, #tpu.memory_space<semaphore_mem>>
        %dma_start3A_284 = arith.constant 0 : i32
        %dma_start3A_285 = arith.constant 0 : i32
        %dma_start3A_286 = tpu.memref_slice %arg19[%dma_start3A_284, %dma_start3A_285] : memref<2568x128xf32, #tpu.memory_space<vmem_shared>> -> memref<2568x128xf32, #tpu.memory_space<vmem_shared>>
        tpu.enqueue_indirect_dma source(%arg16 : memref<48x128xf32, #tpu.memory_space<vmem>>) target(%dma_start3A_286 : memref<2568x128xf32, #tpu.memory_space<vmem_shared>>) offsets(%arg12 : memref<48xi32, #tpu.memory_space<vmem>>) semaphore(%run_scoped3A : memref<!tpu.dma_semaphore, #tpu.memory_space<semaphore_mem>>) {add = true}
        %dma_wait3A_287 = arith.constant 0 : i32
        %dma_wait3A_288 = arith.constant 0 : i32
        %dma_wait3A_289 = tpu.memref_slice %arg19[%dma_wait3A_287, %dma_wait3A_288] : memref<2568x128xf32, #tpu.memory_space<vmem_shared>> -> memref<2568x128xf32, #tpu.memory_space<vmem_shared>>
        tpu.wait_indirect_dma semaphore(%run_scoped3A : memref<!tpu.dma_semaphore, #tpu.memory_space<semaphore_mem>>) src(%arg16 : memref<48x128xf32, #tpu.memory_space<vmem>>) dst(%dma_wait3A_289 : memref<2568x128xf32, #tpu.memory_space<vmem_shared>>)
        tpu.yield
      }) : () -> ()
    }
    %scan3A_158 = arith.constant 250 : i32
    %barrier3A_159 = arith.constant 0 : index
    tpu.barrier barrier_id(%barrier3A_159)
    %mul3A_160 = arith.constant 160 : i32
    %mul3A_161 = arith.muli %arg1, %mul3A_160 : i32
    %add3A_162 = arith.constant 5120 : i32
    %add3A_163 = arith.addi %add3A_162, %mul3A_161 : i32
    "tpu.region"() ({
      %run_scoped3A = tpu.sem_alloc : memref<!tpu.dma_semaphore, #tpu.memory_space<semaphore_mem>>
      %dma_start3A = arith.constant 0 : i32
      %dma_start3A_204 = tpu.memref_slice %arg7[%arg0, %add3A_163, %dma_start3A] : memref<2x10240x128xf32, #tpu.memory_space<hbm>> -> memref<1x160x128xf32, #tpu.memory_space<hbm>>
      %dma_start3A_205 = tpu.memref_squeeze %dma_start3A_204 : memref<1x160x128xf32, #tpu.memory_space<hbm>> -> memref<160x128xf32, #tpu.memory_space<hbm>>
      %dma_start3A_206 = arith.constant 0 : i32
      %dma_start3A_207 = tpu.memref_slice %arg18[%mul3A_161, %dma_start3A_206] : memref<2568x128xf32, #tpu.memory_space<vmem_shared>> -> memref<160x128xf32, #tpu.memory_space<vmem_shared>>
      tpu.enqueue_dma source(%dma_start3A_207 : memref<160x128xf32, #tpu.memory_space<vmem_shared>>) target(%dma_start3A_205 : memref<160x128xf32, #tpu.memory_space<hbm>>) target_semaphore(%run_scoped3A : memref<!tpu.dma_semaphore, #tpu.memory_space<semaphore_mem>>)
      %dma_wait3A = arith.constant 0 : i32
      %dma_wait3A_208 = tpu.memref_slice %arg7[%arg0, %add3A_163, %dma_wait3A] : memref<2x10240x128xf32, #tpu.memory_space<hbm>> -> memref<1x160x128xf32, #tpu.memory_space<hbm>>
      %dma_wait3A_209 = tpu.memref_squeeze %dma_wait3A_208 : memref<1x160x128xf32, #tpu.memory_space<hbm>> -> memref<160x128xf32, #tpu.memory_space<hbm>>
      %dma_wait3A_210 = arith.constant 0 : i32
      %dma_wait3A_211 = tpu.memref_slice %arg18[%mul3A_161, %dma_wait3A_210] : memref<2568x128xf32, #tpu.memory_space<vmem_shared>> -> memref<160x128xf32, #tpu.memory_space<vmem_shared>>
      tpu.wait_dma2 semaphore(%run_scoped3A : memref<!tpu.dma_semaphore, #tpu.memory_space<semaphore_mem>>) src(%dma_wait3A_211 : memref<160x128xf32, #tpu.memory_space<vmem_shared>>) dst(%dma_wait3A_209 : memref<160x128xf32, #tpu.memory_space<hbm>>)
      tpu.yield
    }) : () -> ()
    %add3A_164 = arith.constant 5120 : i32
    %add3A_165 = arith.addi %add3A_164, %mul3A_161 : i32
    "tpu.region"() ({
      %run_scoped3A = tpu.sem_alloc : memref<!tpu.dma_semaphore, #tpu.memory_space<semaphore_mem>>
      %dma_start3A = arith.constant 0 : i32
      %dma_start3A_204 = tpu.memref_slice %arg8[%arg0, %add3A_165, %dma_start3A] : memref<2x10240x128xf32, #tpu.memory_space<hbm>> -> memref<1x160x128xf32, #tpu.memory_space<hbm>>
      %dma_start3A_205 = tpu.memref_squeeze %dma_start3A_204 : memref<1x160x128xf32, #tpu.memory_space<hbm>> -> memref<160x128xf32, #tpu.memory_space<hbm>>
      %dma_start3A_206 = arith.constant 0 : i32
      %dma_start3A_207 = tpu.memref_slice %arg19[%mul3A_161, %dma_start3A_206] : memref<2568x128xf32, #tpu.memory_space<vmem_shared>> -> memref<160x128xf32, #tpu.memory_space<vmem_shared>>
      tpu.enqueue_dma source(%dma_start3A_207 : memref<160x128xf32, #tpu.memory_space<vmem_shared>>) target(%dma_start3A_205 : memref<160x128xf32, #tpu.memory_space<hbm>>) target_semaphore(%run_scoped3A : memref<!tpu.dma_semaphore, #tpu.memory_space<semaphore_mem>>)
      %dma_wait3A = arith.constant 0 : i32
      %dma_wait3A_208 = tpu.memref_slice %arg8[%arg0, %add3A_165, %dma_wait3A] : memref<2x10240x128xf32, #tpu.memory_space<hbm>> -> memref<1x160x128xf32, #tpu.memory_space<hbm>>
      %dma_wait3A_209 = tpu.memref_squeeze %dma_wait3A_208 : memref<1x160x128xf32, #tpu.memory_space<hbm>> -> memref<160x128xf32, #tpu.memory_space<hbm>>
      %dma_wait3A_210 = arith.constant 0 : i32
      %dma_wait3A_211 = tpu.memref_slice %arg19[%mul3A_161, %dma_wait3A_210] : memref<2568x128xf32, #tpu.memory_space<vmem_shared>> -> memref<160x128xf32, #tpu.memory_space<vmem_shared>>
      tpu.wait_dma2 semaphore(%run_scoped3A : memref<!tpu.dma_semaphore, #tpu.memory_space<semaphore_mem>>) src(%dma_wait3A_211 : memref<160x128xf32, #tpu.memory_space<vmem_shared>>) dst(%dma_wait3A_209 : memref<160x128xf32, #tpu.memory_space<hbm>>)
      tpu.yield
    }) : () -> ()
    %barrier3A_166 = arith.constant 0 : index
    tpu.barrier barrier_id(%barrier3A_166)
    %scan3A_167 = arith.constant 0 : i32
    %scan3A_168 = arith.constant 48 : i32
    %scan3A_169 = arith.addi %scan3A_167, %scan3A_168 : i32
    %scan3A_170 = arith.constant 1 : i32
    scf.for %scan3A_204 = %scan3A_167 to %scan3A_169 step %scan3A_170  : i32 {
      %mul3A_205 = arith.constant 1 : i32
      %mul3A_206 = arith.muli %scan3A_204, %mul3A_205 : i32
      %add3A_207 = arith.constant 0 : i32
      %add3A_208 = arith.addi %add3A_207, %mul3A_206 : i32
      %swap3A_209 = arith.index_cast %add3A_208 : i32 to index
      %swap3A_210 = arith.constant 0 : index
      %swap3A_211 = tpu.vector_load %arg13[%swap3A_209, %swap3A_210] {strides = array<i32>} : memref<48x128xf32, #tpu.memory_space<vmem>>, vector<1x16xf32>,
      %swap3A_212 = vector.shape_cast %swap3A_211 : vector<1x16xf32> to vector<16xf32>
      %swap3A_213 = vector.shape_cast %broadcast_in_dim3A_1 : vector<16xf32> to vector<1x16xf32>
      tpu.vector_store %arg13[%swap3A_209, %swap3A_210], %swap3A_213 {strides = array<i32>} : memref<48x128xf32, #tpu.memory_space<vmem>>, vector<1x16xf32>,
      %swap3A_214 = arith.index_cast %add3A_208 : i32 to index
      %swap3A_215 = arith.constant 0 : index
      %swap3A_216 = tpu.vector_load %arg16[%swap3A_214, %swap3A_215] {strides = array<i32>} : memref<48x128xf32, #tpu.memory_space<vmem>>, vector<1x16xf32>,
      %swap3A_217 = vector.shape_cast %swap3A_216 : vector<1x16xf32> to vector<16xf32>
      %swap3A_218 = vector.shape_cast %broadcast_in_dim3A_1 : vector<16xf32> to vector<1x16xf32>
      tpu.vector_store %arg16[%swap3A_214, %swap3A_215], %swap3A_218 {strides = array<i32>} : memref<48x128xf32, #tpu.memory_space<vmem>>, vector<1x16xf32>,
      %swap3A_219 = arith.index_cast %add3A_208 : i32 to index
      %swap3A_220 = arith.constant 16 : index
      %swap3A_221 = tpu.vector_load %arg13[%swap3A_219, %swap3A_220] {strides = array<i32>} : memref<48x128xf32, #tpu.memory_space<vmem>>, vector<1x16xf32>,
      %swap3A_222 = vector.shape_cast %swap3A_221 : vector<1x16xf32> to vector<16xf32>
      %swap3A_223 = vector.shape_cast %broadcast_in_dim3A_1 : vector<16xf32> to vector<1x16xf32>
      tpu.vector_store %arg13[%swap3A_219, %swap3A_220], %swap3A_223 {strides = array<i32>} : memref<48x128xf32, #tpu.memory_space<vmem>>, vector<1x16xf32>,
      %swap3A_224 = arith.index_cast %add3A_208 : i32 to index
      %swap3A_225 = arith.constant 16 : index
      %swap3A_226 = tpu.vector_load %arg16[%swap3A_224, %swap3A_225] {strides = array<i32>} : memref<48x128xf32, #tpu.memory_space<vmem>>, vector<1x16xf32>,
      %swap3A_227 = vector.shape_cast %swap3A_226 : vector<1x16xf32> to vector<16xf32>
      %swap3A_228 = vector.shape_cast %broadcast_in_dim3A_1 : vector<16xf32> to vector<1x16xf32>
      tpu.vector_store %arg16[%swap3A_224, %swap3A_225], %swap3A_228 {strides = array<i32>} : memref<48x128xf32, #tpu.memory_space<vmem>>, vector<1x16xf32>,
      %swap3A_229 = arith.index_cast %add3A_208 : i32 to index
      %swap3A_230 = arith.constant 32 : index
      %swap3A_231 = tpu.vector_load %arg13[%swap3A_229, %swap3A_230] {strides = array<i32>} : memref<48x128xf32, #tpu.memory_space<vmem>>, vector<1x16xf32>,
      %swap3A_232 = vector.shape_cast %swap3A_231 : vector<1x16xf32> to vector<16xf32>
      %swap3A_233 = vector.shape_cast %broadcast_in_dim3A_1 : vector<16xf32> to vector<1x16xf32>
      tpu.vector_store %arg13[%swap3A_229, %swap3A_230], %swap3A_233 {strides = array<i32>} : memref<48x128xf32, #tpu.memory_space<vmem>>, vector<1x16xf32>,
      %swap3A_234 = arith.index_cast %add3A_208 : i32 to index
      %swap3A_235 = arith.constant 32 : index
      %swap3A_236 = tpu.vector_load %arg16[%swap3A_234, %swap3A_235] {strides = array<i32>} : memref<48x128xf32, #tpu.memory_space<vmem>>, vector<1x16xf32>,
      %swap3A_237 = vector.shape_cast %swap3A_236 : vector<1x16xf32> to vector<16xf32>
      %swap3A_238 = vector.shape_cast %broadcast_in_dim3A_1 : vector<16xf32> to vector<1x16xf32>
      tpu.vector_store %arg16[%swap3A_234, %swap3A_235], %swap3A_238 {strides = array<i32>} : memref<48x128xf32, #tpu.memory_space<vmem>>, vector<1x16xf32>,
      %swap3A_239 = arith.index_cast %add3A_208 : i32 to index
      %swap3A_240 = arith.constant 48 : index
      %swap3A_241 = tpu.vector_load %arg13[%swap3A_239, %swap3A_240] {strides = array<i32>} : memref<48x128xf32, #tpu.memory_space<vmem>>, vector<1x16xf32>,
      %swap3A_242 = vector.shape_cast %swap3A_241 : vector<1x16xf32> to vector<16xf32>
      %swap3A_243 = vector.shape_cast %broadcast_in_dim3A_1 : vector<16xf32> to vector<1x16xf32>
      tpu.vector_store %arg13[%swap3A_239, %swap3A_240], %swap3A_243 {strides = array<i32>} : memref<48x128xf32, #tpu.memory_space<vmem>>, vector<1x16xf32>,
      %swap3A_244 = arith.index_cast %add3A_208 : i32 to index
      %swap3A_245 = arith.constant 48 : index
      %swap3A_246 = tpu.vector_load %arg16[%swap3A_244, %swap3A_245] {strides = array<i32>} : memref<48x128xf32, #tpu.memory_space<vmem>>, vector<1x16xf32>,
      %swap3A_247 = vector.shape_cast %swap3A_246 : vector<1x16xf32> to vector<16xf32>
      %swap3A_248 = vector.shape_cast %broadcast_in_dim3A_1 : vector<16xf32> to vector<1x16xf32>
      tpu.vector_store %arg16[%swap3A_244, %swap3A_245], %swap3A_248 {strides = array<i32>} : memref<48x128xf32, #tpu.memory_space<vmem>>, vector<1x16xf32>,
      %swap3A_249 = arith.index_cast %add3A_208 : i32 to index
      %swap3A_250 = arith.constant 64 : index
      %swap3A_251 = tpu.vector_load %arg13[%swap3A_249, %swap3A_250] {strides = array<i32>} : memref<48x128xf32, #tpu.memory_space<vmem>>, vector<1x16xf32>,
      %swap3A_252 = vector.shape_cast %swap3A_251 : vector<1x16xf32> to vector<16xf32>
      %swap3A_253 = vector.shape_cast %broadcast_in_dim3A_1 : vector<16xf32> to vector<1x16xf32>
      tpu.vector_store %arg13[%swap3A_249, %swap3A_250], %swap3A_253 {strides = array<i32>} : memref<48x128xf32, #tpu.memory_space<vmem>>, vector<1x16xf32>,
      %swap3A_254 = arith.index_cast %add3A_208 : i32 to index
      %swap3A_255 = arith.constant 64 : index
      %swap3A_256 = tpu.vector_load %arg16[%swap3A_254, %swap3A_255] {strides = array<i32>} : memref<48x128xf32, #tpu.memory_space<vmem>>, vector<1x16xf32>,
      %swap3A_257 = vector.shape_cast %swap3A_256 : vector<1x16xf32> to vector<16xf32>
      %swap3A_258 = vector.shape_cast %broadcast_in_dim3A_1 : vector<16xf32> to vector<1x16xf32>
      tpu.vector_store %arg16[%swap3A_254, %swap3A_255], %swap3A_258 {strides = array<i32>} : memref<48x128xf32, #tpu.memory_space<vmem>>, vector<1x16xf32>,
      %swap3A_259 = arith.index_cast %add3A_208 : i32 to index
      %swap3A_260 = arith.constant 80 : index
      %swap3A_261 = tpu.vector_load %arg13[%swap3A_259, %swap3A_260] {strides = array<i32>} : memref<48x128xf32, #tpu.memory_space<vmem>>, vector<1x16xf32>,
      %swap3A_262 = vector.shape_cast %swap3A_261 : vector<1x16xf32> to vector<16xf32>
      %swap3A_263 = vector.shape_cast %broadcast_in_dim3A_1 : vector<16xf32> to vector<1x16xf32>
      tpu.vector_store %arg13[%swap3A_259, %swap3A_260], %swap3A_263 {strides = array<i32>} : memref<48x128xf32, #tpu.memory_space<vmem>>, vector<1x16xf32>,
      %swap3A_264 = arith.index_cast %add3A_208 : i32 to index
      %swap3A_265 = arith.constant 80 : index
      %swap3A_266 = tpu.vector_load %arg16[%swap3A_264, %swap3A_265] {strides = array<i32>} : memref<48x128xf32, #tpu.memory_space<vmem>>, vector<1x16xf32>,
      %swap3A_267 = vector.shape_cast %swap3A_266 : vector<1x16xf32> to vector<16xf32>
      %swap3A_268 = vector.shape_cast %broadcast_in_dim3A_1 : vector<16xf32> to vector<1x16xf32>
      tpu.vector_store %arg16[%swap3A_264, %swap3A_265], %swap3A_268 {strides = array<i32>} : memref<48x128xf32, #tpu.memory_space<vmem>>, vector<1x16xf32>,
      %swap3A_269 = arith.index_cast %add3A_208 : i32 to index
      %swap3A_270 = arith.constant 96 : index
      %swap3A_271 = tpu.vector_load %arg13[%swap3A_269, %swap3A_270] {strides = array<i32>} : memref<48x128xf32, #tpu.memory_space<vmem>>, vector<1x16xf32>,
      %swap3A_272 = vector.shape_cast %swap3A_271 : vector<1x16xf32> to vector<16xf32>
      %swap3A_273 = vector.shape_cast %broadcast_in_dim3A_1 : vector<16xf32> to vector<1x16xf32>
      tpu.vector_store %arg13[%swap3A_269, %swap3A_270], %swap3A_273 {strides = array<i32>} : memref<48x128xf32, #tpu.memory_space<vmem>>, vector<1x16xf32>,
      %swap3A_274 = arith.index_cast %add3A_208 : i32 to index
      %swap3A_275 = arith.constant 96 : index
      %swap3A_276 = tpu.vector_load %arg16[%swap3A_274, %swap3A_275] {strides = array<i32>} : memref<48x128xf32, #tpu.memory_space<vmem>>, vector<1x16xf32>,
      %swap3A_277 = vector.shape_cast %swap3A_276 : vector<1x16xf32> to vector<16xf32>
      %swap3A_278 = vector.shape_cast %broadcast_in_dim3A_1 : vector<16xf32> to vector<1x16xf32>
      tpu.vector_store %arg16[%swap3A_274, %swap3A_275], %swap3A_278 {strides = array<i32>} : memref<48x128xf32, #tpu.memory_space<vmem>>, vector<1x16xf32>,
      %swap3A_279 = arith.index_cast %add3A_208 : i32 to index
      %swap3A_280 = arith.constant 112 : index
      %swap3A_281 = tpu.vector_load %arg13[%swap3A_279, %swap3A_280] {strides = array<i32>} : memref<48x128xf32, #tpu.memory_space<vmem>>, vector<1x16xf32>,
      %swap3A_282 = vector.shape_cast %swap3A_281 : vector<1x16xf32> to vector<16xf32>
      %swap3A_283 = vector.shape_cast %broadcast_in_dim3A_1 : vector<16xf32> to vector<1x16xf32>
      tpu.vector_store %arg13[%swap3A_279, %swap3A_280], %swap3A_283 {strides = array<i32>} : memref<48x128xf32, #tpu.memory_space<vmem>>, vector<1x16xf32>,
      %swap3A_284 = arith.index_cast %add3A_208 : i32 to index
      %swap3A_285 = arith.constant 112 : index
      %swap3A_286 = tpu.vector_load %arg16[%swap3A_284, %swap3A_285] {strides = array<i32>} : memref<48x128xf32, #tpu.memory_space<vmem>>, vector<1x16xf32>,
      %swap3A_287 = vector.shape_cast %swap3A_286 : vector<1x16xf32> to vector<16xf32>
      %swap3A_288 = vector.shape_cast %broadcast_in_dim3A_1 : vector<16xf32> to vector<1x16xf32>
      tpu.vector_store %arg16[%swap3A_284, %swap3A_285], %swap3A_288 {strides = array<i32>} : memref<48x128xf32, #tpu.memory_space<vmem>>, vector<1x16xf32>,
      %swap3A_289 = arith.index_cast %add3A_208 : i32 to index
      %swap3A_290 = arith.constant 0 : index
      %swap3A_291 = tpu.vector_load %arg15[%swap3A_289, %swap3A_290] {strides = array<i32>} : memref<48x16xf32, #tpu.memory_space<vmem>>, vector<1x16xf32>,
      %swap3A_292 = vector.shape_cast %swap3A_291 : vector<1x16xf32> to vector<16xf32>
      %swap3A_293 = vector.shape_cast %broadcast_in_dim3A_1 : vector<16xf32> to vector<1x16xf32>
      tpu.vector_store %arg15[%swap3A_289, %swap3A_290], %swap3A_293 {strides = array<i32>} : memref<48x16xf32, #tpu.memory_space<vmem>>, vector<1x16xf32>,
    }
    %scan3A_171 = arith.constant 48 : i32
    %mul3A_172 = arith.constant 160 : i32
    %mul3A_173 = arith.muli %arg1, %mul3A_172 : i32
    %add3A_174 = arith.constant 0 : i32
    %add3A_175 = arith.addi %mul3A_173, %add3A_174 : i32
    "tpu.region"() ({
      %run_scoped3A = tpu.sem_alloc : memref<!tpu.dma_semaphore, #tpu.memory_space<semaphore_mem>>
      %dma_start3A = arith.constant 0 : i32
      %dma_start3A_204 = tpu.memref_slice %arg18[%add3A_175, %dma_start3A] : memref<2568x128xf32, #tpu.memory_space<vmem_shared>> -> memref<48x128xf32, #tpu.memory_space<vmem_shared>>
      %dma_start3A_205 = arith.constant 0 : i32
      %dma_start3A_206 = tpu.memref_slice %arg18[%add3A_175, %dma_start3A_205] : memref<2568x128xf32, #tpu.memory_space<vmem_shared>> -> memref<48x128xf32, #tpu.memory_space<vmem_shared>>
      tpu.enqueue_dma source(%arg13 : memref<48x128xf32, #tpu.memory_space<vmem>>) target(%dma_start3A_206 : memref<48x128xf32, #tpu.memory_space<vmem_shared>>) target_semaphore(%run_scoped3A : memref<!tpu.dma_semaphore, #tpu.memory_space<semaphore_mem>>)
      %dma_wait3A = arith.constant 0 : i32
      %dma_wait3A_207 = tpu.memref_slice %arg18[%add3A_175, %dma_wait3A] : memref<2568x128xf32, #tpu.memory_space<vmem_shared>> -> memref<48x128xf32, #tpu.memory_space<vmem_shared>>
      %dma_wait3A_208 = arith.constant 0 : i32
      %dma_wait3A_209 = tpu.memref_slice %arg18[%add3A_175, %dma_wait3A_208] : memref<2568x128xf32, #tpu.memory_space<vmem_shared>> -> memref<48x128xf32, #tpu.memory_space<vmem_shared>>
      tpu.wait_dma2 semaphore(%run_scoped3A : memref<!tpu.dma_semaphore, #tpu.memory_space<semaphore_mem>>) src(%arg13 : memref<48x128xf32, #tpu.memory_space<vmem>>) dst(%dma_wait3A_209 : memref<48x128xf32, #tpu.memory_space<vmem_shared>>)
      tpu.yield
    }) : () -> ()
    %add3A_176 = arith.constant 0 : i32
    %add3A_177 = arith.addi %mul3A_173, %add3A_176 : i32
    "tpu.region"() ({
      %run_scoped3A = tpu.sem_alloc : memref<!tpu.dma_semaphore, #tpu.memory_space<semaphore_mem>>
      %dma_start3A = arith.constant 0 : i32
      %dma_start3A_204 = tpu.memref_slice %arg19[%add3A_177, %dma_start3A] : memref<2568x128xf32, #tpu.memory_space<vmem_shared>> -> memref<48x128xf32, #tpu.memory_space<vmem_shared>>
      %dma_start3A_205 = arith.constant 0 : i32
      %dma_start3A_206 = tpu.memref_slice %arg19[%add3A_177, %dma_start3A_205] : memref<2568x128xf32, #tpu.memory_space<vmem_shared>> -> memref<48x128xf32, #tpu.memory_space<vmem_shared>>
      tpu.enqueue_dma source(%arg13 : memref<48x128xf32, #tpu.memory_space<vmem>>) target(%dma_start3A_206 : memref<48x128xf32, #tpu.memory_space<vmem_shared>>) target_semaphore(%run_scoped3A : memref<!tpu.dma_semaphore, #tpu.memory_space<semaphore_mem>>)
      %dma_wait3A = arith.constant 0 : i32
      %dma_wait3A_207 = tpu.memref_slice %arg19[%add3A_177, %dma_wait3A] : memref<2568x128xf32, #tpu.memory_space<vmem_shared>> -> memref<48x128xf32, #tpu.memory_space<vmem_shared>>
      %dma_wait3A_208 = arith.constant 0 : i32
      %dma_wait3A_209 = tpu.memref_slice %arg19[%add3A_177, %dma_wait3A_208] : memref<2568x128xf32, #tpu.memory_space<vmem_shared>> -> memref<48x128xf32, #tpu.memory_space<vmem_shared>>
      tpu.wait_dma2 semaphore(%run_scoped3A : memref<!tpu.dma_semaphore, #tpu.memory_space<semaphore_mem>>) src(%arg13 : memref<48x128xf32, #tpu.memory_space<vmem>>) dst(%dma_wait3A_209 : memref<48x128xf32, #tpu.memory_space<vmem_shared>>)
      tpu.yield
    }) : () -> ()
    %add3A_178 = arith.constant 48 : i32
    %add3A_179 = arith.addi %mul3A_173, %add3A_178 : i32
    "tpu.region"() ({
      %run_scoped3A = tpu.sem_alloc : memref<!tpu.dma_semaphore, #tpu.memory_space<semaphore_mem>>
      %dma_start3A = arith.constant 0 : i32
      %dma_start3A_204 = tpu.memref_slice %arg18[%add3A_179, %dma_start3A] : memref<2568x128xf32, #tpu.memory_space<vmem_shared>> -> memref<48x128xf32, #tpu.memory_space<vmem_shared>>
      %dma_start3A_205 = arith.constant 0 : i32
      %dma_start3A_206 = tpu.memref_slice %arg18[%add3A_179, %dma_start3A_205] : memref<2568x128xf32, #tpu.memory_space<vmem_shared>> -> memref<48x128xf32, #tpu.memory_space<vmem_shared>>
      tpu.enqueue_dma source(%arg13 : memref<48x128xf32, #tpu.memory_space<vmem>>) target(%dma_start3A_206 : memref<48x128xf32, #tpu.memory_space<vmem_shared>>) target_semaphore(%run_scoped3A : memref<!tpu.dma_semaphore, #tpu.memory_space<semaphore_mem>>)
      %dma_wait3A = arith.constant 0 : i32
      %dma_wait3A_207 = tpu.memref_slice %arg18[%add3A_179, %dma_wait3A] : memref<2568x128xf32, #tpu.memory_space<vmem_shared>> -> memref<48x128xf32, #tpu.memory_space<vmem_shared>>
      %dma_wait3A_208 = arith.constant 0 : i32
      %dma_wait3A_209 = tpu.memref_slice %arg18[%add3A_179, %dma_wait3A_208] : memref<2568x128xf32, #tpu.memory_space<vmem_shared>> -> memref<48x128xf32, #tpu.memory_space<vmem_shared>>
      tpu.wait_dma2 semaphore(%run_scoped3A : memref<!tpu.dma_semaphore, #tpu.memory_space<semaphore_mem>>) src(%arg13 : memref<48x128xf32, #tpu.memory_space<vmem>>) dst(%dma_wait3A_209 : memref<48x128xf32, #tpu.memory_space<vmem_shared>>)
      tpu.yield
    }) : () -> ()
    %add3A_180 = arith.constant 48 : i32
    %add3A_181 = arith.addi %mul3A_173, %add3A_180 : i32
    "tpu.region"() ({
      %run_scoped3A = tpu.sem_alloc : memref<!tpu.dma_semaphore, #tpu.memory_space<semaphore_mem>>
      %dma_start3A = arith.constant 0 : i32
      %dma_start3A_204 = tpu.memref_slice %arg19[%add3A_181, %dma_start3A] : memref<2568x128xf32, #tpu.memory_space<vmem_shared>> -> memref<48x128xf32, #tpu.memory_space<vmem_shared>>
      %dma_start3A_205 = arith.constant 0 : i32
      %dma_start3A_206 = tpu.memref_slice %arg19[%add3A_181, %dma_start3A_205] : memref<2568x128xf32, #tpu.memory_space<vmem_shared>> -> memref<48x128xf32, #tpu.memory_space<vmem_shared>>
      tpu.enqueue_dma source(%arg13 : memref<48x128xf32, #tpu.memory_space<vmem>>) target(%dma_start3A_206 : memref<48x128xf32, #tpu.memory_space<vmem_shared>>) target_semaphore(%run_scoped3A : memref<!tpu.dma_semaphore, #tpu.memory_space<semaphore_mem>>)
      %dma_wait3A = arith.constant 0 : i32
      %dma_wait3A_207 = tpu.memref_slice %arg19[%add3A_181, %dma_wait3A] : memref<2568x128xf32, #tpu.memory_space<vmem_shared>> -> memref<48x128xf32, #tpu.memory_space<vmem_shared>>
      %dma_wait3A_208 = arith.constant 0 : i32
      %dma_wait3A_209 = tpu.memref_slice %arg19[%add3A_181, %dma_wait3A_208] : memref<2568x128xf32, #tpu.memory_space<vmem_shared>> -> memref<48x128xf32, #tpu.memory_space<vmem_shared>>
      tpu.wait_dma2 semaphore(%run_scoped3A : memref<!tpu.dma_semaphore, #tpu.memory_space<semaphore_mem>>) src(%arg13 : memref<48x128xf32, #tpu.memory_space<vmem>>) dst(%dma_wait3A_209 : memref<48x128xf32, #tpu.memory_space<vmem_shared>>)
      tpu.yield
    }) : () -> ()
    %add3A_182 = arith.constant 96 : i32
    %add3A_183 = arith.addi %mul3A_173, %add3A_182 : i32
    "tpu.region"() ({
      %run_scoped3A = tpu.sem_alloc : memref<!tpu.dma_semaphore, #tpu.memory_space<semaphore_mem>>
      %dma_start3A = arith.constant 0 : i32
      %dma_start3A_204 = tpu.memref_slice %arg18[%add3A_183, %dma_start3A] : memref<2568x128xf32, #tpu.memory_space<vmem_shared>> -> memref<48x128xf32, #tpu.memory_space<vmem_shared>>
      %dma_start3A_205 = arith.constant 0 : i32
      %dma_start3A_206 = tpu.memref_slice %arg18[%add3A_183, %dma_start3A_205] : memref<2568x128xf32, #tpu.memory_space<vmem_shared>> -> memref<48x128xf32, #tpu.memory_space<vmem_shared>>
      tpu.enqueue_dma source(%arg13 : memref<48x128xf32, #tpu.memory_space<vmem>>) target(%dma_start3A_206 : memref<48x128xf32, #tpu.memory_space<vmem_shared>>) target_semaphore(%run_scoped3A : memref<!tpu.dma_semaphore, #tpu.memory_space<semaphore_mem>>)
      %dma_wait3A = arith.constant 0 : i32
      %dma_wait3A_207 = tpu.memref_slice %arg18[%add3A_183, %dma_wait3A] : memref<2568x128xf32, #tpu.memory_space<vmem_shared>> -> memref<48x128xf32, #tpu.memory_space<vmem_shared>>
      %dma_wait3A_208 = arith.constant 0 : i32
      %dma_wait3A_209 = tpu.memref_slice %arg18[%add3A_183, %dma_wait3A_208] : memref<2568x128xf32, #tpu.memory_space<vmem_shared>> -> memref<48x128xf32, #tpu.memory_space<vmem_shared>>
      tpu.wait_dma2 semaphore(%run_scoped3A : memref<!tpu.dma_semaphore, #tpu.memory_space<semaphore_mem>>) src(%arg13 : memref<48x128xf32, #tpu.memory_space<vmem>>) dst(%dma_wait3A_209 : memref<48x128xf32, #tpu.memory_space<vmem_shared>>)
      tpu.yield
    }) : () -> ()
    %add3A_184 = arith.constant 96 : i32
    %add3A_185 = arith.addi %mul3A_173, %add3A_184 : i32
    "tpu.region"() ({
      %run_scoped3A = tpu.sem_alloc : memref<!tpu.dma_semaphore, #tpu.memory_space<semaphore_mem>>
      %dma_start3A = arith.constant 0 : i32
      %dma_start3A_204 = tpu.memref_slice %arg19[%add3A_185, %dma_start3A] : memref<2568x128xf32, #tpu.memory_space<vmem_shared>> -> memref<48x128xf32, #tpu.memory_space<vmem_shared>>
      %dma_start3A_205 = arith.constant 0 : i32
      %dma_start3A_206 = tpu.memref_slice %arg19[%add3A_185, %dma_start3A_205] : memref<2568x128xf32, #tpu.memory_space<vmem_shared>> -> memref<48x128xf32, #tpu.memory_space<vmem_shared>>
      tpu.enqueue_dma source(%arg13 : memref<48x128xf32, #tpu.memory_space<vmem>>) target(%dma_start3A_206 : memref<48x128xf32, #tpu.memory_space<vmem_shared>>) target_semaphore(%run_scoped3A : memref<!tpu.dma_semaphore, #tpu.memory_space<semaphore_mem>>)
      %dma_wait3A = arith.constant 0 : i32
      %dma_wait3A_207 = tpu.memref_slice %arg19[%add3A_185, %dma_wait3A] : memref<2568x128xf32, #tpu.memory_space<vmem_shared>> -> memref<48x128xf32, #tpu.memory_space<vmem_shared>>
      %dma_wait3A_208 = arith.constant 0 : i32
      %dma_wait3A_209 = tpu.memref_slice %arg19[%add3A_185, %dma_wait3A_208] : memref<2568x128xf32, #tpu.memory_space<vmem_shared>> -> memref<48x128xf32, #tpu.memory_space<vmem_shared>>
      tpu.wait_dma2 semaphore(%run_scoped3A : memref<!tpu.dma_semaphore, #tpu.memory_space<semaphore_mem>>) src(%arg13 : memref<48x128xf32, #tpu.memory_space<vmem>>) dst(%dma_wait3A_209 : memref<48x128xf32, #tpu.memory_space<vmem_shared>>)
      tpu.yield
    }) : () -> ()
    %add3A_186 = arith.constant 144 : i32
    %add3A_187 = arith.addi %mul3A_173, %add3A_186 : i32
    "tpu.region"() ({
      %run_scoped3A = tpu.sem_alloc : memref<!tpu.dma_semaphore, #tpu.memory_space<semaphore_mem>>
      %dma_start3A = arith.constant 0 : i32
      %dma_start3A_204 = arith.constant 0 : i32
      %dma_start3A_205 = tpu.memref_slice %arg13[%dma_start3A, %dma_start3A_204] : memref<48x128xf32, #tpu.memory_space<vmem>> -> memref<16x128xf32, #tpu.memory_space<vmem>>
      %dma_start3A_206 = arith.constant 0 : i32
      %dma_start3A_207 = tpu.memref_slice %arg18[%add3A_187, %dma_start3A_206] : memref<2568x128xf32, #tpu.memory_space<vmem_shared>> -> memref<16x128xf32, #tpu.memory_space<vmem_shared>>
      %dma_start3A_208 = arith.constant 0 : i32
      %dma_start3A_209 = tpu.memref_slice %arg18[%add3A_187, %dma_start3A_208] : memref<2568x128xf32, #tpu.memory_space<vmem_shared>> -> memref<16x128xf32, #tpu.memory_space<vmem_shared>>
      %dma_start3A_210 = arith.constant 0 : i32
      %dma_start3A_211 = arith.constant 0 : i32
      %dma_start3A_212 = tpu.memref_slice %arg13[%dma_start3A_210, %dma_start3A_211] : memref<48x128xf32, #tpu.memory_space<vmem>> -> memref<16x128xf32, #tpu.memory_space<vmem>>
      tpu.enqueue_dma source(%dma_start3A_212 : memref<16x128xf32, #tpu.memory_space<vmem>>) target(%dma_start3A_209 : memref<16x128xf32, #tpu.memory_space<vmem_shared>>) target_semaphore(%run_scoped3A : memref<!tpu.dma_semaphore, #tpu.memory_space<semaphore_mem>>)
      %dma_wait3A = arith.constant 0 : i32
      %dma_wait3A_213 = arith.constant 0 : i32
      %dma_wait3A_214 = tpu.memref_slice %arg13[%dma_wait3A, %dma_wait3A_213] : memref<48x128xf32, #tpu.memory_space<vmem>> -> memref<16x128xf32, #tpu.memory_space<vmem>>
      %dma_wait3A_215 = arith.constant 0 : i32
      %dma_wait3A_216 = tpu.memref_slice %arg18[%add3A_187, %dma_wait3A_215] : memref<2568x128xf32, #tpu.memory_space<vmem_shared>> -> memref<16x128xf32, #tpu.memory_space<vmem_shared>>
      %dma_wait3A_217 = arith.constant 0 : i32
      %dma_wait3A_218 = tpu.memref_slice %arg18[%add3A_187, %dma_wait3A_217] : memref<2568x128xf32, #tpu.memory_space<vmem_shared>> -> memref<16x128xf32, #tpu.memory_space<vmem_shared>>
      %dma_wait3A_219 = arith.constant 0 : i32
      %dma_wait3A_220 = arith.constant 0 : i32
      %dma_wait3A_221 = tpu.memref_slice %arg13[%dma_wait3A_219, %dma_wait3A_220] : memref<48x128xf32, #tpu.memory_space<vmem>> -> memref<16x128xf32, #tpu.memory_space<vmem>>
      tpu.wait_dma2 semaphore(%run_scoped3A : memref<!tpu.dma_semaphore, #tpu.memory_space<semaphore_mem>>) src(%dma_wait3A_221 : memref<16x128xf32, #tpu.memory_space<vmem>>) dst(%dma_wait3A_218 : memref<16x128xf32, #tpu.memory_space<vmem_shared>>)
      tpu.yield
    }) : () -> ()
    %add3A_188 = arith.constant 144 : i32
    %add3A_189 = arith.addi %mul3A_173, %add3A_188 : i32
    "tpu.region"() ({
      %run_scoped3A = tpu.sem_alloc : memref<!tpu.dma_semaphore, #tpu.memory_space<semaphore_mem>>
      %dma_start3A = arith.constant 0 : i32
      %dma_start3A_204 = arith.constant 0 : i32
      %dma_start3A_205 = tpu.memref_slice %arg13[%dma_start3A, %dma_start3A_204] : memref<48x128xf32, #tpu.memory_space<vmem>> -> memref<16x128xf32, #tpu.memory_space<vmem>>
      %dma_start3A_206 = arith.constant 0 : i32
      %dma_start3A_207 = tpu.memref_slice %arg19[%add3A_189, %dma_start3A_206] : memref<2568x128xf32, #tpu.memory_space<vmem_shared>> -> memref<16x128xf32, #tpu.memory_space<vmem_shared>>
      %dma_start3A_208 = arith.constant 0 : i32
      %dma_start3A_209 = tpu.memref_slice %arg19[%add3A_189, %dma_start3A_208] : memref<2568x128xf32, #tpu.memory_space<vmem_shared>> -> memref<16x128xf32, #tpu.memory_space<vmem_shared>>
      %dma_start3A_210 = arith.constant 0 : i32
      %dma_start3A_211 = arith.constant 0 : i32
      %dma_start3A_212 = tpu.memref_slice %arg13[%dma_start3A_210, %dma_start3A_211] : memref<48x128xf32, #tpu.memory_space<vmem>> -> memref<16x128xf32, #tpu.memory_space<vmem>>
      tpu.enqueue_dma source(%dma_start3A_212 : memref<16x128xf32, #tpu.memory_space<vmem>>) target(%dma_start3A_209 : memref<16x128xf32, #tpu.memory_space<vmem_shared>>) target_semaphore(%run_scoped3A : memref<!tpu.dma_semaphore, #tpu.memory_space<semaphore_mem>>)
      %dma_wait3A = arith.constant 0 : i32
      %dma_wait3A_213 = arith.constant 0 : i32
      %dma_wait3A_214 = tpu.memref_slice %arg13[%dma_wait3A, %dma_wait3A_213] : memref<48x128xf32, #tpu.memory_space<vmem>> -> memref<16x128xf32, #tpu.memory_space<vmem>>
      %dma_wait3A_215 = arith.constant 0 : i32
      %dma_wait3A_216 = tpu.memref_slice %arg19[%add3A_189, %dma_wait3A_215] : memref<2568x128xf32, #tpu.memory_space<vmem_shared>> -> memref<16x128xf32, #tpu.memory_space<vmem_shared>>
      %dma_wait3A_217 = arith.constant 0 : i32
      %dma_wait3A_218 = tpu.memref_slice %arg19[%add3A_189, %dma_wait3A_217] : memref<2568x128xf32, #tpu.memory_space<vmem_shared>> -> memref<16x128xf32, #tpu.memory_space<vmem_shared>>
      %dma_wait3A_219 = arith.constant 0 : i32
      %dma_wait3A_220 = arith.constant 0 : i32
      %dma_wait3A_221 = tpu.memref_slice %arg13[%dma_wait3A_219, %dma_wait3A_220] : memref<48x128xf32, #tpu.memory_space<vmem>> -> memref<16x128xf32, #tpu.memory_space<vmem>>
      tpu.wait_dma2 semaphore(%run_scoped3A : memref<!tpu.dma_semaphore, #tpu.memory_space<semaphore_mem>>) src(%dma_wait3A_221 : memref<16x128xf32, #tpu.memory_space<vmem>>) dst(%dma_wait3A_218 : memref<16x128xf32, #tpu.memory_space<vmem_shared>>)
      tpu.yield
    }) : () -> ()
    %barrier3A_190 = arith.constant 0 : index
    tpu.barrier barrier_id(%barrier3A_190)
    %scan3A_191 = arith.constant 0 : i32
    %scan3A_192 = arith.constant 250 : i32
    %scan3A_193 = arith.addi %scan3A_191, %scan3A_192 : i32
    %scan3A_194 = arith.constant 1 : i32
    scf.for %scan3A_204 = %scan3A_191 to %scan3A_193 step %scan3A_194  : i32 {
      %mul3A_205 = arith.constant 1 : i32
      %mul3A_206 = arith.muli %scan3A_204, %mul3A_205 : i32
      %add3A_207 = arith.constant 0 : i32
      %add3A_208 = arith.addi %add3A_207, %mul3A_206 : i32
      %mul3A_209 = arith.constant 1280 : i32
      %mul3A_210 = arith.muli %add3A_208, %mul3A_209 : i32
      %mul3A_211 = arith.constant 40 : i32
      %mul3A_212 = arith.muli %add3A, %mul3A_211 : i32
      %add3A_213 = arith.addi %mul3A_210, %mul3A_212 : i32
      "tpu.region"() ({
        %run_scoped3A = tpu.sem_alloc : memref<!tpu.dma_semaphore, #tpu.memory_space<semaphore_mem>>
        %dma_start3A_284 = arith.constant 0 : i32
        %dma_start3A_285 = tpu.memref_slice %arg10[%dma_start3A_284] : memref<48xi32, #tpu.memory_space<vmem>> -> memref<40xi32, #tpu.memory_space<vmem>>
        %dma_start3A_286 = tpu.memref_slice %arg4[%add3A_213] : memref<320000xi32, #tpu.memory_space<hbm>> -> memref<40xi32, #tpu.memory_space<hbm>>
        %dma_start3A_287 = arith.constant 0 : i32
        %dma_start3A_288 = tpu.memref_slice %arg10[%dma_start3A_287] : memref<48xi32, #tpu.memory_space<vmem>> -> memref<40xi32, #tpu.memory_space<vmem>>
        %dma_start3A_289 = tpu.memref_slice %arg4[%add3A_213] : memref<320000xi32, #tpu.memory_space<hbm>> -> memref<40xi32, #tpu.memory_space<hbm>>
        tpu.enqueue_dma source(%dma_start3A_289 : memref<40xi32, #tpu.memory_space<hbm>>) target(%dma_start3A_288 : memref<40xi32, #tpu.memory_space<vmem>>) target_semaphore(%run_scoped3A : memref<!tpu.dma_semaphore, #tpu.memory_space<semaphore_mem>>)
        %dma_wait3A_290 = arith.constant 0 : i32
        %dma_wait3A_291 = tpu.memref_slice %arg10[%dma_wait3A_290] : memref<48xi32, #tpu.memory_space<vmem>> -> memref<40xi32, #tpu.memory_space<vmem>>
        %dma_wait3A_292 = tpu.memref_slice %arg4[%add3A_213] : memref<320000xi32, #tpu.memory_space<hbm>> -> memref<40xi32, #tpu.memory_space<hbm>>
        %dma_wait3A_293 = arith.constant 0 : i32
        %dma_wait3A_294 = tpu.memref_slice %arg10[%dma_wait3A_293] : memref<48xi32, #tpu.memory_space<vmem>> -> memref<40xi32, #tpu.memory_space<vmem>>
        %dma_wait3A_295 = tpu.memref_slice %arg4[%add3A_213] : memref<320000xi32, #tpu.memory_space<hbm>> -> memref<40xi32, #tpu.memory_space<hbm>>
        tpu.wait_dma2 semaphore(%run_scoped3A : memref<!tpu.dma_semaphore, #tpu.memory_space<semaphore_mem>>) src(%dma_wait3A_295 : memref<40xi32, #tpu.memory_space<hbm>>) dst(%dma_wait3A_294 : memref<40xi32, #tpu.memory_space<vmem>>)
        tpu.yield
      }) : () -> ()
      "tpu.region"() ({
        %run_scoped3A = tpu.sem_alloc : memref<!tpu.dma_semaphore, #tpu.memory_space<semaphore_mem>>
        %dma_start3A_284 = arith.constant 0 : i32
        %dma_start3A_285 = tpu.memref_slice %arg11[%dma_start3A_284] : memref<48xi32, #tpu.memory_space<vmem>> -> memref<40xi32, #tpu.memory_space<vmem>>
        %dma_start3A_286 = tpu.memref_slice %arg5[%add3A_213] : memref<320000xi32, #tpu.memory_space<hbm>> -> memref<40xi32, #tpu.memory_space<hbm>>
        %dma_start3A_287 = arith.constant 0 : i32
        %dma_start3A_288 = tpu.memref_slice %arg11[%dma_start3A_287] : memref<48xi32, #tpu.memory_space<vmem>> -> memref<40xi32, #tpu.memory_space<vmem>>
        %dma_start3A_289 = tpu.memref_slice %arg5[%add3A_213] : memref<320000xi32, #tpu.memory_space<hbm>> -> memref<40xi32, #tpu.memory_space<hbm>>
        tpu.enqueue_dma source(%dma_start3A_289 : memref<40xi32, #tpu.memory_space<hbm>>) target(%dma_start3A_288 : memref<40xi32, #tpu.memory_space<vmem>>) target_semaphore(%run_scoped3A : memref<!tpu.dma_semaphore, #tpu.memory_space<semaphore_mem>>)
        %dma_wait3A_290 = arith.constant 0 : i32
        %dma_wait3A_291 = tpu.memref_slice %arg11[%dma_wait3A_290] : memref<48xi32, #tpu.memory_space<vmem>> -> memref<40xi32, #tpu.memory_space<vmem>>
        %dma_wait3A_292 = tpu.memref_slice %arg5[%add3A_213] : memref<320000xi32, #tpu.memory_space<hbm>> -> memref<40xi32, #tpu.memory_space<hbm>>
        %dma_wait3A_293 = arith.constant 0 : i32
        %dma_wait3A_294 = tpu.memref_slice %arg11[%dma_wait3A_293] : memref<48xi32, #tpu.memory_space<vmem>> -> memref<40xi32, #tpu.memory_space<vmem>>
        %dma_wait3A_295 = tpu.memref_slice %arg5[%add3A_213] : memref<320000xi32, #tpu.memory_space<hbm>> -> memref<40xi32, #tpu.memory_space<hbm>>
        tpu.wait_dma2 semaphore(%run_scoped3A : memref<!tpu.dma_semaphore, #tpu.memory_space<semaphore_mem>>) src(%dma_wait3A_295 : memref<40xi32, #tpu.memory_space<hbm>>) dst(%dma_wait3A_294 : memref<40xi32, #tpu.memory_space<vmem>>)
        tpu.yield
      }) : () -> ()
      %dma_start3A = arith.constant 0 : i32
      %dma_start3A_214 = arith.constant 0 : i32
      %dma_start3A_215 = tpu.memref_slice %arg3[%dma_start3A, %dma_start3A_214] : memref<10000x128xf32, #tpu.memory_space<hbm>> -> memref<10000x128xf32, #tpu.memory_space<hbm>>
      tpu.enqueue_indirect_dma source(%dma_start3A_215 : memref<10000x128xf32, #tpu.memory_space<hbm>>) target(%arg14 : memref<48x128xf32, #tpu.memory_space<vmem>>) offsets(%arg10 : memref<48xi32, #tpu.memory_space<vmem>>) semaphore(%arg21 : memref<!tpu.dma_semaphore, #tpu.memory_space<semaphore_mem>>)
      "tpu.region"() ({
        %run_scoped3A = tpu.sem_alloc : memref<!tpu.dma_semaphore, #tpu.memory_space<semaphore_mem>>
        %dma_start3A_284 = arith.constant 0 : i32
        %dma_start3A_285 = arith.constant 0 : i32
        %dma_start3A_286 = tpu.memref_slice %arg15[%dma_start3A_284, %dma_start3A_285] : memref<48x16xf32, #tpu.memory_space<vmem>> -> memref<40x16xf32, #tpu.memory_space<vmem>>
        %dma_start3A_287 = arith.constant 0 : i32
        %dma_start3A_288 = tpu.memref_slice %arg9[%add3A_213, %dma_start3A_287] : memref<320000x16xf32, #tpu.memory_space<hbm>> -> memref<40x16xf32, #tpu.memory_space<hbm>>
        %dma_start3A_289 = arith.constant 0 : i32
        %dma_start3A_290 = arith.constant 0 : i32
        %dma_start3A_291 = tpu.memref_slice %arg15[%dma_start3A_289, %dma_start3A_290] : memref<48x16xf32, #tpu.memory_space<vmem>> -> memref<40x16xf32, #tpu.memory_space<vmem>>
        %dma_start3A_292 = arith.constant 0 : i32
        %dma_start3A_293 = tpu.memref_slice %arg9[%add3A_213, %dma_start3A_292] : memref<320000x16xf32, #tpu.memory_space<hbm>> -> memref<40x16xf32, #tpu.memory_space<hbm>>
        tpu.enqueue_dma source(%dma_start3A_293 : memref<40x16xf32, #tpu.memory_space<hbm>>) target(%dma_start3A_291 : memref<40x16xf32, #tpu.memory_space<vmem>>) target_semaphore(%run_scoped3A : memref<!tpu.dma_semaphore, #tpu.memory_space<semaphore_mem>>)
        %dma_wait3A_294 = arith.constant 0 : i32
        %dma_wait3A_295 = arith.constant 0 : i32
        %dma_wait3A_296 = tpu.memref_slice %arg15[%dma_wait3A_294, %dma_wait3A_295] : memref<48x16xf32, #tpu.memory_space<vmem>> -> memref<40x16xf32, #tpu.memory_space<vmem>>
        %dma_wait3A_297 = arith.constant 0 : i32
        %dma_wait3A_298 = tpu.memref_slice %arg9[%add3A_213, %dma_wait3A_297] : memref<320000x16xf32, #tpu.memory_space<hbm>> -> memref<40x16xf32, #tpu.memory_space<hbm>>
        %dma_wait3A_299 = arith.constant 0 : i32
        %dma_wait3A_300 = arith.constant 0 : i32
        %dma_wait3A_301 = tpu.memref_slice %arg15[%dma_wait3A_299, %dma_wait3A_300] : memref<48x16xf32, #tpu.memory_space<vmem>> -> memref<40x16xf32, #tpu.memory_space<vmem>>
        %dma_wait3A_302 = arith.constant 0 : i32
        %dma_wait3A_303 = tpu.memref_slice %arg9[%add3A_213, %dma_wait3A_302] : memref<320000x16xf32, #tpu.memory_space<hbm>> -> memref<40x16xf32, #tpu.memory_space<hbm>>
        tpu.wait_dma2 semaphore(%run_scoped3A : memref<!tpu.dma_semaphore, #tpu.memory_space<semaphore_mem>>) src(%dma_wait3A_303 : memref<40x16xf32, #tpu.memory_space<hbm>>) dst(%dma_wait3A_301 : memref<40x16xf32, #tpu.memory_space<vmem>>)
        tpu.yield
      }) : () -> ()
      %dma_wait3A = arith.constant 0 : i32
      %dma_wait3A_216 = arith.constant 0 : i32
      %dma_wait3A_217 = tpu.memref_slice %arg3[%dma_wait3A, %dma_wait3A_216] : memref<10000x128xf32, #tpu.memory_space<hbm>> -> memref<10000x128xf32, #tpu.memory_space<hbm>>
      tpu.wait_indirect_dma semaphore(%arg21 : memref<!tpu.dma_semaphore, #tpu.memory_space<semaphore_mem>>) src(%dma_wait3A_217 : memref<10000x128xf32, #tpu.memory_space<hbm>>) dst(%arg14 : memref<48x128xf32, #tpu.memory_space<vmem>>)
      %scan3A_218 = arith.constant 0 : i32
      %scan3A_219 = arith.constant 40 : i32
      %scan3A_220 = arith.addi %scan3A_218, %scan3A_219 : i32
      %scan3A_221 = arith.constant 1 : i32
      scf.for %scan3A_284 = %scan3A_218 to %scan3A_220 step %scan3A_221  : i32 {
        %mul3A_285 = arith.constant 1 : i32
        %mul3A_286 = arith.muli %scan3A_284, %mul3A_285 : i32
        %add3A_287 = arith.constant 0 : i32
        %add3A_288 = arith.addi %add3A_287, %mul3A_286 : i32
        %get3A_289 = arith.index_cast %add3A_288 : i32 to index
        %get3A_290 = arith.constant 0 : index
        %get3A_291 = tpu.vector_load %arg15[%get3A_289, %get3A_290] {strides = array<i32>} : memref<48x16xf32, #tpu.memory_space<vmem>>, vector<1x16xf32>,
        %get3A_292 = vector.shape_cast %get3A_291 : vector<1x16xf32> to vector<16xf32>
        %swap3A_293 = arith.index_cast %add3A_288 : i32 to index
        %swap3A_294 = arith.constant 0 : index
        %swap3A_295 = tpu.vector_load %arg16[%swap3A_293, %swap3A_294] {strides = array<i32>} : memref<48x128xf32, #tpu.memory_space<vmem>>, vector<1x16xf32>,
        %swap3A_296 = vector.shape_cast %swap3A_295 : vector<1x16xf32> to vector<16xf32>
        %swap3A_297 = vector.shape_cast %get3A_292 : vector<16xf32> to vector<1x16xf32>
        tpu.vector_store %arg16[%swap3A_293, %swap3A_294], %swap3A_297 {strides = array<i32>} : memref<48x128xf32, #tpu.memory_space<vmem>>, vector<1x16xf32>,
        %broadcast_in_dim3A_298 = arith.constant 0 : i32
        %broadcast_in_dim3A_299 = vector.broadcast %broadcast_in_dim3A_298 : i32 to vector<16xi32>
        %lt3A_300 = arith.constant 0 : i32
        %lt3A_301 = vector.broadcast %lt3A_300 : i32 to vector<16xi32>
        %lt3A_302 = arith.cmpi slt, %broadcast_in_dim3A_299, %lt3A_301 : vector<16xi32>
        %add3A_303 = arith.constant 16 : i32
        %add3A_304 = vector.broadcast %add3A_303 : i32 to vector<16xi32>
        %add3A_305 = arith.addi %broadcast_in_dim3A_299, %add3A_304 : vector<16xi32>
        %select_n3A_306 = arith.select %lt3A_302, %add3A_305, %broadcast_in_dim3A_299 : vector<16xi1>, vector<16xi32>
        %broadcast_in_dim3A_307 = vector.shape_cast %select_n3A_306 : vector<16xi32> to vector<16x1xi32>
        %gather3A = vector.shape_cast %broadcast_in_dim3A_307 : vector<16x1xi32> to vector<16xi32>
        %gather3A_308 = tpu.dynamic_gather %get3A_292[%gather3A] in [0] : vector<16xf32>, vector<16xi32> -> vector<16xf32>
        %get3A_309 = arith.index_cast %add3A_288 : i32 to index
        %get3A_310 = arith.constant 0 : index
        %get3A_311 = tpu.vector_load %arg14[%get3A_309, %get3A_310] {strides = array<i32>} : memref<48x128xf32, #tpu.memory_space<vmem>>, vector<1x16xf32>,
        %get3A_312 = vector.shape_cast %get3A_311 : vector<1x16xf32> to vector<16xf32>
        %mul3A_313 = arith.mulf %get3A_312, %gather3A_308 : vector<16xf32>
        %swap3A_314 = arith.index_cast %add3A_288 : i32 to index
        %swap3A_315 = arith.constant 0 : index
        %swap3A_316 = tpu.vector_load %arg14[%swap3A_314, %swap3A_315] {strides = array<i32>} : memref<48x128xf32, #tpu.memory_space<vmem>>, vector<1x16xf32>,
        %swap3A_317 = vector.shape_cast %swap3A_316 : vector<1x16xf32> to vector<16xf32>
        %swap3A_318 = vector.shape_cast %mul3A_313 : vector<16xf32> to vector<1x16xf32>
        tpu.vector_store %arg14[%swap3A_314, %swap3A_315], %swap3A_318 {strides = array<i32>} : memref<48x128xf32, #tpu.memory_space<vmem>>, vector<1x16xf32>,
        %get3A_319 = arith.index_cast %add3A_288 : i32 to index
        %get3A_320 = arith.constant 16 : index
        %get3A_321 = tpu.vector_load %arg14[%get3A_319, %get3A_320] {strides = array<i32>} : memref<48x128xf32, #tpu.memory_space<vmem>>, vector<1x16xf32>,
        %get3A_322 = vector.shape_cast %get3A_321 : vector<1x16xf32> to vector<16xf32>
        %mul3A_323 = arith.mulf %get3A_322, %gather3A_308 : vector<16xf32>
        %swap3A_324 = arith.index_cast %add3A_288 : i32 to index
        %swap3A_325 = arith.constant 16 : index
        %swap3A_326 = tpu.vector_load %arg14[%swap3A_324, %swap3A_325] {strides = array<i32>} : memref<48x128xf32, #tpu.memory_space<vmem>>, vector<1x16xf32>,
        %swap3A_327 = vector.shape_cast %swap3A_326 : vector<1x16xf32> to vector<16xf32>
        %swap3A_328 = vector.shape_cast %mul3A_323 : vector<16xf32> to vector<1x16xf32>
        tpu.vector_store %arg14[%swap3A_324, %swap3A_325], %swap3A_328 {strides = array<i32>} : memref<48x128xf32, #tpu.memory_space<vmem>>, vector<1x16xf32>,
        %broadcast_in_dim3A_329 = arith.constant 1 : i32
        %broadcast_in_dim3A_330 = vector.broadcast %broadcast_in_dim3A_329 : i32 to vector<16xi32>
        %lt3A_331 = arith.constant 0 : i32
        %lt3A_332 = vector.broadcast %lt3A_331 : i32 to vector<16xi32>
        %lt3A_333 = arith.cmpi slt, %broadcast_in_dim3A_330, %lt3A_332 : vector<16xi32>
        %add3A_334 = arith.constant 16 : i32
        %add3A_335 = vector.broadcast %add3A_334 : i32 to vector<16xi32>
        %add3A_336 = arith.addi %broadcast_in_dim3A_330, %add3A_335 : vector<16xi32>
        %select_n3A_337 = arith.select %lt3A_333, %add3A_336, %broadcast_in_dim3A_330 : vector<16xi1>, vector<16xi32>
        %broadcast_in_dim3A_338 = vector.shape_cast %select_n3A_337 : vector<16xi32> to vector<16x1xi32>
        %gather3A_339 = vector.shape_cast %broadcast_in_dim3A_338 : vector<16x1xi32> to vector<16xi32>
        %gather3A_340 = tpu.dynamic_gather %get3A_292[%gather3A_339] in [0] : vector<16xf32>, vector<16xi32> -> vector<16xf32>
        %get3A_341 = arith.index_cast %add3A_288 : i32 to index
        %get3A_342 = arith.constant 32 : index
        %get3A_343 = tpu.vector_load %arg14[%get3A_341, %get3A_342] {strides = array<i32>} : memref<48x128xf32, #tpu.memory_space<vmem>>, vector<1x16xf32>,
        %get3A_344 = vector.shape_cast %get3A_343 : vector<1x16xf32> to vector<16xf32>
        %mul3A_345 = arith.mulf %get3A_344, %gather3A_340 : vector<16xf32>
        %swap3A_346 = arith.index_cast %add3A_288 : i32 to index
        %swap3A_347 = arith.constant 32 : index
        %swap3A_348 = tpu.vector_load %arg14[%swap3A_346, %swap3A_347] {strides = array<i32>} : memref<48x128xf32, #tpu.memory_space<vmem>>, vector<1x16xf32>,
        %swap3A_349 = vector.shape_cast %swap3A_348 : vector<1x16xf32> to vector<16xf32>
        %swap3A_350 = vector.shape_cast %mul3A_345 : vector<16xf32> to vector<1x16xf32>
        tpu.vector_store %arg14[%swap3A_346, %swap3A_347], %swap3A_350 {strides = array<i32>} : memref<48x128xf32, #tpu.memory_space<vmem>>, vector<1x16xf32>,
        %get3A_351 = arith.index_cast %add3A_288 : i32 to index
        %get3A_352 = arith.constant 48 : index
        %get3A_353 = tpu.vector_load %arg14[%get3A_351, %get3A_352] {strides = array<i32>} : memref<48x128xf32, #tpu.memory_space<vmem>>, vector<1x16xf32>,
        %get3A_354 = vector.shape_cast %get3A_353 : vector<1x16xf32> to vector<16xf32>
        %mul3A_355 = arith.mulf %get3A_354, %gather3A_340 : vector<16xf32>
        %swap3A_356 = arith.index_cast %add3A_288 : i32 to index
        %swap3A_357 = arith.constant 48 : index
        %swap3A_358 = tpu.vector_load %arg14[%swap3A_356, %swap3A_357] {strides = array<i32>} : memref<48x128xf32, #tpu.memory_space<vmem>>, vector<1x16xf32>,
        %swap3A_359 = vector.shape_cast %swap3A_358 : vector<1x16xf32> to vector<16xf32>
        %swap3A_360 = vector.shape_cast %mul3A_355 : vector<16xf32> to vector<1x16xf32>
        tpu.vector_store %arg14[%swap3A_356, %swap3A_357], %swap3A_360 {strides = array<i32>} : memref<48x128xf32, #tpu.memory_space<vmem>>, vector<1x16xf32>,
        %broadcast_in_dim3A_361 = arith.constant 2 : i32
        %broadcast_in_dim3A_362 = vector.broadcast %broadcast_in_dim3A_361 : i32 to vector<16xi32>
        %lt3A_363 = arith.constant 0 : i32
        %lt3A_364 = vector.broadcast %lt3A_363 : i32 to vector<16xi32>
        %lt3A_365 = arith.cmpi slt, %broadcast_in_dim3A_362, %lt3A_364 : vector<16xi32>
        %add3A_366 = arith.constant 16 : i32
        %add3A_367 = vector.broadcast %add3A_366 : i32 to vector<16xi32>
        %add3A_368 = arith.addi %broadcast_in_dim3A_362, %add3A_367 : vector<16xi32>
        %select_n3A_369 = arith.select %lt3A_365, %add3A_368, %broadcast_in_dim3A_362 : vector<16xi1>, vector<16xi32>
        %broadcast_in_dim3A_370 = vector.shape_cast %select_n3A_369 : vector<16xi32> to vector<16x1xi32>
        %gather3A_371 = vector.shape_cast %broadcast_in_dim3A_370 : vector<16x1xi32> to vector<16xi32>
        %gather3A_372 = tpu.dynamic_gather %get3A_292[%gather3A_371] in [0] : vector<16xf32>, vector<16xi32> -> vector<16xf32>
        %get3A_373 = arith.index_cast %add3A_288 : i32 to index
        %get3A_374 = arith.constant 64 : index
        %get3A_375 = tpu.vector_load %arg14[%get3A_373, %get3A_374] {strides = array<i32>} : memref<48x128xf32, #tpu.memory_space<vmem>>, vector<1x16xf32>,
        %get3A_376 = vector.shape_cast %get3A_375 : vector<1x16xf32> to vector<16xf32>
        %mul3A_377 = arith.mulf %get3A_376, %gather3A_372 : vector<16xf32>
        %swap3A_378 = arith.index_cast %add3A_288 : i32 to index
        %swap3A_379 = arith.constant 64 : index
        %swap3A_380 = tpu.vector_load %arg14[%swap3A_378, %swap3A_379] {strides = array<i32>} : memref<48x128xf32, #tpu.memory_space<vmem>>, vector<1x16xf32>,
        %swap3A_381 = vector.shape_cast %swap3A_380 : vector<1x16xf32> to vector<16xf32>
        %swap3A_382 = vector.shape_cast %mul3A_377 : vector<16xf32> to vector<1x16xf32>
        tpu.vector_store %arg14[%swap3A_378, %swap3A_379], %swap3A_382 {strides = array<i32>} : memref<48x128xf32, #tpu.memory_space<vmem>>, vector<1x16xf32>,
        %get3A_383 = arith.index_cast %add3A_288 : i32 to index
        %get3A_384 = arith.constant 80 : index
        %get3A_385 = tpu.vector_load %arg14[%get3A_383, %get3A_384] {strides = array<i32>} : memref<48x128xf32, #tpu.memory_space<vmem>>, vector<1x16xf32>,
        %get3A_386 = vector.shape_cast %get3A_385 : vector<1x16xf32> to vector<16xf32>
        %mul3A_387 = arith.mulf %get3A_386, %gather3A_372 : vector<16xf32>
        %swap3A_388 = arith.index_cast %add3A_288 : i32 to index
        %swap3A_389 = arith.constant 80 : index
        %swap3A_390 = tpu.vector_load %arg14[%swap3A_388, %swap3A_389] {strides = array<i32>} : memref<48x128xf32, #tpu.memory_space<vmem>>, vector<1x16xf32>,
        %swap3A_391 = vector.shape_cast %swap3A_390 : vector<1x16xf32> to vector<16xf32>
        %swap3A_392 = vector.shape_cast %mul3A_387 : vector<16xf32> to vector<1x16xf32>
        tpu.vector_store %arg14[%swap3A_388, %swap3A_389], %swap3A_392 {strides = array<i32>} : memref<48x128xf32, #tpu.memory_space<vmem>>, vector<1x16xf32>,
        %broadcast_in_dim3A_393 = arith.constant 3 : i32
        %broadcast_in_dim3A_394 = vector.broadcast %broadcast_in_dim3A_393 : i32 to vector<16xi32>
        %lt3A_395 = arith.constant 0 : i32
        %lt3A_396 = vector.broadcast %lt3A_395 : i32 to vector<16xi32>
        %lt3A_397 = arith.cmpi slt, %broadcast_in_dim3A_394, %lt3A_396 : vector<16xi32>
        %add3A_398 = arith.constant 16 : i32
        %add3A_399 = vector.broadcast %add3A_398 : i32 to vector<16xi32>
        %add3A_400 = arith.addi %broadcast_in_dim3A_394, %add3A_399 : vector<16xi32>
        %select_n3A_401 = arith.select %lt3A_397, %add3A_400, %broadcast_in_dim3A_394 : vector<16xi1>, vector<16xi32>
        %broadcast_in_dim3A_402 = vector.shape_cast %select_n3A_401 : vector<16xi32> to vector<16x1xi32>
        %gather3A_403 = vector.shape_cast %broadcast_in_dim3A_402 : vector<16x1xi32> to vector<16xi32>
        %gather3A_404 = tpu.dynamic_gather %get3A_292[%gather3A_403] in [0] : vector<16xf32>, vector<16xi32> -> vector<16xf32>
        %get3A_405 = arith.index_cast %add3A_288 : i32 to index
        %get3A_406 = arith.constant 96 : index
        %get3A_407 = tpu.vector_load %arg14[%get3A_405, %get3A_406] {strides = array<i32>} : memref<48x128xf32, #tpu.memory_space<vmem>>, vector<1x16xf32>,
        %get3A_408 = vector.shape_cast %get3A_407 : vector<1x16xf32> to vector<16xf32>
        %mul3A_409 = arith.mulf %get3A_408, %gather3A_404 : vector<16xf32>
        %swap3A_410 = arith.index_cast %add3A_288 : i32 to index
        %swap3A_411 = arith.constant 96 : index
        %swap3A_412 = tpu.vector_load %arg14[%swap3A_410, %swap3A_411] {strides = array<i32>} : memref<48x128xf32, #tpu.memory_space<vmem>>, vector<1x16xf32>,
        %swap3A_413 = vector.shape_cast %swap3A_412 : vector<1x16xf32> to vector<16xf32>
        %swap3A_414 = vector.shape_cast %mul3A_409 : vector<16xf32> to vector<1x16xf32>
        tpu.vector_store %arg14[%swap3A_410, %swap3A_411], %swap3A_414 {strides = array<i32>} : memref<48x128xf32, #tpu.memory_space<vmem>>, vector<1x16xf32>,
        %get3A_415 = arith.index_cast %add3A_288 : i32 to index
        %get3A_416 = arith.constant 112 : index
        %get3A_417 = tpu.vector_load %arg14[%get3A_415, %get3A_416] {strides = array<i32>} : memref<48x128xf32, #tpu.memory_space<vmem>>, vector<1x16xf32>,
        %get3A_418 = vector.shape_cast %get3A_417 : vector<1x16xf32> to vector<16xf32>
        %mul3A_419 = arith.mulf %get3A_418, %gather3A_404 : vector<16xf32>
        %swap3A_420 = arith.index_cast %add3A_288 : i32 to index
        %swap3A_421 = arith.constant 112 : index
        %swap3A_422 = tpu.vector_load %arg14[%swap3A_420, %swap3A_421] {strides = array<i32>} : memref<48x128xf32, #tpu.memory_space<vmem>>, vector<1x16xf32>,
        %swap3A_423 = vector.shape_cast %swap3A_422 : vector<1x16xf32> to vector<16xf32>
        %swap3A_424 = vector.shape_cast %mul3A_419 : vector<16xf32> to vector<1x16xf32>
        tpu.vector_store %arg14[%swap3A_420, %swap3A_421], %swap3A_424 {strides = array<i32>} : memref<48x128xf32, #tpu.memory_space<vmem>>, vector<1x16xf32>,
      }
      %scan3A_222 = arith.constant 40 : i32
      %get3A_223 = arith.constant 0 : index
      %get3A_224 = tpu.vector_load %arg11[%get3A_223] {strides = array<i32>} : memref<48xi32, #tpu.memory_space<vmem>>, vector<16xi32>,
      %get3A_225 = vector.shape_cast %get3A_224 : vector<16xi32> to vector<16xi32>
      %sub3A = arith.constant 7680 : i32
      %sub3A_226 = vector.broadcast %sub3A : i32 to vector<16xi32>
      %sub3A_227 = arith.subi %get3A_225, %sub3A_226 : vector<16xi32>
      %ge3A = arith.constant 0 : i32
      %ge3A_228 = vector.broadcast %ge3A : i32 to vector<16xi32>
      %ge3A_229 = arith.cmpi sge, %sub3A_227, %ge3A_228 : vector<16xi32>
      %lt3A_230 = arith.constant 2560 : i32
      %lt3A_231 = vector.broadcast %lt3A_230 : i32 to vector<16xi32>
      %lt3A_232 = arith.cmpi slt, %sub3A_227, %lt3A_231 : vector<16xi32>
      %and3A = arith.andi %ge3A_229, %lt3A_232 : vector<16xi1>
      %jit3A_233 = arith.constant 2560 : i32
      %broadcast_in_dim3A_234 = vector.broadcast %jit3A_233 : i32 to vector<16xi32>
      %select_n3A_235 = arith.select %and3A, %sub3A_227, %broadcast_in_dim3A_234 : vector<16xi1>, vector<16xi32>
      %swap3A_236 = arith.constant 0 : index
      %swap3A_237 = tpu.vector_load %arg12[%swap3A_236] {strides = array<i32>} : memref<48xi32, #tpu.memory_space<vmem>>, vector<16xi32>,
      %swap3A_238 = vector.shape_cast %swap3A_237 : vector<16xi32> to vector<16xi32>
      %swap3A_239 = vector.shape_cast %select_n3A_235 : vector<16xi32> to vector<16xi32>
      tpu.vector_store %arg12[%swap3A_236], %swap3A_239 {strides = array<i32>} : memref<48xi32, #tpu.memory_space<vmem>>, vector<16xi32>,
      %get3A_240 = arith.constant 16 : index
      %get3A_241 = tpu.vector_load %arg11[%get3A_240] {strides = array<i32>} : memref<48xi32, #tpu.memory_space<vmem>>, vector<16xi32>,
      %get3A_242 = vector.shape_cast %get3A_241 : vector<16xi32> to vector<16xi32>
      %sub3A_243 = arith.constant 7680 : i32
      %sub3A_244 = vector.broadcast %sub3A_243 : i32 to vector<16xi32>
      %sub3A_245 = arith.subi %get3A_242, %sub3A_244 : vector<16xi32>
      %ge3A_246 = arith.constant 0 : i32
      %ge3A_247 = vector.broadcast %ge3A_246 : i32 to vector<16xi32>
      %ge3A_248 = arith.cmpi sge, %sub3A_245, %ge3A_247 : vector<16xi32>
      %lt3A_249 = arith.constant 2560 : i32
      %lt3A_250 = vector.broadcast %lt3A_249 : i32 to vector<16xi32>
      %lt3A_251 = arith.cmpi slt, %sub3A_245, %lt3A_250 : vector<16xi32>
      %and3A_252 = arith.andi %ge3A_248, %lt3A_251 : vector<16xi1>
      %jit3A_253 = arith.constant 2560 : i32
      %broadcast_in_dim3A_254 = vector.broadcast %jit3A_253 : i32 to vector<16xi32>
      %select_n3A_255 = arith.select %and3A_252, %sub3A_245, %broadcast_in_dim3A_254 : vector<16xi1>, vector<16xi32>
      %swap3A_256 = arith.constant 16 : index
      %swap3A_257 = tpu.vector_load %arg12[%swap3A_256] {strides = array<i32>} : memref<48xi32, #tpu.memory_space<vmem>>, vector<16xi32>,
      %swap3A_258 = vector.shape_cast %swap3A_257 : vector<16xi32> to vector<16xi32>
      %swap3A_259 = vector.shape_cast %select_n3A_255 : vector<16xi32> to vector<16xi32>
      tpu.vector_store %arg12[%swap3A_256], %swap3A_259 {strides = array<i32>} : memref<48xi32, #tpu.memory_space<vmem>>, vector<16xi32>,
      %get3A_260 = arith.constant 32 : index
      %get3A_261 = tpu.vector_load %arg11[%get3A_260] {strides = array<i32>} : memref<48xi32, #tpu.memory_space<vmem>>, vector<16xi32>,
      %get3A_262 = vector.shape_cast %get3A_261 : vector<16xi32> to vector<16xi32>
      %sub3A_263 = arith.constant 7680 : i32
      %sub3A_264 = vector.broadcast %sub3A_263 : i32 to vector<16xi32>
      %sub3A_265 = arith.subi %get3A_262, %sub3A_264 : vector<16xi32>
      %ge3A_266 = arith.constant 0 : i32
      %ge3A_267 = vector.broadcast %ge3A_266 : i32 to vector<16xi32>
      %ge3A_268 = arith.cmpi sge, %sub3A_265, %ge3A_267 : vector<16xi32>
      %lt3A_269 = arith.constant 2560 : i32
      %lt3A_270 = vector.broadcast %lt3A_269 : i32 to vector<16xi32>
      %lt3A_271 = arith.cmpi slt, %sub3A_265, %lt3A_270 : vector<16xi32>
      %and3A_272 = arith.andi %ge3A_268, %lt3A_271 : vector<16xi1>
      %lt3A_273 = arith.constant 8 : i32
      %lt3A_274 = vector.broadcast %lt3A_273 : i32 to vector<16xi32>
      %lt3A_275 = arith.cmpi slt, %iota3A, %lt3A_274 : vector<16xi32>
      %and3A_276 = arith.andi %and3A_272, %lt3A_275 : vector<16xi1>
      %jit3A_277 = arith.constant 2560 : i32
      %broadcast_in_dim3A_278 = vector.broadcast %jit3A_277 : i32 to vector<16xi32>
      %select_n3A_279 = arith.select %and3A_276, %sub3A_265, %broadcast_in_dim3A_278 : vector<16xi1>, vector<16xi32>
      %swap3A_280 = arith.constant 32 : index
      %swap3A_281 = tpu.vector_load %arg12[%swap3A_280] {strides = array<i32>} : memref<48xi32, #tpu.memory_space<vmem>>, vector<16xi32>,
      %swap3A_282 = vector.shape_cast %swap3A_281 : vector<16xi32> to vector<16xi32>
      %swap3A_283 = vector.shape_cast %select_n3A_279 : vector<16xi32> to vector<16xi32>
      tpu.vector_store %arg12[%swap3A_280], %swap3A_283 {strides = array<i32>} : memref<48xi32, #tpu.memory_space<vmem>>, vector<16xi32>,
      "tpu.region"() ({
        %run_scoped3A = tpu.sem_alloc : memref<!tpu.dma_semaphore, #tpu.memory_space<semaphore_mem>>
        %dma_start3A_284 = arith.constant 0 : i32
        %dma_start3A_285 = arith.constant 0 : i32
        %dma_start3A_286 = tpu.memref_slice %arg18[%dma_start3A_284, %dma_start3A_285] : memref<2568x128xf32, #tpu.memory_space<vmem_shared>> -> memref<2568x128xf32, #tpu.memory_space<vmem_shared>>
        tpu.enqueue_indirect_dma source(%arg14 : memref<48x128xf32, #tpu.memory_space<vmem>>) target(%dma_start3A_286 : memref<2568x128xf32, #tpu.memory_space<vmem_shared>>) offsets(%arg12 : memref<48xi32, #tpu.memory_space<vmem>>) semaphore(%run_scoped3A : memref<!tpu.dma_semaphore, #tpu.memory_space<semaphore_mem>>) {add = true}
        %dma_wait3A_287 = arith.constant 0 : i32
        %dma_wait3A_288 = arith.constant 0 : i32
        %dma_wait3A_289 = tpu.memref_slice %arg18[%dma_wait3A_287, %dma_wait3A_288] : memref<2568x128xf32, #tpu.memory_space<vmem_shared>> -> memref<2568x128xf32, #tpu.memory_space<vmem_shared>>
        tpu.wait_indirect_dma semaphore(%run_scoped3A : memref<!tpu.dma_semaphore, #tpu.memory_space<semaphore_mem>>) src(%arg14 : memref<48x128xf32, #tpu.memory_space<vmem>>) dst(%dma_wait3A_289 : memref<2568x128xf32, #tpu.memory_space<vmem_shared>>)
        tpu.yield
      }) : () -> ()
      "tpu.region"() ({
        %run_scoped3A = tpu.sem_alloc : memref<!tpu.dma_semaphore, #tpu.memory_space<semaphore_mem>>
        %dma_start3A_284 = arith.constant 0 : i32
        %dma_start3A_285 = arith.constant 0 : i32
        %dma_start3A_286 = tpu.memref_slice %arg19[%dma_start3A_284, %dma_start3A_285] : memref<2568x128xf32, #tpu.memory_space<vmem_shared>> -> memref<2568x128xf32, #tpu.memory_space<vmem_shared>>
        tpu.enqueue_indirect_dma source(%arg16 : memref<48x128xf32, #tpu.memory_space<vmem>>) target(%dma_start3A_286 : memref<2568x128xf32, #tpu.memory_space<vmem_shared>>) offsets(%arg12 : memref<48xi32, #tpu.memory_space<vmem>>) semaphore(%run_scoped3A : memref<!tpu.dma_semaphore, #tpu.memory_space<semaphore_mem>>) {add = true}
        %dma_wait3A_287 = arith.constant 0 : i32
        %dma_wait3A_288 = arith.constant 0 : i32
        %dma_wait3A_289 = tpu.memref_slice %arg19[%dma_wait3A_287, %dma_wait3A_288] : memref<2568x128xf32, #tpu.memory_space<vmem_shared>> -> memref<2568x128xf32, #tpu.memory_space<vmem_shared>>
        tpu.wait_indirect_dma semaphore(%run_scoped3A : memref<!tpu.dma_semaphore, #tpu.memory_space<semaphore_mem>>) src(%arg16 : memref<48x128xf32, #tpu.memory_space<vmem>>) dst(%dma_wait3A_289 : memref<2568x128xf32, #tpu.memory_space<vmem_shared>>)
        tpu.yield
      }) : () -> ()
    }
    %scan3A_195 = arith.constant 250 : i32
    %barrier3A_196 = arith.constant 0 : index
    tpu.barrier barrier_id(%barrier3A_196)
    %mul3A_197 = arith.constant 160 : i32
    %mul3A_198 = arith.muli %arg1, %mul3A_197 : i32
    %add3A_199 = arith.constant 7680 : i32
    %add3A_200 = arith.addi %add3A_199, %mul3A_198 : i32
    "tpu.region"() ({
      %run_scoped3A = tpu.sem_alloc : memref<!tpu.dma_semaphore, #tpu.memory_space<semaphore_mem>>
      %dma_start3A = arith.constant 0 : i32
      %dma_start3A_204 = tpu.memref_slice %arg7[%arg0, %add3A_200, %dma_start3A] : memref<2x10240x128xf32, #tpu.memory_space<hbm>> -> memref<1x160x128xf32, #tpu.memory_space<hbm>>
      %dma_start3A_205 = tpu.memref_squeeze %dma_start3A_204 : memref<1x160x128xf32, #tpu.memory_space<hbm>> -> memref<160x128xf32, #tpu.memory_space<hbm>>
      %dma_start3A_206 = arith.constant 0 : i32
      %dma_start3A_207 = tpu.memref_slice %arg18[%mul3A_198, %dma_start3A_206] : memref<2568x128xf32, #tpu.memory_space<vmem_shared>> -> memref<160x128xf32, #tpu.memory_space<vmem_shared>>
      tpu.enqueue_dma source(%dma_start3A_207 : memref<160x128xf32, #tpu.memory_space<vmem_shared>>) target(%dma_start3A_205 : memref<160x128xf32, #tpu.memory_space<hbm>>) target_semaphore(%run_scoped3A : memref<!tpu.dma_semaphore, #tpu.memory_space<semaphore_mem>>)
      %dma_wait3A = arith.constant 0 : i32
      %dma_wait3A_208 = tpu.memref_slice %arg7[%arg0, %add3A_200, %dma_wait3A] : memref<2x10240x128xf32, #tpu.memory_space<hbm>> -> memref<1x160x128xf32, #tpu.memory_space<hbm>>
      %dma_wait3A_209 = tpu.memref_squeeze %dma_wait3A_208 : memref<1x160x128xf32, #tpu.memory_space<hbm>> -> memref<160x128xf32, #tpu.memory_space<hbm>>
      %dma_wait3A_210 = arith.constant 0 : i32
      %dma_wait3A_211 = tpu.memref_slice %arg18[%mul3A_198, %dma_wait3A_210] : memref<2568x128xf32, #tpu.memory_space<vmem_shared>> -> memref<160x128xf32, #tpu.memory_space<vmem_shared>>
      tpu.wait_dma2 semaphore(%run_scoped3A : memref<!tpu.dma_semaphore, #tpu.memory_space<semaphore_mem>>) src(%dma_wait3A_211 : memref<160x128xf32, #tpu.memory_space<vmem_shared>>) dst(%dma_wait3A_209 : memref<160x128xf32, #tpu.memory_space<hbm>>)
      tpu.yield
    }) : () -> ()
    %add3A_201 = arith.constant 7680 : i32
    %add3A_202 = arith.addi %add3A_201, %mul3A_198 : i32
    "tpu.region"() ({
      %run_scoped3A = tpu.sem_alloc : memref<!tpu.dma_semaphore, #tpu.memory_space<semaphore_mem>>
      %dma_start3A = arith.constant 0 : i32
      %dma_start3A_204 = tpu.memref_slice %arg8[%arg0, %add3A_202, %dma_start3A] : memref<2x10240x128xf32, #tpu.memory_space<hbm>> -> memref<1x160x128xf32, #tpu.memory_space<hbm>>
      %dma_start3A_205 = tpu.memref_squeeze %dma_start3A_204 : memref<1x160x128xf32, #tpu.memory_space<hbm>> -> memref<160x128xf32, #tpu.memory_space<hbm>>
      %dma_start3A_206 = arith.constant 0 : i32
      %dma_start3A_207 = tpu.memref_slice %arg19[%mul3A_198, %dma_start3A_206] : memref<2568x128xf32, #tpu.memory_space<vmem_shared>> -> memref<160x128xf32, #tpu.memory_space<vmem_shared>>
      tpu.enqueue_dma source(%dma_start3A_207 : memref<160x128xf32, #tpu.memory_space<vmem_shared>>) target(%dma_start3A_205 : memref<160x128xf32, #tpu.memory_space<hbm>>) target_semaphore(%run_scoped3A : memref<!tpu.dma_semaphore, #tpu.memory_space<semaphore_mem>>)
      %dma_wait3A = arith.constant 0 : i32
      %dma_wait3A_208 = tpu.memref_slice %arg8[%arg0, %add3A_202, %dma_wait3A] : memref<2x10240x128xf32, #tpu.memory_space<hbm>> -> memref<1x160x128xf32, #tpu.memory_space<hbm>>
      %dma_wait3A_209 = tpu.memref_squeeze %dma_wait3A_208 : memref<1x160x128xf32, #tpu.memory_space<hbm>> -> memref<160x128xf32, #tpu.memory_space<hbm>>
      %dma_wait3A_210 = arith.constant 0 : i32
      %dma_wait3A_211 = tpu.memref_slice %arg19[%mul3A_198, %dma_wait3A_210] : memref<2568x128xf32, #tpu.memory_space<vmem_shared>> -> memref<160x128xf32, #tpu.memory_space<vmem_shared>>
      tpu.wait_dma2 semaphore(%run_scoped3A : memref<!tpu.dma_semaphore, #tpu.memory_space<semaphore_mem>>) src(%dma_wait3A_211 : memref<160x128xf32, #tpu.memory_space<vmem_shared>>) dst(%dma_wait3A_209 : memref<160x128xf32, #tpu.memory_space<hbm>>)
      tpu.yield
    }) : () -> ()
    %barrier3A_203 = arith.constant 0 : index
    tpu.barrier barrier_id(%barrier3A_203)
    return
  }
}

module attributes {stable_mosaic.version = 14 : i64} {
  func.func @_qk_body(%arg0: i32, %arg1: memref<1000x128xf32, #tpu.memory_space<vmem>>, %arg2: memref<128x128xf32, #tpu.memory_space<vmem>>, %arg3: memref<128x128xf32, #tpu.memory_space<vmem>>, %arg4: memref<1x128xf32, #tpu.memory_space<vmem>>, %arg5: memref<1000x128xf32, #tpu.memory_space<vmem>>, %arg6: memref<1000x128xf32, #tpu.memory_space<vmem>>) attributes {dimension_semantics = [#tpu.dimension_semantics<arbitrary>], iteration_bounds = array<i64: 10>, scalar_prefetch = 0 : i64, scratch_operands = 0 : i64, tpu.core_type = #tpu.core_type<tc>, window_params = [{transform_indices = @transform_0, window_bounds = array<i64: 1000, 128>}, {pipeline_mode = #tpu.pipeline_mode<synchronous>, transform_indices = @transform_1, window_bounds = array<i64: 128, 128>}, {pipeline_mode = #tpu.pipeline_mode<synchronous>, transform_indices = @transform_2, window_bounds = array<i64: 128, 128>}, {pipeline_mode = #tpu.pipeline_mode<synchronous>, transform_indices = @transform_3, window_bounds = array<i64: 1, 128>}, {transform_indices = @transform_4, window_bounds = array<i64: 1000, 128>}, {transform_indices = @transform_5, window_bounds = array<i64: 1000, 128>}]} {
    %get3A = arith.constant 0 : index
    %get3A_0 = arith.constant 0 : index
    %get3A_1 = vector.load %arg1[%get3A, %get3A_0] : memref<1000x128xf32, #tpu.memory_space<vmem>>, vector<1000x128xf32>
    %get3A_2 = arith.constant 0 : index
    %get3A_3 = arith.constant 0 : index
    %get3A_4 = vector.load %arg4[%get3A_2, %get3A_3] : memref<1x128xf32, #tpu.memory_space<vmem>>, vector<1x128xf32>
    %get3A_5 = arith.constant 0 : index
    %get3A_6 = arith.constant 0 : index
    %get3A_7 = vector.load %arg2[%get3A_5, %get3A_6] : memref<128x128xf32, #tpu.memory_space<vmem>>, vector<128x128xf32>
    %dot_general3A = arith.constant dense<0.000000e+00> : vector<1000x128xf32>
    %dot_general3A_8 = tpu.matmul %get3A_1, %get3A_7, %dot_general3A {dimension_numbers = #tpu.dot_dimension_numbers<[1], [0], [0], [1], [0, 0, 1, 1], [], []>, transpose_lhs_hint = false} : vector<1000x128xf32>, vector<128x128xf32>, vector<1000x128xf32> -> vector<1000x128xf32>
    %add3A = vector.broadcast %get3A_4 : vector<1x128xf32> to vector<1000x128xf32>
    %add3A_9 = arith.addf %dot_general3A_8, %add3A : vector<1000x128xf32>
    %swap3A = arith.constant 0 : index
    %swap3A_10 = arith.constant 0 : index
    %swap3A_11 = vector.load %arg5[%swap3A, %swap3A_10] : memref<1000x128xf32, #tpu.memory_space<vmem>>, vector<1000x128xf32>
    tpu.vector_store %arg5[%swap3A, %swap3A_10], %add3A_9 {strides = array<i32>} : memref<1000x128xf32, #tpu.memory_space<vmem>>, vector<1000x128xf32>,
    %get3A_12 = arith.constant 0 : index
    %get3A_13 = arith.constant 0 : index
    %get3A_14 = vector.load %arg3[%get3A_12, %get3A_13] : memref<128x128xf32, #tpu.memory_space<vmem>>, vector<128x128xf32>
    %dot_general3A_15 = arith.constant dense<0.000000e+00> : vector<1000x128xf32>
    %dot_general3A_16 = tpu.matmul %get3A_1, %get3A_14, %dot_general3A_15 {dimension_numbers = #tpu.dot_dimension_numbers<[1], [0], [0], [1], [0, 0, 1, 1], [], []>, transpose_lhs_hint = false} : vector<1000x128xf32>, vector<128x128xf32>, vector<1000x128xf32> -> vector<1000x128xf32>
    %add3A_17 = vector.broadcast %get3A_4 : vector<1x128xf32> to vector<1000x128xf32>
    %add3A_18 = arith.addf %dot_general3A_16, %add3A_17 : vector<1000x128xf32>
    %swap3A_19 = arith.constant 0 : index
    %swap3A_20 = arith.constant 0 : index
    %swap3A_21 = vector.load %arg6[%swap3A_19, %swap3A_20] : memref<1000x128xf32, #tpu.memory_space<vmem>>, vector<1000x128xf32>
    tpu.vector_store %arg6[%swap3A_19, %swap3A_20], %add3A_18 {strides = array<i32>} : memref<1000x128xf32, #tpu.memory_space<vmem>>, vector<1000x128xf32>,
    return
  }
  func.func @transform_0(%arg0: i32) -> (i32, i32) {
    %c0_i32 = arith.constant 0 : i32
    %c0_i32_0 = arith.constant 0 : i32
    return %arg0, %c0_i32 : i32, i32
  }
  func.func @transform_1(%arg0: i32) -> (i32, i32) {
    %c0_i32 = arith.constant 0 : i32
    %c0_i32_0 = arith.constant 0 : i32
    %c0_i32_1 = arith.constant 0 : i32
    return %c0_i32, %c0_i32_0 : i32, i32
  }
  func.func @transform_2(%arg0: i32) -> (i32, i32) {
    %c0_i32 = arith.constant 0 : i32
    %c0_i32_0 = arith.constant 0 : i32
    %c0_i32_1 = arith.constant 0 : i32
    return %c0_i32, %c0_i32_0 : i32, i32
  }
  func.func @transform_3(%arg0: i32) -> (i32, i32) {
    %c0_i32 = arith.constant 0 : i32
    %c0_i32_0 = arith.constant 0 : i32
    %c0_i32_1 = arith.constant 0 : i32
    return %c0_i32, %c0_i32_0 : i32, i32
  }
  func.func @transform_4(%arg0: i32) -> (i32, i32) {
    %c0_i32 = arith.constant 0 : i32
    %c0_i32_0 = arith.constant 0 : i32
    return %arg0, %c0_i32 : i32, i32
  }
  func.func @transform_5(%arg0: i32) -> (i32, i32) {
    %c0_i32 = arith.constant 0 : i32
    %c0_i32_0 = arith.constant 0 : i32
    return %arg0, %c0_i32 : i32, i32
  }
}

module attributes {stable_mosaic.version = 14 : i64} {
  func.func @_fin_body(%arg0: i32, %arg1: memref<2x1000x128xf32, #tpu.memory_space<vmem>>, %arg2: memref<2x1000x16xf32, #tpu.memory_space<vmem>>, %arg3: memref<16x128xf32, #tpu.memory_space<vmem>>, %arg4: memref<1000x128xf32, #tpu.memory_space<vmem>>) attributes {dimension_semantics = [#tpu.dimension_semantics<arbitrary>], iteration_bounds = array<i64: 10>, scalar_prefetch = 0 : i64, scratch_operands = 0 : i64, tpu.core_type = #tpu.core_type<tc>, window_params = [{transform_indices = @transform_0, window_bounds = array<i64: 2, 1000, 128>}, {transform_indices = @transform_1, window_bounds = array<i64: 2, 1000, 16>}, {pipeline_mode = #tpu.pipeline_mode<synchronous>, transform_indices = @transform_2, window_bounds = array<i64: 16, 128>}, {transform_indices = @transform_3, window_bounds = array<i64: 1000, 128>}]} {
    %get3A = arith.constant 0 : index
    %get3A_0 = arith.constant 0 : index
    %get3A_1 = arith.constant 0 : index
    %get3A_2 = vector.load %arg1[%get3A, %get3A_0, %get3A_1] : memref<2x1000x128xf32, #tpu.memory_space<vmem>>, vector<1x1000x128xf32>
    %get3A_3 = vector.shape_cast %get3A_2 : vector<1x1000x128xf32> to vector<1000x128xf32>
    %get3A_4 = arith.constant 1 : index
    %get3A_5 = arith.constant 0 : index
    %get3A_6 = arith.constant 0 : index
    %get3A_7 = vector.load %arg1[%get3A_4, %get3A_5, %get3A_6] : memref<2x1000x128xf32, #tpu.memory_space<vmem>>, vector<1x1000x128xf32>
    %get3A_8 = vector.shape_cast %get3A_7 : vector<1x1000x128xf32> to vector<1000x128xf32>
    %add3A = arith.addf %get3A_3, %get3A_8 : vector<1000x128xf32>
    %get3A_9 = arith.constant 0 : index
    %get3A_10 = arith.constant 0 : index
    %get3A_11 = arith.constant 0 : index
    %get3A_12 = vector.load %arg2[%get3A_9, %get3A_10, %get3A_11] : memref<2x1000x16xf32, #tpu.memory_space<vmem>>, vector<1x1000x16xf32>
    %get3A_13 = vector.shape_cast %get3A_12 : vector<1x1000x16xf32> to vector<1000x16xf32>
    %get3A_14 = arith.constant 1 : index
    %get3A_15 = arith.constant 0 : index
    %get3A_16 = arith.constant 0 : index
    %get3A_17 = vector.load %arg2[%get3A_14, %get3A_15, %get3A_16] : memref<2x1000x16xf32, #tpu.memory_space<vmem>>, vector<1x1000x16xf32>
    %get3A_18 = vector.shape_cast %get3A_17 : vector<1x1000x16xf32> to vector<1000x16xf32>
    %add3A_19 = arith.addf %get3A_13, %get3A_18 : vector<1000x16xf32>
    %get3A_20 = arith.constant 0 : index
    %get3A_21 = arith.constant 0 : index
    %get3A_22 = vector.load %arg3[%get3A_20, %get3A_21] : memref<16x128xf32, #tpu.memory_space<vmem>>, vector<16x128xf32>
    %dot_general3A = arith.constant dense<0.000000e+00> : vector<1000x128xf32>
    %dot_general3A_23 = tpu.matmul %add3A_19, %get3A_22, %dot_general3A {dimension_numbers = #tpu.dot_dimension_numbers<[1], [0], [0], [1], [0, 0, 1, 1], [], []>, transpose_lhs_hint = false} : vector<1000x16xf32>, vector<16x128xf32>, vector<1000x128xf32> -> vector<1000x128xf32>
    %add3A_24 = arith.constant 9.99999971E-10 : f32
    %add3A_25 = vector.broadcast %add3A_24 : f32 to vector<1000x128xf32>
    %add3A_26 = arith.addf %dot_general3A_23, %add3A_25 : vector<1000x128xf32>
    %div3A = arith.divf %add3A, %add3A_26 : vector<1000x128xf32>
    %max3A = arith.constant 0.000000e+00 : f32
    %max3A_27 = vector.broadcast %max3A : f32 to vector<1000x128xf32>
    %max3A_28 = arith.maximumf %div3A, %max3A_27 : vector<1000x128xf32>
    %swap3A = arith.constant 0 : index
    %swap3A_29 = arith.constant 0 : index
    %swap3A_30 = vector.load %arg4[%swap3A, %swap3A_29] : memref<1000x128xf32, #tpu.memory_space<vmem>>, vector<1000x128xf32>
    tpu.vector_store %arg4[%swap3A, %swap3A_29], %max3A_28 {strides = array<i32>} : memref<1000x128xf32, #tpu.memory_space<vmem>>, vector<1000x128xf32>,
    return
  }
  func.func @transform_0(%arg0: i32) -> (i32, i32, i32) {
    %c0_i32 = arith.constant 0 : i32
    %c0_i32_0 = arith.constant 0 : i32
    %c0_i32_1 = arith.constant 0 : i32
    return %c0_i32, %arg0, %c0_i32_0 : i32, i32, i32
  }
  func.func @transform_1(%arg0: i32) -> (i32, i32, i32) {
    %c0_i32 = arith.constant 0 : i32
    %c0_i32_0 = arith.constant 0 : i32
    %c0_i32_1 = arith.constant 0 : i32
    return %c0_i32, %arg0, %c0_i32_0 : i32, i32, i32
  }
  func.func @transform_2(%arg0: i32) -> (i32, i32) {
    %c0_i32 = arith.constant 0 : i32
    %c0_i32_0 = arith.constant 0 : i32
    %c0_i32_1 = arith.constant 0 : i32
    return %c0_i32, %c0_i32_0 : i32, i32
  }
  func.func @transform_3(%arg0: i32) -> (i32, i32) {
    %c0_i32 = arith.constant 0 : i32
    %c0_i32_0 = arith.constant 0 : i32
    return %arg0, %c0_i32 : i32, i32
  }
}

</mosaic_0001>

<sc_bundles>
// kernel: kernel.5.cloned.1.call-start
scs
__scs_entry_jumppad:
0x0: {  	(pc) =	sbr.rel $0x88, $3  }
0x1: {  	(tag) =	ssettag $0x0;
	lr =	simm.s32 $0x1  }
0x2: {  	[smem:$0x3F9B] =	sst lr;
	_ =	strace $0xD0000000  }
0x3: {  	_ = 	snop  }
0x4: {  	_ = 	snop  }
0x5: {  	_ = 	snop  }
0x6: {  	_ = 	snop  }
0x7: {  	_ = 	snop  }
__scs_overlays_trampoline_lowered:
0x8: {  	[smem:$0x3FAA] =	sst s0  }
0x9: {  	[smem:$0x3FAB] =	sst s1  }
0xa: {  	[smem:$0x3FAC] =	sst s2  }
0xb: {  	[smem:$0x3FAD] =	sst s3  }
0xc: {  	[smem:$0x3FAE] =	sst s4  }
0xd: {  	[smem:$0x3FAF] =	sst s5  }
0xe: {  	[smem:$0x3FB0] =	sst s6  }
0xf: {  	[smem:$0x3FB1] =	sst s7  }
0x10: {  	[smem:$0x3FB2] =	sst s8  }
0x11: {  	[smem:$0x3FB3] =	sst s9;
	s0 =	simm.s32 @!p0 $0x0  }
0x12: {  	s1 =	sld [smem:$0x3F99];
	s0 =	simm.s32 @p0 $0x1  }
0x13: {  	[smem:$0x3FB4] =	sst s0;
	s0 =	simm.s32 @!p1 $0x0  }
0x14: {  	s2 =	sld [smem:$0x3F98];
	s0 =	simm.s32 @p1 $0x1  }
0x15: {  	[smem:$0x3FB5] =	sst s0;
	s0 =	simm.s32 @!p2 $0x0  }
0x16: {  	s3 =	sld [smem:$0x3FDB];
	s0 =	simm.s32 @p2 $0x1  }
0x17: {  	s4 =	simm.s32 $0x1BF5;
	[smem:$0x3FB7] =	sst s0  }
0x18: {  	s0 =	sld [smem:$0x3F9A];
	_ =	swait.ge [sflag:s4], $0x0  }
0x19: {  	s7 =	sld [smem:$0x3F9B]  }
0x1a: {  	s8 =	sadd.s32 $0xFFFFE003, lr  }
0x1b: {  	s9 =	sadd.s32 $0xFFFFFEF7, lr;
	s5 =	simm.s32 $0xFFFFFFFF;
	p2 =	slt.u32 s8, $0xFFFFF086  }
0x1c: {  	p1 =	slt.u32 s9, $0xF7A;
	s5 =	simm.s32 @!p2 $0x0  }
0x1d: {  	s5 =	simm.s32 @p1 $0x1;
	p0 =	seq.s32 s7, s2  }
0x1e: {  	s7 =	smul.u32 @!p0 $0xF7A, s2;
	p2 =	seq.s32 @!p0 s5, $0x0  }
0x1f: {  	s9 =	smul.u32 $0xF7A, s1;
	s8 =	simm.s32 @!p0 $0x1BF5;
	p2 =	por !p2, p0  }
0x20: {  	[sflag:s8] =	ssyncset.s32 @!p0 $0xFFFFF086;
	s6 =	sadd.s32 @!p0 s3, s7;
	s7 =	simm.s32 @!p0 $0x108  }
0x21: {  	s3 =	sadd.s32 s3, s9;
	s6 =	sadd.s32 @!p0 $0x88, s6;
	s7 =	simm.s32 @p2 $0x1082  }
0x22: {  	[simem:s7], [sflag:s8] =	dma.local @!p0 [hbm:s6], $0xF7A  }
0x23: {  	s9 =	sor.u32 $0xD0000000, s2;
	s6 =	simm.s32 $0x108;
	_ =	swait.ge @!p0 [sflag:s8], $0x0  }
0x24: {  	s3 =	sadd.s32 $0x88, s3;
	s6 =	simm.s32 @!p1 $0x1082;
	[sflag:s4] =	ssyncset.s32 $0xFFFFF086  }
0x25: {  	[simem:s6], [sflag:s4] =	dma.local [hbm:s3], $0xF7A  }
0x26: {  	[smem:$0x3F9B] =	sst s1;
	(tag) =	ssettag s2;
	_ =	strace s9  }
0x27: {  	s1 =	sld [smem:$0x3FAB]  }
0x28: {  	s2 =	sld [smem:$0x3FAC]  }
0x29: {  	s4 =	sld [smem:$0x3FAE]  }
0x2a: {  	p0 =	seq.s32 s5, $0x0;
	s5 =	sld [smem:$0x3FAF]  }
0x2b: {  	s6 =	sld [smem:$0x3FB0]  }
0x2c: {  	s7 =	sld [smem:$0x3FB1]  }
0x2d: {  	s3 =	simm.s32 $0x108;
	s8 =	sld [smem:$0x3FB2]  }
0x2e: {  	s3 =	simm.s32 @!p0 $0x1082;
	s9 =	sld [smem:$0x3FB3]  }
0x2f: {  	lr =	sadd.s32 s0, s3;
	s0 =	sld [smem:$0x3FAA]  }
0x30: {  	s3 =	sld [smem:$0x3FAD]  }
0x31: {  	[smem:$0x3FB6] =	sst s10  }
0x32: {  	s10 =	sld [smem:$0x3FB4];
	_ =	sdelay $0x3  }
0x33: {  	p0 =	seq.s32 s10, $0x1;
	s10 =	sld [smem:$0x3FB6];
	_ =	sdelay $0x3  }
0x34: {  	[smem:$0x3FB6] =	sst s10  }
0x35: {  	s10 =	sld [smem:$0x3FB5];
	_ =	sdelay $0x3  }
0x36: {  	p1 =	seq.s32 s10, $0x1;
	s10 =	sld [smem:$0x3FB6];
	_ =	sdelay $0x3  }
0x37: {  	[smem:$0x3FB6] =	sst s10  }
0x38: {  	s10 =	sld [smem:$0x3FB7]  }
0x39: {  	_ = 	snop;
	(pc) =	sbr.ind lr, $3  }
0x3a: {  	_ = 	snop  }
0x3b: {  	_ = 	snop  }
0x3c: {  	p2 =	seq.s32 s10, $0x1;
	s10 =	sld [smem:$0x3FB6]  }
0x3d: {  	_ =	shalt  }
0x3e: {  	_ =	shalt  }
0x3f: {  	_ =	shalt  }
0x40: {  	_ =	shalt  }
0x41: {  	_ =	shalt  }
0x42: {  	_ =	shalt  }
0x43: {  	_ =	shalt  }
0x44: {  	_ =	shalt  }
0x45: {  	_ =	shalt  }
0x46: {  	_ =	shalt  }
0x47: {  	_ =	shalt  }
0x48: {  	_ =	shalt  }
0x49: {  	_ =	shalt  }
0x4a: {  	_ =	shalt  }
0x4b: {  	_ =	shalt  }
0x4c: {  	_ =	shalt  }
0x4d: {  	_ =	shalt  }
0x4e: {  	_ =	shalt  }
0x4f: {  	_ =	shalt  }
0x50: {  	_ =	shalt  }
0x51: {  	_ =	shalt  }
0x52: {  	_ =	shalt  }
0x53: {  	_ =	shalt  }
0x54: {  	_ =	shalt  }
0x55: {  	_ =	shalt  }
0x56: {  	_ =	shalt  }
0x57: {  	_ =	shalt  }
0x58: {  	_ =	shalt  }
0x59: {  	_ =	shalt  }
0x5a: {  	_ =	shalt  }
0x5b: {  	_ =	shalt  }
0x5c: {  	_ =	shalt  }
0x5d: {  	_ =	shalt  }
0x5e: {  	_ =	shalt  }
0x5f: {  	_ =	shalt  }
0x60: {  	_ =	shalt  }
0x61: {  	_ =	shalt  }
0x62: {  	_ =	shalt  }
0x63: {  	_ =	shalt  }
0x64: {  	_ =	shalt  }
0x65: {  	_ =	shalt  }
0x66: {  	_ =	shalt  }
0x67: {  	_ =	shalt  }
0x68: {  	_ =	shalt  }
0x69: {  	_ =	shalt  }
0x6a: {  	_ =	shalt  }
0x6b: {  	_ =	shalt  }
0x6c: {  	_ =	shalt  }
0x6d: {  	_ =	shalt  }
0x6e: {  	_ =	shalt  }
0x6f: {  	_ =	shalt  }
0x70: {  	_ =	shalt  }
0x71: {  	_ =	shalt  }
0x72: {  	_ =	shalt  }
0x73: {  	_ =	shalt  }
0x74: {  	_ =	shalt  }
0x75: {  	_ =	shalt  }
0x76: {  	_ =	shalt  }
0x77: {  	_ =	shalt  }
0x78: {  	_ =	shalt  }
0x79: {  	_ =	shalt  }
0x7a: {  	_ =	shalt  }
0x7b: {  	_ =	shalt  }
0x7c: {  	_ =	shalt  }
0x7d: {  	_ =	shalt  }
0x7e: {  	_ =	shalt  }
0x7f: {  	_ =	shalt  }
0x80: {  	_ =	shalt  }
0x81: {  	_ =	shalt  }
0x82: {  	_ =	shalt  }
0x83: {  	_ =	shalt  }
0x84: {  	_ =	shalt  }
0x85: {  	_ =	shalt  }
0x86: {  	_ =	shalt  }
0x87: {  	_ =	shalt  }
.Lfunc_end0:
.L_simem_size_0:
called_computation_lowered:
.L_overlay_start_0:
0x88: {  	s2 =	sld [smem:$0x3FD9]  }
0x89: {  	s3 =	sld [smem:$0x3FFE];
	_ =	sdelay $0x1  }
0x8a: {  	s1 =	srdreg.scid  }
0x8b: {  	s0 =	sand.u32 $0x1, s1  }
0x8c: {  	s17 =	sshll.u32 s0, $0xA;
	s2 =	sadd.s32 s3, s2  }
0x8d: {  	s2 =	sadd.s32 s2, s17  }
0x8e: {  	[smem:$0x3FC2] =	sst s2  }
0x8f: {  	_ = 	snop  }
0x90: {  	s2 =	sld [smem:$0x3FD0];
	(tm) =	ssettm $0x1  }
0x91: {  	s18 =	sld [smem:$0x3FFB];
	_ =	sdelay $0x3  }
0x92: {  	_ =	strace s18  }
0x93: {  	s3 =	sld [smem:$0x3FFC];
	_ =	sdelay $0x3  }
0x94: {  	_ =	strace s3  }
0x95: {  	s3 =	sld [smem:$0x3FFD];
	_ =	sdelay $0x3  }
0x96: {  	_ =	strace s3  }
0x97: {  	_ =	strace $0x8FFFFFFF  }
0x98: {  	s19 =	sld [smem:$0x3FDB];
	_ =	sdelay $0x1  }
0x99: {  	s4 =	simm.s32 $_scs_section_size  }
0x9a: {  	s5 =	simm.s32 $_size__tile_overlayer_lowered;
	s6 =	simm.s32 $_tile_overlayer_lowered  }
0x9b: {  	s22 =	simm.s32 $0x1BFF;
	s21 =	sshll.u32 s6, $0x1;
	s3 =	sadd.s32 s4, s19  }
0x9c: {  	s7 =	simm.s32 $0x0;
	s20 =	sshll.u32 s5, $0x1;
	s5 =	sadd.s32 s21, s3  }
0x9d: {  	[timem:s7], [sflag:s22] =	dma.local [hbm:s5], s20  }
0x9e: {  	_ =	swait.ge [sflag:s22], s20  }
0x9f: {  	s4 =	ssub.s32 $0x0, s20;
	[sflag:s22] =	ssyncset.done $0x0  }
0xa0: {  	[sflag:s22] =	ssyncadd.s32 s4;
	_ =	sdelay $0x1  }
0xa1: {  	s23 =	simm.s32 $0x1B8B  }
0xa2: {  	_ =	swait.ge [sflag:s23], $0x1  }
0xa3: {  	[sflag:s23] =	ssyncset.done $0x0  }
0xa4: {  	s25 =	simm.s32 $0x1B8E;
	s24 =	sld [smem:$0x3FFE];
	[sflag:s23] =	ssyncadd.s32 $0xFFFFFFFF  }
0xa5: {  	s26 =	simm.s32 $execute0_lowered;
	[smem:$0x3FD2] =	sst s25  }
0xa6: {  	s5 =	sshll.u32 s26, $0x1;
	_ =	strace $0x80000046;
	[dreg:$0x1] =	wrdreg $0xFFFFFFFF  }
0xa7: {  	s28 =	simm.s32 $_size_execute0_lowered;
	s3 =	sadd.s32 s3, s5;
	[dreg:$0x0] =	wrdreg $0x0  }
0xa8: {  	s5 =	sshll.u32 s28, $0x1;
	[dreg:$0x2] =	wrdreg s3  }
0xa9: {  	[dreg:$0x3] =	wrdreg s5  }
0xaa: {  	[dreg:$0x4] =	wrdreg $0xC0  }
0xab: {  	_ =	task [dreg:s7], $0x5FFFF  }
0xac: {  	[dreg:$0x1] =	wrdreg $0xFFFFFFFF  }
0xad: {  	[dreg:$0x0] =	wrdreg $0x60  }
0xae: {  	[dreg:$0x2] =	wrdreg s2  }
0xaf: {  	[dreg:$0x3] =	wrdreg s24  }
0xb0: {  	[dreg:$0x4] =	wrdreg $0x62000  }
0xb1: {  	[dreg:$0x5] =	wrdreg $0xB2400  }
0xb2: {  	[dreg:$0x6] =	wrdreg $0x9  }
0xb3: {  	_ =	task.clear_ibuf [dreg:s7], $0x7FFFF;
	_ =	strace $0x90000046  }
0xb4: {  	s29 =	simm.s32 $0x9;
	_ =	strace $0x80000048  }
0xb5: {  	_ =	swait.ge [sflag:s29], $0x1  }
0xb6: {  	[sflag:s29] =	ssyncadd.s32 $0xFFFFFFFF  }
0xb7: {  	_ =	strace $0x90000048  }
0xb8: {  	_ =	sfence  }
0xb9: {  	s30 =	sld [smem:$0x0];
	_ =	sdelay $0x2  }
0xba: {  	s31 =	sshll.u32 s1, $0xD;
	s1 =	sshrl.u32 s1, $0x2  }
0xbb: {  	s3 =	sand.u32 $0x4000, s31;
	s1 =	sadd.s32 s1, s30  }
0xbc: {  	s0 =	sor.u32 s3, s0;
	s1 =	sshll.u32 s1, $0x11  }
0xbd: {  	s0 =	sor.u32 s1, s0  }
0xbe: {  	s0 =	sadd.s32 $0x8F2B, s0  }
0xbf: {  	[sflag:s0] =	ssyncadd.remote.s32 $0x1  }
0xc0: {  	_ =	sfence.sel $0xFFFF  }
0xc1: {  	[dreg:$0x0] =	wrdreg $0xFFFFFFFF;
	(pc) =	sbr.abs _section_cstart, $3  }
0xc2: {  	[dreg:$0x1] =	wrdreg $0xFFFFFFFF  }
0xc3: {  	_ =	task.clear_ibuf [dreg:s7], $0x2FFFF;
	_ =	strace $0x9FFFFFFF  }
0xc4: {  	(tm) =	ssettm $0x7FFFFFFF  }
0xc5: {  	_ =	shalt  }
tec
execute0_lowered:
.L_overlay_start_1:
0x0: {  	(tag) =	ssettag $0x1  }
0x1: {  	s1 =	rddreg [dreg:$0x0]  }
0x2: {  	s0 =	rddreg [dreg:$0x1]  }
0x3: {  	s2 =	rddreg [dreg:$0x2]  }
0x4: {  	s3 =	rddreg [dreg:$0x3]  }
0x5: {  	s4 =	simm.s32 $0x0;
	s6 =	srdreg.scid;
	s16 =	stileid.u32  }
0x6: {  	s30 =	simm.s32 $0x180;
	s31 =	simm.s32 $0x3;
	[smem:$0x7FF] =	sst s4  }
0x7: {  	s5 =	sadd.s32 $0x14C00, s0;
	s7 =	sadd.s32 $0xAC00, s0;
	s8 =	sadd.s32 $0xE00, s0  }
0x8: {  	s9 =	sadd.s32 $0x14A00, s0;
	s6 =	sand.u32 $0x1, s6;
	s25 =	sadd.s32 $0x51DE00, s0  }
0x9: {  	s13 =	smul.u32 $0x5000, s16;
	s14 =	sadd.s32 $0x56DE00, s0;
	s10 =	sadd.s32 $0x3BE00, s0  }
0xa: {  	s26 =	sshll.u32 s16, $0x1;
	s16 =	simm.s32 $0x100;
	_ =	strace $0x80000047  }
0xb: {  	[dreg:$0x5] =	wrdreg s9;
	s11 =	ssub.s32 $0x2, s6;
	s15 =	smul.u32 $0x140000, s6  }
0xc: {  	s6 =	sor.u32 s6, s26;
	s12 =	sshrl.u32 s11, $0x1;
	s29 =	sadd.s32 $0x1800, s13  }
0xd: {  	s28 =	smul.u32 $0x28, s6;
	s0 =	ssub.s32 s11, s12;
	s23 =	sadd.s32 s29, s2  }
0xe: {  	s15 =	sadd.s32 s13, s15;
	s24 =	sadd.s32 s29, s3;
	[dreg:$0xe] =	wrdreg s23  }
0xf: {  	v1 =	vimm.s32 $0x76543210;
	v2 =	vimm.s32 $0xFEDCBA98;
	v3 =	vimm.s32 $0xBA98FEDC;
	s15 =	sshrl.u32 s15, $0x3;
	[dreg:$0xf] =	wrdreg s24;
	s0 =	smax.u32 s0, $0x1  }
0x10: {  	v4 =	vimm.s32 $0x32107654;
	v5 =	vimm.s32 $0xDCFE98BA;
	v6 =	vimm.s32 $0x54761032;
	s6 =	simm.s32 $0x30;
	s17 =	sadd.s32 s25, s15;
	[dreg:$0x13] =	wrdreg s0  }
0x11: {  	v0 =	vimm.f32 $0.0e+00;
	v7 =	vimm.s32 $0xEFCDAB89;
	v8 =	vimm.s32 $0x67452301;
	s18 =	sadd.s32 s14, s15;
	s19 =	sadd.s32 $0xA000, s15;
	[dreg:$0x6] =	wrdreg s17  }
0x12: {  	vm0 =	vmmov $0xff;
	vm1 =	vmmov $0x1;
	vm2 =	vcmask $0x310;
	s11 =	sadd.s32 s13, s2;
	[dreg:$0x7] =	wrdreg s18;
	s18 =	sadd.s32 s25, s19  }
0x13: {  	vm3 =	vcmask $0x710;
	vm4 =	vcmask $0xB10;
	v1 =	vunpack.c.l.s4.s8 v1;
	s20 =	sadd.s32 $0x14000, s15;
	s17 =	sadd.s32 s14, s19;
	[dreg:$0x8] =	wrdreg s18  }
0x14: {  	v2 =	vunpack.c.l.s4.s8 v2;
	v3 =	vunpack.c.l.s4.s8 v3;
	v4 =	vunpack.c.l.s4.s8 v4;
	s15 =	sadd.s32 $0x1E000, s15;
	s21 =	sadd.s32 s25, s20;
	[dreg:$0x9] =	wrdreg s17  }
0x15: {  	v5 =	vunpack.c.l.s4.s8 v5;
	v6 =	vunpack.c.l.s4.s8 v6;
	v7 =	vunpack.c.l.s4.s8 v7;
	s12 =	sadd.s32 s13, s3;
	s9 =	sadd.s32 s25, s15;
	[dreg:$0xa] =	wrdreg s21  }
0x16: {  	v8 =	vunpack.c.l.s4.s8 v8;
	v3 =	vunpack.c.0.s8.s32 v3;
	v4 =	vunpack.c.0.s8.s32 v4;
	s0 =	simm.s32 $0x80;
	s22 =	sadd.s32 s14, s15;
	[dreg:$0xc] =	wrdreg s9  }
0x17: {  	v5 =	vunpack.c.0.s8.s32 v5;
	v6 =	vunpack.c.0.s8.s32 v6;
	v2 =	vunpack.c.0.s8.s32 v2;
	s25 =	sadd.s32 $0x3000, s13;
	s17 =	sadd.s32 s14, s20;
	[dreg:$0xd] =	wrdreg s22  }
0x18: {  	v7 =	vunpack.c.0.s8.s32 v7;
	v8 =	vunpack.c.0.s8.s32 v8;
	v1 =	vunpack.c.0.s8.s32 v1;
	s13 =	sadd.s32 $0x4800, s13;
	s26 =	sadd.s32 s25, s2;
	[dreg:$0xb] =	wrdreg s17  }
0x19: {  	v3 =	vcombine.low v4, v3;
	v4 =	vcombine.low v6, v5;
	v2 =	vand.u32 $0xF, v2;
	s15 =	simm.s32 $0x3180;
	s9 =	sadd.s32 s25, s3;
	[dreg:$0x10] =	wrdreg s26  }
0x1a: {  	v5 =	vcombine.low v8, v7;
	v6 =	vimm.s32 $0x1;
	v7 =	vimm.s32 $0x2;
	s29 =	sadd.s32 s13, s2;
	s14 =	simm.s32 $0x2;
	[dreg:$0x11] =	wrdreg s9  }
0x1b: {  	v8 =	vimm.s32 $0x3;
	v1 =	vcombine.low v2, v1;
	v2 =	vand.u32 $0xF, v3;
	s18 =	simm.s32 $0x0;
	[dreg:$0x12] =	wrdreg s29;
	s26 =	sadd.s32 s13, s3  }
0x1c: {  	v3 =	vand.u32 $0xF, v4;
	v4 =	vand.u32 $0xF, v5;
	v5 =	vimm.s32 $0x0;
	s9 =	simm.s32 $0x1980;
	s13 =	simm.s32 $0x1;
	s17 =	simm.s32 $0x4980  }
.LBB2_1:
0x1d: {  	s19 =	simm.s32 $0x0;
	s20 =	simm.s32 $0x200  }
.LBB2_2:
0x1e: {  	p0 =	sne.s32 s20, $0x5E00;
	[tilespmem:s19+$0x3180] =	vst v0  }
0x1f: {  	[tilespmem:s19+$0x180] =	vst v0  }
0x20: {  	[tilespmem:s19+$0x4980] =	vst v0  }
0x21: {  	[tilespmem:s19+$0x190] =	vst v0  }
0x22: {  	[tilespmem:s19+$0x4990] =	vst v0  }
0x23: {  	[tilespmem:s19+$0x1A0] =	vst v0  }
0x24: {  	[tilespmem:s19+$0x49A0] =	vst v0  }
0x25: {  	[tilespmem:s19+$0x1B0] =	vst v0  }
0x26: {  	[tilespmem:s19+$0x49B0] =	vst v0  }
0x27: {  	[tilespmem:s19+$0x1C0] =	vst v0  }
0x28: {  	[tilespmem:s19+$0x49C0] =	vst v0  }
0x29: {  	[tilespmem:s19+$0x1D0] =	vst v0  }
.Ltmp0:
0x2a: {  	[tilespmem:s19+$0x49D0] =	vst v0;
	(pc) =	sbr.rel @p0 .LBB2_2-.Ltmp0, $4  }
0x2b: {  	[tilespmem:s19+$0x1E0] =	vst v0  }
0x2c: {  	[tilespmem:s19+$0x49E0] =	vst v0  }
0x2d: {  	[tilespmem:s19+$0x1F0] =	vst v0  }
0x2e: {  	[tilespmem:s19+$0x49F0] =	vst v0;
	s19 =	sshra.s32 s20, $0x2;
	s20 =	sadd.s32 $0x200, s20  }
0x2f: {  	[tilespmem:s19+$0x3180] =	vst v0  }
0x30: {  	[tilespmem:s19+$0x180] =	vst v0  }
0x31: {  	[tilespmem:s19+$0x4980] =	vst v0  }
0x32: {  	[tilespmem:s19+$0x190] =	vst v0  }
0x33: {  	[tilespmem:s19+$0x4990] =	vst v0  }
0x34: {  	[tilespmem:s19+$0x1A0] =	vst v0  }
0x35: {  	[tilespmem:s19+$0x49A0] =	vst v0  }
0x36: {  	[tilespmem:s19+$0x1B0] =	vst v0  }
0x37: {  	[tilespmem:s19+$0x49B0] =	vst v0  }
0x38: {  	[tilespmem:s19+$0x1C0] =	vst v0  }
0x39: {  	[tilespmem:s19+$0x49C0] =	vst v0  }
0x3a: {  	[tilespmem:s19+$0x1D0] =	vst v0  }
0x3b: {  	[tilespmem:s19+$0x49D0] =	vst v0  }
0x3c: {  	[tilespmem:s19+$0x1E0] =	vst v0  }
0x3d: {  	[tilespmem:s19+$0x49E0] =	vst v0  }
0x3e: {  	[tilespmem:s19+$0x1F0] =	vst v0  }
0x3f: {  	[tilespmem:s19+$0x49F0] =	vst v0  }
0x40: {  	[spmem:s11] =	stream.linear.scatter [tilespmem:s30], [sflag:$0x3], $0x1800, $0x38;
	[tilespmem:$0x10280] =	vst v63  }
0x41: {  	_ =	swait.ge [sflag:s31], $0x1800  }
0x42: {  	[sflag:s31] =	ssyncset.done $0x0  }
0x43: {  	[sflag:s31] =	ssyncadd.s32 $0xFFFFE800  }
0x44: {  	[spmem:s12] =	stream.linear.scatter [tilespmem:s30], [sflag:$0x3], $0x1800, $0x38;
	[tilespmem:$0x10280] =	vst v63  }
0x45: {  	_ =	swait.ge [sflag:s31], $0x1800  }
0x46: {  	[sflag:s31] =	ssyncset.done $0x0  }
0x47: {  	s22 =	rddreg [dreg:$0xe];
	[sflag:s31] =	ssyncadd.s32 $0xFFFFE800  }
0x48: {  	[spmem:s22] =	stream.linear.scatter [tilespmem:s30], [sflag:$0x3], $0x1800, $0x38;
	[tilespmem:$0x10280] =	vst v63  }
0x49: {  	_ =	swait.ge [sflag:s31], $0x1800  }
0x4a: {  	[sflag:s31] =	ssyncset.done $0x0  }
0x4b: {  	s23 =	rddreg [dreg:$0xf];
	[sflag:s31] =	ssyncadd.s32 $0xFFFFE800  }
0x4c: {  	[spmem:s23] =	stream.linear.scatter [tilespmem:s30], [sflag:$0x3], $0x1800, $0x38;
	[tilespmem:$0x10280] =	vst v63  }
0x4d: {  	_ =	swait.ge [sflag:s31], $0x1800  }
0x4e: {  	[sflag:s31] =	ssyncset.done $0x0  }
0x4f: {  	s24 =	rddreg [dreg:$0x10];
	[sflag:s31] =	ssyncadd.s32 $0xFFFFE800  }
0x50: {  	[spmem:s24] =	stream.linear.scatter [tilespmem:s30], [sflag:$0x3], $0x1800, $0x38;
	[tilespmem:$0x10280] =	vst v63  }
0x51: {  	_ =	swait.ge [sflag:s31], $0x1800  }
0x52: {  	[sflag:s31] =	ssyncset.done $0x0  }
0x53: {  	s25 =	rddreg [dreg:$0x11];
	[sflag:s31] =	ssyncadd.s32 $0xFFFFE800  }
0x54: {  	[spmem:s25] =	stream.linear.scatter [tilespmem:s30], [sflag:$0x3], $0x1800, $0x38;
	[tilespmem:$0x10280] =	vst v63  }
0x55: {  	_ =	swait.ge [sflag:s31], $0x1800  }
0x56: {  	[sflag:s31] =	ssyncset.done $0x0  }
0x57: {  	s29 =	rddreg [dreg:$0x12];
	[sflag:s31] =	ssyncadd.s32 $0xFFFFE800  }
0x58: {  	[spmem:s29] =	stream.linear.scatter [tilespmem:s30], [sflag:$0x3], $0x800, $0x38;
	[tilespmem:$0x10280] =	vst v63  }
0x59: {  	_ =	swait.ge [sflag:s31], $0x800  }
0x5a: {  	[sflag:s31] =	ssyncset.done $0x0  }
0x5b: {  	[sflag:s31] =	ssyncadd.s32 $0xFFFFF800  }
0x5c: {  	[spmem:s26] =	stream.linear.scatter [tilespmem:s30], [sflag:$0x3], $0x800, $0x38;
	[tilespmem:$0x10280] =	vst v63  }
0x5d: {  	_ =	swait.ge [sflag:s31], $0x800  }
0x5e: {  	[sflag:s31] =	ssyncset.done $0x0  }
0x5f: {  	[sflag:s31] =	ssyncadd.s32 $0xFFFFF800  }
0x60: {  	v9 =	vld [tilespmem:$0x20]  }
0x61: {  	v10 =	vld [tilespmem:$0xA0];
	_ =	sdelay $0x3  }
0x62: {  	v9 =	vnsel vm0, $0x0, v9  }
0x63: {  	[tilespmem:$0x20] =	vst v9;
	v9 =	vnsel vm0, $0x0, v10  }
0x64: {  	s19 =	simm.s32 $0x0;
	s21 =	simm.s32 $0x6180;
	s20 =	rddreg [dreg:$0x5];
	[tilespmem:$0xA0] =	vst v9  }
0x65: {  	[tilespmem:s21], [sflag:$0x3] =	stream.linear.gather [hbm4b:s20+s19], $0x80, $0x38;
	[tilespmem:$0x10280] =	vst v63  }
0x66: {  	_ =	swait.ge [sflag:s31], $0x80  }
0x67: {  	[sflag:s31] =	ssyncset.done $0x0  }
0x68: {  	[sflag:s31] =	ssyncadd.s32 $0xFFFFFF80  }
0x69: {  	[bflag:$0x0] =	sbarrier.arrive $0xFFFF  }
0x6a: {  	v9 =	vld [tilespmem:$0x6180]  }
0x6b: {  	v10 =	vld [tilespmem:$0x6190]  }
0x6c: {  	v11 =	vld [tilespmem:$0x61A0]  }
0x6d: {  	v12 =	vld [tilespmem:$0x61B0]  }
0x6e: {  	v13 =	vld [tilespmem:$0x61C0]  }
0x6f: {  	v14 =	vld [tilespmem:$0x61D0]  }
0x70: {  	v15 =	vld [tilespmem:$0x61E0]  }
0x71: {  	s20 =	simm.s32 $0x0;
	v16 =	vld [tilespmem:$0x61F0]  }
.LBB2_4:
0x72: {  	s21 =	smul.u32 $0x500, s20;
	_ =	sdelay $0x1  }
0x73: {  	s29 =	sadd.s32 s28, s21  }
0x74: {  	s21 =	sshrl.u32 s29, $0x3  }
0x75: {  	s22 =	sadd.s32 s7, s21  }
0x76: {  	[tilespmem:s19], [sflag:$0x3] =	stream.linear.gather [hbm4b:s22+s19], $0x28, $0x38;
	[tilespmem:$0x10280] =	vst v63  }
0x77: {  	_ =	swait.ge [sflag:s31], $0x28  }
0x78: {  	[sflag:s31] =	ssyncset.done $0x0  }
0x79: {  	s21 =	sadd.s32 s8, s21;
	[sflag:s31] =	ssyncadd.s32 $0xFFFFFFD8  }
0x7a: {  	[tilespmem:s0], [sflag:$0x3] =	stream.linear.gather [hbm4b:s21+s19], $0x28, $0x38;
	[tilespmem:$0x10280] =	vst v63  }
0x7b: {  	_ =	swait.ge [sflag:s31], $0x28  }
0x7c: {  	[sflag:s31] =	ssyncset.done $0x0  }
0x7d: {  	[sflag:s31] =	ssyncadd.s32 $0xFFFFFFD8  }
0x7e: {  	[tilespmem:s30], [sflag:$0x1] =	stream.indirect.gather [hbm4b:s1+s6], $0x80, s0, s6, $0xb8;
	[tilespmem:$0x10280] =	vst v63  }
0x7f: {  	_ = 	snop  }
0x80: {  	[tilespmem:s9], [sflag:$0x2] =	stream.indirect.gather [hbm4b:s5+s6], $0x80, s19, s6, $0xb8;
	[tilespmem:$0x10280] =	vst v63  }
0x81: {  	_ =	swait.ge [sflag:s13], $0x1800  }
0x82: {  	[sflag:s13] =	ssyncset.done $0x0  }
0x83: {  	[sflag:s13] =	ssyncadd.s32 $0xFFFFE800  }
0x84: {  	_ =	swait.ge [sflag:s14], $0x1800  }
0x85: {  	[sflag:s14] =	ssyncset.done $0x0  }
0x86: {  	s21 =	simm.s32 $0x0;
	[sflag:s14] =	ssyncadd.s32 $0xFFFFE800  }
0x87: {  	v17 =	vld [tilespmem:s21+$0x1C0]  }
0x88: {  	v18 =	vld [tilespmem:s21+$0x1D0]  }
0x89: {  	v23 =	vld [tilespmem:s21+$0x19C0]  }
0x8a: {  	v22 =	vld [tilespmem:s21+$0x19D0]  }
0x8b: {  	v25 =	vld [tilespmem:s21+$0x180]  }
0x8c: {  	v26 =	vld [tilespmem:s21+$0x190]  }
0x8d: {  	v19 =	vld [tilespmem:s21+$0x1990]  }
0x8e: {  	v20 =	vld [tilespmem:s21+$0x1980]  }
0x8f: {  	v24 =	vld [tilespmem:s21+$0x1F0]  }
0x90: {  	v21 =	vld [tilespmem:s21+$0x1E0]  }
0x91: {  	v27 =	vadd.f32 v23, v17;
	v28 =	vadd.f32 v22, v18;
	v18 =	vld [tilespmem:s21+$0x19E0]  }
0x92: {  	v17 =	vld [tilespmem:s21+$0x19F0];
	v26 =	vadd.f32 v19, v26  }
0x93: {  	v25 =	vadd.f32 v20, v25;
	v29 =	vmul.f32 $2.000000030e-01, v27;
	v30 =	vmul.f32 $2.000000030e-01, v28  }
0x94: {  	v32 =	vmul.f32 $2.000000030e-01, v26  }
0x95: {  	v33 =	vmul.f32 $2.000000030e-01, v25;
	v27 =	vmax.f32 v27, v29;
	v28 =	vmax.f32 v28, v30;
	v29 =	vld [tilespmem:s21+$0x1B0]  }
0x96: {  	v30 =	vld [tilespmem:s21+$0x1A0];
	v27 =	vmul.f32 v27, v13;
	v28 =	vmul.f32 v28, v14;
	v31 =	vadd.f32 v18, v21  }
0x97: {  	v26 =	vmax.f32 v26, v32;
	v25 =	vmax.f32 v25, v33;
	v21 =	vld [tilespmem:s21+$0x19A0];
	v34 =	vadd.f32 v17, v24  }
0x98: {  	v24 =	vld [tilespmem:s21+$0x19B0];
	v25 =	vmul.f32 v25, v9;
	v27 =	vadd.f32 v28, v27;
	v28 =	vmul.f32 $2.000000030e-01, v31  }
0x99: {  	v26 =	vmul.f32 v26, v10;
	v61 =	vmul.f32 $2.000000030e-01, v34  }
0x9a: {  	v28 =	vmax.f32 v31, v28;
	v31 =	vperm.xlane v27, v1  }
0x9b: {  	v25 =	vadd.f32 v26, v25;
	v32 =	vmax.f32 v34, v61;
	v28 =	vmul.f32 v28, v15  }
0x9c: {  	v26 =	vadd.f32 v21, v30;
	v30 =	vmul.f32 v32, v16;
	v27 =	vadd.f32 v27, v31  }
0x9d: {  	v29 =	vadd.f32 v24, v29;
	v31 =	vperm.xlane v25, v1  }
0x9e: {  	v62 =	vmul.f32 $2.000000030e-01, v26;
	v28 =	vadd.f32 v30, v28;
	v30 =	vperm.xlane v27, v2  }
0x9f: {  	v63 =	vmul.f32 $2.000000030e-01, v29;
	v25 =	vadd.f32 v25, v31  }
0xa0: {  	v26 =	vmax.f32 v26, v62;
	v31 =	vperm.xlane v28, v1;
	v27 =	vadd.f32 v27, v30  }
0xa1: {  	v29 =	vmax.f32 v29, v63;
	v26 =	vmul.f32 v26, v11  }
0xa2: {  	v29 =	vmul.f32 v29, v12;
	v28 =	vadd.f32 v28, v31;
	v31 =	vperm.xlane v27, v3;
	_ =	sdelay $0x1  }
0xa3: {  	v26 =	vadd.f32 v29, v26;
	v29 =	vperm.xlane v28, v2;
	v27 =	vadd.f32 v27, v31;
	_ =	sdelay $0x1  }
0xa4: {  	v28 =	vadd.f32 v28, v29;
	v29 =	vperm.xlane v27, v4  }
0xa5: {  	v30 =	vperm.xlane v25, v2  }
0xa6: {  	v27 =	vadd.f32 v27, v29  }
0xa7: {  	v25 =	vadd.f32 v25, v30  }
0xa8: {  	v27 =	vmul.f32 $1.442695020e+00, v27  }
0xa9: {  	v30 =	vperm.xlane v25, v3;
	v31 =	vperm.xlane v26, v1  }
0xaa: {  	(erf) = vpow2.f32 v27  }
0xab: {  	v25 =	vadd.f32 v25, v30;
	v26 =	vadd.f32 v26, v31;
	v30 =	vperm.xlane v28, v3;
	_ =	sdelay $0x1  }
0xac: {  	v29 =	vperm.xlane v25, v4;
	v31 =	vperm.xlane v26, v2;
	v28 =	vadd.f32 v28, v30;
	_ =	sdelay $0x1  }
0xad: {  	v29 =	vadd.f32 v25, v29;
	v25 =	vadd.f32 v26, v31;
	v30 =	vperm.xlane v28, v4;
	_ =	sdelay $0x1  }
0xae: {  	v26 =	vmul.f32 $1.442695020e+00, v29;
	v27 =	vperm.xlane v25, v3;
	v28 =	vadd.f32 v28, v30  }
0xaf: {  	s23 =	simm.s32 $0x400;
	s22 =	simm.s32 $0x80  }
.LBB2_5:
0xb0: {  	p0 =	sne.s32 s23, $0x4E00;
	v29 =	vld [tilespmem:s22+$0x1F0];
	v25 =	vadd.f32 v25, v27;
	v27 =	vmul.f32 $1.442695020e+00, v28;
	(erf) = vpow2.f32 v26;
	v26 =	vpop (erf);
	s24 =	smov.u32 s23;
	s23 =	sadd.s32 $0x200, s23  }
0xb1: {  	v28 =	vld [tilespmem:s22+$0x1C0];
	v23 =	vmul.f32 v26, v23;
	v22 =	vmul.f32 v26, v22  }
0xb2: {  	v30 =	vld [tilespmem:s22+$0x1D0];
	v31 =	vperm.xlane v25, v4;
	(erf) = vpow2.f32 v27  }
0xb3: {  	v27 =	vld [tilespmem:s22+$0x1E0];
	[tilespmem:s21+$0x19C0] =	vst v23  }
0xb4: {  	v23 =	vld [tilespmem:s22+$0x19C0];
	v25 =	vadd.f32 v25, v31;
	[tilespmem:s21+$0x19D0] =	vst v22  }
0xb5: {  	v22 =	vld [tilespmem:s22+$0x19D0]  }
0xb6: {  	v25 =	vmul.f32 $1.442695020e+00, v25;
	_ =	sdelay $0x1  }
0xb7: {  	(erf) = vpow2.f32 v25  }
0xb8: {  	v25 =	vadd.f32 v23, v28;
	v28 =	vpop (erf)  }
0xb9: {  	v30 =	vadd.f32 v22, v30;
	v20 =	vmul.f32 v28, v20;
	v19 =	vmul.f32 v28, v19  }
0xba: {  	v31 =	vld [tilespmem:s22+$0x180];
	v32 =	vmul.f32 $2.000000030e-01, v25;
	v33 =	vpop (erf)  }
0xbb: {  	v34 =	vld [tilespmem:s22+$0x190];
	v35 =	vmul.f32 $2.000000030e-01, v30;
	[tilespmem:s21+$0x1990] =	vst v19;
	v18 =	vmul.f32 v33, v18  }
0xbc: {  	v17 =	vmul.f32 v33, v17;
	v19 =	vld [tilespmem:s22+$0x1990];
	v25 =	vmax.f32 v25, v32;
	[tilespmem:s21+$0x1980] =	vst v20  }
0xbd: {  	v20 =	vld [tilespmem:s22+$0x1980];
	v30 =	vmax.f32 v30, v35;
	[tilespmem:s21+$0x19E0] =	vst v18  }
0xbe: {  	v25 =	vmul.f32 v25, v13;
	v32 =	vmul.f32 v30, v14;
	v18 =	vld [tilespmem:s22+$0x19E0];
	[tilespmem:s21+$0x19F0] =	vst v17  }
0xbf: {  	v17 =	vld [tilespmem:s22+$0x19F0]  }
0xc0: {  	v28 =	vnsel vm1, $0x0, v28;
	v25 =	vadd.f32 v32, v25;
	v30 =	vpop (erf)  }
0xc1: {  	v32 =	vadd.f32 v19, v34;
	v21 =	vmul.f32 v30, v21;
	v24 =	vmul.f32 v30, v24  }
0xc2: {  	v28 =	vsel vm2, v28, v30;
	v31 =	vadd.f32 v20, v31;
	v34 =	vld [tilespmem:s22+$0x1B0];
	v35 =	vperm.xlane v25, v1  }
0xc3: {  	v26 =	vsel vm3, v28, v26;
	v30 =	vmul.f32 $2.000000030e-01, v32;
	v36 =	vld [tilespmem:s22+$0x1A0];
	v27 =	vadd.f32 v18, v27;
	[tilespmem:s21+$0x19A0] =	vst v21  }
0xc4: {  	v28 =	vmul.f32 $2.000000030e-01, v31;
	v21 =	vld [tilespmem:s22+$0x19A0];
	v25 =	vadd.f32 v25, v35;
	v29 =	vadd.f32 v17, v29;
	[tilespmem:s21+$0x19B0] =	vst v24  }
0xc5: {  	v26 =	vsel vm4, v26, v33;
	v30 =	vmax.f32 v32, v30;
	v24 =	vld [tilespmem:s22+$0x19B0];
	v32 =	vmul.f32 $2.000000030e-01, v27  }
0xc6: {  	v28 =	vmax.f32 v31, v28;
	v31 =	vperm.xlane v25, v2;
	v33 =	vmul.f32 $2.000000030e-01, v29;
	[tilespmem:s21+$0x3180] =	vst v26  }
0xc7: {  	v30 =	vmul.f32 v30, v10;
	v28 =	vmul.f32 v28, v9;
	v27 =	vmax.f32 v27, v32;
	[tilespmem:s21+$0x4980] =	vst v26;
	s21 =	smov.u32 s22  }
0xc8: {  	v25 =	vadd.f32 v25, v31;
	v26 =	vmul.f32 v27, v15;
	v27 =	vmax.f32 v29, v33  }
0xc9: {  	v28 =	vadd.f32 v30, v28;
	v29 =	vadd.f32 v21, v36;
	v27 =	vmul.f32 v27, v16  }
0xca: {  	v30 =	vadd.f32 v24, v34;
	v31 =	vperm.xlane v25, v3  }
0xcb: {  	v32 =	vperm.xlane v28, v1;
	v33 =	vmul.f32 $2.000000030e-01, v29;
	v26 =	vadd.f32 v27, v26  }
0xcc: {  	v27 =	vmul.f32 $2.000000030e-01, v30;
	v25 =	vadd.f32 v25, v31  }
0xcd: {  	v28 =	vadd.f32 v28, v32;
	v29 =	vmax.f32 v29, v33;
	v31 =	vperm.xlane v26, v1  }
0xce: {  	v29 =	vmul.f32 v29, v11;
	v27 =	vmax.f32 v30, v27;
	v30 =	vperm.xlane v25, v4  }
0xcf: {  	v32 =	vperm.xlane v28, v2;
	v27 =	vmul.f32 v27, v12;
	v26 =	vadd.f32 v26, v31  }
0xd0: {  	v25 =	vadd.f32 v25, v30  }
0xd1: {  	v28 =	vadd.f32 v28, v32;
	v27 =	vadd.f32 v27, v29;
	v29 =	vperm.xlane v26, v2  }
0xd2: {  	v25 =	vmul.f32 $1.442695020e+00, v25  }
0xd3: {  	v30 =	vperm.xlane v28, v3;
	v31 =	vperm.xlane v27, v1;
	v26 =	vadd.f32 v26, v29  }
0xd4: {  	(erf) = vpow2.f32 v25  }
0xd5: {  	v25 =	vadd.f32 v28, v30;
	v27 =	vadd.f32 v27, v31;
	v28 =	vperm.xlane v26, v3;
	_ =	sdelay $0x1  }
0xd6: {  	v29 =	vperm.xlane v25, v4;
	v30 =	vperm.xlane v27, v2;
	v28 =	vadd.f32 v26, v28  }
.Ltmp1:
0xd7: {  	(pc) =	sbr.rel @p0 .LBB2_5-.Ltmp1, $3  }
0xd8: {  	v26 =	vadd.f32 v25, v29;
	v25 =	vadd.f32 v27, v30;
	v29 =	vperm.xlane v28, v4;
	_ =	sdelay $0x1  }
0xd9: {  	v26 =	vmul.f32 $1.442695020e+00, v26;
	v27 =	vperm.xlane v25, v3;
	v28 =	vadd.f32 v28, v29  }
0xda: {  	s22 =	sshra.s32 s24, $0x2  }
0xdb: {  	(erf) = vpow2.f32 v26  }
0xdc: {  	v25 =	vadd.f32 v25, v27;
	_ =	sdelay $0x1  }
0xdd: {  	v49 =	vmul.f32 $1.442695020e+00, v28;
	v31 =	vperm.xlane v25, v4;
	_ =	sdelay $0x1  }
0xde: {  	(erf) = vpow2.f32 v49;
	v51 =	vadd.f32 v25, v31;
	_ =	sdelay $0x1  }
0xdf: {  	v48 =	vld [tilespmem:s22+$0x1F0];
	v28 =	vpop (erf);
	v52 =	vmul.f32 $1.442695020e+00, v51  }
0xe0: {  	v29 =	vld [tilespmem:s22+$0x1C0];
	v23 =	vmul.f32 v28, v23  }
0xe1: {  	v30 =	vld [tilespmem:s22+$0x1D0];
	v22 =	vmul.f32 v28, v22;
	(erf) = vpow2.f32 v52;
	v31 =	vpop (erf)  }
0xe2: {  	v50 =	vld [tilespmem:s22+$0x1E0];
	[tilespmem:s21+$0x19C0] =	vst v23;
	v19 =	vmul.f32 v31, v19  }
0xe3: {  	v25 =	vld [tilespmem:s22+$0x19C0];
	[tilespmem:s21+$0x19D0] =	vst v22  }
0xe4: {  	v23 =	vld [tilespmem:s22+$0x19D0]  }
0xe5: {  	v53 =	vld [tilespmem:s22+$0x180]  }
0xe6: {  	v32 =	vld [tilespmem:s22+$0x190];
	v20 =	vmul.f32 v31, v20;
	[tilespmem:s21+$0x1990] =	vst v19;
	v19 =	vpop (erf)  }
0xe7: {  	v18 =	vmul.f32 v19, v18  }
0xe8: {  	v33 =	vld [tilespmem:s22+$0x1990];
	[tilespmem:s21+$0x1980] =	vst v20;
	v17 =	vmul.f32 v19, v17  }
0xe9: {  	v20 =	vld [tilespmem:s22+$0x1980];
	[tilespmem:s21+$0x19E0] =	vst v18  }
0xea: {  	v34 =	vpop (erf);
	v18 =	vld [tilespmem:s22+$0x19E0];
	[tilespmem:s21+$0x19F0] =	vst v17  }
0xeb: {  	v29 =	vadd.f32 v25, v29;
	v30 =	vadd.f32 v23, v30;
	v21 =	vmul.f32 v34, v21;
	v17 =	vld [tilespmem:s22+$0x19F0]  }
0xec: {  	v24 =	vmul.f32 v34, v24;
	v35 =	vld [tilespmem:s22+$0x1B0]  }
0xed: {  	v37 =	vmul.f32 $2.000000030e-01, v29;
	v54 =	vmul.f32 $2.000000030e-01, v30;
	v56 =	vadd.f32 v33, v32;
	v36 =	vld [tilespmem:s22+$0x1A0];
	[tilespmem:s21+$0x19A0] =	vst v21  }
0xee: {  	v22 =	vadd.f32 v20, v53;
	v38 =	vld [tilespmem:s22+$0x19A0];
	[tilespmem:s21+$0x19B0] =	vst v24  }
0xef: {  	v29 =	vmax.f32 v29, v37;
	v21 =	vmax.f32 v30, v54;
	v58 =	vmul.f32 $2.000000030e-01, v56;
	v30 =	vld [tilespmem:s22+$0x19B0]  }
0xf0: {  	v55 =	vmul.f32 v29, v13;
	v57 =	vmul.f32 $2.000000030e-01, v22  }
0xf1: {  	v21 =	vmul.f32 v21, v14;
	v29 =	vmax.f32 v56, v58;
	v27 =	vadd.f32 v18, v50  }
0xf2: {  	v22 =	vmax.f32 v22, v57;
	v29 =	vmul.f32 v29, v10;
	v26 =	vadd.f32 v17, v48  }
0xf3: {  	v21 =	vadd.f32 v21, v55;
	v22 =	vmul.f32 v22, v9;
	v59 =	vmul.f32 $2.000000030e-01, v27  }
0xf4: {  	v60 =	vmul.f32 $2.000000030e-01, v26;
	v36 =	vadd.f32 v38, v36;
	v35 =	vadd.f32 v30, v35  }
0xf5: {  	v61 =	vperm.xlane v21, v1;
	v22 =	vadd.f32 v29, v22;
	v24 =	vmax.f32 v27, v59  }
0xf6: {  	v26 =	vmax.f32 v26, v60;
	v62 =	vmul.f32 $2.000000030e-01, v36;
	v63 =	vmul.f32 $2.000000030e-01, v35  }
0xf7: {  	v21 =	vadd.f32 v21, v61;
	v24 =	vmul.f32 v24, v15;
	v26 =	vmul.f32 v26, v16  }
0xf8: {  	v37 =	vperm.xlane v22, v1;
	v36 =	vmax.f32 v36, v62;
	v32 =	vmax.f32 v35, v63  }
0xf9: {  	v24 =	vadd.f32 v26, v24;
	v39 =	vmul.f32 v36, v11;
	v40 =	vmul.f32 v32, v12  }
0xfa: {  	v41 =	vperm.xlane v21, v2;
	v22 =	vadd.f32 v22, v37  }
0xfb: {  	v42 =	vperm.xlane v24, v1;
	v26 =	vadd.f32 v40, v39  }
0xfc: {  	v21 =	vadd.f32 v21, v41;
	v43 =	vperm.xlane v22, v2  }
0xfd: {  	v24 =	vadd.f32 v24, v42;
	v44 =	vperm.xlane v26, v1  }
0xfe: {  	v32 =	vperm.xlane v21, v3;
	v22 =	vadd.f32 v22, v43  }
0xff: {  	v45 =	vperm.xlane v24, v2;
	v26 =	vadd.f32 v26, v44  }
0x100: {  	v21 =	vadd.f32 v21, v32;
	v46 =	vperm.xlane v22, v3  }
0x101: {  	v24 =	vadd.f32 v24, v45;
	v47 =	vperm.xlane v26, v2  }
0x102: {  	v32 =	vperm.xlane v21, v4;
	v22 =	vadd.f32 v22, v46  }
0x103: {  	v48 =	vperm.xlane v24, v3;
	v26 =	vadd.f32 v26, v47  }
0x104: {  	v21 =	vadd.f32 v21, v32;
	v49 =	vperm.xlane v22, v4  }
0x105: {  	v24 =	vadd.f32 v24, v48;
	v50 =	vperm.xlane v26, v3  }
0x106: {  	v21 =	vmul.f32 $1.442695020e+00, v21;
	v22 =	vadd.f32 v22, v49  }
0x107: {  	v51 =	vperm.xlane v24, v4;
	v26 =	vadd.f32 v26, v50  }
0x108: {  	(erf) = vpow2.f32 v21;
	v52 =	vmul.f32 $1.442695020e+00, v22  }
0x109: {  	v53 =	vadd.f32 v24, v51;
	v54 =	vperm.xlane v26, v4  }
0x10a: {  	(erf) = vpow2.f32 v52  }
0x10b: {  	v22 =	vmul.f32 $1.442695020e+00, v53;
	v55 =	vadd.f32 v26, v54;
	_ =	sdelay $0x1  }
0x10c: {  	v56 =	vnsel vm1, $0x0, v31;
	(erf) = vpow2.f32 v22;
	v21 =	vmul.f32 $1.442695020e+00, v55  }
0x10d: {  	v57 =	vsel vm2, v56, v34  }
0x10e: {  	(erf) = vpow2.f32 v21;
	v21 =	vsel vm3, v57, v28  }
0x10f: {  	v19 =	vsel vm4, v21, v19  }
0x110: {  	v58 =	vpop (erf);
	[tilespmem:s21+$0x3180] =	vst v19  }
0x111: {  	[tilespmem:s21+$0x4980] =	vst v19;
	v19 =	vmul.f32 v58, v23  }
0x112: {  	v60 =	vpop (erf)  }
0x113: {  	v59 =	vmul.f32 v58, v25;
	[tilespmem:s22+$0x19D0] =	vst v19;
	v19 =	vmul.f32 v60, v20  }
0x114: {  	v61 =	vmul.f32 v60, v33  }
0x115: {  	[tilespmem:s22+$0x19C0] =	vst v59;
	v62 =	vpop (erf)  }
0x116: {  	[tilespmem:s22+$0x1990] =	vst v61;
	v18 =	vmul.f32 v62, v18  }
0x117: {  	[tilespmem:s22+$0x1980] =	vst v19;
	v17 =	vmul.f32 v62, v17;
	v19 =	vpop (erf)  }
0x118: {  	[tilespmem:s22+$0x19E0] =	vst v18;
	v18 =	vnsel vm1, $0x0, v60;
	v63 =	vmul.f32 v19, v38  }
0x119: {  	[tilespmem:s22+$0x19F0] =	vst v17;
	v17 =	vmul.f32 v19, v30;
	v18 =	vsel vm2, v18, v19  }
0x11a: {  	v18 =	vsel vm3, v18, v58;
	[tilespmem:s22+$0x19A0] =	vst v63  }
0x11b: {  	[tilespmem:s22+$0x19B0] =	vst v17;
	v17 =	vsel vm4, v18, v62  }
0x11c: {  	s29 =	sshll.u32 s29, $0x4;
	[tilespmem:s22+$0x3180] =	vst v17  }
0x11d: {  	s21 =	sadd.s32 s10, s29;
	[tilespmem:s22+$0x4980] =	vst v17  }
0x11e: {  	[hbm4b:s21+s4] =	stream.linear.scatter [tilespmem:s15], [sflag:$0x3], $0x1400, $0x38;
	[tilespmem:$0x10280] =	vst v63  }
0x11f: {  	_ =	swait.ge [sflag:s31], $0x1400  }
0x120: {  	[sflag:s31] =	ssyncset.done $0x0  }
0x121: {  	[sflag:s31] =	ssyncadd.s32 $0xFFFFEC00  }
0x122: {  	v17 =	vld [tilespmem:$0x80]  }
0x123: {  	v18 =	vld [tilespmem:$0x90]  }
0x124: {  	v19 =	vld [tilespmem:$0xA0];
	_ =	sdelay $0x3  }
0x125: {  	v17 =	vmin.u32 v17, $0xA00  }
0x126: {  	[tilespmem:$0x100] =	vst v17;
	v17 =	vmin.u32 v18, $0xA00;
	v18 =	vmin.u32 v19, $0xA00  }
0x127: {  	[tilespmem:$0x110] =	vst v17;
	v17 =	vnsel vm0, $0xA00, v18  }
0x128: {  	[tilespmem:$0x120] =	vst v17  }
0x129: {  	[spmem:s2] =	stream.indirect.scatter.add.f32 [tilespmem:s9], [sflag:$0x3], $0x80, s16, s6, $0xb8;
	[tilespmem:$0x10280] =	vst v63  }
0x12a: {  	s20 =	sadd.s32 $0x1, s20;
	_ =	swait.ge [sflag:s31], $0x1800  }
0x12b: {  	p0 =	sne.s32 s20, $0xFA;
	[sflag:s31] =	ssyncset.done $0x0  }
.Ltmp2:
0x12c: {  	[sflag:s31] =	ssyncadd.s32 $0xFFFFE800;
	(pc) =	sbr.rel @p0 .LBB2_4-.Ltmp2, $4  }
0x12d: {  	[spmem:s3] =	stream.indirect.scatter.add.f32 [tilespmem:s17], [sflag:$0x3], $0x80, s16, s6, $0xb8;
	[tilespmem:$0x10280] =	vst v63  }
0x12e: {  	_ =	swait.ge [sflag:s31], $0x1800  }
0x12f: {  	[sflag:s31] =	ssyncset.done $0x0  }
0x130: {  	[sflag:s31] =	ssyncadd.s32 $0xFFFFE800  }
0x131: {  	s19 =	stileid.u32  }
0x132: {  	[bflag:$0x0] =	sbarrier.arrive $0xFFFF;
	s19 =	sshll.u32 s19, $0x6  }
0x133: {  	s20 =	sshrl.u32 s11, $0x3;
	s21 =	rddreg [dreg:$0x6];
	s19 =	sor.u32 $0x1C03, s19  }
0x134: {  	[hbm:s21], [sflag:s19] =	dma.local [spmem:s20], $0xA00  }
0x135: {  	_ =	swait.ge [sflag:s31], $0xA00  }
0x136: {  	[sflag:s31] =	ssyncset.done $0x0  }
0x137: {  	s29 =	sshrl.u32 s12, $0x3;
	s25 =	rddreg [dreg:$0x7];
	[sflag:s31] =	ssyncadd.s32 $0xFFFFF600  }
0x138: {  	[hbm:s25], [sflag:s19] =	dma.local [spmem:s29], $0xA00  }
0x139: {  	_ =	swait.ge [sflag:s31], $0xA00  }
0x13a: {  	[sflag:s31] =	ssyncset.done $0x0  }
0x13b: {  	[sflag:s31] =	ssyncadd.s32 $0xFFFFF600  }
0x13c: {  	s22 =	simm.s32 $0x200;
	s21 =	simm.s32 $0x0;
	[bflag:$0x0] =	sbarrier.arrive $0xFFFF  }
.LBB2_8:
0x13d: {  	p0 =	sne.s32 s22, $0x5E00;
	[tilespmem:s21+$0x3180] =	vst v0  }
0x13e: {  	[tilespmem:s21+$0x180] =	vst v0  }
0x13f: {  	[tilespmem:s21+$0x4980] =	vst v0  }
0x140: {  	[tilespmem:s21+$0x190] =	vst v0  }
0x141: {  	[tilespmem:s21+$0x4990] =	vst v0  }
0x142: {  	[tilespmem:s21+$0x1A0] =	vst v0  }
0x143: {  	[tilespmem:s21+$0x49A0] =	vst v0  }
0x144: {  	[tilespmem:s21+$0x1B0] =	vst v0  }
0x145: {  	[tilespmem:s21+$0x49B0] =	vst v0  }
0x146: {  	[tilespmem:s21+$0x1C0] =	vst v0  }
0x147: {  	[tilespmem:s21+$0x49C0] =	vst v0  }
0x148: {  	[tilespmem:s21+$0x1D0] =	vst v0  }
.Ltmp3:
0x149: {  	[tilespmem:s21+$0x49D0] =	vst v0;
	(pc) =	sbr.rel @p0 .LBB2_8-.Ltmp3, $4  }
0x14a: {  	[tilespmem:s21+$0x1E0] =	vst v0  }
0x14b: {  	[tilespmem:s21+$0x49E0] =	vst v0  }
0x14c: {  	[tilespmem:s21+$0x1F0] =	vst v0  }
0x14d: {  	[tilespmem:s21+$0x49F0] =	vst v0;
	s21 =	sshra.s32 s22, $0x2;
	s22 =	sadd.s32 $0x200, s22  }
0x14e: {  	[tilespmem:s21+$0x3180] =	vst v0  }
0x14f: {  	[tilespmem:s21+$0x180] =	vst v0  }
0x150: {  	[tilespmem:s21+$0x4980] =	vst v0  }
0x151: {  	[tilespmem:s21+$0x190] =	vst v0  }
0x152: {  	[tilespmem:s21+$0x4990] =	vst v0  }
0x153: {  	[tilespmem:s21+$0x1A0] =	vst v0  }
0x154: {  	[tilespmem:s21+$0x49A0] =	vst v0  }
0x155: {  	[tilespmem:s21+$0x1B0] =	vst v0  }
0x156: {  	[tilespmem:s21+$0x49B0] =	vst v0  }
0x157: {  	[tilespmem:s21+$0x1C0] =	vst v0  }
0x158: {  	[tilespmem:s21+$0x49C0] =	vst v0  }
0x159: {  	[tilespmem:s21+$0x1D0] =	vst v0  }
0x15a: {  	[tilespmem:s21+$0x49D0] =	vst v0  }
0x15b: {  	[tilespmem:s21+$0x1E0] =	vst v0  }
0x15c: {  	[tilespmem:s21+$0x49E0] =	vst v0  }
0x15d: {  	[tilespmem:s21+$0x1F0] =	vst v0  }
0x15e: {  	[tilespmem:s21+$0x49F0] =	vst v0  }
0x15f: {  	[spmem:s11] =	stream.linear.scatter [tilespmem:s30], [sflag:$0x3], $0x1800, $0x38;
	[tilespmem:$0x10280] =	vst v63  }
0x160: {  	_ =	swait.ge [sflag:s31], $0x1800  }
0x161: {  	[sflag:s31] =	ssyncset.done $0x0  }
0x162: {  	[sflag:s31] =	ssyncadd.s32 $0xFFFFE800  }
0x163: {  	[spmem:s12] =	stream.linear.scatter [tilespmem:s30], [sflag:$0x3], $0x1800, $0x38;
	[tilespmem:$0x10280] =	vst v63  }
0x164: {  	_ =	swait.ge [sflag:s31], $0x1800  }
0x165: {  	[sflag:s31] =	ssyncset.done $0x0  }
0x166: {  	s25 =	rddreg [dreg:$0xe];
	[sflag:s31] =	ssyncadd.s32 $0xFFFFE800  }
0x167: {  	[spmem:s25] =	stream.linear.scatter [tilespmem:s30], [sflag:$0x3], $0x1800, $0x38;
	[tilespmem:$0x10280] =	vst v63  }
0x168: {  	_ =	swait.ge [sflag:s31], $0x1800  }
0x169: {  	[sflag:s31] =	ssyncset.done $0x0  }
0x16a: {  	s22 =	rddreg [dreg:$0xf];
	[sflag:s31] =	ssyncadd.s32 $0xFFFFE800  }
0x16b: {  	[spmem:s22] =	stream.linear.scatter [tilespmem:s30], [sflag:$0x3], $0x1800, $0x38;
	[tilespmem:$0x10280] =	vst v63  }
0x16c: {  	_ =	swait.ge [sflag:s31], $0x1800  }
0x16d: {  	[sflag:s31] =	ssyncset.done $0x0  }
0x16e: {  	s23 =	rddreg [dreg:$0x10];
	[sflag:s31] =	ssyncadd.s32 $0xFFFFE800  }
0x16f: {  	[spmem:s23] =	stream.linear.scatter [tilespmem:s30], [sflag:$0x3], $0x1800, $0x38;
	[tilespmem:$0x10280] =	vst v63  }
0x170: {  	_ =	swait.ge [sflag:s31], $0x1800  }
0x171: {  	[sflag:s31] =	ssyncset.done $0x0  }
0x172: {  	s24 =	rddreg [dreg:$0x11];
	[sflag:s31] =	ssyncadd.s32 $0xFFFFE800  }
0x173: {  	[spmem:s24] =	stream.linear.scatter [tilespmem:s30], [sflag:$0x3], $0x1800, $0x38;
	[tilespmem:$0x10280] =	vst v63  }
0x174: {  	_ =	swait.ge [sflag:s31], $0x1800  }
0x175: {  	[sflag:s31] =	ssyncset.done $0x0  }
0x176: {  	s25 =	rddreg [dreg:$0x12];
	[sflag:s31] =	ssyncadd.s32 $0xFFFFE800  }
0x177: {  	[spmem:s25] =	stream.linear.scatter [tilespmem:s30], [sflag:$0x3], $0x800, $0x38;
	[tilespmem:$0x10280] =	vst v63  }
0x178: {  	_ =	swait.ge [sflag:s31], $0x800  }
0x179: {  	[sflag:s31] =	ssyncset.done $0x0  }
0x17a: {  	[sflag:s31] =	ssyncadd.s32 $0xFFFFF800  }
0x17b: {  	[spmem:s26] =	stream.linear.scatter [tilespmem:s30], [sflag:$0x3], $0x800, $0x38;
	[tilespmem:$0x10280] =	vst v63  }
0x17c: {  	_ =	swait.ge [sflag:s31], $0x800  }
0x17d: {  	[sflag:s31] =	ssyncset.done $0x0  }
0x17e: {  	[sflag:s31] =	ssyncadd.s32 $0xFFFFF800  }
0x17f: {  	s21 =	simm.s32 $0x0;
	s22 =	simm.s32 $0x0;
	[bflag:$0x0] =	sbarrier.arrive $0xFFFF  }
.LBB2_10:
0x180: {  	s23 =	smul.u32 $0x500, s22;
	_ =	sdelay $0x1  }
0x181: {  	s23 =	sadd.s32 s28, s23  }
0x182: {  	s24 =	sshrl.u32 s23, $0x3  }
0x183: {  	s25 =	sadd.s32 s7, s24  }
0x184: {  	[tilespmem:s21], [sflag:$0x3] =	stream.linear.gather [hbm4b:s25+s21], $0x28, $0x38;
	[tilespmem:$0x10280] =	vst v63  }
0x185: {  	_ =	swait.ge [sflag:s31], $0x28  }
0x186: {  	[sflag:s31] =	ssyncset.done $0x0  }
0x187: {  	s24 =	sadd.s32 s8, s24;
	[sflag:s31] =	ssyncadd.s32 $0xFFFFFFD8  }
0x188: {  	[tilespmem:s0], [sflag:$0x3] =	stream.linear.gather [hbm4b:s24+s21], $0x28, $0x38;
	[tilespmem:$0x10280] =	vst v63  }
0x189: {  	_ =	swait.ge [sflag:s31], $0x28  }
0x18a: {  	[sflag:s31] =	ssyncset.done $0x0  }
0x18b: {  	s23 =	sshll.u32 s23, $0x4;
	[sflag:s31] =	ssyncadd.s32 $0xFFFFFFD8  }
0x18c: {  	[tilespmem:s9], [sflag:$0x2] =	stream.indirect.gather [hbm4b:s5+s6], $0x80, s21, s6, $0xb8;
	[tilespmem:$0x10280] =	vst v63  }
0x18d: {  	s23 =	sadd.s32 s10, s23  }
0x18e: {  	[tilespmem:s15], [sflag:$0x3] =	stream.linear.gather [hbm4b:s23+s21], $0x1400, $0x38;
	[tilespmem:$0x10280] =	vst v63  }
0x18f: {  	_ =	swait.ge [sflag:s31], $0x1400  }
0x190: {  	[sflag:s31] =	ssyncset.done $0x0  }
0x191: {  	[sflag:s31] =	ssyncadd.s32 $0xFFFFEC00  }
0x192: {  	_ =	swait.ge [sflag:s14], $0x1800  }
0x193: {  	[sflag:s14] =	ssyncset.done $0x0  }
0x194: {  	s23 =	simm.s32 $0x0;
	[sflag:s14] =	ssyncadd.s32 $0xFFFFE800  }
0x195: {  	v9 =	vld [tilespmem:s23+$0x3180]  }
0x196: {  	v13 =	vld [tilespmem:s23+$0x1990]  }
0x197: {  	v17 =	vld [tilespmem:s23+$0x1980]  }
0x198: {  	v11 =	vld [tilespmem:s23+$0x19B0]  }
0x199: {  	v12 =	vld [tilespmem:s23+$0x19A0]  }
0x19a: {  	v14 =	vld [tilespmem:s23+$0x19C0];
	v18 =	vperm.xlane v9, v5  }
0x19b: {  	v15 =	vld [tilespmem:s23+$0x19D0];
	v10 =	vperm.xlane v9, v7;
	v16 =	vperm.xlane v9, v6  }
0x19c: {  	s24 =	simm.s32 $0x200;
	v17 =	vmul.f32 v17, v18;
	v18 =	vmul.f32 v13, v18;
	v13 =	vld [tilespmem:s23+$0x19E0]  }
.LBB2_11:
0x19d: {  	s25 =	sshra.s32 s24, $0x2;
	p0 =	sne.s32 s24, $0x4E00;
	s24 =	sadd.s32 $0x200, s24;
	[tilespmem:s23+$0x4980] =	vst v9;
	v19 =	vld [tilespmem:s23+$0x19F0]  }
0x19e: {  	v11 =	vmul.f32 v11, v16;
	v20 =	vld [tilespmem:s25+$0x3180];
	[tilespmem:s23+$0x1990] =	vst v18;
	v12 =	vmul.f32 v12, v16  }
0x19f: {  	v18 =	vld [tilespmem:s25+$0x1990];
	[tilespmem:s23+$0x1980] =	vst v17;
	v14 =	vmul.f32 v14, v10  }
0x1a0: {  	v16 =	vperm.xlane v9, v8;
	v17 =	vld [tilespmem:s25+$0x1980];
	[tilespmem:s23+$0x19B0] =	vst v11;
	v15 =	vmul.f32 v15, v10  }
.Ltmp4:
0x1a1: {  	v11 =	vld [tilespmem:s25+$0x19B0];
	[tilespmem:s23+$0x19A0] =	vst v12;
	(pc) =	sbr.rel @p0 .LBB2_11-.Ltmp4, $4  }
0x1a2: {  	v13 =	vmul.f32 v13, v16;
	v12 =	vld [tilespmem:s25+$0x19A0];
	[tilespmem:s23+$0x19C0] =	vst v14;
	v19 =	vmul.f32 v19, v16  }
0x1a3: {  	v21 =	vperm.xlane v20, v5;
	v10 =	vperm.xlane v20, v7;
	v14 =	vld [tilespmem:s25+$0x19C0];
	[tilespmem:s23+$0x19D0] =	vst v15;
	v9 =	vmov v20  }
0x1a4: {  	v16 =	vperm.xlane v9, v6;
	v15 =	vld [tilespmem:s25+$0x19D0];
	[tilespmem:s23+$0x19E0] =	vst v13  }
0x1a5: {  	v17 =	vmul.f32 v17, v21;
	v18 =	vmul.f32 v18, v21;
	v13 =	vld [tilespmem:s25+$0x19E0];
	[tilespmem:s23+$0x19F0] =	vst v19;
	s23 =	smov.u32 s25  }
0x1a6: {  	[tilespmem:s23+$0x4980] =	vst v9  }
0x1a7: {  	v19 =	vld [tilespmem:s23+$0x19F0];
	v11 =	vmul.f32 v11, v16;
	[tilespmem:s23+$0x1990] =	vst v18  }
0x1a8: {  	v12 =	vmul.f32 v12, v16;
	[tilespmem:s23+$0x1980] =	vst v17  }
0x1a9: {  	v9 =	vperm.xlane v9, v8;
	v14 =	vmul.f32 v14, v10;
	[tilespmem:s23+$0x19B0] =	vst v11  }
0x1aa: {  	v10 =	vmul.f32 v15, v10;
	[tilespmem:s23+$0x19A0] =	vst v12  }
0x1ab: {  	[tilespmem:s23+$0x19C0] =	vst v14;
	v11 =	vmul.f32 v13, v9  }
0x1ac: {  	v9 =	vmul.f32 v19, v9;
	[tilespmem:s23+$0x19D0] =	vst v10  }
0x1ad: {  	[tilespmem:s23+$0x19E0] =	vst v11  }
0x1ae: {  	[tilespmem:s23+$0x19F0] =	vst v9  }
0x1af: {  	v9 =	vld [tilespmem:$0x80]  }
0x1b0: {  	v10 =	vld [tilespmem:$0x90]  }
0x1b1: {  	v11 =	vld [tilespmem:$0xA0];
	_ =	sdelay $0x3  }
0x1b2: {  	v9 =	vadd.s32 $0xFFFFF600, v9  }
0x1b3: {  	v10 =	vadd.s32 $0xFFFFF600, v10;
	v11 =	vadd.s32 $0xFFFFF600, v11;
	v9 =	vmin.u32 v9, $0xA00  }
0x1b4: {  	[tilespmem:$0x100] =	vst v9;
	v9 =	vmin.u32 v10, $0xA00;
	v10 =	vmin.u32 v11, $0xA00  }
0x1b5: {  	[tilespmem:$0x110] =	vst v9;
	v9 =	vnsel vm0, $0xA00, v10  }
0x1b6: {  	[tilespmem:$0x120] =	vst v9  }
0x1b7: {  	[spmem:s2] =	stream.indirect.scatter.add.f32 [tilespmem:s9], [sflag:$0x3], $0x80, s16, s6, $0xb8;
	[tilespmem:$0x10280] =	vst v63  }
0x1b8: {  	s22 =	sadd.s32 $0x1, s22;
	_ =	swait.ge [sflag:s31], $0x1800  }
0x1b9: {  	p0 =	sne.s32 s22, $0xFA;
	[sflag:s31] =	ssyncset.done $0x0  }
.Ltmp5:
0x1ba: {  	[sflag:s31] =	ssyncadd.s32 $0xFFFFE800;
	(pc) =	sbr.rel @p0 .LBB2_10-.Ltmp5, $4  }
0x1bb: {  	[spmem:s3] =	stream.indirect.scatter.add.f32 [tilespmem:s17], [sflag:$0x3], $0x80, s16, s6, $0xb8;
	[tilespmem:$0x10280] =	vst v63  }
0x1bc: {  	_ =	swait.ge [sflag:s31], $0x1800  }
0x1bd: {  	[sflag:s31] =	ssyncset.done $0x0  }
0x1be: {  	[sflag:s31] =	ssyncadd.s32 $0xFFFFE800  }
0x1bf: {  	[bflag:$0x0] =	sbarrier.arrive $0xFFFF  }
0x1c0: {  	s21 =	rddreg [dreg:$0x8]  }
0x1c1: {  	[hbm:s21], [sflag:s19] =	dma.local [spmem:s20], $0xA00  }
0x1c2: {  	_ =	swait.ge [sflag:s31], $0xA00  }
0x1c3: {  	[sflag:s31] =	ssyncset.done $0x0  }
0x1c4: {  	s25 =	rddreg [dreg:$0x9];
	[sflag:s31] =	ssyncadd.s32 $0xFFFFF600  }
0x1c5: {  	[hbm:s25], [sflag:s19] =	dma.local [spmem:s29], $0xA00  }
0x1c6: {  	_ =	swait.ge [sflag:s31], $0xA00  }
0x1c7: {  	[sflag:s31] =	ssyncset.done $0x0  }
0x1c8: {  	[sflag:s31] =	ssyncadd.s32 $0xFFFFF600  }
0x1c9: {  	s22 =	simm.s32 $0x200;
	s21 =	simm.s32 $0x0;
	[bflag:$0x0] =	sbarrier.arrive $0xFFFF  }
.LBB2_14:
0x1ca: {  	p0 =	sne.s32 s22, $0x5E00;
	[tilespmem:s21+$0x3180] =	vst v0  }
0x1cb: {  	[tilespmem:s21+$0x180] =	vst v0  }
0x1cc: {  	[tilespmem:s21+$0x4980] =	vst v0  }
0x1cd: {  	[tilespmem:s21+$0x190] =	vst v0  }
0x1ce: {  	[tilespmem:s21+$0x4990] =	vst v0  }
0x1cf: {  	[tilespmem:s21+$0x1A0] =	vst v0  }
0x1d0: {  	[tilespmem:s21+$0x49A0] =	vst v0  }
0x1d1: {  	[tilespmem:s21+$0x1B0] =	vst v0  }
0x1d2: {  	[tilespmem:s21+$0x49B0] =	vst v0  }
0x1d3: {  	[tilespmem:s21+$0x1C0] =	vst v0  }
0x1d4: {  	[tilespmem:s21+$0x49C0] =	vst v0  }
0x1d5: {  	[tilespmem:s21+$0x1D0] =	vst v0  }
.Ltmp6:
0x1d6: {  	[tilespmem:s21+$0x49D0] =	vst v0;
	(pc) =	sbr.rel @p0 .LBB2_14-.Ltmp6, $4  }
0x1d7: {  	[tilespmem:s21+$0x1E0] =	vst v0  }
0x1d8: {  	[tilespmem:s21+$0x49E0] =	vst v0  }
0x1d9: {  	[tilespmem:s21+$0x1F0] =	vst v0  }
0x1da: {  	[tilespmem:s21+$0x49F0] =	vst v0;
	s21 =	sshra.s32 s22, $0x2;
	s22 =	sadd.s32 $0x200, s22  }
0x1db: {  	[tilespmem:s21+$0x3180] =	vst v0  }
0x1dc: {  	[tilespmem:s21+$0x180] =	vst v0  }
0x1dd: {  	[tilespmem:s21+$0x4980] =	vst v0  }
0x1de: {  	[tilespmem:s21+$0x190] =	vst v0  }
0x1df: {  	[tilespmem:s21+$0x4990] =	vst v0  }
0x1e0: {  	[tilespmem:s21+$0x1A0] =	vst v0  }
0x1e1: {  	[tilespmem:s21+$0x49A0] =	vst v0  }
0x1e2: {  	[tilespmem:s21+$0x1B0] =	vst v0  }
0x1e3: {  	[tilespmem:s21+$0x49B0] =	vst v0  }
0x1e4: {  	[tilespmem:s21+$0x1C0] =	vst v0  }
0x1e5: {  	[tilespmem:s21+$0x49C0] =	vst v0  }
0x1e6: {  	[tilespmem:s21+$0x1D0] =	vst v0  }
0x1e7: {  	[tilespmem:s21+$0x49D0] =	vst v0  }
0x1e8: {  	[tilespmem:s21+$0x1E0] =	vst v0  }
0x1e9: {  	[tilespmem:s21+$0x49E0] =	vst v0  }
0x1ea: {  	[tilespmem:s21+$0x1F0] =	vst v0  }
0x1eb: {  	[tilespmem:s21+$0x49F0] =	vst v0  }
0x1ec: {  	[spmem:s11] =	stream.linear.scatter [tilespmem:s30], [sflag:$0x3], $0x1800, $0x38;
	[tilespmem:$0x10280] =	vst v63  }
0x1ed: {  	_ =	swait.ge [sflag:s31], $0x1800  }
0x1ee: {  	[sflag:s31] =	ssyncset.done $0x0  }
0x1ef: {  	[sflag:s31] =	ssyncadd.s32 $0xFFFFE800  }
0x1f0: {  	[spmem:s12] =	stream.linear.scatter [tilespmem:s30], [sflag:$0x3], $0x1800, $0x38;
	[tilespmem:$0x10280] =	vst v63  }
0x1f1: {  	_ =	swait.ge [sflag:s31], $0x1800  }
0x1f2: {  	[sflag:s31] =	ssyncset.done $0x0  }
0x1f3: {  	s25 =	rddreg [dreg:$0xe];
	[sflag:s31] =	ssyncadd.s32 $0xFFFFE800  }
0x1f4: {  	[spmem:s25] =	stream.linear.scatter [tilespmem:s30], [sflag:$0x3], $0x1800, $0x38;
	[tilespmem:$0x10280] =	vst v63  }
0x1f5: {  	_ =	swait.ge [sflag:s31], $0x1800  }
0x1f6: {  	[sflag:s31] =	ssyncset.done $0x0  }
0x1f7: {  	s22 =	rddreg [dreg:$0xf];
	[sflag:s31] =	ssyncadd.s32 $0xFFFFE800  }
0x1f8: {  	[spmem:s22] =	stream.linear.scatter [tilespmem:s30], [sflag:$0x3], $0x1800, $0x38;
	[tilespmem:$0x10280] =	vst v63  }
0x1f9: {  	_ =	swait.ge [sflag:s31], $0x1800  }
0x1fa: {  	[sflag:s31] =	ssyncset.done $0x0  }
0x1fb: {  	s23 =	rddreg [dreg:$0x10];
	[sflag:s31] =	ssyncadd.s32 $0xFFFFE800  }
0x1fc: {  	[spmem:s23] =	stream.linear.scatter [tilespmem:s30], [sflag:$0x3], $0x1800, $0x38;
	[tilespmem:$0x10280] =	vst v63  }
0x1fd: {  	_ =	swait.ge [sflag:s31], $0x1800  }
0x1fe: {  	[sflag:s31] =	ssyncset.done $0x0  }
0x1ff: {  	s24 =	rddreg [dreg:$0x11];
	[sflag:s31] =	ssyncadd.s32 $0xFFFFE800  }
0x200: {  	[spmem:s24] =	stream.linear.scatter [tilespmem:s30], [sflag:$0x3], $0x1800, $0x38;
	[tilespmem:$0x10280] =	vst v63  }
0x201: {  	_ =	swait.ge [sflag:s31], $0x1800  }
0x202: {  	[sflag:s31] =	ssyncset.done $0x0  }
0x203: {  	s25 =	rddreg [dreg:$0x12];
	[sflag:s31] =	ssyncadd.s32 $0xFFFFE800  }
0x204: {  	[spmem:s25] =	stream.linear.scatter [tilespmem:s30], [sflag:$0x3], $0x800, $0x38;
	[tilespmem:$0x10280] =	vst v63  }
0x205: {  	_ =	swait.ge [sflag:s31], $0x800  }
0x206: {  	[sflag:s31] =	ssyncset.done $0x0  }
0x207: {  	[sflag:s31] =	ssyncadd.s32 $0xFFFFF800  }
0x208: {  	[spmem:s26] =	stream.linear.scatter [tilespmem:s30], [sflag:$0x3], $0x800, $0x38;
	[tilespmem:$0x10280] =	vst v63  }
0x209: {  	_ =	swait.ge [sflag:s31], $0x800  }
0x20a: {  	[sflag:s31] =	ssyncset.done $0x0  }
0x20b: {  	[sflag:s31] =	ssyncadd.s32 $0xFFFFF800  }
0x20c: {  	s21 =	simm.s32 $0x0;
	s22 =	simm.s32 $0x0;
	[bflag:$0x0] =	sbarrier.arrive $0xFFFF  }
.LBB2_16:
0x20d: {  	s23 =	smul.u32 $0x500, s22;
	_ =	sdelay $0x1  }
0x20e: {  	s23 =	sadd.s32 s28, s23  }
0x20f: {  	s24 =	sshrl.u32 s23, $0x3  }
0x210: {  	s25 =	sadd.s32 s7, s24  }
0x211: {  	[tilespmem:s21], [sflag:$0x3] =	stream.linear.gather [hbm4b:s25+s21], $0x28, $0x38;
	[tilespmem:$0x10280] =	vst v63  }
0x212: {  	_ =	swait.ge [sflag:s31], $0x28  }
0x213: {  	[sflag:s31] =	ssyncset.done $0x0  }
0x214: {  	s24 =	sadd.s32 s8, s24;
	[sflag:s31] =	ssyncadd.s32 $0xFFFFFFD8  }
0x215: {  	[tilespmem:s0], [sflag:$0x3] =	stream.linear.gather [hbm4b:s24+s21], $0x28, $0x38;
	[tilespmem:$0x10280] =	vst v63  }
0x216: {  	_ =	swait.ge [sflag:s31], $0x28  }
0x217: {  	[sflag:s31] =	ssyncset.done $0x0  }
0x218: {  	s23 =	sshll.u32 s23, $0x4;
	[sflag:s31] =	ssyncadd.s32 $0xFFFFFFD8  }
0x219: {  	[tilespmem:s9], [sflag:$0x2] =	stream.indirect.gather [hbm4b:s5+s6], $0x80, s21, s6, $0xb8;
	[tilespmem:$0x10280] =	vst v63  }
0x21a: {  	s23 =	sadd.s32 s10, s23  }
0x21b: {  	[tilespmem:s15], [sflag:$0x3] =	stream.linear.gather [hbm4b:s23+s21], $0x1400, $0x38;
	[tilespmem:$0x10280] =	vst v63  }
0x21c: {  	_ =	swait.ge [sflag:s31], $0x1400  }
0x21d: {  	[sflag:s31] =	ssyncset.done $0x0  }
0x21e: {  	[sflag:s31] =	ssyncadd.s32 $0xFFFFEC00  }
0x21f: {  	_ =	swait.ge [sflag:s14], $0x1800  }
0x220: {  	[sflag:s14] =	ssyncset.done $0x0  }
0x221: {  	s23 =	simm.s32 $0x0;
	[sflag:s14] =	ssyncadd.s32 $0xFFFFE800  }
0x222: {  	v9 =	vld [tilespmem:s23+$0x3180]  }
0x223: {  	v13 =	vld [tilespmem:s23+$0x1990]  }
0x224: {  	v17 =	vld [tilespmem:s23+$0x1980]  }
0x225: {  	v11 =	vld [tilespmem:s23+$0x19B0]  }
0x226: {  	v12 =	vld [tilespmem:s23+$0x19A0]  }
0x227: {  	v14 =	vld [tilespmem:s23+$0x19C0];
	v18 =	vperm.xlane v9, v5  }
0x228: {  	v15 =	vld [tilespmem:s23+$0x19D0];
	v10 =	vperm.xlane v9, v7;
	v16 =	vperm.xlane v9, v6  }
0x229: {  	s24 =	simm.s32 $0x200;
	v17 =	vmul.f32 v17, v18;
	v18 =	vmul.f32 v13, v18;
	v13 =	vld [tilespmem:s23+$0x19E0]  }
.LBB2_17:
0x22a: {  	s25 =	sshra.s32 s24, $0x2;
	p0 =	sne.s32 s24, $0x4E00;
	s24 =	sadd.s32 $0x200, s24;
	[tilespmem:s23+$0x4980] =	vst v9;
	v19 =	vld [tilespmem:s23+$0x19F0]  }
0x22b: {  	v11 =	vmul.f32 v11, v16;
	v20 =	vld [tilespmem:s25+$0x3180];
	[tilespmem:s23+$0x1990] =	vst v18;
	v12 =	vmul.f32 v12, v16  }
0x22c: {  	v18 =	vld [tilespmem:s25+$0x1990];
	[tilespmem:s23+$0x1980] =	vst v17;
	v14 =	vmul.f32 v14, v10  }
0x22d: {  	v16 =	vperm.xlane v9, v8;
	v17 =	vld [tilespmem:s25+$0x1980];
	[tilespmem:s23+$0x19B0] =	vst v11;
	v15 =	vmul.f32 v15, v10  }
.Ltmp7:
0x22e: {  	v11 =	vld [tilespmem:s25+$0x19B0];
	[tilespmem:s23+$0x19A0] =	vst v12;
	(pc) =	sbr.rel @p0 .LBB2_17-.Ltmp7, $4  }
0x22f: {  	v13 =	vmul.f32 v13, v16;
	v12 =	vld [tilespmem:s25+$0x19A0];
	[tilespmem:s23+$0x19C0] =	vst v14;
	v19 =	vmul.f32 v19, v16  }
0x230: {  	v21 =	vperm.xlane v20, v5;
	v10 =	vperm.xlane v20, v7;
	v14 =	vld [tilespmem:s25+$0x19C0];
	[tilespmem:s23+$0x19D0] =	vst v15;
	v9 =	vmov v20  }
0x231: {  	v16 =	vperm.xlane v9, v6;
	v15 =	vld [tilespmem:s25+$0x19D0];
	[tilespmem:s23+$0x19E0] =	vst v13  }
0x232: {  	v17 =	vmul.f32 v17, v21;
	v18 =	vmul.f32 v18, v21;
	v13 =	vld [tilespmem:s25+$0x19E0];
	[tilespmem:s23+$0x19F0] =	vst v19;
	s23 =	smov.u32 s25  }
0x233: {  	[tilespmem:s23+$0x4980] =	vst v9  }
0x234: {  	v19 =	vld [tilespmem:s23+$0x19F0];
	v11 =	vmul.f32 v11, v16;
	[tilespmem:s23+$0x1990] =	vst v18  }
0x235: {  	v12 =	vmul.f32 v12, v16;
	[tilespmem:s23+$0x1980] =	vst v17  }
0x236: {  	v9 =	vperm.xlane v9, v8;
	v14 =	vmul.f32 v14, v10;
	[tilespmem:s23+$0x19B0] =	vst v11  }
0x237: {  	v10 =	vmul.f32 v15, v10;
	[tilespmem:s23+$0x19A0] =	vst v12  }
0x238: {  	[tilespmem:s23+$0x19C0] =	vst v14;
	v11 =	vmul.f32 v13, v9  }
0x239: {  	v9 =	vmul.f32 v19, v9;
	[tilespmem:s23+$0x19D0] =	vst v10  }
0x23a: {  	[tilespmem:s23+$0x19E0] =	vst v11  }
0x23b: {  	[tilespmem:s23+$0x19F0] =	vst v9  }
0x23c: {  	v9 =	vld [tilespmem:$0x80]  }
0x23d: {  	v10 =	vld [tilespmem:$0x90]  }
0x23e: {  	v11 =	vld [tilespmem:$0xA0];
	_ =	sdelay $0x3  }
0x23f: {  	v9 =	vadd.s32 $0xFFFFEC00, v9  }
0x240: {  	v10 =	vadd.s32 $0xFFFFEC00, v10;
	v11 =	vadd.s32 $0xFFFFEC00, v11;
	v9 =	vmin.u32 v9, $0xA00  }
0x241: {  	[tilespmem:$0x100] =	vst v9;
	v9 =	vmin.u32 v10, $0xA00;
	v10 =	vmin.u32 v11, $0xA00  }
0x242: {  	[tilespmem:$0x110] =	vst v9;
	v9 =	vnsel vm0, $0xA00, v10  }
0x243: {  	[tilespmem:$0x120] =	vst v9  }
0x244: {  	[spmem:s2] =	stream.indirect.scatter.add.f32 [tilespmem:s9], [sflag:$0x3], $0x80, s16, s6, $0xb8;
	[tilespmem:$0x10280] =	vst v63  }
0x245: {  	s22 =	sadd.s32 $0x1, s22;
	_ =	swait.ge [sflag:s31], $0x1800  }
0x246: {  	p0 =	sne.s32 s22, $0xFA;
	[sflag:s31] =	ssyncset.done $0x0  }
.Ltmp8:
0x247: {  	[sflag:s31] =	ssyncadd.s32 $0xFFFFE800;
	(pc) =	sbr.rel @p0 .LBB2_16-.Ltmp8, $4  }
0x248: {  	[spmem:s3] =	stream.indirect.scatter.add.f32 [tilespmem:s17], [sflag:$0x3], $0x80, s16, s6, $0xb8;
	[tilespmem:$0x10280] =	vst v63  }
0x249: {  	_ =	swait.ge [sflag:s31], $0x1800  }
0x24a: {  	[sflag:s31] =	ssyncset.done $0x0  }
0x24b: {  	[sflag:s31] =	ssyncadd.s32 $0xFFFFE800  }
0x24c: {  	[bflag:$0x0] =	sbarrier.arrive $0xFFFF  }
0x24d: {  	s21 =	rddreg [dreg:$0xa]  }
0x24e: {  	[hbm:s21], [sflag:s19] =	dma.local [spmem:s20], $0xA00  }
0x24f: {  	_ =	swait.ge [sflag:s31], $0xA00  }
0x250: {  	[sflag:s31] =	ssyncset.done $0x0  }
0x251: {  	s25 =	rddreg [dreg:$0xb];
	[sflag:s31] =	ssyncadd.s32 $0xFFFFF600  }
0x252: {  	[hbm:s25], [sflag:s19] =	dma.local [spmem:s29], $0xA00  }
0x253: {  	_ =	swait.ge [sflag:s31], $0xA00  }
0x254: {  	[sflag:s31] =	ssyncset.done $0x0  }
0x255: {  	[sflag:s31] =	ssyncadd.s32 $0xFFFFF600  }
0x256: {  	s22 =	simm.s32 $0x200;
	s21 =	simm.s32 $0x0;
	[bflag:$0x0] =	sbarrier.arrive $0xFFFF  }
.LBB2_20:
0x257: {  	p0 =	sne.s32 s22, $0x5E00;
	[tilespmem:s21+$0x3180] =	vst v0  }
0x258: {  	[tilespmem:s21+$0x180] =	vst v0  }
0x259: {  	[tilespmem:s21+$0x4980] =	vst v0  }
0x25a: {  	[tilespmem:s21+$0x190] =	vst v0  }
0x25b: {  	[tilespmem:s21+$0x4990] =	vst v0  }
0x25c: {  	[tilespmem:s21+$0x1A0] =	vst v0  }
0x25d: {  	[tilespmem:s21+$0x49A0] =	vst v0  }
0x25e: {  	[tilespmem:s21+$0x1B0] =	vst v0  }
0x25f: {  	[tilespmem:s21+$0x49B0] =	vst v0  }
0x260: {  	[tilespmem:s21+$0x1C0] =	vst v0  }
0x261: {  	[tilespmem:s21+$0x49C0] =	vst v0  }
0x262: {  	[tilespmem:s21+$0x1D0] =	vst v0  }
.Ltmp9:
0x263: {  	[tilespmem:s21+$0x49D0] =	vst v0;
	(pc) =	sbr.rel @p0 .LBB2_20-.Ltmp9, $4  }
0x264: {  	[tilespmem:s21+$0x1E0] =	vst v0  }
0x265: {  	[tilespmem:s21+$0x49E0] =	vst v0  }
0x266: {  	[tilespmem:s21+$0x1F0] =	vst v0  }
0x267: {  	[tilespmem:s21+$0x49F0] =	vst v0;
	s21 =	sshra.s32 s22, $0x2;
	s22 =	sadd.s32 $0x200, s22  }
0x268: {  	[tilespmem:s21+$0x3180] =	vst v0  }
0x269: {  	[tilespmem:s21+$0x180] =	vst v0  }
0x26a: {  	[tilespmem:s21+$0x4980] =	vst v0  }
0x26b: {  	[tilespmem:s21+$0x190] =	vst v0  }
0x26c: {  	[tilespmem:s21+$0x4990] =	vst v0  }
0x26d: {  	[tilespmem:s21+$0x1A0] =	vst v0  }
0x26e: {  	[tilespmem:s21+$0x49A0] =	vst v0  }
0x26f: {  	[tilespmem:s21+$0x1B0] =	vst v0  }
0x270: {  	[tilespmem:s21+$0x49B0] =	vst v0  }
0x271: {  	[tilespmem:s21+$0x1C0] =	vst v0  }
0x272: {  	[tilespmem:s21+$0x49C0] =	vst v0  }
0x273: {  	[tilespmem:s21+$0x1D0] =	vst v0  }
0x274: {  	[tilespmem:s21+$0x49D0] =	vst v0  }
0x275: {  	[tilespmem:s21+$0x1E0] =	vst v0  }
0x276: {  	[tilespmem:s21+$0x49E0] =	vst v0  }
0x277: {  	[tilespmem:s21+$0x1F0] =	vst v0  }
0x278: {  	[tilespmem:s21+$0x49F0] =	vst v0  }
0x279: {  	[spmem:s11] =	stream.linear.scatter [tilespmem:s30], [sflag:$0x3], $0x1800, $0x38;
	[tilespmem:$0x10280] =	vst v63  }
0x27a: {  	_ =	swait.ge [sflag:s31], $0x1800  }
0x27b: {  	[sflag:s31] =	ssyncset.done $0x0  }
0x27c: {  	[sflag:s31] =	ssyncadd.s32 $0xFFFFE800  }
0x27d: {  	[spmem:s12] =	stream.linear.scatter [tilespmem:s30], [sflag:$0x3], $0x1800, $0x38;
	[tilespmem:$0x10280] =	vst v63  }
0x27e: {  	_ =	swait.ge [sflag:s31], $0x1800  }
0x27f: {  	[sflag:s31] =	ssyncset.done $0x0  }
0x280: {  	s25 =	rddreg [dreg:$0xe];
	[sflag:s31] =	ssyncadd.s32 $0xFFFFE800  }
0x281: {  	[spmem:s25] =	stream.linear.scatter [tilespmem:s30], [sflag:$0x3], $0x1800, $0x38;
	[tilespmem:$0x10280] =	vst v63  }
0x282: {  	_ =	swait.ge [sflag:s31], $0x1800  }
0x283: {  	[sflag:s31] =	ssyncset.done $0x0  }
0x284: {  	s22 =	rddreg [dreg:$0xf];
	[sflag:s31] =	ssyncadd.s32 $0xFFFFE800  }
0x285: {  	[spmem:s22] =	stream.linear.scatter [tilespmem:s30], [sflag:$0x3], $0x1800, $0x38;
	[tilespmem:$0x10280] =	vst v63  }
0x286: {  	_ =	swait.ge [sflag:s31], $0x1800  }
0x287: {  	[sflag:s31] =	ssyncset.done $0x0  }
0x288: {  	s23 =	rddreg [dreg:$0x10];
	[sflag:s31] =	ssyncadd.s32 $0xFFFFE800  }
0x289: {  	[spmem:s23] =	stream.linear.scatter [tilespmem:s30], [sflag:$0x3], $0x1800, $0x38;
	[tilespmem:$0x10280] =	vst v63  }
0x28a: {  	_ =	swait.ge [sflag:s31], $0x1800  }
0x28b: {  	[sflag:s31] =	ssyncset.done $0x0  }
0x28c: {  	s24 =	rddreg [dreg:$0x11];
	[sflag:s31] =	ssyncadd.s32 $0xFFFFE800  }
0x28d: {  	[spmem:s24] =	stream.linear.scatter [tilespmem:s30], [sflag:$0x3], $0x1800, $0x38;
	[tilespmem:$0x10280] =	vst v63  }
0x28e: {  	_ =	swait.ge [sflag:s31], $0x1800  }
0x28f: {  	[sflag:s31] =	ssyncset.done $0x0  }
0x290: {  	s25 =	rddreg [dreg:$0x12];
	[sflag:s31] =	ssyncadd.s32 $0xFFFFE800  }
0x291: {  	[spmem:s25] =	stream.linear.scatter [tilespmem:s30], [sflag:$0x3], $0x800, $0x38;
	[tilespmem:$0x10280] =	vst v63  }
0x292: {  	_ =	swait.ge [sflag:s31], $0x800  }
0x293: {  	[sflag:s31] =	ssyncset.done $0x0  }
0x294: {  	[sflag:s31] =	ssyncadd.s32 $0xFFFFF800  }
0x295: {  	[spmem:s26] =	stream.linear.scatter [tilespmem:s30], [sflag:$0x3], $0x800, $0x38;
	[tilespmem:$0x10280] =	vst v63  }
0x296: {  	_ =	swait.ge [sflag:s31], $0x800  }
0x297: {  	[sflag:s31] =	ssyncset.done $0x0  }
0x298: {  	[sflag:s31] =	ssyncadd.s32 $0xFFFFF800  }
0x299: {  	s21 =	simm.s32 $0x0;
	s22 =	simm.s32 $0x0;
	[bflag:$0x0] =	sbarrier.arrive $0xFFFF  }
.LBB2_22:
0x29a: {  	s23 =	smul.u32 $0x500, s22;
	_ =	sdelay $0x1  }
0x29b: {  	s23 =	sadd.s32 s28, s23  }
0x29c: {  	s24 =	sshrl.u32 s23, $0x3  }
0x29d: {  	s25 =	sadd.s32 s7, s24  }
0x29e: {  	[tilespmem:s21], [sflag:$0x3] =	stream.linear.gather [hbm4b:s25+s21], $0x28, $0x38;
	[tilespmem:$0x10280] =	vst v63  }
0x29f: {  	_ =	swait.ge [sflag:s31], $0x28  }
0x2a0: {  	[sflag:s31] =	ssyncset.done $0x0  }
0x2a1: {  	s24 =	sadd.s32 s8, s24;
	[sflag:s31] =	ssyncadd.s32 $0xFFFFFFD8  }
0x2a2: {  	[tilespmem:s0], [sflag:$0x3] =	stream.linear.gather [hbm4b:s24+s21], $0x28, $0x38;
	[tilespmem:$0x10280] =	vst v63  }
0x2a3: {  	_ =	swait.ge [sflag:s31], $0x28  }
0x2a4: {  	[sflag:s31] =	ssyncset.done $0x0  }
0x2a5: {  	s23 =	sshll.u32 s23, $0x4;
	[sflag:s31] =	ssyncadd.s32 $0xFFFFFFD8  }
0x2a6: {  	[tilespmem:s9], [sflag:$0x2] =	stream.indirect.gather [hbm4b:s5+s6], $0x80, s21, s6, $0xb8;
	[tilespmem:$0x10280] =	vst v63  }
0x2a7: {  	s23 =	sadd.s32 s10, s23  }
0x2a8: {  	[tilespmem:s15], [sflag:$0x3] =	stream.linear.gather [hbm4b:s23+s21], $0x1400, $0x38;
	[tilespmem:$0x10280] =	vst v63  }
0x2a9: {  	_ =	swait.ge [sflag:s31], $0x1400  }
0x2aa: {  	[sflag:s31] =	ssyncset.done $0x0  }
0x2ab: {  	[sflag:s31] =	ssyncadd.s32 $0xFFFFEC00  }
0x2ac: {  	_ =	swait.ge [sflag:s14], $0x1800  }
0x2ad: {  	[sflag:s14] =	ssyncset.done $0x0  }
0x2ae: {  	s23 =	simm.s32 $0x0;
	[sflag:s14] =	ssyncadd.s32 $0xFFFFE800  }
0x2af: {  	v9 =	vld [tilespmem:s23+$0x3180]  }
0x2b0: {  	v13 =	vld [tilespmem:s23+$0x1990]  }
0x2b1: {  	v17 =	vld [tilespmem:s23+$0x1980]  }
0x2b2: {  	v11 =	vld [tilespmem:s23+$0x19B0]  }
0x2b3: {  	v12 =	vld [tilespmem:s23+$0x19A0]  }
0x2b4: {  	v14 =	vld [tilespmem:s23+$0x19C0];
	v18 =	vperm.xlane v9, v5  }
0x2b5: {  	v15 =	vld [tilespmem:s23+$0x19D0];
	v10 =	vperm.xlane v9, v7;
	v16 =	vperm.xlane v9, v6  }
0x2b6: {  	s24 =	simm.s32 $0x200;
	v17 =	vmul.f32 v17, v18;
	v18 =	vmul.f32 v13, v18;
	v13 =	vld [tilespmem:s23+$0x19E0]  }
.LBB2_23:
0x2b7: {  	s25 =	sshra.s32 s24, $0x2;
	p0 =	sne.s32 s24, $0x4E00;
	s24 =	sadd.s32 $0x200, s24;
	[tilespmem:s23+$0x4980] =	vst v9;
	v19 =	vld [tilespmem:s23+$0x19F0]  }
0x2b8: {  	v11 =	vmul.f32 v11, v16;
	v20 =	vld [tilespmem:s25+$0x3180];
	[tilespmem:s23+$0x1990] =	vst v18;
	v12 =	vmul.f32 v12, v16  }
0x2b9: {  	v18 =	vld [tilespmem:s25+$0x1990];
	[tilespmem:s23+$0x1980] =	vst v17;
	v14 =	vmul.f32 v14, v10  }
0x2ba: {  	v16 =	vperm.xlane v9, v8;
	v17 =	vld [tilespmem:s25+$0x1980];
	[tilespmem:s23+$0x19B0] =	vst v11;
	v15 =	vmul.f32 v15, v10  }
.Ltmp10:
0x2bb: {  	v11 =	vld [tilespmem:s25+$0x19B0];
	[tilespmem:s23+$0x19A0] =	vst v12;
	(pc) =	sbr.rel @p0 .LBB2_23-.Ltmp10, $4  }
0x2bc: {  	v13 =	vmul.f32 v13, v16;
	v12 =	vld [tilespmem:s25+$0x19A0];
	[tilespmem:s23+$0x19C0] =	vst v14;
	v19 =	vmul.f32 v19, v16  }
0x2bd: {  	v21 =	vperm.xlane v20, v5;
	v10 =	vperm.xlane v20, v7;
	v14 =	vld [tilespmem:s25+$0x19C0];
	[tilespmem:s23+$0x19D0] =	vst v15;
	v9 =	vmov v20  }
0x2be: {  	v16 =	vperm.xlane v9, v6;
	v15 =	vld [tilespmem:s25+$0x19D0];
	[tilespmem:s23+$0x19E0] =	vst v13  }
0x2bf: {  	v17 =	vmul.f32 v17, v21;
	v18 =	vmul.f32 v18, v21;
	v13 =	vld [tilespmem:s25+$0x19E0];
	[tilespmem:s23+$0x19F0] =	vst v19;
	s23 =	smov.u32 s25  }
0x2c0: {  	[tilespmem:s23+$0x4980] =	vst v9  }
0x2c1: {  	v19 =	vld [tilespmem:s23+$0x19F0];
	v11 =	vmul.f32 v11, v16;
	[tilespmem:s23+$0x1990] =	vst v18  }
0x2c2: {  	v12 =	vmul.f32 v12, v16;
	[tilespmem:s23+$0x1980] =	vst v17  }
0x2c3: {  	v9 =	vperm.xlane v9, v8;
	v14 =	vmul.f32 v14, v10;
	[tilespmem:s23+$0x19B0] =	vst v11  }
0x2c4: {  	v10 =	vmul.f32 v15, v10;
	[tilespmem:s23+$0x19A0] =	vst v12  }
0x2c5: {  	[tilespmem:s23+$0x19C0] =	vst v14;
	v11 =	vmul.f32 v13, v9  }
0x2c6: {  	v9 =	vmul.f32 v19, v9;
	[tilespmem:s23+$0x19D0] =	vst v10  }
0x2c7: {  	[tilespmem:s23+$0x19E0] =	vst v11  }
0x2c8: {  	[tilespmem:s23+$0x19F0] =	vst v9  }
0x2c9: {  	v9 =	vld [tilespmem:$0x80]  }
0x2ca: {  	v10 =	vld [tilespmem:$0x90]  }
0x2cb: {  	v11 =	vld [tilespmem:$0xA0];
	_ =	sdelay $0x3  }
0x2cc: {  	v9 =	vadd.s32 $0xFFFFE200, v9  }
0x2cd: {  	v10 =	vadd.s32 $0xFFFFE200, v10;
	v11 =	vadd.s32 $0xFFFFE200, v11;
	v9 =	vmin.u32 v9, $0xA00  }
0x2ce: {  	[tilespmem:$0x100] =	vst v9;
	v9 =	vmin.u32 v10, $0xA00;
	v10 =	vmin.u32 v11, $0xA00  }
0x2cf: {  	[tilespmem:$0x110] =	vst v9;
	v9 =	vnsel vm0, $0xA00, v10  }
0x2d0: {  	[tilespmem:$0x120] =	vst v9  }
0x2d1: {  	[spmem:s2] =	stream.indirect.scatter.add.f32 [tilespmem:s9], [sflag:$0x3], $0x80, s16, s6, $0xb8;
	[tilespmem:$0x10280] =	vst v63  }
0x2d2: {  	s22 =	sadd.s32 $0x1, s22;
	_ =	swait.ge [sflag:s31], $0x1800  }
0x2d3: {  	p0 =	sne.s32 s22, $0xFA;
	[sflag:s31] =	ssyncset.done $0x0  }
.Ltmp11:
0x2d4: {  	[sflag:s31] =	ssyncadd.s32 $0xFFFFE800;
	(pc) =	sbr.rel @p0 .LBB2_22-.Ltmp11, $4  }
0x2d5: {  	[spmem:s3] =	stream.indirect.scatter.add.f32 [tilespmem:s17], [sflag:$0x3], $0x80, s16, s6, $0xb8;
	[tilespmem:$0x10280] =	vst v63  }
0x2d6: {  	_ =	swait.ge [sflag:s31], $0x1800  }
0x2d7: {  	[sflag:s31] =	ssyncset.done $0x0  }
0x2d8: {  	[sflag:s31] =	ssyncadd.s32 $0xFFFFE800  }
0x2d9: {  	[bflag:$0x0] =	sbarrier.arrive $0xFFFF  }
0x2da: {  	s21 =	rddreg [dreg:$0xc]  }
0x2db: {  	[hbm:s21], [sflag:s19] =	dma.local [spmem:s20], $0xA00  }
0x2dc: {  	_ =	swait.ge [sflag:s31], $0xA00  }
0x2dd: {  	[sflag:s31] =	ssyncset.done $0x0  }
0x2de: {  	s25 =	rddreg [dreg:$0xd];
	[sflag:s31] =	ssyncadd.s32 $0xFFFFF600  }
0x2df: {  	[hbm:s25], [sflag:s19] =	dma.local [spmem:s29], $0xA00  }
0x2e0: {  	_ =	swait.ge [sflag:s31], $0xA00  }
0x2e1: {  	s18 =	sadd.s32 $0x1, s18;
	s29 =	rddreg [dreg:$0x13]  }
0x2e2: {  	p0 =	sne.s32 s18, s29  }
.Ltmp12:
0x2e3: {  	_ = 	snop;
	(pc) =	sbr.rel @p0 .LBB2_1-.Ltmp12, $3  }
0x2e4: {  	[sflag:s31] =	ssyncset.done $0x0  }
0x2e5: {  	[sflag:s31] =	ssyncadd.s32 $0xFFFFF600  }
0x2e6: {  	[bflag:$0x0] =	sbarrier.arrive $0xFFFF;
	_ =	sdelay $0x1  }
0x2e7: {  	_ =	sfence.sel $0x180000  }
0x2e8: {  	[bflag:$0x0] =	sbarrier.arrive $0xFFFF  }
0x2e9: {  	_ =	strace $0x90000047  }
0x2ea: {  	s0 =	stileid.u32;
	[bflag:$0x2] =	sbarrier.arrive $0xFFFF  }
0x2eb: {  	p0 =	sne.s32 s0, $0x0;
	s0 =	rddreg [dreg:$0x4]  }
0x2ec: {  	s0 =	sadd.s32 @!p0 $0x100000, s0  }
0x2ed: {  	[sflag:s0] =	ssyncadd.tile.s32 @!p0 $0x1;
	_ =	shalt  }
.Lfunc_end2:
_tile_overlayer_lowered:
.L_overlay_start_2:
0x2ee: {  	(tag) =	ssettag $0x2  }
0x2ef: {  	s0 =	rddreg [dreg:$0x0];
	s2 =	stileid.u32  }
0x2f0: {  	s1 =	rddreg [dreg:$0x1];
	p0 =	sne.s32 s2, $0x0  }
0x2f1: {  	s3 =	rddreg [dreg:$0x2];
	[bflag:$0x3] =	sbarrier.arrive $0xFFFF;
	s2 =	simm.s32 @!p0 $0x1C03  }
0x2f2: {  	[timem:s3], [sflag:s2] =	dma.local @!p0 [hbm:s0], s1  }
0x2f3: {  	s0 =	simm.s32 @!p0 $0x3  }
0x2f4: {  	_ =	swait.ge @!p0 [sflag:s0], s1  }
0x2f5: {  	s1 =	ssub.s32 @!p0 $0x0, s1;
	[sflag:s0] =	ssyncset.done @!p0 $0x0  }
0x2f6: {  	[sflag:s0] =	ssyncadd.s32 @!p0 s1  }
0x2f7: {  	[bflag:$0x3] =	sbarrier.arrive $0xFFFF  }
0x2f8: {  	_ =	shalt  }

</sc_bundles>
